<compile_context>
chip_gen: v7x
topology: tpu7x:2x2x1
jax: 0.10.2.dev20260603
libtpu: 0.0.44.dev20260713+nightly
codegen_flags: <defaults>
</compile_context>

<pallas_src>
import functools

import jax
import jax.numpy as jnp
from jax import lax
from jax.experimental import pallas as pl
from jax.experimental.pallas import tpu as pltpu
from jax.experimental.pallas import tpu_sc as plsc

G = 32
LANES = 16
NWORKERS = 32
CHUNK = 6400
UNROLL = 8
NBANKS = 1


def _pq_tc(xT, W, b):
    c, Np = xT.shape
    BN = 2048
    dn = (((0,), (0,)), ((), ()))

    def body(w_ref, b_ref, xT_ref, out_ref):
        A = w_ref[:c, :] - w_ref[c:, :]
        B = w_ref[c:, :]
        xt = xT_ref[...]
        p = lax.dot_general(A, xt, dn, preferred_element_type=jnp.float32)
        q = lax.dot_general(B, xt, dn, preferred_element_type=jnp.float32)
        out_ref[...] = jnp.concatenate([p + b_ref[...], q], axis=0)

    return pl.pallas_call(
        body,
        grid=(Np // BN,),
        in_specs=[
            pl.BlockSpec((2 * c, G), lambda i: (0, 0)),
            pl.BlockSpec((G, 1), lambda i: (0, 0)),
            pl.BlockSpec((c, BN), lambda i: (0, i)),
        ],
        out_specs=pl.BlockSpec((2 * G, BN), lambda i: (0, i)),
        out_shape=jax.ShapeDtypeStruct((2 * G, Np), jnp.float32),
    )(W, b, xT)


def _final_tc(xT, Wd, bd):
    cf, Np = xT.shape
    out_c = Wd.shape[1]
    BM = 2048
    dn = (((0,), (0,)), ((), ()))

    def body(w_ref, b_ref, xT_ref, out_ref):
        out_ref[...] = lax.dot_general(
            xT_ref[...], w_ref[...], dn,
            preferred_element_type=jnp.float32) + b_ref[...]

    return pl.pallas_call(
        body,
        grid=(Np // BM,),
        in_specs=[
            pl.BlockSpec((cf, out_c), lambda i: (0, 0)),
            pl.BlockSpec((1, out_c), lambda i: (0, 0)),
            pl.BlockSpec((cf, BM), lambda i: (0, i)),
        ],
        out_specs=pl.BlockSpec((BM, out_c), lambda i: (i, 0)),
        out_shape=jax.ShapeDtypeStruct((Np, out_c), jnp.float32),
    )(Wd, bd, xT)


def _edge_pass_sc(pq, dst, src):
    Np = pq.shape[1]
    E = dst.shape[0]
    mesh = plsc.VectorSubcoreMesh(
        core_axis_name="c", subcore_axis_name="s",
        num_cores=2, num_subcores=16)

    nchunks = E // CHUNK
    nwin = CHUNK // (LANES * UNROLL)

    @functools.partial(
        pl.kernel,
        out_type=jax.ShapeDtypeStruct((G, Np), jnp.float32),
        mesh=mesh,
        compiler_params=pltpu.CompilerParams(needs_layout_passes=False),
        scratch_types=[
            pltpu.VMEM((Np,), jnp.float32),
            pltpu.VMEM((Np,), jnp.float32),
        ] + [pltpu.VMEM((Np,), jnp.float32)] * NBANKS + [
            pltpu.VMEM((2, CHUNK), jnp.int32),
            pltpu.VMEM((2, CHUNK), jnp.int32),
            pltpu.SemaphoreType.DMA,
            pltpu.SemaphoreType.DMA,
        ],
    )
    def k(pq_hbm, dst_hbm, src_hbm, out_hbm, p_v, q_v,
          a0_v, d_v, s_v, sem0, sem1):
        w = lax.axis_index("s") * 2 + lax.axis_index("c")
        sems = (sem0, sem1)
        banks = (a0_v,)
        pltpu.sync_copy(pq_hbm.at[w], p_v)
        pltpu.sync_copy(pq_hbm.at[w + G], q_v)

        neg_inf = jnp.full((LANES,), -jnp.inf, jnp.float32)

        def init_body(i, _):
            sl = pl.ds(i * LANES, LANES)
            for bk in banks:
                bk[sl] = neg_inf
            return 0
        lax.fori_loop(0, Np // LANES, init_body, 0)

        def issue(ci, b):
            off = jnp.minimum(ci, nchunks - 1) * CHUNK
            pltpu.async_copy(dst_hbm.at[pl.ds(off, CHUNK)], d_v.at[b],
                             sems[b])
            pltpu.async_copy(src_hbm.at[pl.ds(off, CHUNK)], s_v.at[b],
                             sems[b])

        def wait(b):
            pltpu.make_async_copy(dst_hbm.at[pl.ds(0, CHUNK)], d_v.at[b],
                                  sems[b]).wait()
            pltpu.make_async_copy(src_hbm.at[pl.ds(0, CHUNK)], s_v.at[b],
                                  sems[b]).wait()

        def process_chunk(b):
            def window(wi, _):
                base = wi * (UNROLL * LANES)
                dms = []
                for g in range(UNROLL):
                    sl = pl.ds(base + g * LANES, LANES)
                    d = d_v[b, sl]
                    s = s_v[b, sl]
                    m = (plsc.load_gather(p_v, [d])
                         + plsc.load_gather(q_v, [s]))
                    bk = banks[g % NBANKS]
                    a = plsc.load_gather(bk, [d])
                    plsc.store_scatter(bk, [d], m, mask=m > a)
                    dms.append((d, m))

                pend_or = jnp.zeros((LANES,), jnp.bool_)
                for g in range(UNROLL):
                    d, m = dms[g]
                    a2 = plsc.load_gather(banks[g % NBANKS], [d])
                    pend_or = pend_or | (m > a2)

                def slow(_):
                    for g in range(UNROLL):
                        d, m = dms[g]
                        bk = banks[g % NBANKS]

                        def body(pend):
                            plsc.store_scatter(bk, [d], m, mask=pend)
                            a3 = plsc.load_gather(bk, [d])
                            return m > a3

                        a = plsc.load_gather(bk, [d])
                        lax.while_loop(lambda p: jnp.any(p), body, m > a)
                    return 0

                lax.cond(jnp.any(pend_or), slow, lambda _: 0, 0)
                return 0
            lax.fori_loop(0, nwin, window, 0)

        issue(0, 0)
        issue(1, 1)

        def chunk_body(ci0, _):
            for b in range(2):
                wait(b)
                process_chunk(b)
                issue(2 * ci0 + b + 2, b)
            return 0
        lax.fori_loop(0, nchunks // 2, chunk_body, 0)
        wait(0)
        wait(1)

        def fix_body(i, _):
            sl = pl.ds(i * LANES, LANES)
            v = banks[0][sl]
            for bk in banks[1:]:
                v = jnp.maximum(v, bk[sl])
            a0_v[sl] = jnp.where(v == -jnp.inf, jnp.zeros_like(v), v)
            return 0
        lax.fori_loop(0, Np // LANES, fix_body, 0)

        pltpu.sync_copy(a0_v, out_hbm.at[w])

    return k(pq, dst, src)


def kernel(x, edge_index, W0, b0, W1, b1, W2, b2, Wd, bd):
    n, d = x.shape
    np_pad = ((n + 2047) // 2048) * 2048
    src = edge_index[0].astype(jnp.int32)
    dst = edge_index[1].astype(jnp.int32)

    xT = jnp.pad(x.T, ((0, 0), (0, np_pad - n)))
    parts = [xT]
    for W, b in ((W0, b0), (W1, b1), (W2, b2)):
        cur = jnp.concatenate(parts, axis=0) if len(parts) > 1 else parts[0]
        pq = _pq_tc(cur, W, b.reshape(G, 1))
        yT = _edge_pass_sc(pq, dst, src)
        parts.append(yT)

    xTf = jnp.concatenate(parts, axis=0)
    out = _final_tc(xTf, Wd, bd.reshape(1, -1))
    return out[:n]

# --- scband reference (transcript-rebuilt; emitter-appended) ---
"""Pipeline reference for scband-dense-gcn-89816356094625 (READ-ONLY COPY).

The authoritative reference and input builder live on the scoring server;
editing this copy changes nothing except your own understanding.
"""

import jax, jax.numpy as jnp
import numpy as np

N = 10000
E = 320000
D = 128
G = 32
NB = 3
OUT = 128

def setup_inputs(seed: int = 0):
    key = jax.random.key(seed)
    ks = jax.random.split(key, 12)
    inp = {}
    inp['x'] = jax.random.normal(ks[0], (N, D), jnp.float32)
    inp['edge_index'] = jax.random.randint(ks[1], (2, E), 0, N)
    for i in range(NB):
        c = D + i * G
        inp['W%d' % i] = jax.random.normal(ks[2 + 2 * i], (2 * c, G), jnp.float32) * (1.0 / np.sqrt(2 * c))
        inp['b%d' % i] = jnp.zeros((G,), jnp.float32)
    cf = D + NB * G
    inp['Wd'] = jax.random.normal(ks[10], (cf, OUT), jnp.float32) * (1.0 / np.sqrt(cf))
    inp['bd'] = jnp.zeros((OUT,), jnp.float32)
    return inp

def _edge_conv(x, edge_index, W, b):
    # EdgeConv (DGCNN-style): nn(cat[x_i, x_j - x_i]) with max aggregation to dst nodes
    src = edge_index[0]
    dst = edge_index[1]
    xi = x[dst]
    xj = x[src]
    m = jnp.concatenate([xi, xj - xi], axis=1) @ W + b
    agg = jax.ops.segment_max(m, dst, num_segments=N)
    deg = jax.ops.segment_sum(jnp.ones((E,), x.dtype), dst, num_segments=N)
    return jnp.where(deg[:, None] > 0, agg, 0.0)

def reference(x, edge_index, W0, b0, W1, b1, W2, b2, Wd, bd):
    # DenseGCN: each DenseGraphBlock computes conv(x) and concatenates to x (dense growth),
    # then a final linear projects in_channels + n_blocks*growth_rate -> out_channels.
    for W, b in [(W0, b0), (W1, b1), (W2, b2)]:
        x = jnp.concatenate([x, _edge_conv(x, edge_index, W, b)], axis=1)
    return x @ Wd + bd

if __name__ == "__main__":
    import jax
    _d = setup_inputs()
    print(jax.jit(kernel)(*tuple(_d.values())))

</pallas_src>

<mosaic_0001>
#map = affine_map<(d0, d1) -> (0, 0)>
#map1 = affine_map<(d0, d1) -> (0)>
module attributes {stable_mosaic.version = 14 : i64} {
  func.func @k(%arg0: i32, %arg1: i32, %arg2: memref<64x10240xf32, #tpu.memory_space<hbm>>, %arg3: memref<320000xi32, #tpu.memory_space<hbm>>, %arg4: memref<320000xi32, #tpu.memory_space<hbm>>, %arg5: memref<32x10240xf32, #tpu.memory_space<hbm>>, %arg6: memref<10240xf32, #tpu.memory_space<vmem>>, %arg7: memref<10240xf32, #tpu.memory_space<vmem>>, %arg8: memref<10240xf32, #tpu.memory_space<vmem>>, %arg9: memref<2x6400xi32, #tpu.memory_space<vmem>>, %arg10: memref<2x6400xi32, #tpu.memory_space<vmem>>, %arg11: memref<!tpu.dma_semaphore, #tpu.memory_space<semaphore_mem>>, %arg12: memref<!tpu.dma_semaphore, #tpu.memory_space<semaphore_mem>>) attributes {dimension_semantics = [#tpu.dimension_semantics<core_parallel>, #tpu.dimension_semantics<subcore_parallel>], iteration_bounds = array<i64: 2, 16>, scalar_prefetch = 0 : i64, scratch_operands = 7 : i64, tpu.core_type = #tpu.core_type<sc_vector_subcore>, window_params = [{transform_indices = #map}, {transform_indices = #map1}, {transform_indices = #map1}, {transform_indices = #map}]} {
    %mul3A = arith.constant 2 : i32
    %mul3A_0 = arith.muli %arg1, %mul3A : i32
    %add3A = arith.addi %mul3A_0, %arg0 : i32
    "tpu.region"() ({
      %run_scoped3A = tpu.sem_alloc : memref<!tpu.dma_semaphore, #tpu.memory_space<semaphore_mem>>
      %dma_start3A_111 = arith.constant 0 : i32
      %dma_start3A_112 = tpu.memref_slice %arg2[%add3A, %dma_start3A_111] : memref<64x10240xf32, #tpu.memory_space<hbm>> -> memref<1x10240xf32, #tpu.memory_space<hbm>>
      %dma_start3A_113 = tpu.memref_squeeze %dma_start3A_112 : memref<1x10240xf32, #tpu.memory_space<hbm>> -> memref<10240xf32, #tpu.memory_space<hbm>>
      %dma_start3A_114 = arith.constant 0 : i32
      %dma_start3A_115 = tpu.memref_slice %arg2[%add3A, %dma_start3A_114] : memref<64x10240xf32, #tpu.memory_space<hbm>> -> memref<1x10240xf32, #tpu.memory_space<hbm>>
      %dma_start3A_116 = tpu.memref_squeeze %dma_start3A_115 : memref<1x10240xf32, #tpu.memory_space<hbm>> -> memref<10240xf32, #tpu.memory_space<hbm>>
      tpu.enqueue_dma source(%dma_start3A_116 : memref<10240xf32, #tpu.memory_space<hbm>>) target(%arg6 : memref<10240xf32, #tpu.memory_space<vmem>>) target_semaphore(%run_scoped3A : memref<!tpu.dma_semaphore, #tpu.memory_space<semaphore_mem>>)
      %dma_wait3A_117 = arith.constant 0 : i32
      %dma_wait3A_118 = tpu.memref_slice %arg2[%add3A, %dma_wait3A_117] : memref<64x10240xf32, #tpu.memory_space<hbm>> -> memref<1x10240xf32, #tpu.memory_space<hbm>>
      %dma_wait3A_119 = tpu.memref_squeeze %dma_wait3A_118 : memref<1x10240xf32, #tpu.memory_space<hbm>> -> memref<10240xf32, #tpu.memory_space<hbm>>
      %dma_wait3A_120 = arith.constant 0 : i32
      %dma_wait3A_121 = tpu.memref_slice %arg2[%add3A, %dma_wait3A_120] : memref<64x10240xf32, #tpu.memory_space<hbm>> -> memref<1x10240xf32, #tpu.memory_space<hbm>>
      %dma_wait3A_122 = tpu.memref_squeeze %dma_wait3A_121 : memref<1x10240xf32, #tpu.memory_space<hbm>> -> memref<10240xf32, #tpu.memory_space<hbm>>
      tpu.wait_dma2 semaphore(%run_scoped3A : memref<!tpu.dma_semaphore, #tpu.memory_space<semaphore_mem>>) src(%dma_wait3A_122 : memref<10240xf32, #tpu.memory_space<hbm>>) dst(%arg6 : memref<10240xf32, #tpu.memory_space<vmem>>)
      tpu.yield
    }) : () -> ()
    %add3A_1 = arith.constant 32 : i32
    %add3A_2 = arith.addi %add3A, %add3A_1 : i32
    "tpu.region"() ({
      %run_scoped3A = tpu.sem_alloc : memref<!tpu.dma_semaphore, #tpu.memory_space<semaphore_mem>>
      %dma_start3A_111 = arith.constant 0 : i32
      %dma_start3A_112 = tpu.memref_slice %arg2[%add3A_2, %dma_start3A_111] : memref<64x10240xf32, #tpu.memory_space<hbm>> -> memref<1x10240xf32, #tpu.memory_space<hbm>>
      %dma_start3A_113 = tpu.memref_squeeze %dma_start3A_112 : memref<1x10240xf32, #tpu.memory_space<hbm>> -> memref<10240xf32, #tpu.memory_space<hbm>>
      %dma_start3A_114 = arith.constant 0 : i32
      %dma_start3A_115 = tpu.memref_slice %arg2[%add3A_2, %dma_start3A_114] : memref<64x10240xf32, #tpu.memory_space<hbm>> -> memref<1x10240xf32, #tpu.memory_space<hbm>>
      %dma_start3A_116 = tpu.memref_squeeze %dma_start3A_115 : memref<1x10240xf32, #tpu.memory_space<hbm>> -> memref<10240xf32, #tpu.memory_space<hbm>>
      tpu.enqueue_dma source(%dma_start3A_116 : memref<10240xf32, #tpu.memory_space<hbm>>) target(%arg7 : memref<10240xf32, #tpu.memory_space<vmem>>) target_semaphore(%run_scoped3A : memref<!tpu.dma_semaphore, #tpu.memory_space<semaphore_mem>>)
      %dma_wait3A_117 = arith.constant 0 : i32
      %dma_wait3A_118 = tpu.memref_slice %arg2[%add3A_2, %dma_wait3A_117] : memref<64x10240xf32, #tpu.memory_space<hbm>> -> memref<1x10240xf32, #tpu.memory_space<hbm>>
      %dma_wait3A_119 = tpu.memref_squeeze %dma_wait3A_118 : memref<1x10240xf32, #tpu.memory_space<hbm>> -> memref<10240xf32, #tpu.memory_space<hbm>>
      %dma_wait3A_120 = arith.constant 0 : i32
      %dma_wait3A_121 = tpu.memref_slice %arg2[%add3A_2, %dma_wait3A_120] : memref<64x10240xf32, #tpu.memory_space<hbm>> -> memref<1x10240xf32, #tpu.memory_space<hbm>>
      %dma_wait3A_122 = tpu.memref_squeeze %dma_wait3A_121 : memref<1x10240xf32, #tpu.memory_space<hbm>> -> memref<10240xf32, #tpu.memory_space<hbm>>
      tpu.wait_dma2 semaphore(%run_scoped3A : memref<!tpu.dma_semaphore, #tpu.memory_space<semaphore_mem>>) src(%dma_wait3A_122 : memref<10240xf32, #tpu.memory_space<hbm>>) dst(%arg7 : memref<10240xf32, #tpu.memory_space<vmem>>)
      tpu.yield
    }) : () -> ()
    %broadcast_in_dim3A = arith.constant 0xFF800000 : f32
    %broadcast_in_dim3A_3 = vector.broadcast %broadcast_in_dim3A : f32 to vector<16xf32>
    %scan3A = arith.constant 0 : i32
    %scan3A_4 = arith.constant 0 : i32
    %scan3A_5 = arith.constant 640 : i32
    %scan3A_6 = arith.addi %scan3A_4, %scan3A_5 : i32
    %scan3A_7 = arith.constant 1 : i32
    %scan3A_8 = scf.for %scan3A_111 = %scan3A_4 to %scan3A_6 step %scan3A_7 iter_args(%scan3A_112 = %scan3A) -> (i32)  : i32 {
      %mul3A_113 = arith.constant 16 : i32
      %mul3A_114 = arith.muli %scan3A_111, %mul3A_113 : i32
      %swap3A = arith.index_cast %mul3A_114 : i32 to index
      %swap3A_115 = tpu.vector_load %arg8[%swap3A] {strides = array<i32>} : memref<10240xf32, #tpu.memory_space<vmem>>, vector<16xf32>,
      tpu.vector_store %arg8[%swap3A], %broadcast_in_dim3A_3 {strides = array<i32>} : memref<10240xf32, #tpu.memory_space<vmem>>, vector<16xf32>,
      %scan3A_116 = arith.constant 0 : i32
      scf.yield %scan3A_116 : i32
    }
    %scan3A_9 = arith.constant 640 : i32
    %min3A = arith.constant 0 : i32
    %min3A_10 = arith.constant 49 : i32
    %min3A_11 = arith.minsi %min3A, %min3A_10 : i32
    %mul3A_12 = arith.constant 6400 : i32
    %mul3A_13 = arith.muli %min3A_11, %mul3A_12 : i32
    %dma_start3A = arith.constant 0 : i32
    %dma_start3A_14 = arith.constant 0 : i32
    %dma_start3A_15 = tpu.memref_slice %arg9[%dma_start3A, %dma_start3A_14] : memref<2x6400xi32, #tpu.memory_space<vmem>> -> memref<1x6400xi32, #tpu.memory_space<vmem>>
    %dma_start3A_16 = tpu.memref_squeeze %dma_start3A_15 : memref<1x6400xi32, #tpu.memory_space<vmem>> -> memref<6400xi32, #tpu.memory_space<vmem>>
    %dma_start3A_17 = tpu.memref_slice %arg3[%mul3A_13] : memref<320000xi32, #tpu.memory_space<hbm>> -> memref<6400xi32, #tpu.memory_space<hbm>>
    %dma_start3A_18 = arith.constant 0 : i32
    %dma_start3A_19 = tpu.memref_slice %arg9[%dma_start3A, %dma_start3A_18] : memref<2x6400xi32, #tpu.memory_space<vmem>> -> memref<1x6400xi32, #tpu.memory_space<vmem>>
    %dma_start3A_20 = tpu.memref_squeeze %dma_start3A_19 : memref<1x6400xi32, #tpu.memory_space<vmem>> -> memref<6400xi32, #tpu.memory_space<vmem>>
    %dma_start3A_21 = tpu.memref_slice %arg3[%mul3A_13] : memref<320000xi32, #tpu.memory_space<hbm>> -> memref<6400xi32, #tpu.memory_space<hbm>>
    tpu.enqueue_dma source(%dma_start3A_21 : memref<6400xi32, #tpu.memory_space<hbm>>) target(%dma_start3A_20 : memref<6400xi32, #tpu.memory_space<vmem>>) target_semaphore(%arg11 : memref<!tpu.dma_semaphore, #tpu.memory_space<semaphore_mem>>)
    %dma_start3A_22 = arith.constant 0 : i32
    %dma_start3A_23 = arith.constant 0 : i32
    %dma_start3A_24 = tpu.memref_slice %arg10[%dma_start3A_22, %dma_start3A_23] : memref<2x6400xi32, #tpu.memory_space<vmem>> -> memref<1x6400xi32, #tpu.memory_space<vmem>>
    %dma_start3A_25 = tpu.memref_squeeze %dma_start3A_24 : memref<1x6400xi32, #tpu.memory_space<vmem>> -> memref<6400xi32, #tpu.memory_space<vmem>>
    %dma_start3A_26 = tpu.memref_slice %arg4[%mul3A_13] : memref<320000xi32, #tpu.memory_space<hbm>> -> memref<6400xi32, #tpu.memory_space<hbm>>
    %dma_start3A_27 = arith.constant 0 : i32
    %dma_start3A_28 = tpu.memref_slice %arg10[%dma_start3A_22, %dma_start3A_27] : memref<2x6400xi32, #tpu.memory_space<vmem>> -> memref<1x6400xi32, #tpu.memory_space<vmem>>
    %dma_start3A_29 = tpu.memref_squeeze %dma_start3A_28 : memref<1x6400xi32, #tpu.memory_space<vmem>> -> memref<6400xi32, #tpu.memory_space<vmem>>
    %dma_start3A_30 = tpu.memref_slice %arg4[%mul3A_13] : memref<320000xi32, #tpu.memory_space<hbm>> -> memref<6400xi32, #tpu.memory_space<hbm>>
    tpu.enqueue_dma source(%dma_start3A_30 : memref<6400xi32, #tpu.memory_space<hbm>>) target(%dma_start3A_29 : memref<6400xi32, #tpu.memory_space<vmem>>) target_semaphore(%arg11 : memref<!tpu.dma_semaphore, #tpu.memory_space<semaphore_mem>>)
    %min3A_31 = arith.constant 1 : i32
    %min3A_32 = arith.constant 49 : i32
    %min3A_33 = arith.minsi %min3A_31, %min3A_32 : i32
    %mul3A_34 = arith.constant 6400 : i32
    %mul3A_35 = arith.muli %min3A_33, %mul3A_34 : i32
    %dma_start3A_36 = arith.constant 1 : i32
    %dma_start3A_37 = arith.constant 0 : i32
    %dma_start3A_38 = tpu.memref_slice %arg9[%dma_start3A_36, %dma_start3A_37] : memref<2x6400xi32, #tpu.memory_space<vmem>> -> memref<1x6400xi32, #tpu.memory_space<vmem>>
    %dma_start3A_39 = tpu.memref_squeeze %dma_start3A_38 : memref<1x6400xi32, #tpu.memory_space<vmem>> -> memref<6400xi32, #tpu.memory_space<vmem>>
    %dma_start3A_40 = tpu.memref_slice %arg3[%mul3A_35] : memref<320000xi32, #tpu.memory_space<hbm>> -> memref<6400xi32, #tpu.memory_space<hbm>>
    %dma_start3A_41 = arith.constant 0 : i32
    %dma_start3A_42 = tpu.memref_slice %arg9[%dma_start3A_36, %dma_start3A_41] : memref<2x6400xi32, #tpu.memory_space<vmem>> -> memref<1x6400xi32, #tpu.memory_space<vmem>>
    %dma_start3A_43 = tpu.memref_squeeze %dma_start3A_42 : memref<1x6400xi32, #tpu.memory_space<vmem>> -> memref<6400xi32, #tpu.memory_space<vmem>>
    %dma_start3A_44 = tpu.memref_slice %arg3[%mul3A_35] : memref<320000xi32, #tpu.memory_space<hbm>> -> memref<6400xi32, #tpu.memory_space<hbm>>
    tpu.enqueue_dma source(%dma_start3A_44 : memref<6400xi32, #tpu.memory_space<hbm>>) target(%dma_start3A_43 : memref<6400xi32, #tpu.memory_space<vmem>>) target_semaphore(%arg12 : memref<!tpu.dma_semaphore, #tpu.memory_space<semaphore_mem>>)
    %dma_start3A_45 = arith.constant 1 : i32
    %dma_start3A_46 = arith.constant 0 : i32
    %dma_start3A_47 = tpu.memref_slice %arg10[%dma_start3A_45, %dma_start3A_46] : memref<2x6400xi32, #tpu.memory_space<vmem>> -> memref<1x6400xi32, #tpu.memory_space<vmem>>
    %dma_start3A_48 = tpu.memref_squeeze %dma_start3A_47 : memref<1x6400xi32, #tpu.memory_space<vmem>> -> memref<6400xi32, #tpu.memory_space<vmem>>
    %dma_start3A_49 = tpu.memref_slice %arg4[%mul3A_35] : memref<320000xi32, #tpu.memory_space<hbm>> -> memref<6400xi32, #tpu.memory_space<hbm>>
    %dma_start3A_50 = arith.constant 0 : i32
    %dma_start3A_51 = tpu.memref_slice %arg10[%dma_start3A_45, %dma_start3A_50] : memref<2x6400xi32, #tpu.memory_space<vmem>> -> memref<1x6400xi32, #tpu.memory_space<vmem>>
    %dma_start3A_52 = tpu.memref_squeeze %dma_start3A_51 : memref<1x6400xi32, #tpu.memory_space<vmem>> -> memref<6400xi32, #tpu.memory_space<vmem>>
    %dma_start3A_53 = tpu.memref_slice %arg4[%mul3A_35] : memref<320000xi32, #tpu.memory_space<hbm>> -> memref<6400xi32, #tpu.memory_space<hbm>>
    tpu.enqueue_dma source(%dma_start3A_53 : memref<6400xi32, #tpu.memory_space<hbm>>) target(%dma_start3A_52 : memref<6400xi32, #tpu.memory_space<vmem>>) target_semaphore(%arg12 : memref<!tpu.dma_semaphore, #tpu.memory_space<semaphore_mem>>)
    %scan3A_54 = arith.constant 0 : i32
    %scan3A_55 = arith.constant 0 : i32
    %scan3A_56 = arith.constant 25 : i32
    %scan3A_57 = arith.addi %scan3A_55, %scan3A_56 : i32
    %scan3A_58 = arith.constant 1 : i32
    %scan3A_59 = scf.for %scan3A_111 = %scan3A_55 to %scan3A_57 step %scan3A_58 iter_args(%scan3A_112 = %scan3A_54) -> (i32)  : i32 {
      %dma_wait3A_113 = arith.constant 0 : i32
      %dma_wait3A_114 = arith.constant 0 : i32
      %dma_wait3A_115 = tpu.memref_slice %arg9[%dma_wait3A_113, %dma_wait3A_114] : memref<2x6400xi32, #tpu.memory_space<vmem>> -> memref<1x6400xi32, #tpu.memory_space<vmem>>
      %dma_wait3A_116 = tpu.memref_squeeze %dma_wait3A_115 : memref<1x6400xi32, #tpu.memory_space<vmem>> -> memref<6400xi32, #tpu.memory_space<vmem>>
      %dma_wait3A_117 = arith.constant 0 : i32
      %dma_wait3A_118 = tpu.memref_slice %arg3[%dma_wait3A_117] : memref<320000xi32, #tpu.memory_space<hbm>> -> memref<6400xi32, #tpu.memory_space<hbm>>
      %dma_wait3A_119 = arith.constant 0 : i32
      %dma_wait3A_120 = tpu.memref_slice %arg9[%dma_wait3A_113, %dma_wait3A_119] : memref<2x6400xi32, #tpu.memory_space<vmem>> -> memref<1x6400xi32, #tpu.memory_space<vmem>>
      %dma_wait3A_121 = tpu.memref_squeeze %dma_wait3A_120 : memref<1x6400xi32, #tpu.memory_space<vmem>> -> memref<6400xi32, #tpu.memory_space<vmem>>
      %dma_wait3A_122 = arith.constant 0 : i32
      %dma_wait3A_123 = tpu.memref_slice %arg3[%dma_wait3A_122] : memref<320000xi32, #tpu.memory_space<hbm>> -> memref<6400xi32, #tpu.memory_space<hbm>>
      tpu.wait_dma2 semaphore(%arg11 : memref<!tpu.dma_semaphore, #tpu.memory_space<semaphore_mem>>) src(%dma_wait3A_123 : memref<6400xi32, #tpu.memory_space<hbm>>) dst(%dma_wait3A_121 : memref<6400xi32, #tpu.memory_space<vmem>>)
      %dma_wait3A_124 = arith.constant 0 : i32
      %dma_wait3A_125 = arith.constant 0 : i32
      %dma_wait3A_126 = tpu.memref_slice %arg10[%dma_wait3A_124, %dma_wait3A_125] : memref<2x6400xi32, #tpu.memory_space<vmem>> -> memref<1x6400xi32, #tpu.memory_space<vmem>>
      %dma_wait3A_127 = tpu.memref_squeeze %dma_wait3A_126 : memref<1x6400xi32, #tpu.memory_space<vmem>> -> memref<6400xi32, #tpu.memory_space<vmem>>
      %dma_wait3A_128 = arith.constant 0 : i32
      %dma_wait3A_129 = tpu.memref_slice %arg4[%dma_wait3A_128] : memref<320000xi32, #tpu.memory_space<hbm>> -> memref<6400xi32, #tpu.memory_space<hbm>>
      %dma_wait3A_130 = arith.constant 0 : i32
      %dma_wait3A_131 = tpu.memref_slice %arg10[%dma_wait3A_124, %dma_wait3A_130] : memref<2x6400xi32, #tpu.memory_space<vmem>> -> memref<1x6400xi32, #tpu.memory_space<vmem>>
      %dma_wait3A_132 = tpu.memref_squeeze %dma_wait3A_131 : memref<1x6400xi32, #tpu.memory_space<vmem>> -> memref<6400xi32, #tpu.memory_space<vmem>>
      %dma_wait3A_133 = arith.constant 0 : i32
      %dma_wait3A_134 = tpu.memref_slice %arg4[%dma_wait3A_133] : memref<320000xi32, #tpu.memory_space<hbm>> -> memref<6400xi32, #tpu.memory_space<hbm>>
      tpu.wait_dma2 semaphore(%arg11 : memref<!tpu.dma_semaphore, #tpu.memory_space<semaphore_mem>>) src(%dma_wait3A_134 : memref<6400xi32, #tpu.memory_space<hbm>>) dst(%dma_wait3A_132 : memref<6400xi32, #tpu.memory_space<vmem>>)
      %scan3A_135 = arith.constant 0 : i32
      %scan3A_136 = arith.constant 0 : i32
      %scan3A_137 = arith.constant 50 : i32
      %scan3A_138 = arith.addi %scan3A_136, %scan3A_137 : i32
      %scan3A_139 = arith.constant 1 : i32
      %scan3A_140 = scf.for %scan3A_228 = %scan3A_136 to %scan3A_138 step %scan3A_139 iter_args(%scan3A_229 = %scan3A_135) -> (i32)  : i32 {
        %mul3A_230 = arith.constant 128 : i32
        %mul3A_231 = arith.muli %scan3A_228, %mul3A_230 : i32
        %add3A_232 = arith.constant 0 : i32
        %add3A_233 = arith.addi %mul3A_231, %add3A_232 : i32
        %get3A = arith.constant 0 : i32
        %get3A_234 = arith.index_cast %get3A : i32 to index
        %get3A_235 = arith.index_cast %add3A_233 : i32 to index
        %get3A_236 = tpu.vector_load %arg9[%get3A_234, %get3A_235] {strides = array<i32>} : memref<2x6400xi32, #tpu.memory_space<vmem>>, vector<16xi32>,
        %get3A_237 = arith.constant 0 : i32
        %get3A_238 = arith.index_cast %get3A_237 : i32 to index
        %get3A_239 = arith.index_cast %add3A_233 : i32 to index
        %get3A_240 = tpu.vector_load %arg10[%get3A_238, %get3A_239] {strides = array<i32>} : memref<2x6400xi32, #tpu.memory_space<vmem>>, vector<16xi32>,
        %gather3A = tpu.vector_load_idx %arg6[%get3A_236] : memref<10240xf32, #tpu.memory_space<vmem>>[vector<16xi32>], vector<16xf32>,
        %gather3A_241 = tpu.vector_load_idx %arg7[%get3A_240] : memref<10240xf32, #tpu.memory_space<vmem>>[vector<16xi32>], vector<16xf32>,
        %add3A_242 = arith.addf %gather3A, %gather3A_241 : vector<16xf32>
        %gather3A_243 = tpu.vector_load_idx %arg8[%get3A_236] : memref<10240xf32, #tpu.memory_space<vmem>>[vector<16xi32>], vector<16xf32>,
        %gt3A = arith.cmpf ogt, %add3A_242, %gather3A_243 : vector<16xf32>
        tpu.vector_store_idx %arg8[%get3A_236], %add3A_242 masked %gt3A : memref<10240xf32, #tpu.memory_space<vmem>>[vector<16xi32>], vector<16xf32>, vector<16xi1>
        %add3A_244 = arith.constant 16 : i32
        %add3A_245 = arith.addi %mul3A_231, %add3A_244 : i32
        %get3A_246 = arith.constant 0 : i32
        %get3A_247 = arith.index_cast %get3A_246 : i32 to index
        %get3A_248 = arith.index_cast %add3A_245 : i32 to index
        %get3A_249 = tpu.vector_load %arg9[%get3A_247, %get3A_248] {strides = array<i32>} : memref<2x6400xi32, #tpu.memory_space<vmem>>, vector<16xi32>,
        %get3A_250 = arith.constant 0 : i32
        %get3A_251 = arith.index_cast %get3A_250 : i32 to index
        %get3A_252 = arith.index_cast %add3A_245 : i32 to index
        %get3A_253 = tpu.vector_load %arg10[%get3A_251, %get3A_252] {strides = array<i32>} : memref<2x6400xi32, #tpu.memory_space<vmem>>, vector<16xi32>,
        %gather3A_254 = tpu.vector_load_idx %arg6[%get3A_249] : memref<10240xf32, #tpu.memory_space<vmem>>[vector<16xi32>], vector<16xf32>,
        %gather3A_255 = tpu.vector_load_idx %arg7[%get3A_253] : memref<10240xf32, #tpu.memory_space<vmem>>[vector<16xi32>], vector<16xf32>,
        %add3A_256 = arith.addf %gather3A_254, %gather3A_255 : vector<16xf32>
        %gather3A_257 = tpu.vector_load_idx %arg8[%get3A_249] : memref<10240xf32, #tpu.memory_space<vmem>>[vector<16xi32>], vector<16xf32>,
        %gt3A_258 = arith.cmpf ogt, %add3A_256, %gather3A_257 : vector<16xf32>
        tpu.vector_store_idx %arg8[%get3A_249], %add3A_256 masked %gt3A_258 : memref<10240xf32, #tpu.memory_space<vmem>>[vector<16xi32>], vector<16xf32>, vector<16xi1>
        %add3A_259 = arith.constant 32 : i32
        %add3A_260 = arith.addi %mul3A_231, %add3A_259 : i32
        %get3A_261 = arith.constant 0 : i32
        %get3A_262 = arith.index_cast %get3A_261 : i32 to index
        %get3A_263 = arith.index_cast %add3A_260 : i32 to index
        %get3A_264 = tpu.vector_load %arg9[%get3A_262, %get3A_263] {strides = array<i32>} : memref<2x6400xi32, #tpu.memory_space<vmem>>, vector<16xi32>,
        %get3A_265 = arith.constant 0 : i32
        %get3A_266 = arith.index_cast %get3A_265 : i32 to index
        %get3A_267 = arith.index_cast %add3A_260 : i32 to index
        %get3A_268 = tpu.vector_load %arg10[%get3A_266, %get3A_267] {strides = array<i32>} : memref<2x6400xi32, #tpu.memory_space<vmem>>, vector<16xi32>,
        %gather3A_269 = tpu.vector_load_idx %arg6[%get3A_264] : memref<10240xf32, #tpu.memory_space<vmem>>[vector<16xi32>], vector<16xf32>,
        %gather3A_270 = tpu.vector_load_idx %arg7[%get3A_268] : memref<10240xf32, #tpu.memory_space<vmem>>[vector<16xi32>], vector<16xf32>,
        %add3A_271 = arith.addf %gather3A_269, %gather3A_270 : vector<16xf32>
        %gather3A_272 = tpu.vector_load_idx %arg8[%get3A_264] : memref<10240xf32, #tpu.memory_space<vmem>>[vector<16xi32>], vector<16xf32>,
        %gt3A_273 = arith.cmpf ogt, %add3A_271, %gather3A_272 : vector<16xf32>
        tpu.vector_store_idx %arg8[%get3A_264], %add3A_271 masked %gt3A_273 : memref<10240xf32, #tpu.memory_space<vmem>>[vector<16xi32>], vector<16xf32>, vector<16xi1>
        %add3A_274 = arith.constant 48 : i32
        %add3A_275 = arith.addi %mul3A_231, %add3A_274 : i32
        %get3A_276 = arith.constant 0 : i32
        %get3A_277 = arith.index_cast %get3A_276 : i32 to index
        %get3A_278 = arith.index_cast %add3A_275 : i32 to index
        %get3A_279 = tpu.vector_load %arg9[%get3A_277, %get3A_278] {strides = array<i32>} : memref<2x6400xi32, #tpu.memory_space<vmem>>, vector<16xi32>,
        %get3A_280 = arith.constant 0 : i32
        %get3A_281 = arith.index_cast %get3A_280 : i32 to index
        %get3A_282 = arith.index_cast %add3A_275 : i32 to index
        %get3A_283 = tpu.vector_load %arg10[%get3A_281, %get3A_282] {strides = array<i32>} : memref<2x6400xi32, #tpu.memory_space<vmem>>, vector<16xi32>,
        %gather3A_284 = tpu.vector_load_idx %arg6[%get3A_279] : memref<10240xf32, #tpu.memory_space<vmem>>[vector<16xi32>], vector<16xf32>,
        %gather3A_285 = tpu.vector_load_idx %arg7[%get3A_283] : memref<10240xf32, #tpu.memory_space<vmem>>[vector<16xi32>], vector<16xf32>,
        %add3A_286 = arith.addf %gather3A_284, %gather3A_285 : vector<16xf32>
        %gather3A_287 = tpu.vector_load_idx %arg8[%get3A_279] : memref<10240xf32, #tpu.memory_space<vmem>>[vector<16xi32>], vector<16xf32>,
        %gt3A_288 = arith.cmpf ogt, %add3A_286, %gather3A_287 : vector<16xf32>
        tpu.vector_store_idx %arg8[%get3A_279], %add3A_286 masked %gt3A_288 : memref<10240xf32, #tpu.memory_space<vmem>>[vector<16xi32>], vector<16xf32>, vector<16xi1>
        %add3A_289 = arith.constant 64 : i32
        %add3A_290 = arith.addi %mul3A_231, %add3A_289 : i32
        %get3A_291 = arith.constant 0 : i32
        %get3A_292 = arith.index_cast %get3A_291 : i32 to index
        %get3A_293 = arith.index_cast %add3A_290 : i32 to index
        %get3A_294 = tpu.vector_load %arg9[%get3A_292, %get3A_293] {strides = array<i32>} : memref<2x6400xi32, #tpu.memory_space<vmem>>, vector<16xi32>,
        %get3A_295 = arith.constant 0 : i32
        %get3A_296 = arith.index_cast %get3A_295 : i32 to index
        %get3A_297 = arith.index_cast %add3A_290 : i32 to index
        %get3A_298 = tpu.vector_load %arg10[%get3A_296, %get3A_297] {strides = array<i32>} : memref<2x6400xi32, #tpu.memory_space<vmem>>, vector<16xi32>,
        %gather3A_299 = tpu.vector_load_idx %arg6[%get3A_294] : memref<10240xf32, #tpu.memory_space<vmem>>[vector<16xi32>], vector<16xf32>,
        %gather3A_300 = tpu.vector_load_idx %arg7[%get3A_298] : memref<10240xf32, #tpu.memory_space<vmem>>[vector<16xi32>], vector<16xf32>,
        %add3A_301 = arith.addf %gather3A_299, %gather3A_300 : vector<16xf32>
        %gather3A_302 = tpu.vector_load_idx %arg8[%get3A_294] : memref<10240xf32, #tpu.memory_space<vmem>>[vector<16xi32>], vector<16xf32>,
        %gt3A_303 = arith.cmpf ogt, %add3A_301, %gather3A_302 : vector<16xf32>
        tpu.vector_store_idx %arg8[%get3A_294], %add3A_301 masked %gt3A_303 : memref<10240xf32, #tpu.memory_space<vmem>>[vector<16xi32>], vector<16xf32>, vector<16xi1>
        %add3A_304 = arith.constant 80 : i32
        %add3A_305 = arith.addi %mul3A_231, %add3A_304 : i32
        %get3A_306 = arith.constant 0 : i32
        %get3A_307 = arith.index_cast %get3A_306 : i32 to index
        %get3A_308 = arith.index_cast %add3A_305 : i32 to index
        %get3A_309 = tpu.vector_load %arg9[%get3A_307, %get3A_308] {strides = array<i32>} : memref<2x6400xi32, #tpu.memory_space<vmem>>, vector<16xi32>,
        %get3A_310 = arith.constant 0 : i32
        %get3A_311 = arith.index_cast %get3A_310 : i32 to index
        %get3A_312 = arith.index_cast %add3A_305 : i32 to index
        %get3A_313 = tpu.vector_load %arg10[%get3A_311, %get3A_312] {strides = array<i32>} : memref<2x6400xi32, #tpu.memory_space<vmem>>, vector<16xi32>,
        %gather3A_314 = tpu.vector_load_idx %arg6[%get3A_309] : memref<10240xf32, #tpu.memory_space<vmem>>[vector<16xi32>], vector<16xf32>,
        %gather3A_315 = tpu.vector_load_idx %arg7[%get3A_313] : memref<10240xf32, #tpu.memory_space<vmem>>[vector<16xi32>], vector<16xf32>,
        %add3A_316 = arith.addf %gather3A_314, %gather3A_315 : vector<16xf32>
        %gather3A_317 = tpu.vector_load_idx %arg8[%get3A_309] : memref<10240xf32, #tpu.memory_space<vmem>>[vector<16xi32>], vector<16xf32>,
        %gt3A_318 = arith.cmpf ogt, %add3A_316, %gather3A_317 : vector<16xf32>
        tpu.vector_store_idx %arg8[%get3A_309], %add3A_316 masked %gt3A_318 : memref<10240xf32, #tpu.memory_space<vmem>>[vector<16xi32>], vector<16xf32>, vector<16xi1>
        %add3A_319 = arith.constant 96 : i32
        %add3A_320 = arith.addi %mul3A_231, %add3A_319 : i32
        %get3A_321 = arith.constant 0 : i32
        %get3A_322 = arith.index_cast %get3A_321 : i32 to index
        %get3A_323 = arith.index_cast %add3A_320 : i32 to index
        %get3A_324 = tpu.vector_load %arg9[%get3A_322, %get3A_323] {strides = array<i32>} : memref<2x6400xi32, #tpu.memory_space<vmem>>, vector<16xi32>,
        %get3A_325 = arith.constant 0 : i32
        %get3A_326 = arith.index_cast %get3A_325 : i32 to index
        %get3A_327 = arith.index_cast %add3A_320 : i32 to index
        %get3A_328 = tpu.vector_load %arg10[%get3A_326, %get3A_327] {strides = array<i32>} : memref<2x6400xi32, #tpu.memory_space<vmem>>, vector<16xi32>,
        %gather3A_329 = tpu.vector_load_idx %arg6[%get3A_324] : memref<10240xf32, #tpu.memory_space<vmem>>[vector<16xi32>], vector<16xf32>,
        %gather3A_330 = tpu.vector_load_idx %arg7[%get3A_328] : memref<10240xf32, #tpu.memory_space<vmem>>[vector<16xi32>], vector<16xf32>,
        %add3A_331 = arith.addf %gather3A_329, %gather3A_330 : vector<16xf32>
        %gather3A_332 = tpu.vector_load_idx %arg8[%get3A_324] : memref<10240xf32, #tpu.memory_space<vmem>>[vector<16xi32>], vector<16xf32>,
        %gt3A_333 = arith.cmpf ogt, %add3A_331, %gather3A_332 : vector<16xf32>
        tpu.vector_store_idx %arg8[%get3A_324], %add3A_331 masked %gt3A_333 : memref<10240xf32, #tpu.memory_space<vmem>>[vector<16xi32>], vector<16xf32>, vector<16xi1>
        %add3A_334 = arith.constant 112 : i32
        %add3A_335 = arith.addi %mul3A_231, %add3A_334 : i32
        %get3A_336 = arith.constant 0 : i32
        %get3A_337 = arith.index_cast %get3A_336 : i32 to index
        %get3A_338 = arith.index_cast %add3A_335 : i32 to index
        %get3A_339 = tpu.vector_load %arg9[%get3A_337, %get3A_338] {strides = array<i32>} : memref<2x6400xi32, #tpu.memory_space<vmem>>, vector<16xi32>,
        %get3A_340 = arith.constant 0 : i32
        %get3A_341 = arith.index_cast %get3A_340 : i32 to index
        %get3A_342 = arith.index_cast %add3A_335 : i32 to index
        %get3A_343 = tpu.vector_load %arg10[%get3A_341, %get3A_342] {strides = array<i32>} : memref<2x6400xi32, #tpu.memory_space<vmem>>, vector<16xi32>,
        %gather3A_344 = tpu.vector_load_idx %arg6[%get3A_339] : memref<10240xf32, #tpu.memory_space<vmem>>[vector<16xi32>], vector<16xf32>,
        %gather3A_345 = tpu.vector_load_idx %arg7[%get3A_343] : memref<10240xf32, #tpu.memory_space<vmem>>[vector<16xi32>], vector<16xf32>,
        %add3A_346 = arith.addf %gather3A_344, %gather3A_345 : vector<16xf32>
        %gather3A_347 = tpu.vector_load_idx %arg8[%get3A_339] : memref<10240xf32, #tpu.memory_space<vmem>>[vector<16xi32>], vector<16xf32>,
        %gt3A_348 = arith.cmpf ogt, %add3A_346, %gather3A_347 : vector<16xf32>
        tpu.vector_store_idx %arg8[%get3A_339], %add3A_346 masked %gt3A_348 : memref<10240xf32, #tpu.memory_space<vmem>>[vector<16xi32>], vector<16xf32>, vector<16xi1>
        %broadcast_in_dim3A_349 = arith.constant false
        %broadcast_in_dim3A_350 = vector.broadcast %broadcast_in_dim3A_349 : i1 to vector<16xi1>
        %gather3A_351 = tpu.vector_load_idx %arg8[%get3A_236] : memref<10240xf32, #tpu.memory_space<vmem>>[vector<16xi32>], vector<16xf32>,
        %gt3A_352 = arith.cmpf ogt, %add3A_242, %gather3A_351 : vector<16xf32>
        %or3A = arith.ori %broadcast_in_dim3A_350, %gt3A_352 : vector<16xi1>
        %gather3A_353 = tpu.vector_load_idx %arg8[%get3A_249] : memref<10240xf32, #tpu.memory_space<vmem>>[vector<16xi32>], vector<16xf32>,
        %gt3A_354 = arith.cmpf ogt, %add3A_256, %gather3A_353 : vector<16xf32>
        %or3A_355 = arith.ori %or3A, %gt3A_354 : vector<16xi1>
        %gather3A_356 = tpu.vector_load_idx %arg8[%get3A_264] : memref<10240xf32, #tpu.memory_space<vmem>>[vector<16xi32>], vector<16xf32>,
        %gt3A_357 = arith.cmpf ogt, %add3A_271, %gather3A_356 : vector<16xf32>
        %or3A_358 = arith.ori %or3A_355, %gt3A_357 : vector<16xi1>
        %gather3A_359 = tpu.vector_load_idx %arg8[%get3A_279] : memref<10240xf32, #tpu.memory_space<vmem>>[vector<16xi32>], vector<16xf32>,
        %gt3A_360 = arith.cmpf ogt, %add3A_286, %gather3A_359 : vector<16xf32>
        %or3A_361 = arith.ori %or3A_358, %gt3A_360 : vector<16xi1>
        %gather3A_362 = tpu.vector_load_idx %arg8[%get3A_294] : memref<10240xf32, #tpu.memory_space<vmem>>[vector<16xi32>], vector<16xf32>,
        %gt3A_363 = arith.cmpf ogt, %add3A_301, %gather3A_362 : vector<16xf32>
        %or3A_364 = arith.ori %or3A_361, %gt3A_363 : vector<16xi1>
        %gather3A_365 = tpu.vector_load_idx %arg8[%get3A_309] : memref<10240xf32, #tpu.memory_space<vmem>>[vector<16xi32>], vector<16xf32>,
        %gt3A_366 = arith.cmpf ogt, %add3A_316, %gather3A_365 : vector<16xf32>
        %or3A_367 = arith.ori %or3A_364, %gt3A_366 : vector<16xi1>
        %gather3A_368 = tpu.vector_load_idx %arg8[%get3A_324] : memref<10240xf32, #tpu.memory_space<vmem>>[vector<16xi32>], vector<16xf32>,
        %gt3A_369 = arith.cmpf ogt, %add3A_331, %gather3A_368 : vector<16xf32>
        %or3A_370 = arith.ori %or3A_367, %gt3A_369 : vector<16xi1>
        %gather3A_371 = tpu.vector_load_idx %arg8[%get3A_339] : memref<10240xf32, #tpu.memory_space<vmem>>[vector<16xi32>], vector<16xf32>,
        %gt3A_372 = arith.cmpf ogt, %add3A_346, %gather3A_371 : vector<16xf32>
        %or3A_373 = arith.ori %or3A_370, %gt3A_372 : vector<16xi1>
        %reduce_or3A = arith.constant 1.000000e+00 : f32
        %reduce_or3A_374 = arith.constant 0.000000e+00 : f32
        %reduce_or3A_375 = vector.broadcast %reduce_or3A : f32 to vector<16xf32>
        %reduce_or3A_376 = vector.broadcast %reduce_or3A_374 : f32 to vector<16xf32>
        %reduce_or3A_377 = arith.select %or3A_373, %reduce_or3A_375, %reduce_or3A_376 : vector<16xi1>, vector<16xf32>
        %reduce_or3A_378 = arith.constant true
        %reduce_or3A_379 = vector.broadcast %reduce_or3A_378 : i1 to vector<16xi1>
        %reduce_or3A_380 = tpu.scan <max>, %reduce_or3A_377 masked %reduce_or3A_379 : vector<16xf32>, vector<16xi1> -> vector<16xf32>
        %reduce_or3A_381 = vector.extract %reduce_or3A_380[15] : f32 from vector<16xf32>
        %reduce_or3A_382 = arith.constant 0.000000e+00 : f32
        %reduce_or3A_383 = arith.cmpf ogt, %reduce_or3A_381, %reduce_or3A_382 : f32
        %convert_element_type3A = arith.extui %reduce_or3A_383 : i1 to i32
        %cond3A = arith.constant 0 : i32
        %cond3A_384 = arith.constant 0 : i32
        %cond3A_385 = arith.cmpi ne, %convert_element_type3A, %cond3A_384 : i32
        %cond3A_386 = scf.if %cond3A_385 -> (i32) {
          %gather3A_388 = tpu.vector_load_idx %arg8[%get3A_236] : memref<10240xf32, #tpu.memory_space<vmem>>[vector<16xi32>], vector<16xf32>,
          %gt3A_389 = arith.cmpf ogt, %add3A_242, %gather3A_388 : vector<16xf32>
          %while3A = scf.while (%while3A_412 = %gt3A_389) : (vector<16xi1>) -> vector<16xi1> {
            %reduce_or3A_413 = arith.constant 1.000000e+00 : f32
            %reduce_or3A_414 = arith.constant 0.000000e+00 : f32
            %reduce_or3A_415 = vector.broadcast %reduce_or3A_413 : f32 to vector<16xf32>
            %reduce_or3A_416 = vector.broadcast %reduce_or3A_414 : f32 to vector<16xf32>
            %reduce_or3A_417 = arith.select %while3A_412, %reduce_or3A_415, %reduce_or3A_416 : vector<16xi1>, vector<16xf32>
            %reduce_or3A_418 = arith.constant true
            %reduce_or3A_419 = vector.broadcast %reduce_or3A_418 : i1 to vector<16xi1>
            %reduce_or3A_420 = tpu.scan <max>, %reduce_or3A_417 masked %reduce_or3A_419 : vector<16xf32>, vector<16xi1> -> vector<16xf32>
            %reduce_or3A_421 = vector.extract %reduce_or3A_420[15] : f32 from vector<16xf32>
            %reduce_or3A_422 = arith.constant 0.000000e+00 : f32
            %reduce_or3A_423 = arith.cmpf ogt, %reduce_or3A_421, %reduce_or3A_422 : f32
            scf.condition(%reduce_or3A_423) %while3A_412 : vector<16xi1>
          } do {
          ^bb0(%while3A_412: vector<16xi1>):
            tpu.vector_store_idx %arg8[%get3A_236], %add3A_242 masked %while3A_412 : memref<10240xf32, #tpu.memory_space<vmem>>[vector<16xi32>], vector<16xf32>, vector<16xi1>
            %gather3A_413 = tpu.vector_load_idx %arg8[%get3A_236] : memref<10240xf32, #tpu.memory_space<vmem>>[vector<16xi32>], vector<16xf32>,
            %gt3A_414 = arith.cmpf ogt, %add3A_242, %gather3A_413 : vector<16xf32>
            scf.yield %gt3A_414 : vector<16xi1>
          }
          %gather3A_390 = tpu.vector_load_idx %arg8[%get3A_249] : memref<10240xf32, #tpu.memory_space<vmem>>[vector<16xi32>], vector<16xf32>,
          %gt3A_391 = arith.cmpf ogt, %add3A_256, %gather3A_390 : vector<16xf32>
          %while3A_392 = scf.while (%while3A_412 = %gt3A_391) : (vector<16xi1>) -> vector<16xi1> {
            %reduce_or3A_413 = arith.constant 1.000000e+00 : f32
            %reduce_or3A_414 = arith.constant 0.000000e+00 : f32
            %reduce_or3A_415 = vector.broadcast %reduce_or3A_413 : f32 to vector<16xf32>
            %reduce_or3A_416 = vector.broadcast %reduce_or3A_414 : f32 to vector<16xf32>
            %reduce_or3A_417 = arith.select %while3A_412, %reduce_or3A_415, %reduce_or3A_416 : vector<16xi1>, vector<16xf32>
            %reduce_or3A_418 = arith.constant true
            %reduce_or3A_419 = vector.broadcast %reduce_or3A_418 : i1 to vector<16xi1>
            %reduce_or3A_420 = tpu.scan <max>, %reduce_or3A_417 masked %reduce_or3A_419 : vector<16xf32>, vector<16xi1> -> vector<16xf32>
            %reduce_or3A_421 = vector.extract %reduce_or3A_420[15] : f32 from vector<16xf32>
            %reduce_or3A_422 = arith.constant 0.000000e+00 : f32
            %reduce_or3A_423 = arith.cmpf ogt, %reduce_or3A_421, %reduce_or3A_422 : f32
            scf.condition(%reduce_or3A_423) %while3A_412 : vector<16xi1>
          } do {
          ^bb0(%while3A_412: vector<16xi1>):
            tpu.vector_store_idx %arg8[%get3A_249], %add3A_256 masked %while3A_412 : memref<10240xf32, #tpu.memory_space<vmem>>[vector<16xi32>], vector<16xf32>, vector<16xi1>
            %gather3A_413 = tpu.vector_load_idx %arg8[%get3A_249] : memref<10240xf32, #tpu.memory_space<vmem>>[vector<16xi32>], vector<16xf32>,
            %gt3A_414 = arith.cmpf ogt, %add3A_256, %gather3A_413 : vector<16xf32>
            scf.yield %gt3A_414 : vector<16xi1>
          }
          %gather3A_393 = tpu.vector_load_idx %arg8[%get3A_264] : memref<10240xf32, #tpu.memory_space<vmem>>[vector<16xi32>], vector<16xf32>,
          %gt3A_394 = arith.cmpf ogt, %add3A_271, %gather3A_393 : vector<16xf32>
          %while3A_395 = scf.while (%while3A_412 = %gt3A_394) : (vector<16xi1>) -> vector<16xi1> {
            %reduce_or3A_413 = arith.constant 1.000000e+00 : f32
            %reduce_or3A_414 = arith.constant 0.000000e+00 : f32
            %reduce_or3A_415 = vector.broadcast %reduce_or3A_413 : f32 to vector<16xf32>
            %reduce_or3A_416 = vector.broadcast %reduce_or3A_414 : f32 to vector<16xf32>
            %reduce_or3A_417 = arith.select %while3A_412, %reduce_or3A_415, %reduce_or3A_416 : vector<16xi1>, vector<16xf32>
            %reduce_or3A_418 = arith.constant true
            %reduce_or3A_419 = vector.broadcast %reduce_or3A_418 : i1 to vector<16xi1>
            %reduce_or3A_420 = tpu.scan <max>, %reduce_or3A_417 masked %reduce_or3A_419 : vector<16xf32>, vector<16xi1> -> vector<16xf32>
            %reduce_or3A_421 = vector.extract %reduce_or3A_420[15] : f32 from vector<16xf32>
            %reduce_or3A_422 = arith.constant 0.000000e+00 : f32
            %reduce_or3A_423 = arith.cmpf ogt, %reduce_or3A_421, %reduce_or3A_422 : f32
            scf.condition(%reduce_or3A_423) %while3A_412 : vector<16xi1>
          } do {
          ^bb0(%while3A_412: vector<16xi1>):
            tpu.vector_store_idx %arg8[%get3A_264], %add3A_271 masked %while3A_412 : memref<10240xf32, #tpu.memory_space<vmem>>[vector<16xi32>], vector<16xf32>, vector<16xi1>
            %gather3A_413 = tpu.vector_load_idx %arg8[%get3A_264] : memref<10240xf32, #tpu.memory_space<vmem>>[vector<16xi32>], vector<16xf32>,
            %gt3A_414 = arith.cmpf ogt, %add3A_271, %gather3A_413 : vector<16xf32>
            scf.yield %gt3A_414 : vector<16xi1>
          }
          %gather3A_396 = tpu.vector_load_idx %arg8[%get3A_279] : memref<10240xf32, #tpu.memory_space<vmem>>[vector<16xi32>], vector<16xf32>,
          %gt3A_397 = arith.cmpf ogt, %add3A_286, %gather3A_396 : vector<16xf32>
          %while3A_398 = scf.while (%while3A_412 = %gt3A_397) : (vector<16xi1>) -> vector<16xi1> {
            %reduce_or3A_413 = arith.constant 1.000000e+00 : f32
            %reduce_or3A_414 = arith.constant 0.000000e+00 : f32
            %reduce_or3A_415 = vector.broadcast %reduce_or3A_413 : f32 to vector<16xf32>
            %reduce_or3A_416 = vector.broadcast %reduce_or3A_414 : f32 to vector<16xf32>
            %reduce_or3A_417 = arith.select %while3A_412, %reduce_or3A_415, %reduce_or3A_416 : vector<16xi1>, vector<16xf32>
            %reduce_or3A_418 = arith.constant true
            %reduce_or3A_419 = vector.broadcast %reduce_or3A_418 : i1 to vector<16xi1>
            %reduce_or3A_420 = tpu.scan <max>, %reduce_or3A_417 masked %reduce_or3A_419 : vector<16xf32>, vector<16xi1> -> vector<16xf32>
            %reduce_or3A_421 = vector.extract %reduce_or3A_420[15] : f32 from vector<16xf32>
            %reduce_or3A_422 = arith.constant 0.000000e+00 : f32
            %reduce_or3A_423 = arith.cmpf ogt, %reduce_or3A_421, %reduce_or3A_422 : f32
            scf.condition(%reduce_or3A_423) %while3A_412 : vector<16xi1>
          } do {
          ^bb0(%while3A_412: vector<16xi1>):
            tpu.vector_store_idx %arg8[%get3A_279], %add3A_286 masked %while3A_412 : memref<10240xf32, #tpu.memory_space<vmem>>[vector<16xi32>], vector<16xf32>, vector<16xi1>
            %gather3A_413 = tpu.vector_load_idx %arg8[%get3A_279] : memref<10240xf32, #tpu.memory_space<vmem>>[vector<16xi32>], vector<16xf32>,
            %gt3A_414 = arith.cmpf ogt, %add3A_286, %gather3A_413 : vector<16xf32>
            scf.yield %gt3A_414 : vector<16xi1>
          }
          %gather3A_399 = tpu.vector_load_idx %arg8[%get3A_294] : memref<10240xf32, #tpu.memory_space<vmem>>[vector<16xi32>], vector<16xf32>,
          %gt3A_400 = arith.cmpf ogt, %add3A_301, %gather3A_399 : vector<16xf32>
          %while3A_401 = scf.while (%while3A_412 = %gt3A_400) : (vector<16xi1>) -> vector<16xi1> {
            %reduce_or3A_413 = arith.constant 1.000000e+00 : f32
            %reduce_or3A_414 = arith.constant 0.000000e+00 : f32
            %reduce_or3A_415 = vector.broadcast %reduce_or3A_413 : f32 to vector<16xf32>
            %reduce_or3A_416 = vector.broadcast %reduce_or3A_414 : f32 to vector<16xf32>
            %reduce_or3A_417 = arith.select %while3A_412, %reduce_or3A_415, %reduce_or3A_416 : vector<16xi1>, vector<16xf32>
            %reduce_or3A_418 = arith.constant true
            %reduce_or3A_419 = vector.broadcast %reduce_or3A_418 : i1 to vector<16xi1>
            %reduce_or3A_420 = tpu.scan <max>, %reduce_or3A_417 masked %reduce_or3A_419 : vector<16xf32>, vector<16xi1> -> vector<16xf32>
            %reduce_or3A_421 = vector.extract %reduce_or3A_420[15] : f32 from vector<16xf32>
            %reduce_or3A_422 = arith.constant 0.000000e+00 : f32
            %reduce_or3A_423 = arith.cmpf ogt, %reduce_or3A_421, %reduce_or3A_422 : f32
            scf.condition(%reduce_or3A_423) %while3A_412 : vector<16xi1>
          } do {
          ^bb0(%while3A_412: vector<16xi1>):
            tpu.vector_store_idx %arg8[%get3A_294], %add3A_301 masked %while3A_412 : memref<10240xf32, #tpu.memory_space<vmem>>[vector<16xi32>], vector<16xf32>, vector<16xi1>
            %gather3A_413 = tpu.vector_load_idx %arg8[%get3A_294] : memref<10240xf32, #tpu.memory_space<vmem>>[vector<16xi32>], vector<16xf32>,
            %gt3A_414 = arith.cmpf ogt, %add3A_301, %gather3A_413 : vector<16xf32>
            scf.yield %gt3A_414 : vector<16xi1>
          }
          %gather3A_402 = tpu.vector_load_idx %arg8[%get3A_309] : memref<10240xf32, #tpu.memory_space<vmem>>[vector<16xi32>], vector<16xf32>,
          %gt3A_403 = arith.cmpf ogt, %add3A_316, %gather3A_402 : vector<16xf32>
          %while3A_404 = scf.while (%while3A_412 = %gt3A_403) : (vector<16xi1>) -> vector<16xi1> {
            %reduce_or3A_413 = arith.constant 1.000000e+00 : f32
            %reduce_or3A_414 = arith.constant 0.000000e+00 : f32
            %reduce_or3A_415 = vector.broadcast %reduce_or3A_413 : f32 to vector<16xf32>
            %reduce_or3A_416 = vector.broadcast %reduce_or3A_414 : f32 to vector<16xf32>
            %reduce_or3A_417 = arith.select %while3A_412, %reduce_or3A_415, %reduce_or3A_416 : vector<16xi1>, vector<16xf32>
            %reduce_or3A_418 = arith.constant true
            %reduce_or3A_419 = vector.broadcast %reduce_or3A_418 : i1 to vector<16xi1>
            %reduce_or3A_420 = tpu.scan <max>, %reduce_or3A_417 masked %reduce_or3A_419 : vector<16xf32>, vector<16xi1> -> vector<16xf32>
            %reduce_or3A_421 = vector.extract %reduce_or3A_420[15] : f32 from vector<16xf32>
            %reduce_or3A_422 = arith.constant 0.000000e+00 : f32
            %reduce_or3A_423 = arith.cmpf ogt, %reduce_or3A_421, %reduce_or3A_422 : f32
            scf.condition(%reduce_or3A_423) %while3A_412 : vector<16xi1>
          } do {
          ^bb0(%while3A_412: vector<16xi1>):
            tpu.vector_store_idx %arg8[%get3A_309], %add3A_316 masked %while3A_412 : memref<10240xf32, #tpu.memory_space<vmem>>[vector<16xi32>], vector<16xf32>, vector<16xi1>
            %gather3A_413 = tpu.vector_load_idx %arg8[%get3A_309] : memref<10240xf32, #tpu.memory_space<vmem>>[vector<16xi32>], vector<16xf32>,
            %gt3A_414 = arith.cmpf ogt, %add3A_316, %gather3A_413 : vector<16xf32>
            scf.yield %gt3A_414 : vector<16xi1>
          }
          %gather3A_405 = tpu.vector_load_idx %arg8[%get3A_324] : memref<10240xf32, #tpu.memory_space<vmem>>[vector<16xi32>], vector<16xf32>,
          %gt3A_406 = arith.cmpf ogt, %add3A_331, %gather3A_405 : vector<16xf32>
          %while3A_407 = scf.while (%while3A_412 = %gt3A_406) : (vector<16xi1>) -> vector<16xi1> {
            %reduce_or3A_413 = arith.constant 1.000000e+00 : f32
            %reduce_or3A_414 = arith.constant 0.000000e+00 : f32
            %reduce_or3A_415 = vector.broadcast %reduce_or3A_413 : f32 to vector<16xf32>
            %reduce_or3A_416 = vector.broadcast %reduce_or3A_414 : f32 to vector<16xf32>
            %reduce_or3A_417 = arith.select %while3A_412, %reduce_or3A_415, %reduce_or3A_416 : vector<16xi1>, vector<16xf32>
            %reduce_or3A_418 = arith.constant true
            %reduce_or3A_419 = vector.broadcast %reduce_or3A_418 : i1 to vector<16xi1>
            %reduce_or3A_420 = tpu.scan <max>, %reduce_or3A_417 masked %reduce_or3A_419 : vector<16xf32>, vector<16xi1> -> vector<16xf32>
            %reduce_or3A_421 = vector.extract %reduce_or3A_420[15] : f32 from vector<16xf32>
            %reduce_or3A_422 = arith.constant 0.000000e+00 : f32
            %reduce_or3A_423 = arith.cmpf ogt, %reduce_or3A_421, %reduce_or3A_422 : f32
            scf.condition(%reduce_or3A_423) %while3A_412 : vector<16xi1>
          } do {
          ^bb0(%while3A_412: vector<16xi1>):
            tpu.vector_store_idx %arg8[%get3A_324], %add3A_331 masked %while3A_412 : memref<10240xf32, #tpu.memory_space<vmem>>[vector<16xi32>], vector<16xf32>, vector<16xi1>
            %gather3A_413 = tpu.vector_load_idx %arg8[%get3A_324] : memref<10240xf32, #tpu.memory_space<vmem>>[vector<16xi32>], vector<16xf32>,
            %gt3A_414 = arith.cmpf ogt, %add3A_331, %gather3A_413 : vector<16xf32>
            scf.yield %gt3A_414 : vector<16xi1>
          }
          %gather3A_408 = tpu.vector_load_idx %arg8[%get3A_339] : memref<10240xf32, #tpu.memory_space<vmem>>[vector<16xi32>], vector<16xf32>,
          %gt3A_409 = arith.cmpf ogt, %add3A_346, %gather3A_408 : vector<16xf32>
          %while3A_410 = scf.while (%while3A_412 = %gt3A_409) : (vector<16xi1>) -> vector<16xi1> {
            %reduce_or3A_413 = arith.constant 1.000000e+00 : f32
            %reduce_or3A_414 = arith.constant 0.000000e+00 : f32
            %reduce_or3A_415 = vector.broadcast %reduce_or3A_413 : f32 to vector<16xf32>
            %reduce_or3A_416 = vector.broadcast %reduce_or3A_414 : f32 to vector<16xf32>
            %reduce_or3A_417 = arith.select %while3A_412, %reduce_or3A_415, %reduce_or3A_416 : vector<16xi1>, vector<16xf32>
            %reduce_or3A_418 = arith.constant true
            %reduce_or3A_419 = vector.broadcast %reduce_or3A_418 : i1 to vector<16xi1>
            %reduce_or3A_420 = tpu.scan <max>, %reduce_or3A_417 masked %reduce_or3A_419 : vector<16xf32>, vector<16xi1> -> vector<16xf32>
            %reduce_or3A_421 = vector.extract %reduce_or3A_420[15] : f32 from vector<16xf32>
            %reduce_or3A_422 = arith.constant 0.000000e+00 : f32
            %reduce_or3A_423 = arith.cmpf ogt, %reduce_or3A_421, %reduce_or3A_422 : f32
            scf.condition(%reduce_or3A_423) %while3A_412 : vector<16xi1>
          } do {
          ^bb0(%while3A_412: vector<16xi1>):
            tpu.vector_store_idx %arg8[%get3A_339], %add3A_346 masked %while3A_412 : memref<10240xf32, #tpu.memory_space<vmem>>[vector<16xi32>], vector<16xf32>, vector<16xi1>
            %gather3A_413 = tpu.vector_load_idx %arg8[%get3A_339] : memref<10240xf32, #tpu.memory_space<vmem>>[vector<16xi32>], vector<16xf32>,
            %gt3A_414 = arith.cmpf ogt, %add3A_346, %gather3A_413 : vector<16xf32>
            scf.yield %gt3A_414 : vector<16xi1>
          }
          %cond3A_411 = arith.constant 0 : i32
          scf.yield %cond3A_411 : i32
        } else {
          %cond3A_388 = arith.constant 0 : i32
          scf.yield %cond3A_388 : i32
        }
        %scan3A_387 = arith.constant 0 : i32
        scf.yield %scan3A_387 : i32
      }
      %scan3A_141 = arith.constant 50 : i32
      %mul3A_142 = arith.constant 2 : i32
      %mul3A_143 = arith.muli %mul3A_142, %scan3A_111 : i32
      %add3A_144 = arith.constant 0 : i32
      %add3A_145 = arith.addi %mul3A_143, %add3A_144 : i32
      %add3A_146 = arith.constant 2 : i32
      %add3A_147 = arith.addi %add3A_145, %add3A_146 : i32
      %min3A_148 = arith.constant 49 : i32
      %min3A_149 = arith.minsi %add3A_147, %min3A_148 : i32
      %mul3A_150 = arith.constant 6400 : i32
      %mul3A_151 = arith.muli %min3A_149, %mul3A_150 : i32
      %dma_start3A_152 = arith.constant 0 : i32
      %dma_start3A_153 = arith.constant 0 : i32
      %dma_start3A_154 = tpu.memref_slice %arg9[%dma_start3A_152, %dma_start3A_153] : memref<2x6400xi32, #tpu.memory_space<vmem>> -> memref<1x6400xi32, #tpu.memory_space<vmem>>
      %dma_start3A_155 = tpu.memref_squeeze %dma_start3A_154 : memref<1x6400xi32, #tpu.memory_space<vmem>> -> memref<6400xi32, #tpu.memory_space<vmem>>
      %dma_start3A_156 = tpu.memref_slice %arg3[%mul3A_151] : memref<320000xi32, #tpu.memory_space<hbm>> -> memref<6400xi32, #tpu.memory_space<hbm>>
      %dma_start3A_157 = arith.constant 0 : i32
      %dma_start3A_158 = tpu.memref_slice %arg9[%dma_start3A_152, %dma_start3A_157] : memref<2x6400xi32, #tpu.memory_space<vmem>> -> memref<1x6400xi32, #tpu.memory_space<vmem>>
      %dma_start3A_159 = tpu.memref_squeeze %dma_start3A_158 : memref<1x6400xi32, #tpu.memory_space<vmem>> -> memref<6400xi32, #tpu.memory_space<vmem>>
      %dma_start3A_160 = tpu.memref_slice %arg3[%mul3A_151] : memref<320000xi32, #tpu.memory_space<hbm>> -> memref<6400xi32, #tpu.memory_space<hbm>>
      tpu.enqueue_dma source(%dma_start3A_160 : memref<6400xi32, #tpu.memory_space<hbm>>) target(%dma_start3A_159 : memref<6400xi32, #tpu.memory_space<vmem>>) target_semaphore(%arg11 : memref<!tpu.dma_semaphore, #tpu.memory_space<semaphore_mem>>)
      %dma_start3A_161 = arith.constant 0 : i32
      %dma_start3A_162 = arith.constant 0 : i32
      %dma_start3A_163 = tpu.memref_slice %arg10[%dma_start3A_161, %dma_start3A_162] : memref<2x6400xi32, #tpu.memory_space<vmem>> -> memref<1x6400xi32, #tpu.memory_space<vmem>>
      %dma_start3A_164 = tpu.memref_squeeze %dma_start3A_163 : memref<1x6400xi32, #tpu.memory_space<vmem>> -> memref<6400xi32, #tpu.memory_space<vmem>>
      %dma_start3A_165 = tpu.memref_slice %arg4[%mul3A_151] : memref<320000xi32, #tpu.memory_space<hbm>> -> memref<6400xi32, #tpu.memory_space<hbm>>
      %dma_start3A_166 = arith.constant 0 : i32
      %dma_start3A_167 = tpu.memref_slice %arg10[%dma_start3A_161, %dma_start3A_166] : memref<2x6400xi32, #tpu.memory_space<vmem>> -> memref<1x6400xi32, #tpu.memory_space<vmem>>
      %dma_start3A_168 = tpu.memref_squeeze %dma_start3A_167 : memref<1x6400xi32, #tpu.memory_space<vmem>> -> memref<6400xi32, #tpu.memory_space<vmem>>
      %dma_start3A_169 = tpu.memref_slice %arg4[%mul3A_151] : memref<320000xi32, #tpu.memory_space<hbm>> -> memref<6400xi32, #tpu.memory_space<hbm>>
      tpu.enqueue_dma source(%dma_start3A_169 : memref<6400xi32, #tpu.memory_space<hbm>>) target(%dma_start3A_168 : memref<6400xi32, #tpu.memory_space<vmem>>) target_semaphore(%arg11 : memref<!tpu.dma_semaphore, #tpu.memory_space<semaphore_mem>>)
      %dma_wait3A_170 = arith.constant 1 : i32
      %dma_wait3A_171 = arith.constant 0 : i32
      %dma_wait3A_172 = tpu.memref_slice %arg9[%dma_wait3A_170, %dma_wait3A_171] : memref<2x6400xi32, #tpu.memory_space<vmem>> -> memref<1x6400xi32, #tpu.memory_space<vmem>>
      %dma_wait3A_173 = tpu.memref_squeeze %dma_wait3A_172 : memref<1x6400xi32, #tpu.memory_space<vmem>> -> memref<6400xi32, #tpu.memory_space<vmem>>
      %dma_wait3A_174 = arith.constant 0 : i32
      %dma_wait3A_175 = tpu.memref_slice %arg3[%dma_wait3A_174] : memref<320000xi32, #tpu.memory_space<hbm>> -> memref<6400xi32, #tpu.memory_space<hbm>>
      %dma_wait3A_176 = arith.constant 0 : i32
      %dma_wait3A_177 = tpu.memref_slice %arg9[%dma_wait3A_170, %dma_wait3A_176] : memref<2x6400xi32, #tpu.memory_space<vmem>> -> memref<1x6400xi32, #tpu.memory_space<vmem>>
      %dma_wait3A_178 = tpu.memref_squeeze %dma_wait3A_177 : memref<1x6400xi32, #tpu.memory_space<vmem>> -> memref<6400xi32, #tpu.memory_space<vmem>>
      %dma_wait3A_179 = arith.constant 0 : i32
      %dma_wait3A_180 = tpu.memref_slice %arg3[%dma_wait3A_179] : memref<320000xi32, #tpu.memory_space<hbm>> -> memref<6400xi32, #tpu.memory_space<hbm>>
      tpu.wait_dma2 semaphore(%arg12 : memref<!tpu.dma_semaphore, #tpu.memory_space<semaphore_mem>>) src(%dma_wait3A_180 : memref<6400xi32, #tpu.memory_space<hbm>>) dst(%dma_wait3A_178 : memref<6400xi32, #tpu.memory_space<vmem>>)
      %dma_wait3A_181 = arith.constant 1 : i32
      %dma_wait3A_182 = arith.constant 0 : i32
      %dma_wait3A_183 = tpu.memref_slice %arg10[%dma_wait3A_181, %dma_wait3A_182] : memref<2x6400xi32, #tpu.memory_space<vmem>> -> memref<1x6400xi32, #tpu.memory_space<vmem>>
      %dma_wait3A_184 = tpu.memref_squeeze %dma_wait3A_183 : memref<1x6400xi32, #tpu.memory_space<vmem>> -> memref<6400xi32, #tpu.memory_space<vmem>>
      %dma_wait3A_185 = arith.constant 0 : i32
      %dma_wait3A_186 = tpu.memref_slice %arg4[%dma_wait3A_185] : memref<320000xi32, #tpu.memory_space<hbm>> -> memref<6400xi32, #tpu.memory_space<hbm>>
      %dma_wait3A_187 = arith.constant 0 : i32
      %dma_wait3A_188 = tpu.memref_slice %arg10[%dma_wait3A_181, %dma_wait3A_187] : memref<2x6400xi32, #tpu.memory_space<vmem>> -> memref<1x6400xi32, #tpu.memory_space<vmem>>
      %dma_wait3A_189 = tpu.memref_squeeze %dma_wait3A_188 : memref<1x6400xi32, #tpu.memory_space<vmem>> -> memref<6400xi32, #tpu.memory_space<vmem>>
      %dma_wait3A_190 = arith.constant 0 : i32
      %dma_wait3A_191 = tpu.memref_slice %arg4[%dma_wait3A_190] : memref<320000xi32, #tpu.memory_space<hbm>> -> memref<6400xi32, #tpu.memory_space<hbm>>
      tpu.wait_dma2 semaphore(%arg12 : memref<!tpu.dma_semaphore, #tpu.memory_space<semaphore_mem>>) src(%dma_wait3A_191 : memref<6400xi32, #tpu.memory_space<hbm>>) dst(%dma_wait3A_189 : memref<6400xi32, #tpu.memory_space<vmem>>)
      %scan3A_192 = arith.constant 0 : i32
      %scan3A_193 = arith.constant 0 : i32
      %scan3A_194 = arith.constant 50 : i32
      %scan3A_195 = arith.addi %scan3A_193, %scan3A_194 : i32
      %scan3A_196 = arith.constant 1 : i32
      %scan3A_197 = scf.for %scan3A_228 = %scan3A_193 to %scan3A_195 step %scan3A_196 iter_args(%scan3A_229 = %scan3A_192) -> (i32)  : i32 {
        %mul3A_230 = arith.constant 128 : i32
        %mul3A_231 = arith.muli %scan3A_228, %mul3A_230 : i32
        %add3A_232 = arith.constant 0 : i32
        %add3A_233 = arith.addi %mul3A_231, %add3A_232 : i32
        %get3A = arith.constant 1 : i32
        %get3A_234 = arith.index_cast %get3A : i32 to index
        %get3A_235 = arith.index_cast %add3A_233 : i32 to index
        %get3A_236 = tpu.vector_load %arg9[%get3A_234, %get3A_235] {strides = array<i32>} : memref<2x6400xi32, #tpu.memory_space<vmem>>, vector<16xi32>,
        %get3A_237 = arith.constant 1 : i32
        %get3A_238 = arith.index_cast %get3A_237 : i32 to index
        %get3A_239 = arith.index_cast %add3A_233 : i32 to index
        %get3A_240 = tpu.vector_load %arg10[%get3A_238, %get3A_239] {strides = array<i32>} : memref<2x6400xi32, #tpu.memory_space<vmem>>, vector<16xi32>,
        %gather3A = tpu.vector_load_idx %arg6[%get3A_236] : memref<10240xf32, #tpu.memory_space<vmem>>[vector<16xi32>], vector<16xf32>,
        %gather3A_241 = tpu.vector_load_idx %arg7[%get3A_240] : memref<10240xf32, #tpu.memory_space<vmem>>[vector<16xi32>], vector<16xf32>,
        %add3A_242 = arith.addf %gather3A, %gather3A_241 : vector<16xf32>
        %gather3A_243 = tpu.vector_load_idx %arg8[%get3A_236] : memref<10240xf32, #tpu.memory_space<vmem>>[vector<16xi32>], vector<16xf32>,
        %gt3A = arith.cmpf ogt, %add3A_242, %gather3A_243 : vector<16xf32>
        tpu.vector_store_idx %arg8[%get3A_236], %add3A_242 masked %gt3A : memref<10240xf32, #tpu.memory_space<vmem>>[vector<16xi32>], vector<16xf32>, vector<16xi1>
        %add3A_244 = arith.constant 16 : i32
        %add3A_245 = arith.addi %mul3A_231, %add3A_244 : i32
        %get3A_246 = arith.constant 1 : i32
        %get3A_247 = arith.index_cast %get3A_246 : i32 to index
        %get3A_248 = arith.index_cast %add3A_245 : i32 to index
        %get3A_249 = tpu.vector_load %arg9[%get3A_247, %get3A_248] {strides = array<i32>} : memref<2x6400xi32, #tpu.memory_space<vmem>>, vector<16xi32>,
        %get3A_250 = arith.constant 1 : i32
        %get3A_251 = arith.index_cast %get3A_250 : i32 to index
        %get3A_252 = arith.index_cast %add3A_245 : i32 to index
        %get3A_253 = tpu.vector_load %arg10[%get3A_251, %get3A_252] {strides = array<i32>} : memref<2x6400xi32, #tpu.memory_space<vmem>>, vector<16xi32>,
        %gather3A_254 = tpu.vector_load_idx %arg6[%get3A_249] : memref<10240xf32, #tpu.memory_space<vmem>>[vector<16xi32>], vector<16xf32>,
        %gather3A_255 = tpu.vector_load_idx %arg7[%get3A_253] : memref<10240xf32, #tpu.memory_space<vmem>>[vector<16xi32>], vector<16xf32>,
        %add3A_256 = arith.addf %gather3A_254, %gather3A_255 : vector<16xf32>
        %gather3A_257 = tpu.vector_load_idx %arg8[%get3A_249] : memref<10240xf32, #tpu.memory_space<vmem>>[vector<16xi32>], vector<16xf32>,
        %gt3A_258 = arith.cmpf ogt, %add3A_256, %gather3A_257 : vector<16xf32>
        tpu.vector_store_idx %arg8[%get3A_249], %add3A_256 masked %gt3A_258 : memref<10240xf32, #tpu.memory_space<vmem>>[vector<16xi32>], vector<16xf32>, vector<16xi1>
        %add3A_259 = arith.constant 32 : i32
        %add3A_260 = arith.addi %mul3A_231, %add3A_259 : i32
        %get3A_261 = arith.constant 1 : i32
        %get3A_262 = arith.index_cast %get3A_261 : i32 to index
        %get3A_263 = arith.index_cast %add3A_260 : i32 to index
        %get3A_264 = tpu.vector_load %arg9[%get3A_262, %get3A_263] {strides = array<i32>} : memref<2x6400xi32, #tpu.memory_space<vmem>>, vector<16xi32>,
        %get3A_265 = arith.constant 1 : i32
        %get3A_266 = arith.index_cast %get3A_265 : i32 to index
        %get3A_267 = arith.index_cast %add3A_260 : i32 to index
        %get3A_268 = tpu.vector_load %arg10[%get3A_266, %get3A_267] {strides = array<i32>} : memref<2x6400xi32, #tpu.memory_space<vmem>>, vector<16xi32>,
        %gather3A_269 = tpu.vector_load_idx %arg6[%get3A_264] : memref<10240xf32, #tpu.memory_space<vmem>>[vector<16xi32>], vector<16xf32>,
        %gather3A_270 = tpu.vector_load_idx %arg7[%get3A_268] : memref<10240xf32, #tpu.memory_space<vmem>>[vector<16xi32>], vector<16xf32>,
        %add3A_271 = arith.addf %gather3A_269, %gather3A_270 : vector<16xf32>
        %gather3A_272 = tpu.vector_load_idx %arg8[%get3A_264] : memref<10240xf32, #tpu.memory_space<vmem>>[vector<16xi32>], vector<16xf32>,
        %gt3A_273 = arith.cmpf ogt, %add3A_271, %gather3A_272 : vector<16xf32>
        tpu.vector_store_idx %arg8[%get3A_264], %add3A_271 masked %gt3A_273 : memref<10240xf32, #tpu.memory_space<vmem>>[vector<16xi32>], vector<16xf32>, vector<16xi1>
        %add3A_274 = arith.constant 48 : i32
        %add3A_275 = arith.addi %mul3A_231, %add3A_274 : i32
        %get3A_276 = arith.constant 1 : i32
        %get3A_277 = arith.index_cast %get3A_276 : i32 to index
        %get3A_278 = arith.index_cast %add3A_275 : i32 to index
        %get3A_279 = tpu.vector_load %arg9[%get3A_277, %get3A_278] {strides = array<i32>} : memref<2x6400xi32, #tpu.memory_space<vmem>>, vector<16xi32>,
        %get3A_280 = arith.constant 1 : i32
        %get3A_281 = arith.index_cast %get3A_280 : i32 to index
        %get3A_282 = arith.index_cast %add3A_275 : i32 to index
        %get3A_283 = tpu.vector_load %arg10[%get3A_281, %get3A_282] {strides = array<i32>} : memref<2x6400xi32, #tpu.memory_space<vmem>>, vector<16xi32>,
        %gather3A_284 = tpu.vector_load_idx %arg6[%get3A_279] : memref<10240xf32, #tpu.memory_space<vmem>>[vector<16xi32>], vector<16xf32>,
        %gather3A_285 = tpu.vector_load_idx %arg7[%get3A_283] : memref<10240xf32, #tpu.memory_space<vmem>>[vector<16xi32>], vector<16xf32>,
        %add3A_286 = arith.addf %gather3A_284, %gather3A_285 : vector<16xf32>
        %gather3A_287 = tpu.vector_load_idx %arg8[%get3A_279] : memref<10240xf32, #tpu.memory_space<vmem>>[vector<16xi32>], vector<16xf32>,
        %gt3A_288 = arith.cmpf ogt, %add3A_286, %gather3A_287 : vector<16xf32>
        tpu.vector_store_idx %arg8[%get3A_279], %add3A_286 masked %gt3A_288 : memref<10240xf32, #tpu.memory_space<vmem>>[vector<16xi32>], vector<16xf32>, vector<16xi1>
        %add3A_289 = arith.constant 64 : i32
        %add3A_290 = arith.addi %mul3A_231, %add3A_289 : i32
        %get3A_291 = arith.constant 1 : i32
        %get3A_292 = arith.index_cast %get3A_291 : i32 to index
        %get3A_293 = arith.index_cast %add3A_290 : i32 to index
        %get3A_294 = tpu.vector_load %arg9[%get3A_292, %get3A_293] {strides = array<i32>} : memref<2x6400xi32, #tpu.memory_space<vmem>>, vector<16xi32>,
        %get3A_295 = arith.constant 1 : i32
        %get3A_296 = arith.index_cast %get3A_295 : i32 to index
        %get3A_297 = arith.index_cast %add3A_290 : i32 to index
        %get3A_298 = tpu.vector_load %arg10[%get3A_296, %get3A_297] {strides = array<i32>} : memref<2x6400xi32, #tpu.memory_space<vmem>>, vector<16xi32>,
        %gather3A_299 = tpu.vector_load_idx %arg6[%get3A_294] : memref<10240xf32, #tpu.memory_space<vmem>>[vector<16xi32>], vector<16xf32>,
        %gather3A_300 = tpu.vector_load_idx %arg7[%get3A_298] : memref<10240xf32, #tpu.memory_space<vmem>>[vector<16xi32>], vector<16xf32>,
        %add3A_301 = arith.addf %gather3A_299, %gather3A_300 : vector<16xf32>
        %gather3A_302 = tpu.vector_load_idx %arg8[%get3A_294] : memref<10240xf32, #tpu.memory_space<vmem>>[vector<16xi32>], vector<16xf32>,
        %gt3A_303 = arith.cmpf ogt, %add3A_301, %gather3A_302 : vector<16xf32>
        tpu.vector_store_idx %arg8[%get3A_294], %add3A_301 masked %gt3A_303 : memref<10240xf32, #tpu.memory_space<vmem>>[vector<16xi32>], vector<16xf32>, vector<16xi1>
        %add3A_304 = arith.constant 80 : i32
        %add3A_305 = arith.addi %mul3A_231, %add3A_304 : i32
        %get3A_306 = arith.constant 1 : i32
        %get3A_307 = arith.index_cast %get3A_306 : i32 to index
        %get3A_308 = arith.index_cast %add3A_305 : i32 to index
        %get3A_309 = tpu.vector_load %arg9[%get3A_307, %get3A_308] {strides = array<i32>} : memref<2x6400xi32, #tpu.memory_space<vmem>>, vector<16xi32>,
        %get3A_310 = arith.constant 1 : i32
        %get3A_311 = arith.index_cast %get3A_310 : i32 to index
        %get3A_312 = arith.index_cast %add3A_305 : i32 to index
        %get3A_313 = tpu.vector_load %arg10[%get3A_311, %get3A_312] {strides = array<i32>} : memref<2x6400xi32, #tpu.memory_space<vmem>>, vector<16xi32>,
        %gather3A_314 = tpu.vector_load_idx %arg6[%get3A_309] : memref<10240xf32, #tpu.memory_space<vmem>>[vector<16xi32>], vector<16xf32>,
        %gather3A_315 = tpu.vector_load_idx %arg7[%get3A_313] : memref<10240xf32, #tpu.memory_space<vmem>>[vector<16xi32>], vector<16xf32>,
        %add3A_316 = arith.addf %gather3A_314, %gather3A_315 : vector<16xf32>
        %gather3A_317 = tpu.vector_load_idx %arg8[%get3A_309] : memref<10240xf32, #tpu.memory_space<vmem>>[vector<16xi32>], vector<16xf32>,
        %gt3A_318 = arith.cmpf ogt, %add3A_316, %gather3A_317 : vector<16xf32>
        tpu.vector_store_idx %arg8[%get3A_309], %add3A_316 masked %gt3A_318 : memref<10240xf32, #tpu.memory_space<vmem>>[vector<16xi32>], vector<16xf32>, vector<16xi1>
        %add3A_319 = arith.constant 96 : i32
        %add3A_320 = arith.addi %mul3A_231, %add3A_319 : i32
        %get3A_321 = arith.constant 1 : i32
        %get3A_322 = arith.index_cast %get3A_321 : i32 to index
        %get3A_323 = arith.index_cast %add3A_320 : i32 to index
        %get3A_324 = tpu.vector_load %arg9[%get3A_322, %get3A_323] {strides = array<i32>} : memref<2x6400xi32, #tpu.memory_space<vmem>>, vector<16xi32>,
        %get3A_325 = arith.constant 1 : i32
        %get3A_326 = arith.index_cast %get3A_325 : i32 to index
        %get3A_327 = arith.index_cast %add3A_320 : i32 to index
        %get3A_328 = tpu.vector_load %arg10[%get3A_326, %get3A_327] {strides = array<i32>} : memref<2x6400xi32, #tpu.memory_space<vmem>>, vector<16xi32>,
        %gather3A_329 = tpu.vector_load_idx %arg6[%get3A_324] : memref<10240xf32, #tpu.memory_space<vmem>>[vector<16xi32>], vector<16xf32>,
        %gather3A_330 = tpu.vector_load_idx %arg7[%get3A_328] : memref<10240xf32, #tpu.memory_space<vmem>>[vector<16xi32>], vector<16xf32>,
        %add3A_331 = arith.addf %gather3A_329, %gather3A_330 : vector<16xf32>
        %gather3A_332 = tpu.vector_load_idx %arg8[%get3A_324] : memref<10240xf32, #tpu.memory_space<vmem>>[vector<16xi32>], vector<16xf32>,
        %gt3A_333 = arith.cmpf ogt, %add3A_331, %gather3A_332 : vector<16xf32>
        tpu.vector_store_idx %arg8[%get3A_324], %add3A_331 masked %gt3A_333 : memref<10240xf32, #tpu.memory_space<vmem>>[vector<16xi32>], vector<16xf32>, vector<16xi1>
        %add3A_334 = arith.constant 112 : i32
        %add3A_335 = arith.addi %mul3A_231, %add3A_334 : i32
        %get3A_336 = arith.constant 1 : i32
        %get3A_337 = arith.index_cast %get3A_336 : i32 to index
        %get3A_338 = arith.index_cast %add3A_335 : i32 to index
        %get3A_339 = tpu.vector_load %arg9[%get3A_337, %get3A_338] {strides = array<i32>} : memref<2x6400xi32, #tpu.memory_space<vmem>>, vector<16xi32>,
        %get3A_340 = arith.constant 1 : i32
        %get3A_341 = arith.index_cast %get3A_340 : i32 to index
        %get3A_342 = arith.index_cast %add3A_335 : i32 to index
        %get3A_343 = tpu.vector_load %arg10[%get3A_341, %get3A_342] {strides = array<i32>} : memref<2x6400xi32, #tpu.memory_space<vmem>>, vector<16xi32>,
        %gather3A_344 = tpu.vector_load_idx %arg6[%get3A_339] : memref<10240xf32, #tpu.memory_space<vmem>>[vector<16xi32>], vector<16xf32>,
        %gather3A_345 = tpu.vector_load_idx %arg7[%get3A_343] : memref<10240xf32, #tpu.memory_space<vmem>>[vector<16xi32>], vector<16xf32>,
        %add3A_346 = arith.addf %gather3A_344, %gather3A_345 : vector<16xf32>
        %gather3A_347 = tpu.vector_load_idx %arg8[%get3A_339] : memref<10240xf32, #tpu.memory_space<vmem>>[vector<16xi32>], vector<16xf32>,
        %gt3A_348 = arith.cmpf ogt, %add3A_346, %gather3A_347 : vector<16xf32>
        tpu.vector_store_idx %arg8[%get3A_339], %add3A_346 masked %gt3A_348 : memref<10240xf32, #tpu.memory_space<vmem>>[vector<16xi32>], vector<16xf32>, vector<16xi1>
        %broadcast_in_dim3A_349 = arith.constant false
        %broadcast_in_dim3A_350 = vector.broadcast %broadcast_in_dim3A_349 : i1 to vector<16xi1>
        %gather3A_351 = tpu.vector_load_idx %arg8[%get3A_236] : memref<10240xf32, #tpu.memory_space<vmem>>[vector<16xi32>], vector<16xf32>,
        %gt3A_352 = arith.cmpf ogt, %add3A_242, %gather3A_351 : vector<16xf32>
        %or3A = arith.ori %broadcast_in_dim3A_350, %gt3A_352 : vector<16xi1>
        %gather3A_353 = tpu.vector_load_idx %arg8[%get3A_249] : memref<10240xf32, #tpu.memory_space<vmem>>[vector<16xi32>], vector<16xf32>,
        %gt3A_354 = arith.cmpf ogt, %add3A_256, %gather3A_353 : vector<16xf32>
        %or3A_355 = arith.ori %or3A, %gt3A_354 : vector<16xi1>
        %gather3A_356 = tpu.vector_load_idx %arg8[%get3A_264] : memref<10240xf32, #tpu.memory_space<vmem>>[vector<16xi32>], vector<16xf32>,
        %gt3A_357 = arith.cmpf ogt, %add3A_271, %gather3A_356 : vector<16xf32>
        %or3A_358 = arith.ori %or3A_355, %gt3A_357 : vector<16xi1>
        %gather3A_359 = tpu.vector_load_idx %arg8[%get3A_279] : memref<10240xf32, #tpu.memory_space<vmem>>[vector<16xi32>], vector<16xf32>,
        %gt3A_360 = arith.cmpf ogt, %add3A_286, %gather3A_359 : vector<16xf32>
        %or3A_361 = arith.ori %or3A_358, %gt3A_360 : vector<16xi1>
        %gather3A_362 = tpu.vector_load_idx %arg8[%get3A_294] : memref<10240xf32, #tpu.memory_space<vmem>>[vector<16xi32>], vector<16xf32>,
        %gt3A_363 = arith.cmpf ogt, %add3A_301, %gather3A_362 : vector<16xf32>
        %or3A_364 = arith.ori %or3A_361, %gt3A_363 : vector<16xi1>
        %gather3A_365 = tpu.vector_load_idx %arg8[%get3A_309] : memref<10240xf32, #tpu.memory_space<vmem>>[vector<16xi32>], vector<16xf32>,
        %gt3A_366 = arith.cmpf ogt, %add3A_316, %gather3A_365 : vector<16xf32>
        %or3A_367 = arith.ori %or3A_364, %gt3A_366 : vector<16xi1>
        %gather3A_368 = tpu.vector_load_idx %arg8[%get3A_324] : memref<10240xf32, #tpu.memory_space<vmem>>[vector<16xi32>], vector<16xf32>,
        %gt3A_369 = arith.cmpf ogt, %add3A_331, %gather3A_368 : vector<16xf32>
        %or3A_370 = arith.ori %or3A_367, %gt3A_369 : vector<16xi1>
        %gather3A_371 = tpu.vector_load_idx %arg8[%get3A_339] : memref<10240xf32, #tpu.memory_space<vmem>>[vector<16xi32>], vector<16xf32>,
        %gt3A_372 = arith.cmpf ogt, %add3A_346, %gather3A_371 : vector<16xf32>
        %or3A_373 = arith.ori %or3A_370, %gt3A_372 : vector<16xi1>
        %reduce_or3A = arith.constant 1.000000e+00 : f32
        %reduce_or3A_374 = arith.constant 0.000000e+00 : f32
        %reduce_or3A_375 = vector.broadcast %reduce_or3A : f32 to vector<16xf32>
        %reduce_or3A_376 = vector.broadcast %reduce_or3A_374 : f32 to vector<16xf32>
        %reduce_or3A_377 = arith.select %or3A_373, %reduce_or3A_375, %reduce_or3A_376 : vector<16xi1>, vector<16xf32>
        %reduce_or3A_378 = arith.constant true
        %reduce_or3A_379 = vector.broadcast %reduce_or3A_378 : i1 to vector<16xi1>
        %reduce_or3A_380 = tpu.scan <max>, %reduce_or3A_377 masked %reduce_or3A_379 : vector<16xf32>, vector<16xi1> -> vector<16xf32>
        %reduce_or3A_381 = vector.extract %reduce_or3A_380[15] : f32 from vector<16xf32>
        %reduce_or3A_382 = arith.constant 0.000000e+00 : f32
        %reduce_or3A_383 = arith.cmpf ogt, %reduce_or3A_381, %reduce_or3A_382 : f32
        %convert_element_type3A = arith.extui %reduce_or3A_383 : i1 to i32
        %cond3A = arith.constant 0 : i32
        %cond3A_384 = arith.constant 0 : i32
        %cond3A_385 = arith.cmpi ne, %convert_element_type3A, %cond3A_384 : i32
        %cond3A_386 = scf.if %cond3A_385 -> (i32) {
          %gather3A_388 = tpu.vector_load_idx %arg8[%get3A_236] : memref<10240xf32, #tpu.memory_space<vmem>>[vector<16xi32>], vector<16xf32>,
          %gt3A_389 = arith.cmpf ogt, %add3A_242, %gather3A_388 : vector<16xf32>
          %while3A = scf.while (%while3A_412 = %gt3A_389) : (vector<16xi1>) -> vector<16xi1> {
            %reduce_or3A_413 = arith.constant 1.000000e+00 : f32
            %reduce_or3A_414 = arith.constant 0.000000e+00 : f32
            %reduce_or3A_415 = vector.broadcast %reduce_or3A_413 : f32 to vector<16xf32>
            %reduce_or3A_416 = vector.broadcast %reduce_or3A_414 : f32 to vector<16xf32>
            %reduce_or3A_417 = arith.select %while3A_412, %reduce_or3A_415, %reduce_or3A_416 : vector<16xi1>, vector<16xf32>
            %reduce_or3A_418 = arith.constant true
            %reduce_or3A_419 = vector.broadcast %reduce_or3A_418 : i1 to vector<16xi1>
            %reduce_or3A_420 = tpu.scan <max>, %reduce_or3A_417 masked %reduce_or3A_419 : vector<16xf32>, vector<16xi1> -> vector<16xf32>
            %reduce_or3A_421 = vector.extract %reduce_or3A_420[15] : f32 from vector<16xf32>
            %reduce_or3A_422 = arith.constant 0.000000e+00 : f32
            %reduce_or3A_423 = arith.cmpf ogt, %reduce_or3A_421, %reduce_or3A_422 : f32
            scf.condition(%reduce_or3A_423) %while3A_412 : vector<16xi1>
          } do {
          ^bb0(%while3A_412: vector<16xi1>):
            tpu.vector_store_idx %arg8[%get3A_236], %add3A_242 masked %while3A_412 : memref<10240xf32, #tpu.memory_space<vmem>>[vector<16xi32>], vector<16xf32>, vector<16xi1>
            %gather3A_413 = tpu.vector_load_idx %arg8[%get3A_236] : memref<10240xf32, #tpu.memory_space<vmem>>[vector<16xi32>], vector<16xf32>,
            %gt3A_414 = arith.cmpf ogt, %add3A_242, %gather3A_413 : vector<16xf32>
            scf.yield %gt3A_414 : vector<16xi1>
          }
          %gather3A_390 = tpu.vector_load_idx %arg8[%get3A_249] : memref<10240xf32, #tpu.memory_space<vmem>>[vector<16xi32>], vector<16xf32>,
          %gt3A_391 = arith.cmpf ogt, %add3A_256, %gather3A_390 : vector<16xf32>
          %while3A_392 = scf.while (%while3A_412 = %gt3A_391) : (vector<16xi1>) -> vector<16xi1> {
            %reduce_or3A_413 = arith.constant 1.000000e+00 : f32
            %reduce_or3A_414 = arith.constant 0.000000e+00 : f32
            %reduce_or3A_415 = vector.broadcast %reduce_or3A_413 : f32 to vector<16xf32>
            %reduce_or3A_416 = vector.broadcast %reduce_or3A_414 : f32 to vector<16xf32>
            %reduce_or3A_417 = arith.select %while3A_412, %reduce_or3A_415, %reduce_or3A_416 : vector<16xi1>, vector<16xf32>
            %reduce_or3A_418 = arith.constant true
            %reduce_or3A_419 = vector.broadcast %reduce_or3A_418 : i1 to vector<16xi1>
            %reduce_or3A_420 = tpu.scan <max>, %reduce_or3A_417 masked %reduce_or3A_419 : vector<16xf32>, vector<16xi1> -> vector<16xf32>
            %reduce_or3A_421 = vector.extract %reduce_or3A_420[15] : f32 from vector<16xf32>
            %reduce_or3A_422 = arith.constant 0.000000e+00 : f32
            %reduce_or3A_423 = arith.cmpf ogt, %reduce_or3A_421, %reduce_or3A_422 : f32
            scf.condition(%reduce_or3A_423) %while3A_412 : vector<16xi1>
          } do {
          ^bb0(%while3A_412: vector<16xi1>):
            tpu.vector_store_idx %arg8[%get3A_249], %add3A_256 masked %while3A_412 : memref<10240xf32, #tpu.memory_space<vmem>>[vector<16xi32>], vector<16xf32>, vector<16xi1>
            %gather3A_413 = tpu.vector_load_idx %arg8[%get3A_249] : memref<10240xf32, #tpu.memory_space<vmem>>[vector<16xi32>], vector<16xf32>,
            %gt3A_414 = arith.cmpf ogt, %add3A_256, %gather3A_413 : vector<16xf32>
            scf.yield %gt3A_414 : vector<16xi1>
          }
          %gather3A_393 = tpu.vector_load_idx %arg8[%get3A_264] : memref<10240xf32, #tpu.memory_space<vmem>>[vector<16xi32>], vector<16xf32>,
          %gt3A_394 = arith.cmpf ogt, %add3A_271, %gather3A_393 : vector<16xf32>
          %while3A_395 = scf.while (%while3A_412 = %gt3A_394) : (vector<16xi1>) -> vector<16xi1> {
            %reduce_or3A_413 = arith.constant 1.000000e+00 : f32
            %reduce_or3A_414 = arith.constant 0.000000e+00 : f32
            %reduce_or3A_415 = vector.broadcast %reduce_or3A_413 : f32 to vector<16xf32>
            %reduce_or3A_416 = vector.broadcast %reduce_or3A_414 : f32 to vector<16xf32>
            %reduce_or3A_417 = arith.select %while3A_412, %reduce_or3A_415, %reduce_or3A_416 : vector<16xi1>, vector<16xf32>
            %reduce_or3A_418 = arith.constant true
            %reduce_or3A_419 = vector.broadcast %reduce_or3A_418 : i1 to vector<16xi1>
            %reduce_or3A_420 = tpu.scan <max>, %reduce_or3A_417 masked %reduce_or3A_419 : vector<16xf32>, vector<16xi1> -> vector<16xf32>
            %reduce_or3A_421 = vector.extract %reduce_or3A_420[15] : f32 from vector<16xf32>
            %reduce_or3A_422 = arith.constant 0.000000e+00 : f32
            %reduce_or3A_423 = arith.cmpf ogt, %reduce_or3A_421, %reduce_or3A_422 : f32
            scf.condition(%reduce_or3A_423) %while3A_412 : vector<16xi1>
          } do {
          ^bb0(%while3A_412: vector<16xi1>):
            tpu.vector_store_idx %arg8[%get3A_264], %add3A_271 masked %while3A_412 : memref<10240xf32, #tpu.memory_space<vmem>>[vector<16xi32>], vector<16xf32>, vector<16xi1>
            %gather3A_413 = tpu.vector_load_idx %arg8[%get3A_264] : memref<10240xf32, #tpu.memory_space<vmem>>[vector<16xi32>], vector<16xf32>,
            %gt3A_414 = arith.cmpf ogt, %add3A_271, %gather3A_413 : vector<16xf32>
            scf.yield %gt3A_414 : vector<16xi1>
          }
          %gather3A_396 = tpu.vector_load_idx %arg8[%get3A_279] : memref<10240xf32, #tpu.memory_space<vmem>>[vector<16xi32>], vector<16xf32>,
          %gt3A_397 = arith.cmpf ogt, %add3A_286, %gather3A_396 : vector<16xf32>
          %while3A_398 = scf.while (%while3A_412 = %gt3A_397) : (vector<16xi1>) -> vector<16xi1> {
            %reduce_or3A_413 = arith.constant 1.000000e+00 : f32
            %reduce_or3A_414 = arith.constant 0.000000e+00 : f32
            %reduce_or3A_415 = vector.broadcast %reduce_or3A_413 : f32 to vector<16xf32>
            %reduce_or3A_416 = vector.broadcast %reduce_or3A_414 : f32 to vector<16xf32>
            %reduce_or3A_417 = arith.select %while3A_412, %reduce_or3A_415, %reduce_or3A_416 : vector<16xi1>, vector<16xf32>
            %reduce_or3A_418 = arith.constant true
            %reduce_or3A_419 = vector.broadcast %reduce_or3A_418 : i1 to vector<16xi1>
            %reduce_or3A_420 = tpu.scan <max>, %reduce_or3A_417 masked %reduce_or3A_419 : vector<16xf32>, vector<16xi1> -> vector<16xf32>
            %reduce_or3A_421 = vector.extract %reduce_or3A_420[15] : f32 from vector<16xf32>
            %reduce_or3A_422 = arith.constant 0.000000e+00 : f32
            %reduce_or3A_423 = arith.cmpf ogt, %reduce_or3A_421, %reduce_or3A_422 : f32
            scf.condition(%reduce_or3A_423) %while3A_412 : vector<16xi1>
          } do {
          ^bb0(%while3A_412: vector<16xi1>):
            tpu.vector_store_idx %arg8[%get3A_279], %add3A_286 masked %while3A_412 : memref<10240xf32, #tpu.memory_space<vmem>>[vector<16xi32>], vector<16xf32>, vector<16xi1>
            %gather3A_413 = tpu.vector_load_idx %arg8[%get3A_279] : memref<10240xf32, #tpu.memory_space<vmem>>[vector<16xi32>], vector<16xf32>,
            %gt3A_414 = arith.cmpf ogt, %add3A_286, %gather3A_413 : vector<16xf32>
            scf.yield %gt3A_414 : vector<16xi1>
          }
          %gather3A_399 = tpu.vector_load_idx %arg8[%get3A_294] : memref<10240xf32, #tpu.memory_space<vmem>>[vector<16xi32>], vector<16xf32>,
          %gt3A_400 = arith.cmpf ogt, %add3A_301, %gather3A_399 : vector<16xf32>
          %while3A_401 = scf.while (%while3A_412 = %gt3A_400) : (vector<16xi1>) -> vector<16xi1> {
            %reduce_or3A_413 = arith.constant 1.000000e+00 : f32
            %reduce_or3A_414 = arith.constant 0.000000e+00 : f32
            %reduce_or3A_415 = vector.broadcast %reduce_or3A_413 : f32 to vector<16xf32>
            %reduce_or3A_416 = vector.broadcast %reduce_or3A_414 : f32 to vector<16xf32>
            %reduce_or3A_417 = arith.select %while3A_412, %reduce_or3A_415, %reduce_or3A_416 : vector<16xi1>, vector<16xf32>
            %reduce_or3A_418 = arith.constant true
            %reduce_or3A_419 = vector.broadcast %reduce_or3A_418 : i1 to vector<16xi1>
            %reduce_or3A_420 = tpu.scan <max>, %reduce_or3A_417 masked %reduce_or3A_419 : vector<16xf32>, vector<16xi1> -> vector<16xf32>
            %reduce_or3A_421 = vector.extract %reduce_or3A_420[15] : f32 from vector<16xf32>
            %reduce_or3A_422 = arith.constant 0.000000e+00 : f32
            %reduce_or3A_423 = arith.cmpf ogt, %reduce_or3A_421, %reduce_or3A_422 : f32
            scf.condition(%reduce_or3A_423) %while3A_412 : vector<16xi1>
          } do {
          ^bb0(%while3A_412: vector<16xi1>):
            tpu.vector_store_idx %arg8[%get3A_294], %add3A_301 masked %while3A_412 : memref<10240xf32, #tpu.memory_space<vmem>>[vector<16xi32>], vector<16xf32>, vector<16xi1>
            %gather3A_413 = tpu.vector_load_idx %arg8[%get3A_294] : memref<10240xf32, #tpu.memory_space<vmem>>[vector<16xi32>], vector<16xf32>,
            %gt3A_414 = arith.cmpf ogt, %add3A_301, %gather3A_413 : vector<16xf32>
            scf.yield %gt3A_414 : vector<16xi1>
          }
          %gather3A_402 = tpu.vector_load_idx %arg8[%get3A_309] : memref<10240xf32, #tpu.memory_space<vmem>>[vector<16xi32>], vector<16xf32>,
          %gt3A_403 = arith.cmpf ogt, %add3A_316, %gather3A_402 : vector<16xf32>
          %while3A_404 = scf.while (%while3A_412 = %gt3A_403) : (vector<16xi1>) -> vector<16xi1> {
            %reduce_or3A_413 = arith.constant 1.000000e+00 : f32
            %reduce_or3A_414 = arith.constant 0.000000e+00 : f32
            %reduce_or3A_415 = vector.broadcast %reduce_or3A_413 : f32 to vector<16xf32>
            %reduce_or3A_416 = vector.broadcast %reduce_or3A_414 : f32 to vector<16xf32>
            %reduce_or3A_417 = arith.select %while3A_412, %reduce_or3A_415, %reduce_or3A_416 : vector<16xi1>, vector<16xf32>
            %reduce_or3A_418 = arith.constant true
            %reduce_or3A_419 = vector.broadcast %reduce_or3A_418 : i1 to vector<16xi1>
            %reduce_or3A_420 = tpu.scan <max>, %reduce_or3A_417 masked %reduce_or3A_419 : vector<16xf32>, vector<16xi1> -> vector<16xf32>
            %reduce_or3A_421 = vector.extract %reduce_or3A_420[15] : f32 from vector<16xf32>
            %reduce_or3A_422 = arith.constant 0.000000e+00 : f32
            %reduce_or3A_423 = arith.cmpf ogt, %reduce_or3A_421, %reduce_or3A_422 : f32
            scf.condition(%reduce_or3A_423) %while3A_412 : vector<16xi1>
          } do {
          ^bb0(%while3A_412: vector<16xi1>):
            tpu.vector_store_idx %arg8[%get3A_309], %add3A_316 masked %while3A_412 : memref<10240xf32, #tpu.memory_space<vmem>>[vector<16xi32>], vector<16xf32>, vector<16xi1>
            %gather3A_413 = tpu.vector_load_idx %arg8[%get3A_309] : memref<10240xf32, #tpu.memory_space<vmem>>[vector<16xi32>], vector<16xf32>,
            %gt3A_414 = arith.cmpf ogt, %add3A_316, %gather3A_413 : vector<16xf32>
            scf.yield %gt3A_414 : vector<16xi1>
          }
          %gather3A_405 = tpu.vector_load_idx %arg8[%get3A_324] : memref<10240xf32, #tpu.memory_space<vmem>>[vector<16xi32>], vector<16xf32>,
          %gt3A_406 = arith.cmpf ogt, %add3A_331, %gather3A_405 : vector<16xf32>
          %while3A_407 = scf.while (%while3A_412 = %gt3A_406) : (vector<16xi1>) -> vector<16xi1> {
            %reduce_or3A_413 = arith.constant 1.000000e+00 : f32
            %reduce_or3A_414 = arith.constant 0.000000e+00 : f32
            %reduce_or3A_415 = vector.broadcast %reduce_or3A_413 : f32 to vector<16xf32>
            %reduce_or3A_416 = vector.broadcast %reduce_or3A_414 : f32 to vector<16xf32>
            %reduce_or3A_417 = arith.select %while3A_412, %reduce_or3A_415, %reduce_or3A_416 : vector<16xi1>, vector<16xf32>
            %reduce_or3A_418 = arith.constant true
            %reduce_or3A_419 = vector.broadcast %reduce_or3A_418 : i1 to vector<16xi1>
            %reduce_or3A_420 = tpu.scan <max>, %reduce_or3A_417 masked %reduce_or3A_419 : vector<16xf32>, vector<16xi1> -> vector<16xf32>
            %reduce_or3A_421 = vector.extract %reduce_or3A_420[15] : f32 from vector<16xf32>
            %reduce_or3A_422 = arith.constant 0.000000e+00 : f32
            %reduce_or3A_423 = arith.cmpf ogt, %reduce_or3A_421, %reduce_or3A_422 : f32
            scf.condition(%reduce_or3A_423) %while3A_412 : vector<16xi1>
          } do {
          ^bb0(%while3A_412: vector<16xi1>):
            tpu.vector_store_idx %arg8[%get3A_324], %add3A_331 masked %while3A_412 : memref<10240xf32, #tpu.memory_space<vmem>>[vector<16xi32>], vector<16xf32>, vector<16xi1>
            %gather3A_413 = tpu.vector_load_idx %arg8[%get3A_324] : memref<10240xf32, #tpu.memory_space<vmem>>[vector<16xi32>], vector<16xf32>,
            %gt3A_414 = arith.cmpf ogt, %add3A_331, %gather3A_413 : vector<16xf32>
            scf.yield %gt3A_414 : vector<16xi1>
          }
          %gather3A_408 = tpu.vector_load_idx %arg8[%get3A_339] : memref<10240xf32, #tpu.memory_space<vmem>>[vector<16xi32>], vector<16xf32>,
          %gt3A_409 = arith.cmpf ogt, %add3A_346, %gather3A_408 : vector<16xf32>
          %while3A_410 = scf.while (%while3A_412 = %gt3A_409) : (vector<16xi1>) -> vector<16xi1> {
            %reduce_or3A_413 = arith.constant 1.000000e+00 : f32
            %reduce_or3A_414 = arith.constant 0.000000e+00 : f32
            %reduce_or3A_415 = vector.broadcast %reduce_or3A_413 : f32 to vector<16xf32>
            %reduce_or3A_416 = vector.broadcast %reduce_or3A_414 : f32 to vector<16xf32>
            %reduce_or3A_417 = arith.select %while3A_412, %reduce_or3A_415, %reduce_or3A_416 : vector<16xi1>, vector<16xf32>
            %reduce_or3A_418 = arith.constant true
            %reduce_or3A_419 = vector.broadcast %reduce_or3A_418 : i1 to vector<16xi1>
            %reduce_or3A_420 = tpu.scan <max>, %reduce_or3A_417 masked %reduce_or3A_419 : vector<16xf32>, vector<16xi1> -> vector<16xf32>
            %reduce_or3A_421 = vector.extract %reduce_or3A_420[15] : f32 from vector<16xf32>
            %reduce_or3A_422 = arith.constant 0.000000e+00 : f32
            %reduce_or3A_423 = arith.cmpf ogt, %reduce_or3A_421, %reduce_or3A_422 : f32
            scf.condition(%reduce_or3A_423) %while3A_412 : vector<16xi1>
          } do {
          ^bb0(%while3A_412: vector<16xi1>):
            tpu.vector_store_idx %arg8[%get3A_339], %add3A_346 masked %while3A_412 : memref<10240xf32, #tpu.memory_space<vmem>>[vector<16xi32>], vector<16xf32>, vector<16xi1>
            %gather3A_413 = tpu.vector_load_idx %arg8[%get3A_339] : memref<10240xf32, #tpu.memory_space<vmem>>[vector<16xi32>], vector<16xf32>,
            %gt3A_414 = arith.cmpf ogt, %add3A_346, %gather3A_413 : vector<16xf32>
            scf.yield %gt3A_414 : vector<16xi1>
          }
          %cond3A_411 = arith.constant 0 : i32
          scf.yield %cond3A_411 : i32
        } else {
          %cond3A_388 = arith.constant 0 : i32
          scf.yield %cond3A_388 : i32
        }
        %scan3A_387 = arith.constant 0 : i32
        scf.yield %scan3A_387 : i32
      }
      %scan3A_198 = arith.constant 50 : i32
      %mul3A_199 = arith.constant 2 : i32
      %mul3A_200 = arith.muli %mul3A_199, %scan3A_111 : i32
      %add3A_201 = arith.constant 1 : i32
      %add3A_202 = arith.addi %mul3A_200, %add3A_201 : i32
      %add3A_203 = arith.constant 2 : i32
      %add3A_204 = arith.addi %add3A_202, %add3A_203 : i32
      %min3A_205 = arith.constant 49 : i32
      %min3A_206 = arith.minsi %add3A_204, %min3A_205 : i32
      %mul3A_207 = arith.constant 6400 : i32
      %mul3A_208 = arith.muli %min3A_206, %mul3A_207 : i32
      %dma_start3A_209 = arith.constant 1 : i32
      %dma_start3A_210 = arith.constant 0 : i32
      %dma_start3A_211 = tpu.memref_slice %arg9[%dma_start3A_209, %dma_start3A_210] : memref<2x6400xi32, #tpu.memory_space<vmem>> -> memref<1x6400xi32, #tpu.memory_space<vmem>>
      %dma_start3A_212 = tpu.memref_squeeze %dma_start3A_211 : memref<1x6400xi32, #tpu.memory_space<vmem>> -> memref<6400xi32, #tpu.memory_space<vmem>>
      %dma_start3A_213 = tpu.memref_slice %arg3[%mul3A_208] : memref<320000xi32, #tpu.memory_space<hbm>> -> memref<6400xi32, #tpu.memory_space<hbm>>
      %dma_start3A_214 = arith.constant 0 : i32
      %dma_start3A_215 = tpu.memref_slice %arg9[%dma_start3A_209, %dma_start3A_214] : memref<2x6400xi32, #tpu.memory_space<vmem>> -> memref<1x6400xi32, #tpu.memory_space<vmem>>
      %dma_start3A_216 = tpu.memref_squeeze %dma_start3A_215 : memref<1x6400xi32, #tpu.memory_space<vmem>> -> memref<6400xi32, #tpu.memory_space<vmem>>
      %dma_start3A_217 = tpu.memref_slice %arg3[%mul3A_208] : memref<320000xi32, #tpu.memory_space<hbm>> -> memref<6400xi32, #tpu.memory_space<hbm>>
      tpu.enqueue_dma source(%dma_start3A_217 : memref<6400xi32, #tpu.memory_space<hbm>>) target(%dma_start3A_216 : memref<6400xi32, #tpu.memory_space<vmem>>) target_semaphore(%arg12 : memref<!tpu.dma_semaphore, #tpu.memory_space<semaphore_mem>>)
      %dma_start3A_218 = arith.constant 1 : i32
      %dma_start3A_219 = arith.constant 0 : i32
      %dma_start3A_220 = tpu.memref_slice %arg10[%dma_start3A_218, %dma_start3A_219] : memref<2x6400xi32, #tpu.memory_space<vmem>> -> memref<1x6400xi32, #tpu.memory_space<vmem>>
      %dma_start3A_221 = tpu.memref_squeeze %dma_start3A_220 : memref<1x6400xi32, #tpu.memory_space<vmem>> -> memref<6400xi32, #tpu.memory_space<vmem>>
      %dma_start3A_222 = tpu.memref_slice %arg4[%mul3A_208] : memref<320000xi32, #tpu.memory_space<hbm>> -> memref<6400xi32, #tpu.memory_space<hbm>>
      %dma_start3A_223 = arith.constant 0 : i32
      %dma_start3A_224 = tpu.memref_slice %arg10[%dma_start3A_218, %dma_start3A_223] : memref<2x6400xi32, #tpu.memory_space<vmem>> -> memref<1x6400xi32, #tpu.memory_space<vmem>>
      %dma_start3A_225 = tpu.memref_squeeze %dma_start3A_224 : memref<1x6400xi32, #tpu.memory_space<vmem>> -> memref<6400xi32, #tpu.memory_space<vmem>>
      %dma_start3A_226 = tpu.memref_slice %arg4[%mul3A_208] : memref<320000xi32, #tpu.memory_space<hbm>> -> memref<6400xi32, #tpu.memory_space<hbm>>
      tpu.enqueue_dma source(%dma_start3A_226 : memref<6400xi32, #tpu.memory_space<hbm>>) target(%dma_start3A_225 : memref<6400xi32, #tpu.memory_space<vmem>>) target_semaphore(%arg12 : memref<!tpu.dma_semaphore, #tpu.memory_space<semaphore_mem>>)
      %scan3A_227 = arith.constant 0 : i32
      scf.yield %scan3A_227 : i32
    }
    %scan3A_60 = arith.constant 25 : i32
    %dma_wait3A = arith.constant 0 : i32
    %dma_wait3A_61 = arith.constant 0 : i32
    %dma_wait3A_62 = tpu.memref_slice %arg9[%dma_wait3A, %dma_wait3A_61] : memref<2x6400xi32, #tpu.memory_space<vmem>> -> memref<1x6400xi32, #tpu.memory_space<vmem>>
    %dma_wait3A_63 = tpu.memref_squeeze %dma_wait3A_62 : memref<1x6400xi32, #tpu.memory_space<vmem>> -> memref<6400xi32, #tpu.memory_space<vmem>>
    %dma_wait3A_64 = arith.constant 0 : i32
    %dma_wait3A_65 = tpu.memref_slice %arg3[%dma_wait3A_64] : memref<320000xi32, #tpu.memory_space<hbm>> -> memref<6400xi32, #tpu.memory_space<hbm>>
    %dma_wait3A_66 = arith.constant 0 : i32
    %dma_wait3A_67 = tpu.memref_slice %arg9[%dma_wait3A, %dma_wait3A_66] : memref<2x6400xi32, #tpu.memory_space<vmem>> -> memref<1x6400xi32, #tpu.memory_space<vmem>>
    %dma_wait3A_68 = tpu.memref_squeeze %dma_wait3A_67 : memref<1x6400xi32, #tpu.memory_space<vmem>> -> memref<6400xi32, #tpu.memory_space<vmem>>
    %dma_wait3A_69 = arith.constant 0 : i32
    %dma_wait3A_70 = tpu.memref_slice %arg3[%dma_wait3A_69] : memref<320000xi32, #tpu.memory_space<hbm>> -> memref<6400xi32, #tpu.memory_space<hbm>>
    tpu.wait_dma2 semaphore(%arg11 : memref<!tpu.dma_semaphore, #tpu.memory_space<semaphore_mem>>) src(%dma_wait3A_70 : memref<6400xi32, #tpu.memory_space<hbm>>) dst(%dma_wait3A_68 : memref<6400xi32, #tpu.memory_space<vmem>>)
    %dma_wait3A_71 = arith.constant 0 : i32
    %dma_wait3A_72 = arith.constant 0 : i32
    %dma_wait3A_73 = tpu.memref_slice %arg10[%dma_wait3A_71, %dma_wait3A_72] : memref<2x6400xi32, #tpu.memory_space<vmem>> -> memref<1x6400xi32, #tpu.memory_space<vmem>>
    %dma_wait3A_74 = tpu.memref_squeeze %dma_wait3A_73 : memref<1x6400xi32, #tpu.memory_space<vmem>> -> memref<6400xi32, #tpu.memory_space<vmem>>
    %dma_wait3A_75 = arith.constant 0 : i32
    %dma_wait3A_76 = tpu.memref_slice %arg4[%dma_wait3A_75] : memref<320000xi32, #tpu.memory_space<hbm>> -> memref<6400xi32, #tpu.memory_space<hbm>>
    %dma_wait3A_77 = arith.constant 0 : i32
    %dma_wait3A_78 = tpu.memref_slice %arg10[%dma_wait3A_71, %dma_wait3A_77] : memref<2x6400xi32, #tpu.memory_space<vmem>> -> memref<1x6400xi32, #tpu.memory_space<vmem>>
    %dma_wait3A_79 = tpu.memref_squeeze %dma_wait3A_78 : memref<1x6400xi32, #tpu.memory_space<vmem>> -> memref<6400xi32, #tpu.memory_space<vmem>>
    %dma_wait3A_80 = arith.constant 0 : i32
    %dma_wait3A_81 = tpu.memref_slice %arg4[%dma_wait3A_80] : memref<320000xi32, #tpu.memory_space<hbm>> -> memref<6400xi32, #tpu.memory_space<hbm>>
    tpu.wait_dma2 semaphore(%arg11 : memref<!tpu.dma_semaphore, #tpu.memory_space<semaphore_mem>>) src(%dma_wait3A_81 : memref<6400xi32, #tpu.memory_space<hbm>>) dst(%dma_wait3A_79 : memref<6400xi32, #tpu.memory_space<vmem>>)
    %dma_wait3A_82 = arith.constant 1 : i32
    %dma_wait3A_83 = arith.constant 0 : i32
    %dma_wait3A_84 = tpu.memref_slice %arg9[%dma_wait3A_82, %dma_wait3A_83] : memref<2x6400xi32, #tpu.memory_space<vmem>> -> memref<1x6400xi32, #tpu.memory_space<vmem>>
    %dma_wait3A_85 = tpu.memref_squeeze %dma_wait3A_84 : memref<1x6400xi32, #tpu.memory_space<vmem>> -> memref<6400xi32, #tpu.memory_space<vmem>>
    %dma_wait3A_86 = arith.constant 0 : i32
    %dma_wait3A_87 = tpu.memref_slice %arg3[%dma_wait3A_86] : memref<320000xi32, #tpu.memory_space<hbm>> -> memref<6400xi32, #tpu.memory_space<hbm>>
    %dma_wait3A_88 = arith.constant 0 : i32
    %dma_wait3A_89 = tpu.memref_slice %arg9[%dma_wait3A_82, %dma_wait3A_88] : memref<2x6400xi32, #tpu.memory_space<vmem>> -> memref<1x6400xi32, #tpu.memory_space<vmem>>
    %dma_wait3A_90 = tpu.memref_squeeze %dma_wait3A_89 : memref<1x6400xi32, #tpu.memory_space<vmem>> -> memref<6400xi32, #tpu.memory_space<vmem>>
    %dma_wait3A_91 = arith.constant 0 : i32
    %dma_wait3A_92 = tpu.memref_slice %arg3[%dma_wait3A_91] : memref<320000xi32, #tpu.memory_space<hbm>> -> memref<6400xi32, #tpu.memory_space<hbm>>
    tpu.wait_dma2 semaphore(%arg12 : memref<!tpu.dma_semaphore, #tpu.memory_space<semaphore_mem>>) src(%dma_wait3A_92 : memref<6400xi32, #tpu.memory_space<hbm>>) dst(%dma_wait3A_90 : memref<6400xi32, #tpu.memory_space<vmem>>)
    %dma_wait3A_93 = arith.constant 1 : i32
    %dma_wait3A_94 = arith.constant 0 : i32
    %dma_wait3A_95 = tpu.memref_slice %arg10[%dma_wait3A_93, %dma_wait3A_94] : memref<2x6400xi32, #tpu.memory_space<vmem>> -> memref<1x6400xi32, #tpu.memory_space<vmem>>
    %dma_wait3A_96 = tpu.memref_squeeze %dma_wait3A_95 : memref<1x6400xi32, #tpu.memory_space<vmem>> -> memref<6400xi32, #tpu.memory_space<vmem>>
    %dma_wait3A_97 = arith.constant 0 : i32
    %dma_wait3A_98 = tpu.memref_slice %arg4[%dma_wait3A_97] : memref<320000xi32, #tpu.memory_space<hbm>> -> memref<6400xi32, #tpu.memory_space<hbm>>
    %dma_wait3A_99 = arith.constant 0 : i32
    %dma_wait3A_100 = tpu.memref_slice %arg10[%dma_wait3A_93, %dma_wait3A_99] : memref<2x6400xi32, #tpu.memory_space<vmem>> -> memref<1x6400xi32, #tpu.memory_space<vmem>>
    %dma_wait3A_101 = tpu.memref_squeeze %dma_wait3A_100 : memref<1x6400xi32, #tpu.memory_space<vmem>> -> memref<6400xi32, #tpu.memory_space<vmem>>
    %dma_wait3A_102 = arith.constant 0 : i32
    %dma_wait3A_103 = tpu.memref_slice %arg4[%dma_wait3A_102] : memref<320000xi32, #tpu.memory_space<hbm>> -> memref<6400xi32, #tpu.memory_space<hbm>>
    tpu.wait_dma2 semaphore(%arg12 : memref<!tpu.dma_semaphore, #tpu.memory_space<semaphore_mem>>) src(%dma_wait3A_103 : memref<6400xi32, #tpu.memory_space<hbm>>) dst(%dma_wait3A_101 : memref<6400xi32, #tpu.memory_space<vmem>>)
    %scan3A_104 = arith.constant 0 : i32
    %scan3A_105 = arith.constant 0 : i32
    %scan3A_106 = arith.constant 640 : i32
    %scan3A_107 = arith.addi %scan3A_105, %scan3A_106 : i32
    %scan3A_108 = arith.constant 1 : i32
    %scan3A_109 = scf.for %scan3A_111 = %scan3A_105 to %scan3A_107 step %scan3A_108 iter_args(%scan3A_112 = %scan3A_104) -> (i32)  : i32 {
      %mul3A_113 = arith.constant 16 : i32
      %mul3A_114 = arith.muli %scan3A_111, %mul3A_113 : i32
      %get3A = arith.index_cast %mul3A_114 : i32 to index
      %get3A_115 = tpu.vector_load %arg8[%get3A] {strides = array<i32>} : memref<10240xf32, #tpu.memory_space<vmem>>, vector<16xf32>,
      %eq3A = arith.constant 0xFF800000 : f32
      %eq3A_116 = vector.broadcast %eq3A : f32 to vector<16xf32>
      %eq3A_117 = arith.cmpf oeq, %get3A_115, %eq3A_116 : vector<16xf32>
      %broadcast_in_dim3A_118 = arith.constant 0.000000e+00 : f32
      %broadcast_in_dim3A_119 = vector.broadcast %broadcast_in_dim3A_118 : f32 to vector<16xf32>
      %select_n3A = arith.select %eq3A_117, %broadcast_in_dim3A_119, %get3A_115 : vector<16xi1>, vector<16xf32>
      %swap3A = arith.index_cast %mul3A_114 : i32 to index
      %swap3A_120 = tpu.vector_load %arg8[%swap3A] {strides = array<i32>} : memref<10240xf32, #tpu.memory_space<vmem>>, vector<16xf32>,
      tpu.vector_store %arg8[%swap3A], %select_n3A {strides = array<i32>} : memref<10240xf32, #tpu.memory_space<vmem>>, vector<16xf32>,
      %scan3A_121 = arith.constant 0 : i32
      scf.yield %scan3A_121 : i32
    }
    %scan3A_110 = arith.constant 640 : i32
    "tpu.region"() ({
      %run_scoped3A = tpu.sem_alloc : memref<!tpu.dma_semaphore, #tpu.memory_space<semaphore_mem>>
      %dma_start3A_111 = arith.constant 0 : i32
      %dma_start3A_112 = tpu.memref_slice %arg5[%add3A, %dma_start3A_111] : memref<32x10240xf32, #tpu.memory_space<hbm>> -> memref<1x10240xf32, #tpu.memory_space<hbm>>
      %dma_start3A_113 = tpu.memref_squeeze %dma_start3A_112 : memref<1x10240xf32, #tpu.memory_space<hbm>> -> memref<10240xf32, #tpu.memory_space<hbm>>
      %dma_start3A_114 = arith.constant 0 : i32
      %dma_start3A_115 = tpu.memref_slice %arg5[%add3A, %dma_start3A_114] : memref<32x10240xf32, #tpu.memory_space<hbm>> -> memref<1x10240xf32, #tpu.memory_space<hbm>>
      %dma_start3A_116 = tpu.memref_squeeze %dma_start3A_115 : memref<1x10240xf32, #tpu.memory_space<hbm>> -> memref<10240xf32, #tpu.memory_space<hbm>>
      tpu.enqueue_dma source(%arg8 : memref<10240xf32, #tpu.memory_space<vmem>>) target(%dma_start3A_116 : memref<10240xf32, #tpu.memory_space<hbm>>) target_semaphore(%run_scoped3A : memref<!tpu.dma_semaphore, #tpu.memory_space<semaphore_mem>>)
      %dma_wait3A_117 = arith.constant 0 : i32
      %dma_wait3A_118 = tpu.memref_slice %arg5[%add3A, %dma_wait3A_117] : memref<32x10240xf32, #tpu.memory_space<hbm>> -> memref<1x10240xf32, #tpu.memory_space<hbm>>
      %dma_wait3A_119 = tpu.memref_squeeze %dma_wait3A_118 : memref<1x10240xf32, #tpu.memory_space<hbm>> -> memref<10240xf32, #tpu.memory_space<hbm>>
      %dma_wait3A_120 = arith.constant 0 : i32
      %dma_wait3A_121 = tpu.memref_slice %arg5[%add3A, %dma_wait3A_120] : memref<32x10240xf32, #tpu.memory_space<hbm>> -> memref<1x10240xf32, #tpu.memory_space<hbm>>
      %dma_wait3A_122 = tpu.memref_squeeze %dma_wait3A_121 : memref<1x10240xf32, #tpu.memory_space<hbm>> -> memref<10240xf32, #tpu.memory_space<hbm>>
      tpu.wait_dma2 semaphore(%run_scoped3A : memref<!tpu.dma_semaphore, #tpu.memory_space<semaphore_mem>>) src(%arg8 : memref<10240xf32, #tpu.memory_space<vmem>>) dst(%dma_wait3A_122 : memref<10240xf32, #tpu.memory_space<hbm>>)
      tpu.yield
    }) : () -> ()
    return
  }
}

#map = affine_map<(d0, d1) -> (0, 0)>
#map1 = affine_map<(d0, d1) -> (0)>
module attributes {stable_mosaic.version = 14 : i64} {
  func.func @k(%arg0: i32, %arg1: i32, %arg2: memref<64x10240xf32, #tpu.memory_space<hbm>>, %arg3: memref<320000xi32, #tpu.memory_space<hbm>>, %arg4: memref<320000xi32, #tpu.memory_space<hbm>>, %arg5: memref<32x10240xf32, #tpu.memory_space<hbm>>, %arg6: memref<10240xf32, #tpu.memory_space<vmem>>, %arg7: memref<10240xf32, #tpu.memory_space<vmem>>, %arg8: memref<10240xf32, #tpu.memory_space<vmem>>, %arg9: memref<2x6400xi32, #tpu.memory_space<vmem>>, %arg10: memref<2x6400xi32, #tpu.memory_space<vmem>>, %arg11: memref<!tpu.dma_semaphore, #tpu.memory_space<semaphore_mem>>, %arg12: memref<!tpu.dma_semaphore, #tpu.memory_space<semaphore_mem>>) attributes {dimension_semantics = [#tpu.dimension_semantics<core_parallel>, #tpu.dimension_semantics<subcore_parallel>], iteration_bounds = array<i64: 2, 16>, scalar_prefetch = 0 : i64, scratch_operands = 7 : i64, tpu.core_type = #tpu.core_type<sc_vector_subcore>, window_params = [{transform_indices = #map}, {transform_indices = #map1}, {transform_indices = #map1}, {transform_indices = #map}]} {
    %mul3A = arith.constant 2 : i32
    %mul3A_0 = arith.muli %arg1, %mul3A : i32
    %add3A = arith.addi %mul3A_0, %arg0 : i32
    "tpu.region"() ({
      %run_scoped3A = tpu.sem_alloc : memref<!tpu.dma_semaphore, #tpu.memory_space<semaphore_mem>>
      %dma_start3A_111 = arith.constant 0 : i32
      %dma_start3A_112 = tpu.memref_slice %arg2[%add3A, %dma_start3A_111] : memref<64x10240xf32, #tpu.memory_space<hbm>> -> memref<1x10240xf32, #tpu.memory_space<hbm>>
      %dma_start3A_113 = tpu.memref_squeeze %dma_start3A_112 : memref<1x10240xf32, #tpu.memory_space<hbm>> -> memref<10240xf32, #tpu.memory_space<hbm>>
      %dma_start3A_114 = arith.constant 0 : i32
      %dma_start3A_115 = tpu.memref_slice %arg2[%add3A, %dma_start3A_114] : memref<64x10240xf32, #tpu.memory_space<hbm>> -> memref<1x10240xf32, #tpu.memory_space<hbm>>
      %dma_start3A_116 = tpu.memref_squeeze %dma_start3A_115 : memref<1x10240xf32, #tpu.memory_space<hbm>> -> memref<10240xf32, #tpu.memory_space<hbm>>
      tpu.enqueue_dma source(%dma_start3A_116 : memref<10240xf32, #tpu.memory_space<hbm>>) target(%arg6 : memref<10240xf32, #tpu.memory_space<vmem>>) target_semaphore(%run_scoped3A : memref<!tpu.dma_semaphore, #tpu.memory_space<semaphore_mem>>)
      %dma_wait3A_117 = arith.constant 0 : i32
      %dma_wait3A_118 = tpu.memref_slice %arg2[%add3A, %dma_wait3A_117] : memref<64x10240xf32, #tpu.memory_space<hbm>> -> memref<1x10240xf32, #tpu.memory_space<hbm>>
      %dma_wait3A_119 = tpu.memref_squeeze %dma_wait3A_118 : memref<1x10240xf32, #tpu.memory_space<hbm>> -> memref<10240xf32, #tpu.memory_space<hbm>>
      %dma_wait3A_120 = arith.constant 0 : i32
      %dma_wait3A_121 = tpu.memref_slice %arg2[%add3A, %dma_wait3A_120] : memref<64x10240xf32, #tpu.memory_space<hbm>> -> memref<1x10240xf32, #tpu.memory_space<hbm>>
      %dma_wait3A_122 = tpu.memref_squeeze %dma_wait3A_121 : memref<1x10240xf32, #tpu.memory_space<hbm>> -> memref<10240xf32, #tpu.memory_space<hbm>>
      tpu.wait_dma2 semaphore(%run_scoped3A : memref<!tpu.dma_semaphore, #tpu.memory_space<semaphore_mem>>) src(%dma_wait3A_122 : memref<10240xf32, #tpu.memory_space<hbm>>) dst(%arg6 : memref<10240xf32, #tpu.memory_space<vmem>>)
      tpu.yield
    }) : () -> ()
    %add3A_1 = arith.constant 32 : i32
    %add3A_2 = arith.addi %add3A, %add3A_1 : i32
    "tpu.region"() ({
      %run_scoped3A = tpu.sem_alloc : memref<!tpu.dma_semaphore, #tpu.memory_space<semaphore_mem>>
      %dma_start3A_111 = arith.constant 0 : i32
      %dma_start3A_112 = tpu.memref_slice %arg2[%add3A_2, %dma_start3A_111] : memref<64x10240xf32, #tpu.memory_space<hbm>> -> memref<1x10240xf32, #tpu.memory_space<hbm>>
      %dma_start3A_113 = tpu.memref_squeeze %dma_start3A_112 : memref<1x10240xf32, #tpu.memory_space<hbm>> -> memref<10240xf32, #tpu.memory_space<hbm>>
      %dma_start3A_114 = arith.constant 0 : i32
      %dma_start3A_115 = tpu.memref_slice %arg2[%add3A_2, %dma_start3A_114] : memref<64x10240xf32, #tpu.memory_space<hbm>> -> memref<1x10240xf32, #tpu.memory_space<hbm>>
      %dma_start3A_116 = tpu.memref_squeeze %dma_start3A_115 : memref<1x10240xf32, #tpu.memory_space<hbm>> -> memref<10240xf32, #tpu.memory_space<hbm>>
      tpu.enqueue_dma source(%dma_start3A_116 : memref<10240xf32, #tpu.memory_space<hbm>>) target(%arg7 : memref<10240xf32, #tpu.memory_space<vmem>>) target_semaphore(%run_scoped3A : memref<!tpu.dma_semaphore, #tpu.memory_space<semaphore_mem>>)
      %dma_wait3A_117 = arith.constant 0 : i32
      %dma_wait3A_118 = tpu.memref_slice %arg2[%add3A_2, %dma_wait3A_117] : memref<64x10240xf32, #tpu.memory_space<hbm>> -> memref<1x10240xf32, #tpu.memory_space<hbm>>
      %dma_wait3A_119 = tpu.memref_squeeze %dma_wait3A_118 : memref<1x10240xf32, #tpu.memory_space<hbm>> -> memref<10240xf32, #tpu.memory_space<hbm>>
      %dma_wait3A_120 = arith.constant 0 : i32
      %dma_wait3A_121 = tpu.memref_slice %arg2[%add3A_2, %dma_wait3A_120] : memref<64x10240xf32, #tpu.memory_space<hbm>> -> memref<1x10240xf32, #tpu.memory_space<hbm>>
      %dma_wait3A_122 = tpu.memref_squeeze %dma_wait3A_121 : memref<1x10240xf32, #tpu.memory_space<hbm>> -> memref<10240xf32, #tpu.memory_space<hbm>>
      tpu.wait_dma2 semaphore(%run_scoped3A : memref<!tpu.dma_semaphore, #tpu.memory_space<semaphore_mem>>) src(%dma_wait3A_122 : memref<10240xf32, #tpu.memory_space<hbm>>) dst(%arg7 : memref<10240xf32, #tpu.memory_space<vmem>>)
      tpu.yield
    }) : () -> ()
    %broadcast_in_dim3A = arith.constant 0xFF800000 : f32
    %broadcast_in_dim3A_3 = vector.broadcast %broadcast_in_dim3A : f32 to vector<16xf32>
    %scan3A = arith.constant 0 : i32
    %scan3A_4 = arith.constant 0 : i32
    %scan3A_5 = arith.constant 640 : i32
    %scan3A_6 = arith.addi %scan3A_4, %scan3A_5 : i32
    %scan3A_7 = arith.constant 1 : i32
    %scan3A_8 = scf.for %scan3A_111 = %scan3A_4 to %scan3A_6 step %scan3A_7 iter_args(%scan3A_112 = %scan3A) -> (i32)  : i32 {
      %mul3A_113 = arith.constant 16 : i32
      %mul3A_114 = arith.muli %scan3A_111, %mul3A_113 : i32
      %swap3A = arith.index_cast %mul3A_114 : i32 to index
      %swap3A_115 = tpu.vector_load %arg8[%swap3A] {strides = array<i32>} : memref<10240xf32, #tpu.memory_space<vmem>>, vector<16xf32>,
      tpu.vector_store %arg8[%swap3A], %broadcast_in_dim3A_3 {strides = array<i32>} : memref<10240xf32, #tpu.memory_space<vmem>>, vector<16xf32>,
      %scan3A_116 = arith.constant 0 : i32
      scf.yield %scan3A_116 : i32
    }
    %scan3A_9 = arith.constant 640 : i32
    %min3A = arith.constant 0 : i32
    %min3A_10 = arith.constant 49 : i32
    %min3A_11 = arith.minsi %min3A, %min3A_10 : i32
    %mul3A_12 = arith.constant 6400 : i32
    %mul3A_13 = arith.muli %min3A_11, %mul3A_12 : i32
    %dma_start3A = arith.constant 0 : i32
    %dma_start3A_14 = arith.constant 0 : i32
    %dma_start3A_15 = tpu.memref_slice %arg9[%dma_start3A, %dma_start3A_14] : memref<2x6400xi32, #tpu.memory_space<vmem>> -> memref<1x6400xi32, #tpu.memory_space<vmem>>
    %dma_start3A_16 = tpu.memref_squeeze %dma_start3A_15 : memref<1x6400xi32, #tpu.memory_space<vmem>> -> memref<6400xi32, #tpu.memory_space<vmem>>
    %dma_start3A_17 = tpu.memref_slice %arg3[%mul3A_13] : memref<320000xi32, #tpu.memory_space<hbm>> -> memref<6400xi32, #tpu.memory_space<hbm>>
    %dma_start3A_18 = arith.constant 0 : i32
    %dma_start3A_19 = tpu.memref_slice %arg9[%dma_start3A, %dma_start3A_18] : memref<2x6400xi32, #tpu.memory_space<vmem>> -> memref<1x6400xi32, #tpu.memory_space<vmem>>
    %dma_start3A_20 = tpu.memref_squeeze %dma_start3A_19 : memref<1x6400xi32, #tpu.memory_space<vmem>> -> memref<6400xi32, #tpu.memory_space<vmem>>
    %dma_start3A_21 = tpu.memref_slice %arg3[%mul3A_13] : memref<320000xi32, #tpu.memory_space<hbm>> -> memref<6400xi32, #tpu.memory_space<hbm>>
    tpu.enqueue_dma source(%dma_start3A_21 : memref<6400xi32, #tpu.memory_space<hbm>>) target(%dma_start3A_20 : memref<6400xi32, #tpu.memory_space<vmem>>) target_semaphore(%arg11 : memref<!tpu.dma_semaphore, #tpu.memory_space<semaphore_mem>>)
    %dma_start3A_22 = arith.constant 0 : i32
    %dma_start3A_23 = arith.constant 0 : i32
    %dma_start3A_24 = tpu.memref_slice %arg10[%dma_start3A_22, %dma_start3A_23] : memref<2x6400xi32, #tpu.memory_space<vmem>> -> memref<1x6400xi32, #tpu.memory_space<vmem>>
    %dma_start3A_25 = tpu.memref_squeeze %dma_start3A_24 : memref<1x6400xi32, #tpu.memory_space<vmem>> -> memref<6400xi32, #tpu.memory_space<vmem>>
    %dma_start3A_26 = tpu.memref_slice %arg4[%mul3A_13] : memref<320000xi32, #tpu.memory_space<hbm>> -> memref<6400xi32, #tpu.memory_space<hbm>>
    %dma_start3A_27 = arith.constant 0 : i32
    %dma_start3A_28 = tpu.memref_slice %arg10[%dma_start3A_22, %dma_start3A_27] : memref<2x6400xi32, #tpu.memory_space<vmem>> -> memref<1x6400xi32, #tpu.memory_space<vmem>>
    %dma_start3A_29 = tpu.memref_squeeze %dma_start3A_28 : memref<1x6400xi32, #tpu.memory_space<vmem>> -> memref<6400xi32, #tpu.memory_space<vmem>>
    %dma_start3A_30 = tpu.memref_slice %arg4[%mul3A_13] : memref<320000xi32, #tpu.memory_space<hbm>> -> memref<6400xi32, #tpu.memory_space<hbm>>
    tpu.enqueue_dma source(%dma_start3A_30 : memref<6400xi32, #tpu.memory_space<hbm>>) target(%dma_start3A_29 : memref<6400xi32, #tpu.memory_space<vmem>>) target_semaphore(%arg11 : memref<!tpu.dma_semaphore, #tpu.memory_space<semaphore_mem>>)
    %min3A_31 = arith.constant 1 : i32
    %min3A_32 = arith.constant 49 : i32
    %min3A_33 = arith.minsi %min3A_31, %min3A_32 : i32
    %mul3A_34 = arith.constant 6400 : i32
    %mul3A_35 = arith.muli %min3A_33, %mul3A_34 : i32
    %dma_start3A_36 = arith.constant 1 : i32
    %dma_start3A_37 = arith.constant 0 : i32
    %dma_start3A_38 = tpu.memref_slice %arg9[%dma_start3A_36, %dma_start3A_37] : memref<2x6400xi32, #tpu.memory_space<vmem>> -> memref<1x6400xi32, #tpu.memory_space<vmem>>
    %dma_start3A_39 = tpu.memref_squeeze %dma_start3A_38 : memref<1x6400xi32, #tpu.memory_space<vmem>> -> memref<6400xi32, #tpu.memory_space<vmem>>
    %dma_start3A_40 = tpu.memref_slice %arg3[%mul3A_35] : memref<320000xi32, #tpu.memory_space<hbm>> -> memref<6400xi32, #tpu.memory_space<hbm>>
    %dma_start3A_41 = arith.constant 0 : i32
    %dma_start3A_42 = tpu.memref_slice %arg9[%dma_start3A_36, %dma_start3A_41] : memref<2x6400xi32, #tpu.memory_space<vmem>> -> memref<1x6400xi32, #tpu.memory_space<vmem>>
    %dma_start3A_43 = tpu.memref_squeeze %dma_start3A_42 : memref<1x6400xi32, #tpu.memory_space<vmem>> -> memref<6400xi32, #tpu.memory_space<vmem>>
    %dma_start3A_44 = tpu.memref_slice %arg3[%mul3A_35] : memref<320000xi32, #tpu.memory_space<hbm>> -> memref<6400xi32, #tpu.memory_space<hbm>>
    tpu.enqueue_dma source(%dma_start3A_44 : memref<6400xi32, #tpu.memory_space<hbm>>) target(%dma_start3A_43 : memref<6400xi32, #tpu.memory_space<vmem>>) target_semaphore(%arg12 : memref<!tpu.dma_semaphore, #tpu.memory_space<semaphore_mem>>)
    %dma_start3A_45 = arith.constant 1 : i32
    %dma_start3A_46 = arith.constant 0 : i32
    %dma_start3A_47 = tpu.memref_slice %arg10[%dma_start3A_45, %dma_start3A_46] : memref<2x6400xi32, #tpu.memory_space<vmem>> -> memref<1x6400xi32, #tpu.memory_space<vmem>>
    %dma_start3A_48 = tpu.memref_squeeze %dma_start3A_47 : memref<1x6400xi32, #tpu.memory_space<vmem>> -> memref<6400xi32, #tpu.memory_space<vmem>>
    %dma_start3A_49 = tpu.memref_slice %arg4[%mul3A_35] : memref<320000xi32, #tpu.memory_space<hbm>> -> memref<6400xi32, #tpu.memory_space<hbm>>
    %dma_start3A_50 = arith.constant 0 : i32
    %dma_start3A_51 = tpu.memref_slice %arg10[%dma_start3A_45, %dma_start3A_50] : memref<2x6400xi32, #tpu.memory_space<vmem>> -> memref<1x6400xi32, #tpu.memory_space<vmem>>
    %dma_start3A_52 = tpu.memref_squeeze %dma_start3A_51 : memref<1x6400xi32, #tpu.memory_space<vmem>> -> memref<6400xi32, #tpu.memory_space<vmem>>
    %dma_start3A_53 = tpu.memref_slice %arg4[%mul3A_35] : memref<320000xi32, #tpu.memory_space<hbm>> -> memref<6400xi32, #tpu.memory_space<hbm>>
    tpu.enqueue_dma source(%dma_start3A_53 : memref<6400xi32, #tpu.memory_space<hbm>>) target(%dma_start3A_52 : memref<6400xi32, #tpu.memory_space<vmem>>) target_semaphore(%arg12 : memref<!tpu.dma_semaphore, #tpu.memory_space<semaphore_mem>>)
    %scan3A_54 = arith.constant 0 : i32
    %scan3A_55 = arith.constant 0 : i32
    %scan3A_56 = arith.constant 25 : i32
    %scan3A_57 = arith.addi %scan3A_55, %scan3A_56 : i32
    %scan3A_58 = arith.constant 1 : i32
    %scan3A_59 = scf.for %scan3A_111 = %scan3A_55 to %scan3A_57 step %scan3A_58 iter_args(%scan3A_112 = %scan3A_54) -> (i32)  : i32 {
      %dma_wait3A_113 = arith.constant 0 : i32
      %dma_wait3A_114 = arith.constant 0 : i32
      %dma_wait3A_115 = tpu.memref_slice %arg9[%dma_wait3A_113, %dma_wait3A_114] : memref<2x6400xi32, #tpu.memory_space<vmem>> -> memref<1x6400xi32, #tpu.memory_space<vmem>>
      %dma_wait3A_116 = tpu.memref_squeeze %dma_wait3A_115 : memref<1x6400xi32, #tpu.memory_space<vmem>> -> memref<6400xi32, #tpu.memory_space<vmem>>
      %dma_wait3A_117 = arith.constant 0 : i32
      %dma_wait3A_118 = tpu.memref_slice %arg3[%dma_wait3A_117] : memref<320000xi32, #tpu.memory_space<hbm>> -> memref<6400xi32, #tpu.memory_space<hbm>>
      %dma_wait3A_119 = arith.constant 0 : i32
      %dma_wait3A_120 = tpu.memref_slice %arg9[%dma_wait3A_113, %dma_wait3A_119] : memref<2x6400xi32, #tpu.memory_space<vmem>> -> memref<1x6400xi32, #tpu.memory_space<vmem>>
      %dma_wait3A_121 = tpu.memref_squeeze %dma_wait3A_120 : memref<1x6400xi32, #tpu.memory_space<vmem>> -> memref<6400xi32, #tpu.memory_space<vmem>>
      %dma_wait3A_122 = arith.constant 0 : i32
      %dma_wait3A_123 = tpu.memref_slice %arg3[%dma_wait3A_122] : memref<320000xi32, #tpu.memory_space<hbm>> -> memref<6400xi32, #tpu.memory_space<hbm>>
      tpu.wait_dma2 semaphore(%arg11 : memref<!tpu.dma_semaphore, #tpu.memory_space<semaphore_mem>>) src(%dma_wait3A_123 : memref<6400xi32, #tpu.memory_space<hbm>>) dst(%dma_wait3A_121 : memref<6400xi32, #tpu.memory_space<vmem>>)
      %dma_wait3A_124 = arith.constant 0 : i32
      %dma_wait3A_125 = arith.constant 0 : i32
      %dma_wait3A_126 = tpu.memref_slice %arg10[%dma_wait3A_124, %dma_wait3A_125] : memref<2x6400xi32, #tpu.memory_space<vmem>> -> memref<1x6400xi32, #tpu.memory_space<vmem>>
      %dma_wait3A_127 = tpu.memref_squeeze %dma_wait3A_126 : memref<1x6400xi32, #tpu.memory_space<vmem>> -> memref<6400xi32, #tpu.memory_space<vmem>>
      %dma_wait3A_128 = arith.constant 0 : i32
      %dma_wait3A_129 = tpu.memref_slice %arg4[%dma_wait3A_128] : memref<320000xi32, #tpu.memory_space<hbm>> -> memref<6400xi32, #tpu.memory_space<hbm>>
      %dma_wait3A_130 = arith.constant 0 : i32
      %dma_wait3A_131 = tpu.memref_slice %arg10[%dma_wait3A_124, %dma_wait3A_130] : memref<2x6400xi32, #tpu.memory_space<vmem>> -> memref<1x6400xi32, #tpu.memory_space<vmem>>
      %dma_wait3A_132 = tpu.memref_squeeze %dma_wait3A_131 : memref<1x6400xi32, #tpu.memory_space<vmem>> -> memref<6400xi32, #tpu.memory_space<vmem>>
      %dma_wait3A_133 = arith.constant 0 : i32
      %dma_wait3A_134 = tpu.memref_slice %arg4[%dma_wait3A_133] : memref<320000xi32, #tpu.memory_space<hbm>> -> memref<6400xi32, #tpu.memory_space<hbm>>
      tpu.wait_dma2 semaphore(%arg11 : memref<!tpu.dma_semaphore, #tpu.memory_space<semaphore_mem>>) src(%dma_wait3A_134 : memref<6400xi32, #tpu.memory_space<hbm>>) dst(%dma_wait3A_132 : memref<6400xi32, #tpu.memory_space<vmem>>)
      %scan3A_135 = arith.constant 0 : i32
      %scan3A_136 = arith.constant 0 : i32
      %scan3A_137 = arith.constant 50 : i32
      %scan3A_138 = arith.addi %scan3A_136, %scan3A_137 : i32
      %scan3A_139 = arith.constant 1 : i32
      %scan3A_140 = scf.for %scan3A_228 = %scan3A_136 to %scan3A_138 step %scan3A_139 iter_args(%scan3A_229 = %scan3A_135) -> (i32)  : i32 {
        %mul3A_230 = arith.constant 128 : i32
        %mul3A_231 = arith.muli %scan3A_228, %mul3A_230 : i32
        %add3A_232 = arith.constant 0 : i32
        %add3A_233 = arith.addi %mul3A_231, %add3A_232 : i32
        %get3A = arith.constant 0 : i32
        %get3A_234 = arith.index_cast %get3A : i32 to index
        %get3A_235 = arith.index_cast %add3A_233 : i32 to index
        %get3A_236 = tpu.vector_load %arg9[%get3A_234, %get3A_235] {strides = array<i32>} : memref<2x6400xi32, #tpu.memory_space<vmem>>, vector<16xi32>,
        %get3A_237 = arith.constant 0 : i32
        %get3A_238 = arith.index_cast %get3A_237 : i32 to index
        %get3A_239 = arith.index_cast %add3A_233 : i32 to index
        %get3A_240 = tpu.vector_load %arg10[%get3A_238, %get3A_239] {strides = array<i32>} : memref<2x6400xi32, #tpu.memory_space<vmem>>, vector<16xi32>,
        %gather3A = tpu.vector_load_idx %arg6[%get3A_236] : memref<10240xf32, #tpu.memory_space<vmem>>[vector<16xi32>], vector<16xf32>,
        %gather3A_241 = tpu.vector_load_idx %arg7[%get3A_240] : memref<10240xf32, #tpu.memory_space<vmem>>[vector<16xi32>], vector<16xf32>,
        %add3A_242 = arith.addf %gather3A, %gather3A_241 : vector<16xf32>
        %gather3A_243 = tpu.vector_load_idx %arg8[%get3A_236] : memref<10240xf32, #tpu.memory_space<vmem>>[vector<16xi32>], vector<16xf32>,
        %gt3A = arith.cmpf ogt, %add3A_242, %gather3A_243 : vector<16xf32>
        tpu.vector_store_idx %arg8[%get3A_236], %add3A_242 masked %gt3A : memref<10240xf32, #tpu.memory_space<vmem>>[vector<16xi32>], vector<16xf32>, vector<16xi1>
        %add3A_244 = arith.constant 16 : i32
        %add3A_245 = arith.addi %mul3A_231, %add3A_244 : i32
        %get3A_246 = arith.constant 0 : i32
        %get3A_247 = arith.index_cast %get3A_246 : i32 to index
        %get3A_248 = arith.index_cast %add3A_245 : i32 to index
        %get3A_249 = tpu.vector_load %arg9[%get3A_247, %get3A_248] {strides = array<i32>} : memref<2x6400xi32, #tpu.memory_space<vmem>>, vector<16xi32>,
        %get3A_250 = arith.constant 0 : i32
        %get3A_251 = arith.index_cast %get3A_250 : i32 to index
        %get3A_252 = arith.index_cast %add3A_245 : i32 to index
        %get3A_253 = tpu.vector_load %arg10[%get3A_251, %get3A_252] {strides = array<i32>} : memref<2x6400xi32, #tpu.memory_space<vmem>>, vector<16xi32>,
        %gather3A_254 = tpu.vector_load_idx %arg6[%get3A_249] : memref<10240xf32, #tpu.memory_space<vmem>>[vector<16xi32>], vector<16xf32>,
        %gather3A_255 = tpu.vector_load_idx %arg7[%get3A_253] : memref<10240xf32, #tpu.memory_space<vmem>>[vector<16xi32>], vector<16xf32>,
        %add3A_256 = arith.addf %gather3A_254, %gather3A_255 : vector<16xf32>
        %gather3A_257 = tpu.vector_load_idx %arg8[%get3A_249] : memref<10240xf32, #tpu.memory_space<vmem>>[vector<16xi32>], vector<16xf32>,
        %gt3A_258 = arith.cmpf ogt, %add3A_256, %gather3A_257 : vector<16xf32>
        tpu.vector_store_idx %arg8[%get3A_249], %add3A_256 masked %gt3A_258 : memref<10240xf32, #tpu.memory_space<vmem>>[vector<16xi32>], vector<16xf32>, vector<16xi1>
        %add3A_259 = arith.constant 32 : i32
        %add3A_260 = arith.addi %mul3A_231, %add3A_259 : i32
        %get3A_261 = arith.constant 0 : i32
        %get3A_262 = arith.index_cast %get3A_261 : i32 to index
        %get3A_263 = arith.index_cast %add3A_260 : i32 to index
        %get3A_264 = tpu.vector_load %arg9[%get3A_262, %get3A_263] {strides = array<i32>} : memref<2x6400xi32, #tpu.memory_space<vmem>>, vector<16xi32>,
        %get3A_265 = arith.constant 0 : i32
        %get3A_266 = arith.index_cast %get3A_265 : i32 to index
        %get3A_267 = arith.index_cast %add3A_260 : i32 to index
        %get3A_268 = tpu.vector_load %arg10[%get3A_266, %get3A_267] {strides = array<i32>} : memref<2x6400xi32, #tpu.memory_space<vmem>>, vector<16xi32>,
        %gather3A_269 = tpu.vector_load_idx %arg6[%get3A_264] : memref<10240xf32, #tpu.memory_space<vmem>>[vector<16xi32>], vector<16xf32>,
        %gather3A_270 = tpu.vector_load_idx %arg7[%get3A_268] : memref<10240xf32, #tpu.memory_space<vmem>>[vector<16xi32>], vector<16xf32>,
        %add3A_271 = arith.addf %gather3A_269, %gather3A_270 : vector<16xf32>
        %gather3A_272 = tpu.vector_load_idx %arg8[%get3A_264] : memref<10240xf32, #tpu.memory_space<vmem>>[vector<16xi32>], vector<16xf32>,
        %gt3A_273 = arith.cmpf ogt, %add3A_271, %gather3A_272 : vector<16xf32>
        tpu.vector_store_idx %arg8[%get3A_264], %add3A_271 masked %gt3A_273 : memref<10240xf32, #tpu.memory_space<vmem>>[vector<16xi32>], vector<16xf32>, vector<16xi1>
        %add3A_274 = arith.constant 48 : i32
        %add3A_275 = arith.addi %mul3A_231, %add3A_274 : i32
        %get3A_276 = arith.constant 0 : i32
        %get3A_277 = arith.index_cast %get3A_276 : i32 to index
        %get3A_278 = arith.index_cast %add3A_275 : i32 to index
        %get3A_279 = tpu.vector_load %arg9[%get3A_277, %get3A_278] {strides = array<i32>} : memref<2x6400xi32, #tpu.memory_space<vmem>>, vector<16xi32>,
        %get3A_280 = arith.constant 0 : i32
        %get3A_281 = arith.index_cast %get3A_280 : i32 to index
        %get3A_282 = arith.index_cast %add3A_275 : i32 to index
        %get3A_283 = tpu.vector_load %arg10[%get3A_281, %get3A_282] {strides = array<i32>} : memref<2x6400xi32, #tpu.memory_space<vmem>>, vector<16xi32>,
        %gather3A_284 = tpu.vector_load_idx %arg6[%get3A_279] : memref<10240xf32, #tpu.memory_space<vmem>>[vector<16xi32>], vector<16xf32>,
        %gather3A_285 = tpu.vector_load_idx %arg7[%get3A_283] : memref<10240xf32, #tpu.memory_space<vmem>>[vector<16xi32>], vector<16xf32>,
        %add3A_286 = arith.addf %gather3A_284, %gather3A_285 : vector<16xf32>
        %gather3A_287 = tpu.vector_load_idx %arg8[%get3A_279] : memref<10240xf32, #tpu.memory_space<vmem>>[vector<16xi32>], vector<16xf32>,
        %gt3A_288 = arith.cmpf ogt, %add3A_286, %gather3A_287 : vector<16xf32>
        tpu.vector_store_idx %arg8[%get3A_279], %add3A_286 masked %gt3A_288 : memref<10240xf32, #tpu.memory_space<vmem>>[vector<16xi32>], vector<16xf32>, vector<16xi1>
        %add3A_289 = arith.constant 64 : i32
        %add3A_290 = arith.addi %mul3A_231, %add3A_289 : i32
        %get3A_291 = arith.constant 0 : i32
        %get3A_292 = arith.index_cast %get3A_291 : i32 to index
        %get3A_293 = arith.index_cast %add3A_290 : i32 to index
        %get3A_294 = tpu.vector_load %arg9[%get3A_292, %get3A_293] {strides = array<i32>} : memref<2x6400xi32, #tpu.memory_space<vmem>>, vector<16xi32>,
        %get3A_295 = arith.constant 0 : i32
        %get3A_296 = arith.index_cast %get3A_295 : i32 to index
        %get3A_297 = arith.index_cast %add3A_290 : i32 to index
        %get3A_298 = tpu.vector_load %arg10[%get3A_296, %get3A_297] {strides = array<i32>} : memref<2x6400xi32, #tpu.memory_space<vmem>>, vector<16xi32>,
        %gather3A_299 = tpu.vector_load_idx %arg6[%get3A_294] : memref<10240xf32, #tpu.memory_space<vmem>>[vector<16xi32>], vector<16xf32>,
        %gather3A_300 = tpu.vector_load_idx %arg7[%get3A_298] : memref<10240xf32, #tpu.memory_space<vmem>>[vector<16xi32>], vector<16xf32>,
        %add3A_301 = arith.addf %gather3A_299, %gather3A_300 : vector<16xf32>
        %gather3A_302 = tpu.vector_load_idx %arg8[%get3A_294] : memref<10240xf32, #tpu.memory_space<vmem>>[vector<16xi32>], vector<16xf32>,
        %gt3A_303 = arith.cmpf ogt, %add3A_301, %gather3A_302 : vector<16xf32>
        tpu.vector_store_idx %arg8[%get3A_294], %add3A_301 masked %gt3A_303 : memref<10240xf32, #tpu.memory_space<vmem>>[vector<16xi32>], vector<16xf32>, vector<16xi1>
        %add3A_304 = arith.constant 80 : i32
        %add3A_305 = arith.addi %mul3A_231, %add3A_304 : i32
        %get3A_306 = arith.constant 0 : i32
        %get3A_307 = arith.index_cast %get3A_306 : i32 to index
        %get3A_308 = arith.index_cast %add3A_305 : i32 to index
        %get3A_309 = tpu.vector_load %arg9[%get3A_307, %get3A_308] {strides = array<i32>} : memref<2x6400xi32, #tpu.memory_space<vmem>>, vector<16xi32>,
        %get3A_310 = arith.constant 0 : i32
        %get3A_311 = arith.index_cast %get3A_310 : i32 to index
        %get3A_312 = arith.index_cast %add3A_305 : i32 to index
        %get3A_313 = tpu.vector_load %arg10[%get3A_311, %get3A_312] {strides = array<i32>} : memref<2x6400xi32, #tpu.memory_space<vmem>>, vector<16xi32>,
        %gather3A_314 = tpu.vector_load_idx %arg6[%get3A_309] : memref<10240xf32, #tpu.memory_space<vmem>>[vector<16xi32>], vector<16xf32>,
        %gather3A_315 = tpu.vector_load_idx %arg7[%get3A_313] : memref<10240xf32, #tpu.memory_space<vmem>>[vector<16xi32>], vector<16xf32>,
        %add3A_316 = arith.addf %gather3A_314, %gather3A_315 : vector<16xf32>
        %gather3A_317 = tpu.vector_load_idx %arg8[%get3A_309] : memref<10240xf32, #tpu.memory_space<vmem>>[vector<16xi32>], vector<16xf32>,
        %gt3A_318 = arith.cmpf ogt, %add3A_316, %gather3A_317 : vector<16xf32>
        tpu.vector_store_idx %arg8[%get3A_309], %add3A_316 masked %gt3A_318 : memref<10240xf32, #tpu.memory_space<vmem>>[vector<16xi32>], vector<16xf32>, vector<16xi1>
        %add3A_319 = arith.constant 96 : i32
        %add3A_320 = arith.addi %mul3A_231, %add3A_319 : i32
        %get3A_321 = arith.constant 0 : i32
        %get3A_322 = arith.index_cast %get3A_321 : i32 to index
        %get3A_323 = arith.index_cast %add3A_320 : i32 to index
        %get3A_324 = tpu.vector_load %arg9[%get3A_322, %get3A_323] {strides = array<i32>} : memref<2x6400xi32, #tpu.memory_space<vmem>>, vector<16xi32>,
        %get3A_325 = arith.constant 0 : i32
        %get3A_326 = arith.index_cast %get3A_325 : i32 to index
        %get3A_327 = arith.index_cast %add3A_320 : i32 to index
        %get3A_328 = tpu.vector_load %arg10[%get3A_326, %get3A_327] {strides = array<i32>} : memref<2x6400xi32, #tpu.memory_space<vmem>>, vector<16xi32>,
        %gather3A_329 = tpu.vector_load_idx %arg6[%get3A_324] : memref<10240xf32, #tpu.memory_space<vmem>>[vector<16xi32>], vector<16xf32>,
        %gather3A_330 = tpu.vector_load_idx %arg7[%get3A_328] : memref<10240xf32, #tpu.memory_space<vmem>>[vector<16xi32>], vector<16xf32>,
        %add3A_331 = arith.addf %gather3A_329, %gather3A_330 : vector<16xf32>
        %gather3A_332 = tpu.vector_load_idx %arg8[%get3A_324] : memref<10240xf32, #tpu.memory_space<vmem>>[vector<16xi32>], vector<16xf32>,
        %gt3A_333 = arith.cmpf ogt, %add3A_331, %gather3A_332 : vector<16xf32>
        tpu.vector_store_idx %arg8[%get3A_324], %add3A_331 masked %gt3A_333 : memref<10240xf32, #tpu.memory_space<vmem>>[vector<16xi32>], vector<16xf32>, vector<16xi1>
        %add3A_334 = arith.constant 112 : i32
        %add3A_335 = arith.addi %mul3A_231, %add3A_334 : i32
        %get3A_336 = arith.constant 0 : i32
        %get3A_337 = arith.index_cast %get3A_336 : i32 to index
        %get3A_338 = arith.index_cast %add3A_335 : i32 to index
        %get3A_339 = tpu.vector_load %arg9[%get3A_337, %get3A_338] {strides = array<i32>} : memref<2x6400xi32, #tpu.memory_space<vmem>>, vector<16xi32>,
        %get3A_340 = arith.constant 0 : i32
        %get3A_341 = arith.index_cast %get3A_340 : i32 to index
        %get3A_342 = arith.index_cast %add3A_335 : i32 to index
        %get3A_343 = tpu.vector_load %arg10[%get3A_341, %get3A_342] {strides = array<i32>} : memref<2x6400xi32, #tpu.memory_space<vmem>>, vector<16xi32>,
        %gather3A_344 = tpu.vector_load_idx %arg6[%get3A_339] : memref<10240xf32, #tpu.memory_space<vmem>>[vector<16xi32>], vector<16xf32>,
        %gather3A_345 = tpu.vector_load_idx %arg7[%get3A_343] : memref<10240xf32, #tpu.memory_space<vmem>>[vector<16xi32>], vector<16xf32>,
        %add3A_346 = arith.addf %gather3A_344, %gather3A_345 : vector<16xf32>
        %gather3A_347 = tpu.vector_load_idx %arg8[%get3A_339] : memref<10240xf32, #tpu.memory_space<vmem>>[vector<16xi32>], vector<16xf32>,
        %gt3A_348 = arith.cmpf ogt, %add3A_346, %gather3A_347 : vector<16xf32>
        tpu.vector_store_idx %arg8[%get3A_339], %add3A_346 masked %gt3A_348 : memref<10240xf32, #tpu.memory_space<vmem>>[vector<16xi32>], vector<16xf32>, vector<16xi1>
        %broadcast_in_dim3A_349 = arith.constant false
        %broadcast_in_dim3A_350 = vector.broadcast %broadcast_in_dim3A_349 : i1 to vector<16xi1>
        %gather3A_351 = tpu.vector_load_idx %arg8[%get3A_236] : memref<10240xf32, #tpu.memory_space<vmem>>[vector<16xi32>], vector<16xf32>,
        %gt3A_352 = arith.cmpf ogt, %add3A_242, %gather3A_351 : vector<16xf32>
        %or3A = arith.ori %broadcast_in_dim3A_350, %gt3A_352 : vector<16xi1>
        %gather3A_353 = tpu.vector_load_idx %arg8[%get3A_249] : memref<10240xf32, #tpu.memory_space<vmem>>[vector<16xi32>], vector<16xf32>,
        %gt3A_354 = arith.cmpf ogt, %add3A_256, %gather3A_353 : vector<16xf32>
        %or3A_355 = arith.ori %or3A, %gt3A_354 : vector<16xi1>
        %gather3A_356 = tpu.vector_load_idx %arg8[%get3A_264] : memref<10240xf32, #tpu.memory_space<vmem>>[vector<16xi32>], vector<16xf32>,
        %gt3A_357 = arith.cmpf ogt, %add3A_271, %gather3A_356 : vector<16xf32>
        %or3A_358 = arith.ori %or3A_355, %gt3A_357 : vector<16xi1>
        %gather3A_359 = tpu.vector_load_idx %arg8[%get3A_279] : memref<10240xf32, #tpu.memory_space<vmem>>[vector<16xi32>], vector<16xf32>,
        %gt3A_360 = arith.cmpf ogt, %add3A_286, %gather3A_359 : vector<16xf32>
        %or3A_361 = arith.ori %or3A_358, %gt3A_360 : vector<16xi1>
        %gather3A_362 = tpu.vector_load_idx %arg8[%get3A_294] : memref<10240xf32, #tpu.memory_space<vmem>>[vector<16xi32>], vector<16xf32>,
        %gt3A_363 = arith.cmpf ogt, %add3A_301, %gather3A_362 : vector<16xf32>
        %or3A_364 = arith.ori %or3A_361, %gt3A_363 : vector<16xi1>
        %gather3A_365 = tpu.vector_load_idx %arg8[%get3A_309] : memref<10240xf32, #tpu.memory_space<vmem>>[vector<16xi32>], vector<16xf32>,
        %gt3A_366 = arith.cmpf ogt, %add3A_316, %gather3A_365 : vector<16xf32>
        %or3A_367 = arith.ori %or3A_364, %gt3A_366 : vector<16xi1>
        %gather3A_368 = tpu.vector_load_idx %arg8[%get3A_324] : memref<10240xf32, #tpu.memory_space<vmem>>[vector<16xi32>], vector<16xf32>,
        %gt3A_369 = arith.cmpf ogt, %add3A_331, %gather3A_368 : vector<16xf32>
        %or3A_370 = arith.ori %or3A_367, %gt3A_369 : vector<16xi1>
        %gather3A_371 = tpu.vector_load_idx %arg8[%get3A_339] : memref<10240xf32, #tpu.memory_space<vmem>>[vector<16xi32>], vector<16xf32>,
        %gt3A_372 = arith.cmpf ogt, %add3A_346, %gather3A_371 : vector<16xf32>
        %or3A_373 = arith.ori %or3A_370, %gt3A_372 : vector<16xi1>
        %reduce_or3A = arith.constant 1.000000e+00 : f32
        %reduce_or3A_374 = arith.constant 0.000000e+00 : f32
        %reduce_or3A_375 = vector.broadcast %reduce_or3A : f32 to vector<16xf32>
        %reduce_or3A_376 = vector.broadcast %reduce_or3A_374 : f32 to vector<16xf32>
        %reduce_or3A_377 = arith.select %or3A_373, %reduce_or3A_375, %reduce_or3A_376 : vector<16xi1>, vector<16xf32>
        %reduce_or3A_378 = arith.constant true
        %reduce_or3A_379 = vector.broadcast %reduce_or3A_378 : i1 to vector<16xi1>
        %reduce_or3A_380 = tpu.scan <max>, %reduce_or3A_377 masked %reduce_or3A_379 : vector<16xf32>, vector<16xi1> -> vector<16xf32>
        %reduce_or3A_381 = vector.extract %reduce_or3A_380[15] : f32 from vector<16xf32>
        %reduce_or3A_382 = arith.constant 0.000000e+00 : f32
        %reduce_or3A_383 = arith.cmpf ogt, %reduce_or3A_381, %reduce_or3A_382 : f32
        %convert_element_type3A = arith.extui %reduce_or3A_383 : i1 to i32
        %cond3A = arith.constant 0 : i32
        %cond3A_384 = arith.constant 0 : i32
        %cond3A_385 = arith.cmpi ne, %convert_element_type3A, %cond3A_384 : i32
        %cond3A_386 = scf.if %cond3A_385 -> (i32) {
          %gather3A_388 = tpu.vector_load_idx %arg8[%get3A_236] : memref<10240xf32, #tpu.memory_space<vmem>>[vector<16xi32>], vector<16xf32>,
          %gt3A_389 = arith.cmpf ogt, %add3A_242, %gather3A_388 : vector<16xf32>
          %while3A = scf.while (%while3A_412 = %gt3A_389) : (vector<16xi1>) -> vector<16xi1> {
            %reduce_or3A_413 = arith.constant 1.000000e+00 : f32
            %reduce_or3A_414 = arith.constant 0.000000e+00 : f32
            %reduce_or3A_415 = vector.broadcast %reduce_or3A_413 : f32 to vector<16xf32>
            %reduce_or3A_416 = vector.broadcast %reduce_or3A_414 : f32 to vector<16xf32>
            %reduce_or3A_417 = arith.select %while3A_412, %reduce_or3A_415, %reduce_or3A_416 : vector<16xi1>, vector<16xf32>
            %reduce_or3A_418 = arith.constant true
            %reduce_or3A_419 = vector.broadcast %reduce_or3A_418 : i1 to vector<16xi1>
            %reduce_or3A_420 = tpu.scan <max>, %reduce_or3A_417 masked %reduce_or3A_419 : vector<16xf32>, vector<16xi1> -> vector<16xf32>
            %reduce_or3A_421 = vector.extract %reduce_or3A_420[15] : f32 from vector<16xf32>
            %reduce_or3A_422 = arith.constant 0.000000e+00 : f32
            %reduce_or3A_423 = arith.cmpf ogt, %reduce_or3A_421, %reduce_or3A_422 : f32
            scf.condition(%reduce_or3A_423) %while3A_412 : vector<16xi1>
          } do {
          ^bb0(%while3A_412: vector<16xi1>):
            tpu.vector_store_idx %arg8[%get3A_236], %add3A_242 masked %while3A_412 : memref<10240xf32, #tpu.memory_space<vmem>>[vector<16xi32>], vector<16xf32>, vector<16xi1>
            %gather3A_413 = tpu.vector_load_idx %arg8[%get3A_236] : memref<10240xf32, #tpu.memory_space<vmem>>[vector<16xi32>], vector<16xf32>,
            %gt3A_414 = arith.cmpf ogt, %add3A_242, %gather3A_413 : vector<16xf32>
            scf.yield %gt3A_414 : vector<16xi1>
          }
          %gather3A_390 = tpu.vector_load_idx %arg8[%get3A_249] : memref<10240xf32, #tpu.memory_space<vmem>>[vector<16xi32>], vector<16xf32>,
          %gt3A_391 = arith.cmpf ogt, %add3A_256, %gather3A_390 : vector<16xf32>
          %while3A_392 = scf.while (%while3A_412 = %gt3A_391) : (vector<16xi1>) -> vector<16xi1> {
            %reduce_or3A_413 = arith.constant 1.000000e+00 : f32
            %reduce_or3A_414 = arith.constant 0.000000e+00 : f32
            %reduce_or3A_415 = vector.broadcast %reduce_or3A_413 : f32 to vector<16xf32>
            %reduce_or3A_416 = vector.broadcast %reduce_or3A_414 : f32 to vector<16xf32>
            %reduce_or3A_417 = arith.select %while3A_412, %reduce_or3A_415, %reduce_or3A_416 : vector<16xi1>, vector<16xf32>
            %reduce_or3A_418 = arith.constant true
            %reduce_or3A_419 = vector.broadcast %reduce_or3A_418 : i1 to vector<16xi1>
            %reduce_or3A_420 = tpu.scan <max>, %reduce_or3A_417 masked %reduce_or3A_419 : vector<16xf32>, vector<16xi1> -> vector<16xf32>
            %reduce_or3A_421 = vector.extract %reduce_or3A_420[15] : f32 from vector<16xf32>
            %reduce_or3A_422 = arith.constant 0.000000e+00 : f32
            %reduce_or3A_423 = arith.cmpf ogt, %reduce_or3A_421, %reduce_or3A_422 : f32
            scf.condition(%reduce_or3A_423) %while3A_412 : vector<16xi1>
          } do {
          ^bb0(%while3A_412: vector<16xi1>):
            tpu.vector_store_idx %arg8[%get3A_249], %add3A_256 masked %while3A_412 : memref<10240xf32, #tpu.memory_space<vmem>>[vector<16xi32>], vector<16xf32>, vector<16xi1>
            %gather3A_413 = tpu.vector_load_idx %arg8[%get3A_249] : memref<10240xf32, #tpu.memory_space<vmem>>[vector<16xi32>], vector<16xf32>,
            %gt3A_414 = arith.cmpf ogt, %add3A_256, %gather3A_413 : vector<16xf32>
            scf.yield %gt3A_414 : vector<16xi1>
          }
          %gather3A_393 = tpu.vector_load_idx %arg8[%get3A_264] : memref<10240xf32, #tpu.memory_space<vmem>>[vector<16xi32>], vector<16xf32>,
          %gt3A_394 = arith.cmpf ogt, %add3A_271, %gather3A_393 : vector<16xf32>
          %while3A_395 = scf.while (%while3A_412 = %gt3A_394) : (vector<16xi1>) -> vector<16xi1> {
            %reduce_or3A_413 = arith.constant 1.000000e+00 : f32
            %reduce_or3A_414 = arith.constant 0.000000e+00 : f32
            %reduce_or3A_415 = vector.broadcast %reduce_or3A_413 : f32 to vector<16xf32>
            %reduce_or3A_416 = vector.broadcast %reduce_or3A_414 : f32 to vector<16xf32>
            %reduce_or3A_417 = arith.select %while3A_412, %reduce_or3A_415, %reduce_or3A_416 : vector<16xi1>, vector<16xf32>
            %reduce_or3A_418 = arith.constant true
            %reduce_or3A_419 = vector.broadcast %reduce_or3A_418 : i1 to vector<16xi1>
            %reduce_or3A_420 = tpu.scan <max>, %reduce_or3A_417 masked %reduce_or3A_419 : vector<16xf32>, vector<16xi1> -> vector<16xf32>
            %reduce_or3A_421 = vector.extract %reduce_or3A_420[15] : f32 from vector<16xf32>
            %reduce_or3A_422 = arith.constant 0.000000e+00 : f32
            %reduce_or3A_423 = arith.cmpf ogt, %reduce_or3A_421, %reduce_or3A_422 : f32
            scf.condition(%reduce_or3A_423) %while3A_412 : vector<16xi1>
          } do {
          ^bb0(%while3A_412: vector<16xi1>):
            tpu.vector_store_idx %arg8[%get3A_264], %add3A_271 masked %while3A_412 : memref<10240xf32, #tpu.memory_space<vmem>>[vector<16xi32>], vector<16xf32>, vector<16xi1>
            %gather3A_413 = tpu.vector_load_idx %arg8[%get3A_264] : memref<10240xf32, #tpu.memory_space<vmem>>[vector<16xi32>], vector<16xf32>,
            %gt3A_414 = arith.cmpf ogt, %add3A_271, %gather3A_413 : vector<16xf32>
            scf.yield %gt3A_414 : vector<16xi1>
          }
          %gather3A_396 = tpu.vector_load_idx %arg8[%get3A_279] : memref<10240xf32, #tpu.memory_space<vmem>>[vector<16xi32>], vector<16xf32>,
          %gt3A_397 = arith.cmpf ogt, %add3A_286, %gather3A_396 : vector<16xf32>
          %while3A_398 = scf.while (%while3A_412 = %gt3A_397) : (vector<16xi1>) -> vector<16xi1> {
            %reduce_or3A_413 = arith.constant 1.000000e+00 : f32
            %reduce_or3A_414 = arith.constant 0.000000e+00 : f32
            %reduce_or3A_415 = vector.broadcast %reduce_or3A_413 : f32 to vector<16xf32>
            %reduce_or3A_416 = vector.broadcast %reduce_or3A_414 : f32 to vector<16xf32>
            %reduce_or3A_417 = arith.select %while3A_412, %reduce_or3A_415, %reduce_or3A_416 : vector<16xi1>, vector<16xf32>
            %reduce_or3A_418 = arith.constant true
            %reduce_or3A_419 = vector.broadcast %reduce_or3A_418 : i1 to vector<16xi1>
            %reduce_or3A_420 = tpu.scan <max>, %reduce_or3A_417 masked %reduce_or3A_419 : vector<16xf32>, vector<16xi1> -> vector<16xf32>
            %reduce_or3A_421 = vector.extract %reduce_or3A_420[15] : f32 from vector<16xf32>
            %reduce_or3A_422 = arith.constant 0.000000e+00 : f32
            %reduce_or3A_423 = arith.cmpf ogt, %reduce_or3A_421, %reduce_or3A_422 : f32
            scf.condition(%reduce_or3A_423) %while3A_412 : vector<16xi1>
          } do {
          ^bb0(%while3A_412: vector<16xi1>):
            tpu.vector_store_idx %arg8[%get3A_279], %add3A_286 masked %while3A_412 : memref<10240xf32, #tpu.memory_space<vmem>>[vector<16xi32>], vector<16xf32>, vector<16xi1>
            %gather3A_413 = tpu.vector_load_idx %arg8[%get3A_279] : memref<10240xf32, #tpu.memory_space<vmem>>[vector<16xi32>], vector<16xf32>,
            %gt3A_414 = arith.cmpf ogt, %add3A_286, %gather3A_413 : vector<16xf32>
            scf.yield %gt3A_414 : vector<16xi1>
          }
          %gather3A_399 = tpu.vector_load_idx %arg8[%get3A_294] : memref<10240xf32, #tpu.memory_space<vmem>>[vector<16xi32>], vector<16xf32>,
          %gt3A_400 = arith.cmpf ogt, %add3A_301, %gather3A_399 : vector<16xf32>
          %while3A_401 = scf.while (%while3A_412 = %gt3A_400) : (vector<16xi1>) -> vector<16xi1> {
            %reduce_or3A_413 = arith.constant 1.000000e+00 : f32
            %reduce_or3A_414 = arith.constant 0.000000e+00 : f32
            %reduce_or3A_415 = vector.broadcast %reduce_or3A_413 : f32 to vector<16xf32>
            %reduce_or3A_416 = vector.broadcast %reduce_or3A_414 : f32 to vector<16xf32>
            %reduce_or3A_417 = arith.select %while3A_412, %reduce_or3A_415, %reduce_or3A_416 : vector<16xi1>, vector<16xf32>
            %reduce_or3A_418 = arith.constant true
            %reduce_or3A_419 = vector.broadcast %reduce_or3A_418 : i1 to vector<16xi1>
            %reduce_or3A_420 = tpu.scan <max>, %reduce_or3A_417 masked %reduce_or3A_419 : vector<16xf32>, vector<16xi1> -> vector<16xf32>
            %reduce_or3A_421 = vector.extract %reduce_or3A_420[15] : f32 from vector<16xf32>
            %reduce_or3A_422 = arith.constant 0.000000e+00 : f32
            %reduce_or3A_423 = arith.cmpf ogt, %reduce_or3A_421, %reduce_or3A_422 : f32
            scf.condition(%reduce_or3A_423) %while3A_412 : vector<16xi1>
          } do {
          ^bb0(%while3A_412: vector<16xi1>):
            tpu.vector_store_idx %arg8[%get3A_294], %add3A_301 masked %while3A_412 : memref<10240xf32, #tpu.memory_space<vmem>>[vector<16xi32>], vector<16xf32>, vector<16xi1>
            %gather3A_413 = tpu.vector_load_idx %arg8[%get3A_294] : memref<10240xf32, #tpu.memory_space<vmem>>[vector<16xi32>], vector<16xf32>,
            %gt3A_414 = arith.cmpf ogt, %add3A_301, %gather3A_413 : vector<16xf32>
            scf.yield %gt3A_414 : vector<16xi1>
          }
          %gather3A_402 = tpu.vector_load_idx %arg8[%get3A_309] : memref<10240xf32, #tpu.memory_space<vmem>>[vector<16xi32>], vector<16xf32>,
          %gt3A_403 = arith.cmpf ogt, %add3A_316, %gather3A_402 : vector<16xf32>
          %while3A_404 = scf.while (%while3A_412 = %gt3A_403) : (vector<16xi1>) -> vector<16xi1> {
            %reduce_or3A_413 = arith.constant 1.000000e+00 : f32
            %reduce_or3A_414 = arith.constant 0.000000e+00 : f32
            %reduce_or3A_415 = vector.broadcast %reduce_or3A_413 : f32 to vector<16xf32>
            %reduce_or3A_416 = vector.broadcast %reduce_or3A_414 : f32 to vector<16xf32>
            %reduce_or3A_417 = arith.select %while3A_412, %reduce_or3A_415, %reduce_or3A_416 : vector<16xi1>, vector<16xf32>
            %reduce_or3A_418 = arith.constant true
            %reduce_or3A_419 = vector.broadcast %reduce_or3A_418 : i1 to vector<16xi1>
            %reduce_or3A_420 = tpu.scan <max>, %reduce_or3A_417 masked %reduce_or3A_419 : vector<16xf32>, vector<16xi1> -> vector<16xf32>
            %reduce_or3A_421 = vector.extract %reduce_or3A_420[15] : f32 from vector<16xf32>
            %reduce_or3A_422 = arith.constant 0.000000e+00 : f32
            %reduce_or3A_423 = arith.cmpf ogt, %reduce_or3A_421, %reduce_or3A_422 : f32
            scf.condition(%reduce_or3A_423) %while3A_412 : vector<16xi1>
          } do {
          ^bb0(%while3A_412: vector<16xi1>):
            tpu.vector_store_idx %arg8[%get3A_309], %add3A_316 masked %while3A_412 : memref<10240xf32, #tpu.memory_space<vmem>>[vector<16xi32>], vector<16xf32>, vector<16xi1>
            %gather3A_413 = tpu.vector_load_idx %arg8[%get3A_309] : memref<10240xf32, #tpu.memory_space<vmem>>[vector<16xi32>], vector<16xf32>,
            %gt3A_414 = arith.cmpf ogt, %add3A_316, %gather3A_413 : vector<16xf32>
            scf.yield %gt3A_414 : vector<16xi1>
          }
          %gather3A_405 = tpu.vector_load_idx %arg8[%get3A_324] : memref<10240xf32, #tpu.memory_space<vmem>>[vector<16xi32>], vector<16xf32>,
          %gt3A_406 = arith.cmpf ogt, %add3A_331, %gather3A_405 : vector<16xf32>
          %while3A_407 = scf.while (%while3A_412 = %gt3A_406) : (vector<16xi1>) -> vector<16xi1> {
            %reduce_or3A_413 = arith.constant 1.000000e+00 : f32
            %reduce_or3A_414 = arith.constant 0.000000e+00 : f32
            %reduce_or3A_415 = vector.broadcast %reduce_or3A_413 : f32 to vector<16xf32>
            %reduce_or3A_416 = vector.broadcast %reduce_or3A_414 : f32 to vector<16xf32>
            %reduce_or3A_417 = arith.select %while3A_412, %reduce_or3A_415, %reduce_or3A_416 : vector<16xi1>, vector<16xf32>
            %reduce_or3A_418 = arith.constant true
            %reduce_or3A_419 = vector.broadcast %reduce_or3A_418 : i1 to vector<16xi1>
            %reduce_or3A_420 = tpu.scan <max>, %reduce_or3A_417 masked %reduce_or3A_419 : vector<16xf32>, vector<16xi1> -> vector<16xf32>
            %reduce_or3A_421 = vector.extract %reduce_or3A_420[15] : f32 from vector<16xf32>
            %reduce_or3A_422 = arith.constant 0.000000e+00 : f32
            %reduce_or3A_423 = arith.cmpf ogt, %reduce_or3A_421, %reduce_or3A_422 : f32
            scf.condition(%reduce_or3A_423) %while3A_412 : vector<16xi1>
          } do {
          ^bb0(%while3A_412: vector<16xi1>):
            tpu.vector_store_idx %arg8[%get3A_324], %add3A_331 masked %while3A_412 : memref<10240xf32, #tpu.memory_space<vmem>>[vector<16xi32>], vector<16xf32>, vector<16xi1>
            %gather3A_413 = tpu.vector_load_idx %arg8[%get3A_324] : memref<10240xf32, #tpu.memory_space<vmem>>[vector<16xi32>], vector<16xf32>,
            %gt3A_414 = arith.cmpf ogt, %add3A_331, %gather3A_413 : vector<16xf32>
            scf.yield %gt3A_414 : vector<16xi1>
          }
          %gather3A_408 = tpu.vector_load_idx %arg8[%get3A_339] : memref<10240xf32, #tpu.memory_space<vmem>>[vector<16xi32>], vector<16xf32>,
          %gt3A_409 = arith.cmpf ogt, %add3A_346, %gather3A_408 : vector<16xf32>
          %while3A_410 = scf.while (%while3A_412 = %gt3A_409) : (vector<16xi1>) -> vector<16xi1> {
            %reduce_or3A_413 = arith.constant 1.000000e+00 : f32
            %reduce_or3A_414 = arith.constant 0.000000e+00 : f32
            %reduce_or3A_415 = vector.broadcast %reduce_or3A_413 : f32 to vector<16xf32>
            %reduce_or3A_416 = vector.broadcast %reduce_or3A_414 : f32 to vector<16xf32>
            %reduce_or3A_417 = arith.select %while3A_412, %reduce_or3A_415, %reduce_or3A_416 : vector<16xi1>, vector<16xf32>
            %reduce_or3A_418 = arith.constant true
            %reduce_or3A_419 = vector.broadcast %reduce_or3A_418 : i1 to vector<16xi1>
            %reduce_or3A_420 = tpu.scan <max>, %reduce_or3A_417 masked %reduce_or3A_419 : vector<16xf32>, vector<16xi1> -> vector<16xf32>
            %reduce_or3A_421 = vector.extract %reduce_or3A_420[15] : f32 from vector<16xf32>
            %reduce_or3A_422 = arith.constant 0.000000e+00 : f32
            %reduce_or3A_423 = arith.cmpf ogt, %reduce_or3A_421, %reduce_or3A_422 : f32
            scf.condition(%reduce_or3A_423) %while3A_412 : vector<16xi1>
          } do {
          ^bb0(%while3A_412: vector<16xi1>):
            tpu.vector_store_idx %arg8[%get3A_339], %add3A_346 masked %while3A_412 : memref<10240xf32, #tpu.memory_space<vmem>>[vector<16xi32>], vector<16xf32>, vector<16xi1>
            %gather3A_413 = tpu.vector_load_idx %arg8[%get3A_339] : memref<10240xf32, #tpu.memory_space<vmem>>[vector<16xi32>], vector<16xf32>,
            %gt3A_414 = arith.cmpf ogt, %add3A_346, %gather3A_413 : vector<16xf32>
            scf.yield %gt3A_414 : vector<16xi1>
          }
          %cond3A_411 = arith.constant 0 : i32
          scf.yield %cond3A_411 : i32
        } else {
          %cond3A_388 = arith.constant 0 : i32
          scf.yield %cond3A_388 : i32
        }
        %scan3A_387 = arith.constant 0 : i32
        scf.yield %scan3A_387 : i32
      }
      %scan3A_141 = arith.constant 50 : i32
      %mul3A_142 = arith.constant 2 : i32
      %mul3A_143 = arith.muli %mul3A_142, %scan3A_111 : i32
      %add3A_144 = arith.constant 0 : i32
      %add3A_145 = arith.addi %mul3A_143, %add3A_144 : i32
      %add3A_146 = arith.constant 2 : i32
      %add3A_147 = arith.addi %add3A_145, %add3A_146 : i32
      %min3A_148 = arith.constant 49 : i32
      %min3A_149 = arith.minsi %add3A_147, %min3A_148 : i32
      %mul3A_150 = arith.constant 6400 : i32
      %mul3A_151 = arith.muli %min3A_149, %mul3A_150 : i32
      %dma_start3A_152 = arith.constant 0 : i32
      %dma_start3A_153 = arith.constant 0 : i32
      %dma_start3A_154 = tpu.memref_slice %arg9[%dma_start3A_152, %dma_start3A_153] : memref<2x6400xi32, #tpu.memory_space<vmem>> -> memref<1x6400xi32, #tpu.memory_space<vmem>>
      %dma_start3A_155 = tpu.memref_squeeze %dma_start3A_154 : memref<1x6400xi32, #tpu.memory_space<vmem>> -> memref<6400xi32, #tpu.memory_space<vmem>>
      %dma_start3A_156 = tpu.memref_slice %arg3[%mul3A_151] : memref<320000xi32, #tpu.memory_space<hbm>> -> memref<6400xi32, #tpu.memory_space<hbm>>
      %dma_start3A_157 = arith.constant 0 : i32
      %dma_start3A_158 = tpu.memref_slice %arg9[%dma_start3A_152, %dma_start3A_157] : memref<2x6400xi32, #tpu.memory_space<vmem>> -> memref<1x6400xi32, #tpu.memory_space<vmem>>
      %dma_start3A_159 = tpu.memref_squeeze %dma_start3A_158 : memref<1x6400xi32, #tpu.memory_space<vmem>> -> memref<6400xi32, #tpu.memory_space<vmem>>
      %dma_start3A_160 = tpu.memref_slice %arg3[%mul3A_151] : memref<320000xi32, #tpu.memory_space<hbm>> -> memref<6400xi32, #tpu.memory_space<hbm>>
      tpu.enqueue_dma source(%dma_start3A_160 : memref<6400xi32, #tpu.memory_space<hbm>>) target(%dma_start3A_159 : memref<6400xi32, #tpu.memory_space<vmem>>) target_semaphore(%arg11 : memref<!tpu.dma_semaphore, #tpu.memory_space<semaphore_mem>>)
      %dma_start3A_161 = arith.constant 0 : i32
      %dma_start3A_162 = arith.constant 0 : i32
      %dma_start3A_163 = tpu.memref_slice %arg10[%dma_start3A_161, %dma_start3A_162] : memref<2x6400xi32, #tpu.memory_space<vmem>> -> memref<1x6400xi32, #tpu.memory_space<vmem>>
      %dma_start3A_164 = tpu.memref_squeeze %dma_start3A_163 : memref<1x6400xi32, #tpu.memory_space<vmem>> -> memref<6400xi32, #tpu.memory_space<vmem>>
      %dma_start3A_165 = tpu.memref_slice %arg4[%mul3A_151] : memref<320000xi32, #tpu.memory_space<hbm>> -> memref<6400xi32, #tpu.memory_space<hbm>>
      %dma_start3A_166 = arith.constant 0 : i32
      %dma_start3A_167 = tpu.memref_slice %arg10[%dma_start3A_161, %dma_start3A_166] : memref<2x6400xi32, #tpu.memory_space<vmem>> -> memref<1x6400xi32, #tpu.memory_space<vmem>>
      %dma_start3A_168 = tpu.memref_squeeze %dma_start3A_167 : memref<1x6400xi32, #tpu.memory_space<vmem>> -> memref<6400xi32, #tpu.memory_space<vmem>>
      %dma_start3A_169 = tpu.memref_slice %arg4[%mul3A_151] : memref<320000xi32, #tpu.memory_space<hbm>> -> memref<6400xi32, #tpu.memory_space<hbm>>
      tpu.enqueue_dma source(%dma_start3A_169 : memref<6400xi32, #tpu.memory_space<hbm>>) target(%dma_start3A_168 : memref<6400xi32, #tpu.memory_space<vmem>>) target_semaphore(%arg11 : memref<!tpu.dma_semaphore, #tpu.memory_space<semaphore_mem>>)
      %dma_wait3A_170 = arith.constant 1 : i32
      %dma_wait3A_171 = arith.constant 0 : i32
      %dma_wait3A_172 = tpu.memref_slice %arg9[%dma_wait3A_170, %dma_wait3A_171] : memref<2x6400xi32, #tpu.memory_space<vmem>> -> memref<1x6400xi32, #tpu.memory_space<vmem>>
      %dma_wait3A_173 = tpu.memref_squeeze %dma_wait3A_172 : memref<1x6400xi32, #tpu.memory_space<vmem>> -> memref<6400xi32, #tpu.memory_space<vmem>>
      %dma_wait3A_174 = arith.constant 0 : i32
      %dma_wait3A_175 = tpu.memref_slice %arg3[%dma_wait3A_174] : memref<320000xi32, #tpu.memory_space<hbm>> -> memref<6400xi32, #tpu.memory_space<hbm>>
      %dma_wait3A_176 = arith.constant 0 : i32
      %dma_wait3A_177 = tpu.memref_slice %arg9[%dma_wait3A_170, %dma_wait3A_176] : memref<2x6400xi32, #tpu.memory_space<vmem>> -> memref<1x6400xi32, #tpu.memory_space<vmem>>
      %dma_wait3A_178 = tpu.memref_squeeze %dma_wait3A_177 : memref<1x6400xi32, #tpu.memory_space<vmem>> -> memref<6400xi32, #tpu.memory_space<vmem>>
      %dma_wait3A_179 = arith.constant 0 : i32
      %dma_wait3A_180 = tpu.memref_slice %arg3[%dma_wait3A_179] : memref<320000xi32, #tpu.memory_space<hbm>> -> memref<6400xi32, #tpu.memory_space<hbm>>
      tpu.wait_dma2 semaphore(%arg12 : memref<!tpu.dma_semaphore, #tpu.memory_space<semaphore_mem>>) src(%dma_wait3A_180 : memref<6400xi32, #tpu.memory_space<hbm>>) dst(%dma_wait3A_178 : memref<6400xi32, #tpu.memory_space<vmem>>)
      %dma_wait3A_181 = arith.constant 1 : i32
      %dma_wait3A_182 = arith.constant 0 : i32
      %dma_wait3A_183 = tpu.memref_slice %arg10[%dma_wait3A_181, %dma_wait3A_182] : memref<2x6400xi32, #tpu.memory_space<vmem>> -> memref<1x6400xi32, #tpu.memory_space<vmem>>
      %dma_wait3A_184 = tpu.memref_squeeze %dma_wait3A_183 : memref<1x6400xi32, #tpu.memory_space<vmem>> -> memref<6400xi32, #tpu.memory_space<vmem>>
      %dma_wait3A_185 = arith.constant 0 : i32
      %dma_wait3A_186 = tpu.memref_slice %arg4[%dma_wait3A_185] : memref<320000xi32, #tpu.memory_space<hbm>> -> memref<6400xi32, #tpu.memory_space<hbm>>
      %dma_wait3A_187 = arith.constant 0 : i32
      %dma_wait3A_188 = tpu.memref_slice %arg10[%dma_wait3A_181, %dma_wait3A_187] : memref<2x6400xi32, #tpu.memory_space<vmem>> -> memref<1x6400xi32, #tpu.memory_space<vmem>>
      %dma_wait3A_189 = tpu.memref_squeeze %dma_wait3A_188 : memref<1x6400xi32, #tpu.memory_space<vmem>> -> memref<6400xi32, #tpu.memory_space<vmem>>
      %dma_wait3A_190 = arith.constant 0 : i32
      %dma_wait3A_191 = tpu.memref_slice %arg4[%dma_wait3A_190] : memref<320000xi32, #tpu.memory_space<hbm>> -> memref<6400xi32, #tpu.memory_space<hbm>>
      tpu.wait_dma2 semaphore(%arg12 : memref<!tpu.dma_semaphore, #tpu.memory_space<semaphore_mem>>) src(%dma_wait3A_191 : memref<6400xi32, #tpu.memory_space<hbm>>) dst(%dma_wait3A_189 : memref<6400xi32, #tpu.memory_space<vmem>>)
      %scan3A_192 = arith.constant 0 : i32
      %scan3A_193 = arith.constant 0 : i32
      %scan3A_194 = arith.constant 50 : i32
      %scan3A_195 = arith.addi %scan3A_193, %scan3A_194 : i32
      %scan3A_196 = arith.constant 1 : i32
      %scan3A_197 = scf.for %scan3A_228 = %scan3A_193 to %scan3A_195 step %scan3A_196 iter_args(%scan3A_229 = %scan3A_192) -> (i32)  : i32 {
        %mul3A_230 = arith.constant 128 : i32
        %mul3A_231 = arith.muli %scan3A_228, %mul3A_230 : i32
        %add3A_232 = arith.constant 0 : i32
        %add3A_233 = arith.addi %mul3A_231, %add3A_232 : i32
        %get3A = arith.constant 1 : i32
        %get3A_234 = arith.index_cast %get3A : i32 to index
        %get3A_235 = arith.index_cast %add3A_233 : i32 to index
        %get3A_236 = tpu.vector_load %arg9[%get3A_234, %get3A_235] {strides = array<i32>} : memref<2x6400xi32, #tpu.memory_space<vmem>>, vector<16xi32>,
        %get3A_237 = arith.constant 1 : i32
        %get3A_238 = arith.index_cast %get3A_237 : i32 to index
        %get3A_239 = arith.index_cast %add3A_233 : i32 to index
        %get3A_240 = tpu.vector_load %arg10[%get3A_238, %get3A_239] {strides = array<i32>} : memref<2x6400xi32, #tpu.memory_space<vmem>>, vector<16xi32>,
        %gather3A = tpu.vector_load_idx %arg6[%get3A_236] : memref<10240xf32, #tpu.memory_space<vmem>>[vector<16xi32>], vector<16xf32>,
        %gather3A_241 = tpu.vector_load_idx %arg7[%get3A_240] : memref<10240xf32, #tpu.memory_space<vmem>>[vector<16xi32>], vector<16xf32>,
        %add3A_242 = arith.addf %gather3A, %gather3A_241 : vector<16xf32>
        %gather3A_243 = tpu.vector_load_idx %arg8[%get3A_236] : memref<10240xf32, #tpu.memory_space<vmem>>[vector<16xi32>], vector<16xf32>,
        %gt3A = arith.cmpf ogt, %add3A_242, %gather3A_243 : vector<16xf32>
        tpu.vector_store_idx %arg8[%get3A_236], %add3A_242 masked %gt3A : memref<10240xf32, #tpu.memory_space<vmem>>[vector<16xi32>], vector<16xf32>, vector<16xi1>
        %add3A_244 = arith.constant 16 : i32
        %add3A_245 = arith.addi %mul3A_231, %add3A_244 : i32
        %get3A_246 = arith.constant 1 : i32
        %get3A_247 = arith.index_cast %get3A_246 : i32 to index
        %get3A_248 = arith.index_cast %add3A_245 : i32 to index
        %get3A_249 = tpu.vector_load %arg9[%get3A_247, %get3A_248] {strides = array<i32>} : memref<2x6400xi32, #tpu.memory_space<vmem>>, vector<16xi32>,
        %get3A_250 = arith.constant 1 : i32
        %get3A_251 = arith.index_cast %get3A_250 : i32 to index
        %get3A_252 = arith.index_cast %add3A_245 : i32 to index
        %get3A_253 = tpu.vector_load %arg10[%get3A_251, %get3A_252] {strides = array<i32>} : memref<2x6400xi32, #tpu.memory_space<vmem>>, vector<16xi32>,
        %gather3A_254 = tpu.vector_load_idx %arg6[%get3A_249] : memref<10240xf32, #tpu.memory_space<vmem>>[vector<16xi32>], vector<16xf32>,
        %gather3A_255 = tpu.vector_load_idx %arg7[%get3A_253] : memref<10240xf32, #tpu.memory_space<vmem>>[vector<16xi32>], vector<16xf32>,
        %add3A_256 = arith.addf %gather3A_254, %gather3A_255 : vector<16xf32>
        %gather3A_257 = tpu.vector_load_idx %arg8[%get3A_249] : memref<10240xf32, #tpu.memory_space<vmem>>[vector<16xi32>], vector<16xf32>,
        %gt3A_258 = arith.cmpf ogt, %add3A_256, %gather3A_257 : vector<16xf32>
        tpu.vector_store_idx %arg8[%get3A_249], %add3A_256 masked %gt3A_258 : memref<10240xf32, #tpu.memory_space<vmem>>[vector<16xi32>], vector<16xf32>, vector<16xi1>
        %add3A_259 = arith.constant 32 : i32
        %add3A_260 = arith.addi %mul3A_231, %add3A_259 : i32
        %get3A_261 = arith.constant 1 : i32
        %get3A_262 = arith.index_cast %get3A_261 : i32 to index
        %get3A_263 = arith.index_cast %add3A_260 : i32 to index
        %get3A_264 = tpu.vector_load %arg9[%get3A_262, %get3A_263] {strides = array<i32>} : memref<2x6400xi32, #tpu.memory_space<vmem>>, vector<16xi32>,
        %get3A_265 = arith.constant 1 : i32
        %get3A_266 = arith.index_cast %get3A_265 : i32 to index
        %get3A_267 = arith.index_cast %add3A_260 : i32 to index
        %get3A_268 = tpu.vector_load %arg10[%get3A_266, %get3A_267] {strides = array<i32>} : memref<2x6400xi32, #tpu.memory_space<vmem>>, vector<16xi32>,
        %gather3A_269 = tpu.vector_load_idx %arg6[%get3A_264] : memref<10240xf32, #tpu.memory_space<vmem>>[vector<16xi32>], vector<16xf32>,
        %gather3A_270 = tpu.vector_load_idx %arg7[%get3A_268] : memref<10240xf32, #tpu.memory_space<vmem>>[vector<16xi32>], vector<16xf32>,
        %add3A_271 = arith.addf %gather3A_269, %gather3A_270 : vector<16xf32>
        %gather3A_272 = tpu.vector_load_idx %arg8[%get3A_264] : memref<10240xf32, #tpu.memory_space<vmem>>[vector<16xi32>], vector<16xf32>,
        %gt3A_273 = arith.cmpf ogt, %add3A_271, %gather3A_272 : vector<16xf32>
        tpu.vector_store_idx %arg8[%get3A_264], %add3A_271 masked %gt3A_273 : memref<10240xf32, #tpu.memory_space<vmem>>[vector<16xi32>], vector<16xf32>, vector<16xi1>
        %add3A_274 = arith.constant 48 : i32
        %add3A_275 = arith.addi %mul3A_231, %add3A_274 : i32
        %get3A_276 = arith.constant 1 : i32
        %get3A_277 = arith.index_cast %get3A_276 : i32 to index
        %get3A_278 = arith.index_cast %add3A_275 : i32 to index
        %get3A_279 = tpu.vector_load %arg9[%get3A_277, %get3A_278] {strides = array<i32>} : memref<2x6400xi32, #tpu.memory_space<vmem>>, vector<16xi32>,
        %get3A_280 = arith.constant 1 : i32
        %get3A_281 = arith.index_cast %get3A_280 : i32 to index
        %get3A_282 = arith.index_cast %add3A_275 : i32 to index
        %get3A_283 = tpu.vector_load %arg10[%get3A_281, %get3A_282] {strides = array<i32>} : memref<2x6400xi32, #tpu.memory_space<vmem>>, vector<16xi32>,
        %gather3A_284 = tpu.vector_load_idx %arg6[%get3A_279] : memref<10240xf32, #tpu.memory_space<vmem>>[vector<16xi32>], vector<16xf32>,
        %gather3A_285 = tpu.vector_load_idx %arg7[%get3A_283] : memref<10240xf32, #tpu.memory_space<vmem>>[vector<16xi32>], vector<16xf32>,
        %add3A_286 = arith.addf %gather3A_284, %gather3A_285 : vector<16xf32>
        %gather3A_287 = tpu.vector_load_idx %arg8[%get3A_279] : memref<10240xf32, #tpu.memory_space<vmem>>[vector<16xi32>], vector<16xf32>,
        %gt3A_288 = arith.cmpf ogt, %add3A_286, %gather3A_287 : vector<16xf32>
        tpu.vector_store_idx %arg8[%get3A_279], %add3A_286 masked %gt3A_288 : memref<10240xf32, #tpu.memory_space<vmem>>[vector<16xi32>], vector<16xf32>, vector<16xi1>
        %add3A_289 = arith.constant 64 : i32
        %add3A_290 = arith.addi %mul3A_231, %add3A_289 : i32
        %get3A_291 = arith.constant 1 : i32
        %get3A_292 = arith.index_cast %get3A_291 : i32 to index
        %get3A_293 = arith.index_cast %add3A_290 : i32 to index
        %get3A_294 = tpu.vector_load %arg9[%get3A_292, %get3A_293] {strides = array<i32>} : memref<2x6400xi32, #tpu.memory_space<vmem>>, vector<16xi32>,
        %get3A_295 = arith.constant 1 : i32
        %get3A_296 = arith.index_cast %get3A_295 : i32 to index
        %get3A_297 = arith.index_cast %add3A_290 : i32 to index
        %get3A_298 = tpu.vector_load %arg10[%get3A_296, %get3A_297] {strides = array<i32>} : memref<2x6400xi32, #tpu.memory_space<vmem>>, vector<16xi32>,
        %gather3A_299 = tpu.vector_load_idx %arg6[%get3A_294] : memref<10240xf32, #tpu.memory_space<vmem>>[vector<16xi32>], vector<16xf32>,
        %gather3A_300 = tpu.vector_load_idx %arg7[%get3A_298] : memref<10240xf32, #tpu.memory_space<vmem>>[vector<16xi32>], vector<16xf32>,
        %add3A_301 = arith.addf %gather3A_299, %gather3A_300 : vector<16xf32>
        %gather3A_302 = tpu.vector_load_idx %arg8[%get3A_294] : memref<10240xf32, #tpu.memory_space<vmem>>[vector<16xi32>], vector<16xf32>,
        %gt3A_303 = arith.cmpf ogt, %add3A_301, %gather3A_302 : vector<16xf32>
        tpu.vector_store_idx %arg8[%get3A_294], %add3A_301 masked %gt3A_303 : memref<10240xf32, #tpu.memory_space<vmem>>[vector<16xi32>], vector<16xf32>, vector<16xi1>
        %add3A_304 = arith.constant 80 : i32
        %add3A_305 = arith.addi %mul3A_231, %add3A_304 : i32
        %get3A_306 = arith.constant 1 : i32
        %get3A_307 = arith.index_cast %get3A_306 : i32 to index
        %get3A_308 = arith.index_cast %add3A_305 : i32 to index
        %get3A_309 = tpu.vector_load %arg9[%get3A_307, %get3A_308] {strides = array<i32>} : memref<2x6400xi32, #tpu.memory_space<vmem>>, vector<16xi32>,
        %get3A_310 = arith.constant 1 : i32
        %get3A_311 = arith.index_cast %get3A_310 : i32 to index
        %get3A_312 = arith.index_cast %add3A_305 : i32 to index
        %get3A_313 = tpu.vector_load %arg10[%get3A_311, %get3A_312] {strides = array<i32>} : memref<2x6400xi32, #tpu.memory_space<vmem>>, vector<16xi32>,
        %gather3A_314 = tpu.vector_load_idx %arg6[%get3A_309] : memref<10240xf32, #tpu.memory_space<vmem>>[vector<16xi32>], vector<16xf32>,
        %gather3A_315 = tpu.vector_load_idx %arg7[%get3A_313] : memref<10240xf32, #tpu.memory_space<vmem>>[vector<16xi32>], vector<16xf32>,
        %add3A_316 = arith.addf %gather3A_314, %gather3A_315 : vector<16xf32>
        %gather3A_317 = tpu.vector_load_idx %arg8[%get3A_309] : memref<10240xf32, #tpu.memory_space<vmem>>[vector<16xi32>], vector<16xf32>,
        %gt3A_318 = arith.cmpf ogt, %add3A_316, %gather3A_317 : vector<16xf32>
        tpu.vector_store_idx %arg8[%get3A_309], %add3A_316 masked %gt3A_318 : memref<10240xf32, #tpu.memory_space<vmem>>[vector<16xi32>], vector<16xf32>, vector<16xi1>
        %add3A_319 = arith.constant 96 : i32
        %add3A_320 = arith.addi %mul3A_231, %add3A_319 : i32
        %get3A_321 = arith.constant 1 : i32
        %get3A_322 = arith.index_cast %get3A_321 : i32 to index
        %get3A_323 = arith.index_cast %add3A_320 : i32 to index
        %get3A_324 = tpu.vector_load %arg9[%get3A_322, %get3A_323] {strides = array<i32>} : memref<2x6400xi32, #tpu.memory_space<vmem>>, vector<16xi32>,
        %get3A_325 = arith.constant 1 : i32
        %get3A_326 = arith.index_cast %get3A_325 : i32 to index
        %get3A_327 = arith.index_cast %add3A_320 : i32 to index
        %get3A_328 = tpu.vector_load %arg10[%get3A_326, %get3A_327] {strides = array<i32>} : memref<2x6400xi32, #tpu.memory_space<vmem>>, vector<16xi32>,
        %gather3A_329 = tpu.vector_load_idx %arg6[%get3A_324] : memref<10240xf32, #tpu.memory_space<vmem>>[vector<16xi32>], vector<16xf32>,
        %gather3A_330 = tpu.vector_load_idx %arg7[%get3A_328] : memref<10240xf32, #tpu.memory_space<vmem>>[vector<16xi32>], vector<16xf32>,
        %add3A_331 = arith.addf %gather3A_329, %gather3A_330 : vector<16xf32>
        %gather3A_332 = tpu.vector_load_idx %arg8[%get3A_324] : memref<10240xf32, #tpu.memory_space<vmem>>[vector<16xi32>], vector<16xf32>,
        %gt3A_333 = arith.cmpf ogt, %add3A_331, %gather3A_332 : vector<16xf32>
        tpu.vector_store_idx %arg8[%get3A_324], %add3A_331 masked %gt3A_333 : memref<10240xf32, #tpu.memory_space<vmem>>[vector<16xi32>], vector<16xf32>, vector<16xi1>
        %add3A_334 = arith.constant 112 : i32
        %add3A_335 = arith.addi %mul3A_231, %add3A_334 : i32
        %get3A_336 = arith.constant 1 : i32
        %get3A_337 = arith.index_cast %get3A_336 : i32 to index
        %get3A_338 = arith.index_cast %add3A_335 : i32 to index
        %get3A_339 = tpu.vector_load %arg9[%get3A_337, %get3A_338] {strides = array<i32>} : memref<2x6400xi32, #tpu.memory_space<vmem>>, vector<16xi32>,
        %get3A_340 = arith.constant 1 : i32
        %get3A_341 = arith.index_cast %get3A_340 : i32 to index
        %get3A_342 = arith.index_cast %add3A_335 : i32 to index
        %get3A_343 = tpu.vector_load %arg10[%get3A_341, %get3A_342] {strides = array<i32>} : memref<2x6400xi32, #tpu.memory_space<vmem>>, vector<16xi32>,
        %gather3A_344 = tpu.vector_load_idx %arg6[%get3A_339] : memref<10240xf32, #tpu.memory_space<vmem>>[vector<16xi32>], vector<16xf32>,
        %gather3A_345 = tpu.vector_load_idx %arg7[%get3A_343] : memref<10240xf32, #tpu.memory_space<vmem>>[vector<16xi32>], vector<16xf32>,
        %add3A_346 = arith.addf %gather3A_344, %gather3A_345 : vector<16xf32>
        %gather3A_347 = tpu.vector_load_idx %arg8[%get3A_339] : memref<10240xf32, #tpu.memory_space<vmem>>[vector<16xi32>], vector<16xf32>,
        %gt3A_348 = arith.cmpf ogt, %add3A_346, %gather3A_347 : vector<16xf32>
        tpu.vector_store_idx %arg8[%get3A_339], %add3A_346 masked %gt3A_348 : memref<10240xf32, #tpu.memory_space<vmem>>[vector<16xi32>], vector<16xf32>, vector<16xi1>
        %broadcast_in_dim3A_349 = arith.constant false
        %broadcast_in_dim3A_350 = vector.broadcast %broadcast_in_dim3A_349 : i1 to vector<16xi1>
        %gather3A_351 = tpu.vector_load_idx %arg8[%get3A_236] : memref<10240xf32, #tpu.memory_space<vmem>>[vector<16xi32>], vector<16xf32>,
        %gt3A_352 = arith.cmpf ogt, %add3A_242, %gather3A_351 : vector<16xf32>
        %or3A = arith.ori %broadcast_in_dim3A_350, %gt3A_352 : vector<16xi1>
        %gather3A_353 = tpu.vector_load_idx %arg8[%get3A_249] : memref<10240xf32, #tpu.memory_space<vmem>>[vector<16xi32>], vector<16xf32>,
        %gt3A_354 = arith.cmpf ogt, %add3A_256, %gather3A_353 : vector<16xf32>
        %or3A_355 = arith.ori %or3A, %gt3A_354 : vector<16xi1>
        %gather3A_356 = tpu.vector_load_idx %arg8[%get3A_264] : memref<10240xf32, #tpu.memory_space<vmem>>[vector<16xi32>], vector<16xf32>,
        %gt3A_357 = arith.cmpf ogt, %add3A_271, %gather3A_356 : vector<16xf32>
        %or3A_358 = arith.ori %or3A_355, %gt3A_357 : vector<16xi1>
        %gather3A_359 = tpu.vector_load_idx %arg8[%get3A_279] : memref<10240xf32, #tpu.memory_space<vmem>>[vector<16xi32>], vector<16xf32>,
        %gt3A_360 = arith.cmpf ogt, %add3A_286, %gather3A_359 : vector<16xf32>
        %or3A_361 = arith.ori %or3A_358, %gt3A_360 : vector<16xi1>
        %gather3A_362 = tpu.vector_load_idx %arg8[%get3A_294] : memref<10240xf32, #tpu.memory_space<vmem>>[vector<16xi32>], vector<16xf32>,
        %gt3A_363 = arith.cmpf ogt, %add3A_301, %gather3A_362 : vector<16xf32>
        %or3A_364 = arith.ori %or3A_361, %gt3A_363 : vector<16xi1>
        %gather3A_365 = tpu.vector_load_idx %arg8[%get3A_309] : memref<10240xf32, #tpu.memory_space<vmem>>[vector<16xi32>], vector<16xf32>,
        %gt3A_366 = arith.cmpf ogt, %add3A_316, %gather3A_365 : vector<16xf32>
        %or3A_367 = arith.ori %or3A_364, %gt3A_366 : vector<16xi1>
        %gather3A_368 = tpu.vector_load_idx %arg8[%get3A_324] : memref<10240xf32, #tpu.memory_space<vmem>>[vector<16xi32>], vector<16xf32>,
        %gt3A_369 = arith.cmpf ogt, %add3A_331, %gather3A_368 : vector<16xf32>
        %or3A_370 = arith.ori %or3A_367, %gt3A_369 : vector<16xi1>
        %gather3A_371 = tpu.vector_load_idx %arg8[%get3A_339] : memref<10240xf32, #tpu.memory_space<vmem>>[vector<16xi32>], vector<16xf32>,
        %gt3A_372 = arith.cmpf ogt, %add3A_346, %gather3A_371 : vector<16xf32>
        %or3A_373 = arith.ori %or3A_370, %gt3A_372 : vector<16xi1>
        %reduce_or3A = arith.constant 1.000000e+00 : f32
        %reduce_or3A_374 = arith.constant 0.000000e+00 : f32
        %reduce_or3A_375 = vector.broadcast %reduce_or3A : f32 to vector<16xf32>
        %reduce_or3A_376 = vector.broadcast %reduce_or3A_374 : f32 to vector<16xf32>
        %reduce_or3A_377 = arith.select %or3A_373, %reduce_or3A_375, %reduce_or3A_376 : vector<16xi1>, vector<16xf32>
        %reduce_or3A_378 = arith.constant true
        %reduce_or3A_379 = vector.broadcast %reduce_or3A_378 : i1 to vector<16xi1>
        %reduce_or3A_380 = tpu.scan <max>, %reduce_or3A_377 masked %reduce_or3A_379 : vector<16xf32>, vector<16xi1> -> vector<16xf32>
        %reduce_or3A_381 = vector.extract %reduce_or3A_380[15] : f32 from vector<16xf32>
        %reduce_or3A_382 = arith.constant 0.000000e+00 : f32
        %reduce_or3A_383 = arith.cmpf ogt, %reduce_or3A_381, %reduce_or3A_382 : f32
        %convert_element_type3A = arith.extui %reduce_or3A_383 : i1 to i32
        %cond3A = arith.constant 0 : i32
        %cond3A_384 = arith.constant 0 : i32
        %cond3A_385 = arith.cmpi ne, %convert_element_type3A, %cond3A_384 : i32
        %cond3A_386 = scf.if %cond3A_385 -> (i32) {
          %gather3A_388 = tpu.vector_load_idx %arg8[%get3A_236] : memref<10240xf32, #tpu.memory_space<vmem>>[vector<16xi32>], vector<16xf32>,
          %gt3A_389 = arith.cmpf ogt, %add3A_242, %gather3A_388 : vector<16xf32>
          %while3A = scf.while (%while3A_412 = %gt3A_389) : (vector<16xi1>) -> vector<16xi1> {
            %reduce_or3A_413 = arith.constant 1.000000e+00 : f32
            %reduce_or3A_414 = arith.constant 0.000000e+00 : f32
            %reduce_or3A_415 = vector.broadcast %reduce_or3A_413 : f32 to vector<16xf32>
            %reduce_or3A_416 = vector.broadcast %reduce_or3A_414 : f32 to vector<16xf32>
            %reduce_or3A_417 = arith.select %while3A_412, %reduce_or3A_415, %reduce_or3A_416 : vector<16xi1>, vector<16xf32>
            %reduce_or3A_418 = arith.constant true
            %reduce_or3A_419 = vector.broadcast %reduce_or3A_418 : i1 to vector<16xi1>
            %reduce_or3A_420 = tpu.scan <max>, %reduce_or3A_417 masked %reduce_or3A_419 : vector<16xf32>, vector<16xi1> -> vector<16xf32>
            %reduce_or3A_421 = vector.extract %reduce_or3A_420[15] : f32 from vector<16xf32>
            %reduce_or3A_422 = arith.constant 0.000000e+00 : f32
            %reduce_or3A_423 = arith.cmpf ogt, %reduce_or3A_421, %reduce_or3A_422 : f32
            scf.condition(%reduce_or3A_423) %while3A_412 : vector<16xi1>
          } do {
          ^bb0(%while3A_412: vector<16xi1>):
            tpu.vector_store_idx %arg8[%get3A_236], %add3A_242 masked %while3A_412 : memref<10240xf32, #tpu.memory_space<vmem>>[vector<16xi32>], vector<16xf32>, vector<16xi1>
            %gather3A_413 = tpu.vector_load_idx %arg8[%get3A_236] : memref<10240xf32, #tpu.memory_space<vmem>>[vector<16xi32>], vector<16xf32>,
            %gt3A_414 = arith.cmpf ogt, %add3A_242, %gather3A_413 : vector<16xf32>
            scf.yield %gt3A_414 : vector<16xi1>
          }
          %gather3A_390 = tpu.vector_load_idx %arg8[%get3A_249] : memref<10240xf32, #tpu.memory_space<vmem>>[vector<16xi32>], vector<16xf32>,
          %gt3A_391 = arith.cmpf ogt, %add3A_256, %gather3A_390 : vector<16xf32>
          %while3A_392 = scf.while (%while3A_412 = %gt3A_391) : (vector<16xi1>) -> vector<16xi1> {
            %reduce_or3A_413 = arith.constant 1.000000e+00 : f32
            %reduce_or3A_414 = arith.constant 0.000000e+00 : f32
            %reduce_or3A_415 = vector.broadcast %reduce_or3A_413 : f32 to vector<16xf32>
            %reduce_or3A_416 = vector.broadcast %reduce_or3A_414 : f32 to vector<16xf32>
            %reduce_or3A_417 = arith.select %while3A_412, %reduce_or3A_415, %reduce_or3A_416 : vector<16xi1>, vector<16xf32>
            %reduce_or3A_418 = arith.constant true
            %reduce_or3A_419 = vector.broadcast %reduce_or3A_418 : i1 to vector<16xi1>
            %reduce_or3A_420 = tpu.scan <max>, %reduce_or3A_417 masked %reduce_or3A_419 : vector<16xf32>, vector<16xi1> -> vector<16xf32>
            %reduce_or3A_421 = vector.extract %reduce_or3A_420[15] : f32 from vector<16xf32>
            %reduce_or3A_422 = arith.constant 0.000000e+00 : f32
            %reduce_or3A_423 = arith.cmpf ogt, %reduce_or3A_421, %reduce_or3A_422 : f32
            scf.condition(%reduce_or3A_423) %while3A_412 : vector<16xi1>
          } do {
          ^bb0(%while3A_412: vector<16xi1>):
            tpu.vector_store_idx %arg8[%get3A_249], %add3A_256 masked %while3A_412 : memref<10240xf32, #tpu.memory_space<vmem>>[vector<16xi32>], vector<16xf32>, vector<16xi1>
            %gather3A_413 = tpu.vector_load_idx %arg8[%get3A_249] : memref<10240xf32, #tpu.memory_space<vmem>>[vector<16xi32>], vector<16xf32>,
            %gt3A_414 = arith.cmpf ogt, %add3A_256, %gather3A_413 : vector<16xf32>
            scf.yield %gt3A_414 : vector<16xi1>
          }
          %gather3A_393 = tpu.vector_load_idx %arg8[%get3A_264] : memref<10240xf32, #tpu.memory_space<vmem>>[vector<16xi32>], vector<16xf32>,
          %gt3A_394 = arith.cmpf ogt, %add3A_271, %gather3A_393 : vector<16xf32>
          %while3A_395 = scf.while (%while3A_412 = %gt3A_394) : (vector<16xi1>) -> vector<16xi1> {
            %reduce_or3A_413 = arith.constant 1.000000e+00 : f32
            %reduce_or3A_414 = arith.constant 0.000000e+00 : f32
            %reduce_or3A_415 = vector.broadcast %reduce_or3A_413 : f32 to vector<16xf32>
            %reduce_or3A_416 = vector.broadcast %reduce_or3A_414 : f32 to vector<16xf32>
            %reduce_or3A_417 = arith.select %while3A_412, %reduce_or3A_415, %reduce_or3A_416 : vector<16xi1>, vector<16xf32>
            %reduce_or3A_418 = arith.constant true
            %reduce_or3A_419 = vector.broadcast %reduce_or3A_418 : i1 to vector<16xi1>
            %reduce_or3A_420 = tpu.scan <max>, %reduce_or3A_417 masked %reduce_or3A_419 : vector<16xf32>, vector<16xi1> -> vector<16xf32>
            %reduce_or3A_421 = vector.extract %reduce_or3A_420[15] : f32 from vector<16xf32>
            %reduce_or3A_422 = arith.constant 0.000000e+00 : f32
            %reduce_or3A_423 = arith.cmpf ogt, %reduce_or3A_421, %reduce_or3A_422 : f32
            scf.condition(%reduce_or3A_423) %while3A_412 : vector<16xi1>
          } do {
          ^bb0(%while3A_412: vector<16xi1>):
            tpu.vector_store_idx %arg8[%get3A_264], %add3A_271 masked %while3A_412 : memref<10240xf32, #tpu.memory_space<vmem>>[vector<16xi32>], vector<16xf32>, vector<16xi1>
            %gather3A_413 = tpu.vector_load_idx %arg8[%get3A_264] : memref<10240xf32, #tpu.memory_space<vmem>>[vector<16xi32>], vector<16xf32>,
            %gt3A_414 = arith.cmpf ogt, %add3A_271, %gather3A_413 : vector<16xf32>
            scf.yield %gt3A_414 : vector<16xi1>
          }
          %gather3A_396 = tpu.vector_load_idx %arg8[%get3A_279] : memref<10240xf32, #tpu.memory_space<vmem>>[vector<16xi32>], vector<16xf32>,
          %gt3A_397 = arith.cmpf ogt, %add3A_286, %gather3A_396 : vector<16xf32>
          %while3A_398 = scf.while (%while3A_412 = %gt3A_397) : (vector<16xi1>) -> vector<16xi1> {
            %reduce_or3A_413 = arith.constant 1.000000e+00 : f32
            %reduce_or3A_414 = arith.constant 0.000000e+00 : f32
            %reduce_or3A_415 = vector.broadcast %reduce_or3A_413 : f32 to vector<16xf32>
            %reduce_or3A_416 = vector.broadcast %reduce_or3A_414 : f32 to vector<16xf32>
            %reduce_or3A_417 = arith.select %while3A_412, %reduce_or3A_415, %reduce_or3A_416 : vector<16xi1>, vector<16xf32>
            %reduce_or3A_418 = arith.constant true
            %reduce_or3A_419 = vector.broadcast %reduce_or3A_418 : i1 to vector<16xi1>
            %reduce_or3A_420 = tpu.scan <max>, %reduce_or3A_417 masked %reduce_or3A_419 : vector<16xf32>, vector<16xi1> -> vector<16xf32>
            %reduce_or3A_421 = vector.extract %reduce_or3A_420[15] : f32 from vector<16xf32>
            %reduce_or3A_422 = arith.constant 0.000000e+00 : f32
            %reduce_or3A_423 = arith.cmpf ogt, %reduce_or3A_421, %reduce_or3A_422 : f32
            scf.condition(%reduce_or3A_423) %while3A_412 : vector<16xi1>
          } do {
          ^bb0(%while3A_412: vector<16xi1>):
            tpu.vector_store_idx %arg8[%get3A_279], %add3A_286 masked %while3A_412 : memref<10240xf32, #tpu.memory_space<vmem>>[vector<16xi32>], vector<16xf32>, vector<16xi1>
            %gather3A_413 = tpu.vector_load_idx %arg8[%get3A_279] : memref<10240xf32, #tpu.memory_space<vmem>>[vector<16xi32>], vector<16xf32>,
            %gt3A_414 = arith.cmpf ogt, %add3A_286, %gather3A_413 : vector<16xf32>
            scf.yield %gt3A_414 : vector<16xi1>
          }
          %gather3A_399 = tpu.vector_load_idx %arg8[%get3A_294] : memref<10240xf32, #tpu.memory_space<vmem>>[vector<16xi32>], vector<16xf32>,
          %gt3A_400 = arith.cmpf ogt, %add3A_301, %gather3A_399 : vector<16xf32>
          %while3A_401 = scf.while (%while3A_412 = %gt3A_400) : (vector<16xi1>) -> vector<16xi1> {
            %reduce_or3A_413 = arith.constant 1.000000e+00 : f32
            %reduce_or3A_414 = arith.constant 0.000000e+00 : f32
            %reduce_or3A_415 = vector.broadcast %reduce_or3A_413 : f32 to vector<16xf32>
            %reduce_or3A_416 = vector.broadcast %reduce_or3A_414 : f32 to vector<16xf32>
            %reduce_or3A_417 = arith.select %while3A_412, %reduce_or3A_415, %reduce_or3A_416 : vector<16xi1>, vector<16xf32>
            %reduce_or3A_418 = arith.constant true
            %reduce_or3A_419 = vector.broadcast %reduce_or3A_418 : i1 to vector<16xi1>
            %reduce_or3A_420 = tpu.scan <max>, %reduce_or3A_417 masked %reduce_or3A_419 : vector<16xf32>, vector<16xi1> -> vector<16xf32>
            %reduce_or3A_421 = vector.extract %reduce_or3A_420[15] : f32 from vector<16xf32>
            %reduce_or3A_422 = arith.constant 0.000000e+00 : f32
            %reduce_or3A_423 = arith.cmpf ogt, %reduce_or3A_421, %reduce_or3A_422 : f32
            scf.condition(%reduce_or3A_423) %while3A_412 : vector<16xi1>
          } do {
          ^bb0(%while3A_412: vector<16xi1>):
            tpu.vector_store_idx %arg8[%get3A_294], %add3A_301 masked %while3A_412 : memref<10240xf32, #tpu.memory_space<vmem>>[vector<16xi32>], vector<16xf32>, vector<16xi1>
            %gather3A_413 = tpu.vector_load_idx %arg8[%get3A_294] : memref<10240xf32, #tpu.memory_space<vmem>>[vector<16xi32>], vector<16xf32>,
            %gt3A_414 = arith.cmpf ogt, %add3A_301, %gather3A_413 : vector<16xf32>
            scf.yield %gt3A_414 : vector<16xi1>
          }
          %gather3A_402 = tpu.vector_load_idx %arg8[%get3A_309] : memref<10240xf32, #tpu.memory_space<vmem>>[vector<16xi32>], vector<16xf32>,
          %gt3A_403 = arith.cmpf ogt, %add3A_316, %gather3A_402 : vector<16xf32>
          %while3A_404 = scf.while (%while3A_412 = %gt3A_403) : (vector<16xi1>) -> vector<16xi1> {
            %reduce_or3A_413 = arith.constant 1.000000e+00 : f32
            %reduce_or3A_414 = arith.constant 0.000000e+00 : f32
            %reduce_or3A_415 = vector.broadcast %reduce_or3A_413 : f32 to vector<16xf32>
            %reduce_or3A_416 = vector.broadcast %reduce_or3A_414 : f32 to vector<16xf32>
            %reduce_or3A_417 = arith.select %while3A_412, %reduce_or3A_415, %reduce_or3A_416 : vector<16xi1>, vector<16xf32>
            %reduce_or3A_418 = arith.constant true
            %reduce_or3A_419 = vector.broadcast %reduce_or3A_418 : i1 to vector<16xi1>
            %reduce_or3A_420 = tpu.scan <max>, %reduce_or3A_417 masked %reduce_or3A_419 : vector<16xf32>, vector<16xi1> -> vector<16xf32>
            %reduce_or3A_421 = vector.extract %reduce_or3A_420[15] : f32 from vector<16xf32>
            %reduce_or3A_422 = arith.constant 0.000000e+00 : f32
            %reduce_or3A_423 = arith.cmpf ogt, %reduce_or3A_421, %reduce_or3A_422 : f32
            scf.condition(%reduce_or3A_423) %while3A_412 : vector<16xi1>
          } do {
          ^bb0(%while3A_412: vector<16xi1>):
            tpu.vector_store_idx %arg8[%get3A_309], %add3A_316 masked %while3A_412 : memref<10240xf32, #tpu.memory_space<vmem>>[vector<16xi32>], vector<16xf32>, vector<16xi1>
            %gather3A_413 = tpu.vector_load_idx %arg8[%get3A_309] : memref<10240xf32, #tpu.memory_space<vmem>>[vector<16xi32>], vector<16xf32>,
            %gt3A_414 = arith.cmpf ogt, %add3A_316, %gather3A_413 : vector<16xf32>
            scf.yield %gt3A_414 : vector<16xi1>
          }
          %gather3A_405 = tpu.vector_load_idx %arg8[%get3A_324] : memref<10240xf32, #tpu.memory_space<vmem>>[vector<16xi32>], vector<16xf32>,
          %gt3A_406 = arith.cmpf ogt, %add3A_331, %gather3A_405 : vector<16xf32>
          %while3A_407 = scf.while (%while3A_412 = %gt3A_406) : (vector<16xi1>) -> vector<16xi1> {
            %reduce_or3A_413 = arith.constant 1.000000e+00 : f32
            %reduce_or3A_414 = arith.constant 0.000000e+00 : f32
            %reduce_or3A_415 = vector.broadcast %reduce_or3A_413 : f32 to vector<16xf32>
            %reduce_or3A_416 = vector.broadcast %reduce_or3A_414 : f32 to vector<16xf32>
            %reduce_or3A_417 = arith.select %while3A_412, %reduce_or3A_415, %reduce_or3A_416 : vector<16xi1>, vector<16xf32>
            %reduce_or3A_418 = arith.constant true
            %reduce_or3A_419 = vector.broadcast %reduce_or3A_418 : i1 to vector<16xi1>
            %reduce_or3A_420 = tpu.scan <max>, %reduce_or3A_417 masked %reduce_or3A_419 : vector<16xf32>, vector<16xi1> -> vector<16xf32>
            %reduce_or3A_421 = vector.extract %reduce_or3A_420[15] : f32 from vector<16xf32>
            %reduce_or3A_422 = arith.constant 0.000000e+00 : f32
            %reduce_or3A_423 = arith.cmpf ogt, %reduce_or3A_421, %reduce_or3A_422 : f32
            scf.condition(%reduce_or3A_423) %while3A_412 : vector<16xi1>
          } do {
          ^bb0(%while3A_412: vector<16xi1>):
            tpu.vector_store_idx %arg8[%get3A_324], %add3A_331 masked %while3A_412 : memref<10240xf32, #tpu.memory_space<vmem>>[vector<16xi32>], vector<16xf32>, vector<16xi1>
            %gather3A_413 = tpu.vector_load_idx %arg8[%get3A_324] : memref<10240xf32, #tpu.memory_space<vmem>>[vector<16xi32>], vector<16xf32>,
            %gt3A_414 = arith.cmpf ogt, %add3A_331, %gather3A_413 : vector<16xf32>
            scf.yield %gt3A_414 : vector<16xi1>
          }
          %gather3A_408 = tpu.vector_load_idx %arg8[%get3A_339] : memref<10240xf32, #tpu.memory_space<vmem>>[vector<16xi32>], vector<16xf32>,
          %gt3A_409 = arith.cmpf ogt, %add3A_346, %gather3A_408 : vector<16xf32>
          %while3A_410 = scf.while (%while3A_412 = %gt3A_409) : (vector<16xi1>) -> vector<16xi1> {
            %reduce_or3A_413 = arith.constant 1.000000e+00 : f32
            %reduce_or3A_414 = arith.constant 0.000000e+00 : f32
            %reduce_or3A_415 = vector.broadcast %reduce_or3A_413 : f32 to vector<16xf32>
            %reduce_or3A_416 = vector.broadcast %reduce_or3A_414 : f32 to vector<16xf32>
            %reduce_or3A_417 = arith.select %while3A_412, %reduce_or3A_415, %reduce_or3A_416 : vector<16xi1>, vector<16xf32>
            %reduce_or3A_418 = arith.constant true
            %reduce_or3A_419 = vector.broadcast %reduce_or3A_418 : i1 to vector<16xi1>
            %reduce_or3A_420 = tpu.scan <max>, %reduce_or3A_417 masked %reduce_or3A_419 : vector<16xf32>, vector<16xi1> -> vector<16xf32>
            %reduce_or3A_421 = vector.extract %reduce_or3A_420[15] : f32 from vector<16xf32>
            %reduce_or3A_422 = arith.constant 0.000000e+00 : f32
            %reduce_or3A_423 = arith.cmpf ogt, %reduce_or3A_421, %reduce_or3A_422 : f32
            scf.condition(%reduce_or3A_423) %while3A_412 : vector<16xi1>
          } do {
          ^bb0(%while3A_412: vector<16xi1>):
            tpu.vector_store_idx %arg8[%get3A_339], %add3A_346 masked %while3A_412 : memref<10240xf32, #tpu.memory_space<vmem>>[vector<16xi32>], vector<16xf32>, vector<16xi1>
            %gather3A_413 = tpu.vector_load_idx %arg8[%get3A_339] : memref<10240xf32, #tpu.memory_space<vmem>>[vector<16xi32>], vector<16xf32>,
            %gt3A_414 = arith.cmpf ogt, %add3A_346, %gather3A_413 : vector<16xf32>
            scf.yield %gt3A_414 : vector<16xi1>
          }
          %cond3A_411 = arith.constant 0 : i32
          scf.yield %cond3A_411 : i32
        } else {
          %cond3A_388 = arith.constant 0 : i32
          scf.yield %cond3A_388 : i32
        }
        %scan3A_387 = arith.constant 0 : i32
        scf.yield %scan3A_387 : i32
      }
      %scan3A_198 = arith.constant 50 : i32
      %mul3A_199 = arith.constant 2 : i32
      %mul3A_200 = arith.muli %mul3A_199, %scan3A_111 : i32
      %add3A_201 = arith.constant 1 : i32
      %add3A_202 = arith.addi %mul3A_200, %add3A_201 : i32
      %add3A_203 = arith.constant 2 : i32
      %add3A_204 = arith.addi %add3A_202, %add3A_203 : i32
      %min3A_205 = arith.constant 49 : i32
      %min3A_206 = arith.minsi %add3A_204, %min3A_205 : i32
      %mul3A_207 = arith.constant 6400 : i32
      %mul3A_208 = arith.muli %min3A_206, %mul3A_207 : i32
      %dma_start3A_209 = arith.constant 1 : i32
      %dma_start3A_210 = arith.constant 0 : i32
      %dma_start3A_211 = tpu.memref_slice %arg9[%dma_start3A_209, %dma_start3A_210] : memref<2x6400xi32, #tpu.memory_space<vmem>> -> memref<1x6400xi32, #tpu.memory_space<vmem>>
      %dma_start3A_212 = tpu.memref_squeeze %dma_start3A_211 : memref<1x6400xi32, #tpu.memory_space<vmem>> -> memref<6400xi32, #tpu.memory_space<vmem>>
      %dma_start3A_213 = tpu.memref_slice %arg3[%mul3A_208] : memref<320000xi32, #tpu.memory_space<hbm>> -> memref<6400xi32, #tpu.memory_space<hbm>>
      %dma_start3A_214 = arith.constant 0 : i32
      %dma_start3A_215 = tpu.memref_slice %arg9[%dma_start3A_209, %dma_start3A_214] : memref<2x6400xi32, #tpu.memory_space<vmem>> -> memref<1x6400xi32, #tpu.memory_space<vmem>>
      %dma_start3A_216 = tpu.memref_squeeze %dma_start3A_215 : memref<1x6400xi32, #tpu.memory_space<vmem>> -> memref<6400xi32, #tpu.memory_space<vmem>>
      %dma_start3A_217 = tpu.memref_slice %arg3[%mul3A_208] : memref<320000xi32, #tpu.memory_space<hbm>> -> memref<6400xi32, #tpu.memory_space<hbm>>
      tpu.enqueue_dma source(%dma_start3A_217 : memref<6400xi32, #tpu.memory_space<hbm>>) target(%dma_start3A_216 : memref<6400xi32, #tpu.memory_space<vmem>>) target_semaphore(%arg12 : memref<!tpu.dma_semaphore, #tpu.memory_space<semaphore_mem>>)
      %dma_start3A_218 = arith.constant 1 : i32
      %dma_start3A_219 = arith.constant 0 : i32
      %dma_start3A_220 = tpu.memref_slice %arg10[%dma_start3A_218, %dma_start3A_219] : memref<2x6400xi32, #tpu.memory_space<vmem>> -> memref<1x6400xi32, #tpu.memory_space<vmem>>
      %dma_start3A_221 = tpu.memref_squeeze %dma_start3A_220 : memref<1x6400xi32, #tpu.memory_space<vmem>> -> memref<6400xi32, #tpu.memory_space<vmem>>
      %dma_start3A_222 = tpu.memref_slice %arg4[%mul3A_208] : memref<320000xi32, #tpu.memory_space<hbm>> -> memref<6400xi32, #tpu.memory_space<hbm>>
      %dma_start3A_223 = arith.constant 0 : i32
      %dma_start3A_224 = tpu.memref_slice %arg10[%dma_start3A_218, %dma_start3A_223] : memref<2x6400xi32, #tpu.memory_space<vmem>> -> memref<1x6400xi32, #tpu.memory_space<vmem>>
      %dma_start3A_225 = tpu.memref_squeeze %dma_start3A_224 : memref<1x6400xi32, #tpu.memory_space<vmem>> -> memref<6400xi32, #tpu.memory_space<vmem>>
      %dma_start3A_226 = tpu.memref_slice %arg4[%mul3A_208] : memref<320000xi32, #tpu.memory_space<hbm>> -> memref<6400xi32, #tpu.memory_space<hbm>>
      tpu.enqueue_dma source(%dma_start3A_226 : memref<6400xi32, #tpu.memory_space<hbm>>) target(%dma_start3A_225 : memref<6400xi32, #tpu.memory_space<vmem>>) target_semaphore(%arg12 : memref<!tpu.dma_semaphore, #tpu.memory_space<semaphore_mem>>)
      %scan3A_227 = arith.constant 0 : i32
      scf.yield %scan3A_227 : i32
    }
    %scan3A_60 = arith.constant 25 : i32
    %dma_wait3A = arith.constant 0 : i32
    %dma_wait3A_61 = arith.constant 0 : i32
    %dma_wait3A_62 = tpu.memref_slice %arg9[%dma_wait3A, %dma_wait3A_61] : memref<2x6400xi32, #tpu.memory_space<vmem>> -> memref<1x6400xi32, #tpu.memory_space<vmem>>
    %dma_wait3A_63 = tpu.memref_squeeze %dma_wait3A_62 : memref<1x6400xi32, #tpu.memory_space<vmem>> -> memref<6400xi32, #tpu.memory_space<vmem>>
    %dma_wait3A_64 = arith.constant 0 : i32
    %dma_wait3A_65 = tpu.memref_slice %arg3[%dma_wait3A_64] : memref<320000xi32, #tpu.memory_space<hbm>> -> memref<6400xi32, #tpu.memory_space<hbm>>
    %dma_wait3A_66 = arith.constant 0 : i32
    %dma_wait3A_67 = tpu.memref_slice %arg9[%dma_wait3A, %dma_wait3A_66] : memref<2x6400xi32, #tpu.memory_space<vmem>> -> memref<1x6400xi32, #tpu.memory_space<vmem>>
    %dma_wait3A_68 = tpu.memref_squeeze %dma_wait3A_67 : memref<1x6400xi32, #tpu.memory_space<vmem>> -> memref<6400xi32, #tpu.memory_space<vmem>>
    %dma_wait3A_69 = arith.constant 0 : i32
    %dma_wait3A_70 = tpu.memref_slice %arg3[%dma_wait3A_69] : memref<320000xi32, #tpu.memory_space<hbm>> -> memref<6400xi32, #tpu.memory_space<hbm>>
    tpu.wait_dma2 semaphore(%arg11 : memref<!tpu.dma_semaphore, #tpu.memory_space<semaphore_mem>>) src(%dma_wait3A_70 : memref<6400xi32, #tpu.memory_space<hbm>>) dst(%dma_wait3A_68 : memref<6400xi32, #tpu.memory_space<vmem>>)
    %dma_wait3A_71 = arith.constant 0 : i32
    %dma_wait3A_72 = arith.constant 0 : i32
    %dma_wait3A_73 = tpu.memref_slice %arg10[%dma_wait3A_71, %dma_wait3A_72] : memref<2x6400xi32, #tpu.memory_space<vmem>> -> memref<1x6400xi32, #tpu.memory_space<vmem>>
    %dma_wait3A_74 = tpu.memref_squeeze %dma_wait3A_73 : memref<1x6400xi32, #tpu.memory_space<vmem>> -> memref<6400xi32, #tpu.memory_space<vmem>>
    %dma_wait3A_75 = arith.constant 0 : i32
    %dma_wait3A_76 = tpu.memref_slice %arg4[%dma_wait3A_75] : memref<320000xi32, #tpu.memory_space<hbm>> -> memref<6400xi32, #tpu.memory_space<hbm>>
    %dma_wait3A_77 = arith.constant 0 : i32
    %dma_wait3A_78 = tpu.memref_slice %arg10[%dma_wait3A_71, %dma_wait3A_77] : memref<2x6400xi32, #tpu.memory_space<vmem>> -> memref<1x6400xi32, #tpu.memory_space<vmem>>
    %dma_wait3A_79 = tpu.memref_squeeze %dma_wait3A_78 : memref<1x6400xi32, #tpu.memory_space<vmem>> -> memref<6400xi32, #tpu.memory_space<vmem>>
    %dma_wait3A_80 = arith.constant 0 : i32
    %dma_wait3A_81 = tpu.memref_slice %arg4[%dma_wait3A_80] : memref<320000xi32, #tpu.memory_space<hbm>> -> memref<6400xi32, #tpu.memory_space<hbm>>
    tpu.wait_dma2 semaphore(%arg11 : memref<!tpu.dma_semaphore, #tpu.memory_space<semaphore_mem>>) src(%dma_wait3A_81 : memref<6400xi32, #tpu.memory_space<hbm>>) dst(%dma_wait3A_79 : memref<6400xi32, #tpu.memory_space<vmem>>)
    %dma_wait3A_82 = arith.constant 1 : i32
    %dma_wait3A_83 = arith.constant 0 : i32
    %dma_wait3A_84 = tpu.memref_slice %arg9[%dma_wait3A_82, %dma_wait3A_83] : memref<2x6400xi32, #tpu.memory_space<vmem>> -> memref<1x6400xi32, #tpu.memory_space<vmem>>
    %dma_wait3A_85 = tpu.memref_squeeze %dma_wait3A_84 : memref<1x6400xi32, #tpu.memory_space<vmem>> -> memref<6400xi32, #tpu.memory_space<vmem>>
    %dma_wait3A_86 = arith.constant 0 : i32
    %dma_wait3A_87 = tpu.memref_slice %arg3[%dma_wait3A_86] : memref<320000xi32, #tpu.memory_space<hbm>> -> memref<6400xi32, #tpu.memory_space<hbm>>
    %dma_wait3A_88 = arith.constant 0 : i32
    %dma_wait3A_89 = tpu.memref_slice %arg9[%dma_wait3A_82, %dma_wait3A_88] : memref<2x6400xi32, #tpu.memory_space<vmem>> -> memref<1x6400xi32, #tpu.memory_space<vmem>>
    %dma_wait3A_90 = tpu.memref_squeeze %dma_wait3A_89 : memref<1x6400xi32, #tpu.memory_space<vmem>> -> memref<6400xi32, #tpu.memory_space<vmem>>
    %dma_wait3A_91 = arith.constant 0 : i32
    %dma_wait3A_92 = tpu.memref_slice %arg3[%dma_wait3A_91] : memref<320000xi32, #tpu.memory_space<hbm>> -> memref<6400xi32, #tpu.memory_space<hbm>>
    tpu.wait_dma2 semaphore(%arg12 : memref<!tpu.dma_semaphore, #tpu.memory_space<semaphore_mem>>) src(%dma_wait3A_92 : memref<6400xi32, #tpu.memory_space<hbm>>) dst(%dma_wait3A_90 : memref<6400xi32, #tpu.memory_space<vmem>>)
    %dma_wait3A_93 = arith.constant 1 : i32
    %dma_wait3A_94 = arith.constant 0 : i32
    %dma_wait3A_95 = tpu.memref_slice %arg10[%dma_wait3A_93, %dma_wait3A_94] : memref<2x6400xi32, #tpu.memory_space<vmem>> -> memref<1x6400xi32, #tpu.memory_space<vmem>>
    %dma_wait3A_96 = tpu.memref_squeeze %dma_wait3A_95 : memref<1x6400xi32, #tpu.memory_space<vmem>> -> memref<6400xi32, #tpu.memory_space<vmem>>
    %dma_wait3A_97 = arith.constant 0 : i32
    %dma_wait3A_98 = tpu.memref_slice %arg4[%dma_wait3A_97] : memref<320000xi32, #tpu.memory_space<hbm>> -> memref<6400xi32, #tpu.memory_space<hbm>>
    %dma_wait3A_99 = arith.constant 0 : i32
    %dma_wait3A_100 = tpu.memref_slice %arg10[%dma_wait3A_93, %dma_wait3A_99] : memref<2x6400xi32, #tpu.memory_space<vmem>> -> memref<1x6400xi32, #tpu.memory_space<vmem>>
    %dma_wait3A_101 = tpu.memref_squeeze %dma_wait3A_100 : memref<1x6400xi32, #tpu.memory_space<vmem>> -> memref<6400xi32, #tpu.memory_space<vmem>>
    %dma_wait3A_102 = arith.constant 0 : i32
    %dma_wait3A_103 = tpu.memref_slice %arg4[%dma_wait3A_102] : memref<320000xi32, #tpu.memory_space<hbm>> -> memref<6400xi32, #tpu.memory_space<hbm>>
    tpu.wait_dma2 semaphore(%arg12 : memref<!tpu.dma_semaphore, #tpu.memory_space<semaphore_mem>>) src(%dma_wait3A_103 : memref<6400xi32, #tpu.memory_space<hbm>>) dst(%dma_wait3A_101 : memref<6400xi32, #tpu.memory_space<vmem>>)
    %scan3A_104 = arith.constant 0 : i32
    %scan3A_105 = arith.constant 0 : i32
    %scan3A_106 = arith.constant 640 : i32
    %scan3A_107 = arith.addi %scan3A_105, %scan3A_106 : i32
    %scan3A_108 = arith.constant 1 : i32
    %scan3A_109 = scf.for %scan3A_111 = %scan3A_105 to %scan3A_107 step %scan3A_108 iter_args(%scan3A_112 = %scan3A_104) -> (i32)  : i32 {
      %mul3A_113 = arith.constant 16 : i32
      %mul3A_114 = arith.muli %scan3A_111, %mul3A_113 : i32
      %get3A = arith.index_cast %mul3A_114 : i32 to index
      %get3A_115 = tpu.vector_load %arg8[%get3A] {strides = array<i32>} : memref<10240xf32, #tpu.memory_space<vmem>>, vector<16xf32>,
      %eq3A = arith.constant 0xFF800000 : f32
      %eq3A_116 = vector.broadcast %eq3A : f32 to vector<16xf32>
      %eq3A_117 = arith.cmpf oeq, %get3A_115, %eq3A_116 : vector<16xf32>
      %broadcast_in_dim3A_118 = arith.constant 0.000000e+00 : f32
      %broadcast_in_dim3A_119 = vector.broadcast %broadcast_in_dim3A_118 : f32 to vector<16xf32>
      %select_n3A = arith.select %eq3A_117, %broadcast_in_dim3A_119, %get3A_115 : vector<16xi1>, vector<16xf32>
      %swap3A = arith.index_cast %mul3A_114 : i32 to index
      %swap3A_120 = tpu.vector_load %arg8[%swap3A] {strides = array<i32>} : memref<10240xf32, #tpu.memory_space<vmem>>, vector<16xf32>,
      tpu.vector_store %arg8[%swap3A], %select_n3A {strides = array<i32>} : memref<10240xf32, #tpu.memory_space<vmem>>, vector<16xf32>,
      %scan3A_121 = arith.constant 0 : i32
      scf.yield %scan3A_121 : i32
    }
    %scan3A_110 = arith.constant 640 : i32
    "tpu.region"() ({
      %run_scoped3A = tpu.sem_alloc : memref<!tpu.dma_semaphore, #tpu.memory_space<semaphore_mem>>
      %dma_start3A_111 = arith.constant 0 : i32
      %dma_start3A_112 = tpu.memref_slice %arg5[%add3A, %dma_start3A_111] : memref<32x10240xf32, #tpu.memory_space<hbm>> -> memref<1x10240xf32, #tpu.memory_space<hbm>>
      %dma_start3A_113 = tpu.memref_squeeze %dma_start3A_112 : memref<1x10240xf32, #tpu.memory_space<hbm>> -> memref<10240xf32, #tpu.memory_space<hbm>>
      %dma_start3A_114 = arith.constant 0 : i32
      %dma_start3A_115 = tpu.memref_slice %arg5[%add3A, %dma_start3A_114] : memref<32x10240xf32, #tpu.memory_space<hbm>> -> memref<1x10240xf32, #tpu.memory_space<hbm>>
      %dma_start3A_116 = tpu.memref_squeeze %dma_start3A_115 : memref<1x10240xf32, #tpu.memory_space<hbm>> -> memref<10240xf32, #tpu.memory_space<hbm>>
      tpu.enqueue_dma source(%arg8 : memref<10240xf32, #tpu.memory_space<vmem>>) target(%dma_start3A_116 : memref<10240xf32, #tpu.memory_space<hbm>>) target_semaphore(%run_scoped3A : memref<!tpu.dma_semaphore, #tpu.memory_space<semaphore_mem>>)
      %dma_wait3A_117 = arith.constant 0 : i32
      %dma_wait3A_118 = tpu.memref_slice %arg5[%add3A, %dma_wait3A_117] : memref<32x10240xf32, #tpu.memory_space<hbm>> -> memref<1x10240xf32, #tpu.memory_space<hbm>>
      %dma_wait3A_119 = tpu.memref_squeeze %dma_wait3A_118 : memref<1x10240xf32, #tpu.memory_space<hbm>> -> memref<10240xf32, #tpu.memory_space<hbm>>
      %dma_wait3A_120 = arith.constant 0 : i32
      %dma_wait3A_121 = tpu.memref_slice %arg5[%add3A, %dma_wait3A_120] : memref<32x10240xf32, #tpu.memory_space<hbm>> -> memref<1x10240xf32, #tpu.memory_space<hbm>>
      %dma_wait3A_122 = tpu.memref_squeeze %dma_wait3A_121 : memref<1x10240xf32, #tpu.memory_space<hbm>> -> memref<10240xf32, #tpu.memory_space<hbm>>
      tpu.wait_dma2 semaphore(%run_scoped3A : memref<!tpu.dma_semaphore, #tpu.memory_space<semaphore_mem>>) src(%arg8 : memref<10240xf32, #tpu.memory_space<vmem>>) dst(%dma_wait3A_122 : memref<10240xf32, #tpu.memory_space<hbm>>)
      tpu.yield
    }) : () -> ()
    return
  }
}

#map = affine_map<(d0, d1) -> (0, 0)>
#map1 = affine_map<(d0, d1) -> (0)>
module attributes {stable_mosaic.version = 14 : i64} {
  func.func @k(%arg0: i32, %arg1: i32, %arg2: memref<64x10240xf32, #tpu.memory_space<hbm>>, %arg3: memref<320000xi32, #tpu.memory_space<hbm>>, %arg4: memref<320000xi32, #tpu.memory_space<hbm>>, %arg5: memref<32x10240xf32, #tpu.memory_space<hbm>>, %arg6: memref<10240xf32, #tpu.memory_space<vmem>>, %arg7: memref<10240xf32, #tpu.memory_space<vmem>>, %arg8: memref<10240xf32, #tpu.memory_space<vmem>>, %arg9: memref<2x6400xi32, #tpu.memory_space<vmem>>, %arg10: memref<2x6400xi32, #tpu.memory_space<vmem>>, %arg11: memref<!tpu.dma_semaphore, #tpu.memory_space<semaphore_mem>>, %arg12: memref<!tpu.dma_semaphore, #tpu.memory_space<semaphore_mem>>) attributes {dimension_semantics = [#tpu.dimension_semantics<core_parallel>, #tpu.dimension_semantics<subcore_parallel>], iteration_bounds = array<i64: 2, 16>, scalar_prefetch = 0 : i64, scratch_operands = 7 : i64, tpu.core_type = #tpu.core_type<sc_vector_subcore>, window_params = [{transform_indices = #map}, {transform_indices = #map1}, {transform_indices = #map1}, {transform_indices = #map}]} {
    %mul3A = arith.constant 2 : i32
    %mul3A_0 = arith.muli %arg1, %mul3A : i32
    %add3A = arith.addi %mul3A_0, %arg0 : i32
    "tpu.region"() ({
      %run_scoped3A = tpu.sem_alloc : memref<!tpu.dma_semaphore, #tpu.memory_space<semaphore_mem>>
      %dma_start3A_111 = arith.constant 0 : i32
      %dma_start3A_112 = tpu.memref_slice %arg2[%add3A, %dma_start3A_111] : memref<64x10240xf32, #tpu.memory_space<hbm>> -> memref<1x10240xf32, #tpu.memory_space<hbm>>
      %dma_start3A_113 = tpu.memref_squeeze %dma_start3A_112 : memref<1x10240xf32, #tpu.memory_space<hbm>> -> memref<10240xf32, #tpu.memory_space<hbm>>
      %dma_start3A_114 = arith.constant 0 : i32
      %dma_start3A_115 = tpu.memref_slice %arg2[%add3A, %dma_start3A_114] : memref<64x10240xf32, #tpu.memory_space<hbm>> -> memref<1x10240xf32, #tpu.memory_space<hbm>>
      %dma_start3A_116 = tpu.memref_squeeze %dma_start3A_115 : memref<1x10240xf32, #tpu.memory_space<hbm>> -> memref<10240xf32, #tpu.memory_space<hbm>>
      tpu.enqueue_dma source(%dma_start3A_116 : memref<10240xf32, #tpu.memory_space<hbm>>) target(%arg6 : memref<10240xf32, #tpu.memory_space<vmem>>) target_semaphore(%run_scoped3A : memref<!tpu.dma_semaphore, #tpu.memory_space<semaphore_mem>>)
      %dma_wait3A_117 = arith.constant 0 : i32
      %dma_wait3A_118 = tpu.memref_slice %arg2[%add3A, %dma_wait3A_117] : memref<64x10240xf32, #tpu.memory_space<hbm>> -> memref<1x10240xf32, #tpu.memory_space<hbm>>
      %dma_wait3A_119 = tpu.memref_squeeze %dma_wait3A_118 : memref<1x10240xf32, #tpu.memory_space<hbm>> -> memref<10240xf32, #tpu.memory_space<hbm>>
      %dma_wait3A_120 = arith.constant 0 : i32
      %dma_wait3A_121 = tpu.memref_slice %arg2[%add3A, %dma_wait3A_120] : memref<64x10240xf32, #tpu.memory_space<hbm>> -> memref<1x10240xf32, #tpu.memory_space<hbm>>
      %dma_wait3A_122 = tpu.memref_squeeze %dma_wait3A_121 : memref<1x10240xf32, #tpu.memory_space<hbm>> -> memref<10240xf32, #tpu.memory_space<hbm>>
      tpu.wait_dma2 semaphore(%run_scoped3A : memref<!tpu.dma_semaphore, #tpu.memory_space<semaphore_mem>>) src(%dma_wait3A_122 : memref<10240xf32, #tpu.memory_space<hbm>>) dst(%arg6 : memref<10240xf32, #tpu.memory_space<vmem>>)
      tpu.yield
    }) : () -> ()
    %add3A_1 = arith.constant 32 : i32
    %add3A_2 = arith.addi %add3A, %add3A_1 : i32
    "tpu.region"() ({
      %run_scoped3A = tpu.sem_alloc : memref<!tpu.dma_semaphore, #tpu.memory_space<semaphore_mem>>
      %dma_start3A_111 = arith.constant 0 : i32
      %dma_start3A_112 = tpu.memref_slice %arg2[%add3A_2, %dma_start3A_111] : memref<64x10240xf32, #tpu.memory_space<hbm>> -> memref<1x10240xf32, #tpu.memory_space<hbm>>
      %dma_start3A_113 = tpu.memref_squeeze %dma_start3A_112 : memref<1x10240xf32, #tpu.memory_space<hbm>> -> memref<10240xf32, #tpu.memory_space<hbm>>
      %dma_start3A_114 = arith.constant 0 : i32
      %dma_start3A_115 = tpu.memref_slice %arg2[%add3A_2, %dma_start3A_114] : memref<64x10240xf32, #tpu.memory_space<hbm>> -> memref<1x10240xf32, #tpu.memory_space<hbm>>
      %dma_start3A_116 = tpu.memref_squeeze %dma_start3A_115 : memref<1x10240xf32, #tpu.memory_space<hbm>> -> memref<10240xf32, #tpu.memory_space<hbm>>
      tpu.enqueue_dma source(%dma_start3A_116 : memref<10240xf32, #tpu.memory_space<hbm>>) target(%arg7 : memref<10240xf32, #tpu.memory_space<vmem>>) target_semaphore(%run_scoped3A : memref<!tpu.dma_semaphore, #tpu.memory_space<semaphore_mem>>)
      %dma_wait3A_117 = arith.constant 0 : i32
      %dma_wait3A_118 = tpu.memref_slice %arg2[%add3A_2, %dma_wait3A_117] : memref<64x10240xf32, #tpu.memory_space<hbm>> -> memref<1x10240xf32, #tpu.memory_space<hbm>>
      %dma_wait3A_119 = tpu.memref_squeeze %dma_wait3A_118 : memref<1x10240xf32, #tpu.memory_space<hbm>> -> memref<10240xf32, #tpu.memory_space<hbm>>
      %dma_wait3A_120 = arith.constant 0 : i32
      %dma_wait3A_121 = tpu.memref_slice %arg2[%add3A_2, %dma_wait3A_120] : memref<64x10240xf32, #tpu.memory_space<hbm>> -> memref<1x10240xf32, #tpu.memory_space<hbm>>
      %dma_wait3A_122 = tpu.memref_squeeze %dma_wait3A_121 : memref<1x10240xf32, #tpu.memory_space<hbm>> -> memref<10240xf32, #tpu.memory_space<hbm>>
      tpu.wait_dma2 semaphore(%run_scoped3A : memref<!tpu.dma_semaphore, #tpu.memory_space<semaphore_mem>>) src(%dma_wait3A_122 : memref<10240xf32, #tpu.memory_space<hbm>>) dst(%arg7 : memref<10240xf32, #tpu.memory_space<vmem>>)
      tpu.yield
    }) : () -> ()
    %broadcast_in_dim3A = arith.constant 0xFF800000 : f32
    %broadcast_in_dim3A_3 = vector.broadcast %broadcast_in_dim3A : f32 to vector<16xf32>
    %scan3A = arith.constant 0 : i32
    %scan3A_4 = arith.constant 0 : i32
    %scan3A_5 = arith.constant 640 : i32
    %scan3A_6 = arith.addi %scan3A_4, %scan3A_5 : i32
    %scan3A_7 = arith.constant 1 : i32
    %scan3A_8 = scf.for %scan3A_111 = %scan3A_4 to %scan3A_6 step %scan3A_7 iter_args(%scan3A_112 = %scan3A) -> (i32)  : i32 {
      %mul3A_113 = arith.constant 16 : i32
      %mul3A_114 = arith.muli %scan3A_111, %mul3A_113 : i32
      %swap3A = arith.index_cast %mul3A_114 : i32 to index
      %swap3A_115 = tpu.vector_load %arg8[%swap3A] {strides = array<i32>} : memref<10240xf32, #tpu.memory_space<vmem>>, vector<16xf32>,
      tpu.vector_store %arg8[%swap3A], %broadcast_in_dim3A_3 {strides = array<i32>} : memref<10240xf32, #tpu.memory_space<vmem>>, vector<16xf32>,
      %scan3A_116 = arith.constant 0 : i32
      scf.yield %scan3A_116 : i32
    }
    %scan3A_9 = arith.constant 640 : i32
    %min3A = arith.constant 0 : i32
    %min3A_10 = arith.constant 49 : i32
    %min3A_11 = arith.minsi %min3A, %min3A_10 : i32
    %mul3A_12 = arith.constant 6400 : i32
    %mul3A_13 = arith.muli %min3A_11, %mul3A_12 : i32
    %dma_start3A = arith.constant 0 : i32
    %dma_start3A_14 = arith.constant 0 : i32
    %dma_start3A_15 = tpu.memref_slice %arg9[%dma_start3A, %dma_start3A_14] : memref<2x6400xi32, #tpu.memory_space<vmem>> -> memref<1x6400xi32, #tpu.memory_space<vmem>>
    %dma_start3A_16 = tpu.memref_squeeze %dma_start3A_15 : memref<1x6400xi32, #tpu.memory_space<vmem>> -> memref<6400xi32, #tpu.memory_space<vmem>>
    %dma_start3A_17 = tpu.memref_slice %arg3[%mul3A_13] : memref<320000xi32, #tpu.memory_space<hbm>> -> memref<6400xi32, #tpu.memory_space<hbm>>
    %dma_start3A_18 = arith.constant 0 : i32
    %dma_start3A_19 = tpu.memref_slice %arg9[%dma_start3A, %dma_start3A_18] : memref<2x6400xi32, #tpu.memory_space<vmem>> -> memref<1x6400xi32, #tpu.memory_space<vmem>>
    %dma_start3A_20 = tpu.memref_squeeze %dma_start3A_19 : memref<1x6400xi32, #tpu.memory_space<vmem>> -> memref<6400xi32, #tpu.memory_space<vmem>>
    %dma_start3A_21 = tpu.memref_slice %arg3[%mul3A_13] : memref<320000xi32, #tpu.memory_space<hbm>> -> memref<6400xi32, #tpu.memory_space<hbm>>
    tpu.enqueue_dma source(%dma_start3A_21 : memref<6400xi32, #tpu.memory_space<hbm>>) target(%dma_start3A_20 : memref<6400xi32, #tpu.memory_space<vmem>>) target_semaphore(%arg11 : memref<!tpu.dma_semaphore, #tpu.memory_space<semaphore_mem>>)
    %dma_start3A_22 = arith.constant 0 : i32
    %dma_start3A_23 = arith.constant 0 : i32
    %dma_start3A_24 = tpu.memref_slice %arg10[%dma_start3A_22, %dma_start3A_23] : memref<2x6400xi32, #tpu.memory_space<vmem>> -> memref<1x6400xi32, #tpu.memory_space<vmem>>
    %dma_start3A_25 = tpu.memref_squeeze %dma_start3A_24 : memref<1x6400xi32, #tpu.memory_space<vmem>> -> memref<6400xi32, #tpu.memory_space<vmem>>
    %dma_start3A_26 = tpu.memref_slice %arg4[%mul3A_13] : memref<320000xi32, #tpu.memory_space<hbm>> -> memref<6400xi32, #tpu.memory_space<hbm>>
    %dma_start3A_27 = arith.constant 0 : i32
    %dma_start3A_28 = tpu.memref_slice %arg10[%dma_start3A_22, %dma_start3A_27] : memref<2x6400xi32, #tpu.memory_space<vmem>> -> memref<1x6400xi32, #tpu.memory_space<vmem>>
    %dma_start3A_29 = tpu.memref_squeeze %dma_start3A_28 : memref<1x6400xi32, #tpu.memory_space<vmem>> -> memref<6400xi32, #tpu.memory_space<vmem>>
    %dma_start3A_30 = tpu.memref_slice %arg4[%mul3A_13] : memref<320000xi32, #tpu.memory_space<hbm>> -> memref<6400xi32, #tpu.memory_space<hbm>>
    tpu.enqueue_dma source(%dma_start3A_30 : memref<6400xi32, #tpu.memory_space<hbm>>) target(%dma_start3A_29 : memref<6400xi32, #tpu.memory_space<vmem>>) target_semaphore(%arg11 : memref<!tpu.dma_semaphore, #tpu.memory_space<semaphore_mem>>)
    %min3A_31 = arith.constant 1 : i32
    %min3A_32 = arith.constant 49 : i32
    %min3A_33 = arith.minsi %min3A_31, %min3A_32 : i32
    %mul3A_34 = arith.constant 6400 : i32
    %mul3A_35 = arith.muli %min3A_33, %mul3A_34 : i32
    %dma_start3A_36 = arith.constant 1 : i32
    %dma_start3A_37 = arith.constant 0 : i32
    %dma_start3A_38 = tpu.memref_slice %arg9[%dma_start3A_36, %dma_start3A_37] : memref<2x6400xi32, #tpu.memory_space<vmem>> -> memref<1x6400xi32, #tpu.memory_space<vmem>>
    %dma_start3A_39 = tpu.memref_squeeze %dma_start3A_38 : memref<1x6400xi32, #tpu.memory_space<vmem>> -> memref<6400xi32, #tpu.memory_space<vmem>>
    %dma_start3A_40 = tpu.memref_slice %arg3[%mul3A_35] : memref<320000xi32, #tpu.memory_space<hbm>> -> memref<6400xi32, #tpu.memory_space<hbm>>
    %dma_start3A_41 = arith.constant 0 : i32
    %dma_start3A_42 = tpu.memref_slice %arg9[%dma_start3A_36, %dma_start3A_41] : memref<2x6400xi32, #tpu.memory_space<vmem>> -> memref<1x6400xi32, #tpu.memory_space<vmem>>
    %dma_start3A_43 = tpu.memref_squeeze %dma_start3A_42 : memref<1x6400xi32, #tpu.memory_space<vmem>> -> memref<6400xi32, #tpu.memory_space<vmem>>
    %dma_start3A_44 = tpu.memref_slice %arg3[%mul3A_35] : memref<320000xi32, #tpu.memory_space<hbm>> -> memref<6400xi32, #tpu.memory_space<hbm>>
    tpu.enqueue_dma source(%dma_start3A_44 : memref<6400xi32, #tpu.memory_space<hbm>>) target(%dma_start3A_43 : memref<6400xi32, #tpu.memory_space<vmem>>) target_semaphore(%arg12 : memref<!tpu.dma_semaphore, #tpu.memory_space<semaphore_mem>>)
    %dma_start3A_45 = arith.constant 1 : i32
    %dma_start3A_46 = arith.constant 0 : i32
    %dma_start3A_47 = tpu.memref_slice %arg10[%dma_start3A_45, %dma_start3A_46] : memref<2x6400xi32, #tpu.memory_space<vmem>> -> memref<1x6400xi32, #tpu.memory_space<vmem>>
    %dma_start3A_48 = tpu.memref_squeeze %dma_start3A_47 : memref<1x6400xi32, #tpu.memory_space<vmem>> -> memref<6400xi32, #tpu.memory_space<vmem>>
    %dma_start3A_49 = tpu.memref_slice %arg4[%mul3A_35] : memref<320000xi32, #tpu.memory_space<hbm>> -> memref<6400xi32, #tpu.memory_space<hbm>>
    %dma_start3A_50 = arith.constant 0 : i32
    %dma_start3A_51 = tpu.memref_slice %arg10[%dma_start3A_45, %dma_start3A_50] : memref<2x6400xi32, #tpu.memory_space<vmem>> -> memref<1x6400xi32, #tpu.memory_space<vmem>>
    %dma_start3A_52 = tpu.memref_squeeze %dma_start3A_51 : memref<1x6400xi32, #tpu.memory_space<vmem>> -> memref<6400xi32, #tpu.memory_space<vmem>>
    %dma_start3A_53 = tpu.memref_slice %arg4[%mul3A_35] : memref<320000xi32, #tpu.memory_space<hbm>> -> memref<6400xi32, #tpu.memory_space<hbm>>
    tpu.enqueue_dma source(%dma_start3A_53 : memref<6400xi32, #tpu.memory_space<hbm>>) target(%dma_start3A_52 : memref<6400xi32, #tpu.memory_space<vmem>>) target_semaphore(%arg12 : memref<!tpu.dma_semaphore, #tpu.memory_space<semaphore_mem>>)
    %scan3A_54 = arith.constant 0 : i32
    %scan3A_55 = arith.constant 0 : i32
    %scan3A_56 = arith.constant 25 : i32
    %scan3A_57 = arith.addi %scan3A_55, %scan3A_56 : i32
    %scan3A_58 = arith.constant 1 : i32
    %scan3A_59 = scf.for %scan3A_111 = %scan3A_55 to %scan3A_57 step %scan3A_58 iter_args(%scan3A_112 = %scan3A_54) -> (i32)  : i32 {
      %dma_wait3A_113 = arith.constant 0 : i32
      %dma_wait3A_114 = arith.constant 0 : i32
      %dma_wait3A_115 = tpu.memref_slice %arg9[%dma_wait3A_113, %dma_wait3A_114] : memref<2x6400xi32, #tpu.memory_space<vmem>> -> memref<1x6400xi32, #tpu.memory_space<vmem>>
      %dma_wait3A_116 = tpu.memref_squeeze %dma_wait3A_115 : memref<1x6400xi32, #tpu.memory_space<vmem>> -> memref<6400xi32, #tpu.memory_space<vmem>>
      %dma_wait3A_117 = arith.constant 0 : i32
      %dma_wait3A_118 = tpu.memref_slice %arg3[%dma_wait3A_117] : memref<320000xi32, #tpu.memory_space<hbm>> -> memref<6400xi32, #tpu.memory_space<hbm>>
      %dma_wait3A_119 = arith.constant 0 : i32
      %dma_wait3A_120 = tpu.memref_slice %arg9[%dma_wait3A_113, %dma_wait3A_119] : memref<2x6400xi32, #tpu.memory_space<vmem>> -> memref<1x6400xi32, #tpu.memory_space<vmem>>
      %dma_wait3A_121 = tpu.memref_squeeze %dma_wait3A_120 : memref<1x6400xi32, #tpu.memory_space<vmem>> -> memref<6400xi32, #tpu.memory_space<vmem>>
      %dma_wait3A_122 = arith.constant 0 : i32
      %dma_wait3A_123 = tpu.memref_slice %arg3[%dma_wait3A_122] : memref<320000xi32, #tpu.memory_space<hbm>> -> memref<6400xi32, #tpu.memory_space<hbm>>
      tpu.wait_dma2 semaphore(%arg11 : memref<!tpu.dma_semaphore, #tpu.memory_space<semaphore_mem>>) src(%dma_wait3A_123 : memref<6400xi32, #tpu.memory_space<hbm>>) dst(%dma_wait3A_121 : memref<6400xi32, #tpu.memory_space<vmem>>)
      %dma_wait3A_124 = arith.constant 0 : i32
      %dma_wait3A_125 = arith.constant 0 : i32
      %dma_wait3A_126 = tpu.memref_slice %arg10[%dma_wait3A_124, %dma_wait3A_125] : memref<2x6400xi32, #tpu.memory_space<vmem>> -> memref<1x6400xi32, #tpu.memory_space<vmem>>
      %dma_wait3A_127 = tpu.memref_squeeze %dma_wait3A_126 : memref<1x6400xi32, #tpu.memory_space<vmem>> -> memref<6400xi32, #tpu.memory_space<vmem>>
      %dma_wait3A_128 = arith.constant 0 : i32
      %dma_wait3A_129 = tpu.memref_slice %arg4[%dma_wait3A_128] : memref<320000xi32, #tpu.memory_space<hbm>> -> memref<6400xi32, #tpu.memory_space<hbm>>
      %dma_wait3A_130 = arith.constant 0 : i32
      %dma_wait3A_131 = tpu.memref_slice %arg10[%dma_wait3A_124, %dma_wait3A_130] : memref<2x6400xi32, #tpu.memory_space<vmem>> -> memref<1x6400xi32, #tpu.memory_space<vmem>>
      %dma_wait3A_132 = tpu.memref_squeeze %dma_wait3A_131 : memref<1x6400xi32, #tpu.memory_space<vmem>> -> memref<6400xi32, #tpu.memory_space<vmem>>
      %dma_wait3A_133 = arith.constant 0 : i32
      %dma_wait3A_134 = tpu.memref_slice %arg4[%dma_wait3A_133] : memref<320000xi32, #tpu.memory_space<hbm>> -> memref<6400xi32, #tpu.memory_space<hbm>>
      tpu.wait_dma2 semaphore(%arg11 : memref<!tpu.dma_semaphore, #tpu.memory_space<semaphore_mem>>) src(%dma_wait3A_134 : memref<6400xi32, #tpu.memory_space<hbm>>) dst(%dma_wait3A_132 : memref<6400xi32, #tpu.memory_space<vmem>>)
      %scan3A_135 = arith.constant 0 : i32
      %scan3A_136 = arith.constant 0 : i32
      %scan3A_137 = arith.constant 50 : i32
      %scan3A_138 = arith.addi %scan3A_136, %scan3A_137 : i32
      %scan3A_139 = arith.constant 1 : i32
      %scan3A_140 = scf.for %scan3A_228 = %scan3A_136 to %scan3A_138 step %scan3A_139 iter_args(%scan3A_229 = %scan3A_135) -> (i32)  : i32 {
        %mul3A_230 = arith.constant 128 : i32
        %mul3A_231 = arith.muli %scan3A_228, %mul3A_230 : i32
        %add3A_232 = arith.constant 0 : i32
        %add3A_233 = arith.addi %mul3A_231, %add3A_232 : i32
        %get3A = arith.constant 0 : i32
        %get3A_234 = arith.index_cast %get3A : i32 to index
        %get3A_235 = arith.index_cast %add3A_233 : i32 to index
        %get3A_236 = tpu.vector_load %arg9[%get3A_234, %get3A_235] {strides = array<i32>} : memref<2x6400xi32, #tpu.memory_space<vmem>>, vector<16xi32>,
        %get3A_237 = arith.constant 0 : i32
        %get3A_238 = arith.index_cast %get3A_237 : i32 to index
        %get3A_239 = arith.index_cast %add3A_233 : i32 to index
        %get3A_240 = tpu.vector_load %arg10[%get3A_238, %get3A_239] {strides = array<i32>} : memref<2x6400xi32, #tpu.memory_space<vmem>>, vector<16xi32>,
        %gather3A = tpu.vector_load_idx %arg6[%get3A_236] : memref<10240xf32, #tpu.memory_space<vmem>>[vector<16xi32>], vector<16xf32>,
        %gather3A_241 = tpu.vector_load_idx %arg7[%get3A_240] : memref<10240xf32, #tpu.memory_space<vmem>>[vector<16xi32>], vector<16xf32>,
        %add3A_242 = arith.addf %gather3A, %gather3A_241 : vector<16xf32>
        %gather3A_243 = tpu.vector_load_idx %arg8[%get3A_236] : memref<10240xf32, #tpu.memory_space<vmem>>[vector<16xi32>], vector<16xf32>,
        %gt3A = arith.cmpf ogt, %add3A_242, %gather3A_243 : vector<16xf32>
        tpu.vector_store_idx %arg8[%get3A_236], %add3A_242 masked %gt3A : memref<10240xf32, #tpu.memory_space<vmem>>[vector<16xi32>], vector<16xf32>, vector<16xi1>
        %add3A_244 = arith.constant 16 : i32
        %add3A_245 = arith.addi %mul3A_231, %add3A_244 : i32
        %get3A_246 = arith.constant 0 : i32
        %get3A_247 = arith.index_cast %get3A_246 : i32 to index
        %get3A_248 = arith.index_cast %add3A_245 : i32 to index
        %get3A_249 = tpu.vector_load %arg9[%get3A_247, %get3A_248] {strides = array<i32>} : memref<2x6400xi32, #tpu.memory_space<vmem>>, vector<16xi32>,
        %get3A_250 = arith.constant 0 : i32
        %get3A_251 = arith.index_cast %get3A_250 : i32 to index
        %get3A_252 = arith.index_cast %add3A_245 : i32 to index
        %get3A_253 = tpu.vector_load %arg10[%get3A_251, %get3A_252] {strides = array<i32>} : memref<2x6400xi32, #tpu.memory_space<vmem>>, vector<16xi32>,
        %gather3A_254 = tpu.vector_load_idx %arg6[%get3A_249] : memref<10240xf32, #tpu.memory_space<vmem>>[vector<16xi32>], vector<16xf32>,
        %gather3A_255 = tpu.vector_load_idx %arg7[%get3A_253] : memref<10240xf32, #tpu.memory_space<vmem>>[vector<16xi32>], vector<16xf32>,
        %add3A_256 = arith.addf %gather3A_254, %gather3A_255 : vector<16xf32>
        %gather3A_257 = tpu.vector_load_idx %arg8[%get3A_249] : memref<10240xf32, #tpu.memory_space<vmem>>[vector<16xi32>], vector<16xf32>,
        %gt3A_258 = arith.cmpf ogt, %add3A_256, %gather3A_257 : vector<16xf32>
        tpu.vector_store_idx %arg8[%get3A_249], %add3A_256 masked %gt3A_258 : memref<10240xf32, #tpu.memory_space<vmem>>[vector<16xi32>], vector<16xf32>, vector<16xi1>
        %add3A_259 = arith.constant 32 : i32
        %add3A_260 = arith.addi %mul3A_231, %add3A_259 : i32
        %get3A_261 = arith.constant 0 : i32
        %get3A_262 = arith.index_cast %get3A_261 : i32 to index
        %get3A_263 = arith.index_cast %add3A_260 : i32 to index
        %get3A_264 = tpu.vector_load %arg9[%get3A_262, %get3A_263] {strides = array<i32>} : memref<2x6400xi32, #tpu.memory_space<vmem>>, vector<16xi32>,
        %get3A_265 = arith.constant 0 : i32
        %get3A_266 = arith.index_cast %get3A_265 : i32 to index
        %get3A_267 = arith.index_cast %add3A_260 : i32 to index
        %get3A_268 = tpu.vector_load %arg10[%get3A_266, %get3A_267] {strides = array<i32>} : memref<2x6400xi32, #tpu.memory_space<vmem>>, vector<16xi32>,
        %gather3A_269 = tpu.vector_load_idx %arg6[%get3A_264] : memref<10240xf32, #tpu.memory_space<vmem>>[vector<16xi32>], vector<16xf32>,
        %gather3A_270 = tpu.vector_load_idx %arg7[%get3A_268] : memref<10240xf32, #tpu.memory_space<vmem>>[vector<16xi32>], vector<16xf32>,
        %add3A_271 = arith.addf %gather3A_269, %gather3A_270 : vector<16xf32>
        %gather3A_272 = tpu.vector_load_idx %arg8[%get3A_264] : memref<10240xf32, #tpu.memory_space<vmem>>[vector<16xi32>], vector<16xf32>,
        %gt3A_273 = arith.cmpf ogt, %add3A_271, %gather3A_272 : vector<16xf32>
        tpu.vector_store_idx %arg8[%get3A_264], %add3A_271 masked %gt3A_273 : memref<10240xf32, #tpu.memory_space<vmem>>[vector<16xi32>], vector<16xf32>, vector<16xi1>
        %add3A_274 = arith.constant 48 : i32
        %add3A_275 = arith.addi %mul3A_231, %add3A_274 : i32
        %get3A_276 = arith.constant 0 : i32
        %get3A_277 = arith.index_cast %get3A_276 : i32 to index
        %get3A_278 = arith.index_cast %add3A_275 : i32 to index
        %get3A_279 = tpu.vector_load %arg9[%get3A_277, %get3A_278] {strides = array<i32>} : memref<2x6400xi32, #tpu.memory_space<vmem>>, vector<16xi32>,
        %get3A_280 = arith.constant 0 : i32
        %get3A_281 = arith.index_cast %get3A_280 : i32 to index
        %get3A_282 = arith.index_cast %add3A_275 : i32 to index
        %get3A_283 = tpu.vector_load %arg10[%get3A_281, %get3A_282] {strides = array<i32>} : memref<2x6400xi32, #tpu.memory_space<vmem>>, vector<16xi32>,
        %gather3A_284 = tpu.vector_load_idx %arg6[%get3A_279] : memref<10240xf32, #tpu.memory_space<vmem>>[vector<16xi32>], vector<16xf32>,
        %gather3A_285 = tpu.vector_load_idx %arg7[%get3A_283] : memref<10240xf32, #tpu.memory_space<vmem>>[vector<16xi32>], vector<16xf32>,
        %add3A_286 = arith.addf %gather3A_284, %gather3A_285 : vector<16xf32>
        %gather3A_287 = tpu.vector_load_idx %arg8[%get3A_279] : memref<10240xf32, #tpu.memory_space<vmem>>[vector<16xi32>], vector<16xf32>,
        %gt3A_288 = arith.cmpf ogt, %add3A_286, %gather3A_287 : vector<16xf32>
        tpu.vector_store_idx %arg8[%get3A_279], %add3A_286 masked %gt3A_288 : memref<10240xf32, #tpu.memory_space<vmem>>[vector<16xi32>], vector<16xf32>, vector<16xi1>
        %add3A_289 = arith.constant 64 : i32
        %add3A_290 = arith.addi %mul3A_231, %add3A_289 : i32
        %get3A_291 = arith.constant 0 : i32
        %get3A_292 = arith.index_cast %get3A_291 : i32 to index
        %get3A_293 = arith.index_cast %add3A_290 : i32 to index
        %get3A_294 = tpu.vector_load %arg9[%get3A_292, %get3A_293] {strides = array<i32>} : memref<2x6400xi32, #tpu.memory_space<vmem>>, vector<16xi32>,
        %get3A_295 = arith.constant 0 : i32
        %get3A_296 = arith.index_cast %get3A_295 : i32 to index
        %get3A_297 = arith.index_cast %add3A_290 : i32 to index
        %get3A_298 = tpu.vector_load %arg10[%get3A_296, %get3A_297] {strides = array<i32>} : memref<2x6400xi32, #tpu.memory_space<vmem>>, vector<16xi32>,
        %gather3A_299 = tpu.vector_load_idx %arg6[%get3A_294] : memref<10240xf32, #tpu.memory_space<vmem>>[vector<16xi32>], vector<16xf32>,
        %gather3A_300 = tpu.vector_load_idx %arg7[%get3A_298] : memref<10240xf32, #tpu.memory_space<vmem>>[vector<16xi32>], vector<16xf32>,
        %add3A_301 = arith.addf %gather3A_299, %gather3A_300 : vector<16xf32>
        %gather3A_302 = tpu.vector_load_idx %arg8[%get3A_294] : memref<10240xf32, #tpu.memory_space<vmem>>[vector<16xi32>], vector<16xf32>,
        %gt3A_303 = arith.cmpf ogt, %add3A_301, %gather3A_302 : vector<16xf32>
        tpu.vector_store_idx %arg8[%get3A_294], %add3A_301 masked %gt3A_303 : memref<10240xf32, #tpu.memory_space<vmem>>[vector<16xi32>], vector<16xf32>, vector<16xi1>
        %add3A_304 = arith.constant 80 : i32
        %add3A_305 = arith.addi %mul3A_231, %add3A_304 : i32
        %get3A_306 = arith.constant 0 : i32
        %get3A_307 = arith.index_cast %get3A_306 : i32 to index
        %get3A_308 = arith.index_cast %add3A_305 : i32 to index
        %get3A_309 = tpu.vector_load %arg9[%get3A_307, %get3A_308] {strides = array<i32>} : memref<2x6400xi32, #tpu.memory_space<vmem>>, vector<16xi32>,
        %get3A_310 = arith.constant 0 : i32
        %get3A_311 = arith.index_cast %get3A_310 : i32 to index
        %get3A_312 = arith.index_cast %add3A_305 : i32 to index
        %get3A_313 = tpu.vector_load %arg10[%get3A_311, %get3A_312] {strides = array<i32>} : memref<2x6400xi32, #tpu.memory_space<vmem>>, vector<16xi32>,
        %gather3A_314 = tpu.vector_load_idx %arg6[%get3A_309] : memref<10240xf32, #tpu.memory_space<vmem>>[vector<16xi32>], vector<16xf32>,
        %gather3A_315 = tpu.vector_load_idx %arg7[%get3A_313] : memref<10240xf32, #tpu.memory_space<vmem>>[vector<16xi32>], vector<16xf32>,
        %add3A_316 = arith.addf %gather3A_314, %gather3A_315 : vector<16xf32>
        %gather3A_317 = tpu.vector_load_idx %arg8[%get3A_309] : memref<10240xf32, #tpu.memory_space<vmem>>[vector<16xi32>], vector<16xf32>,
        %gt3A_318 = arith.cmpf ogt, %add3A_316, %gather3A_317 : vector<16xf32>
        tpu.vector_store_idx %arg8[%get3A_309], %add3A_316 masked %gt3A_318 : memref<10240xf32, #tpu.memory_space<vmem>>[vector<16xi32>], vector<16xf32>, vector<16xi1>
        %add3A_319 = arith.constant 96 : i32
        %add3A_320 = arith.addi %mul3A_231, %add3A_319 : i32
        %get3A_321 = arith.constant 0 : i32
        %get3A_322 = arith.index_cast %get3A_321 : i32 to index
        %get3A_323 = arith.index_cast %add3A_320 : i32 to index
        %get3A_324 = tpu.vector_load %arg9[%get3A_322, %get3A_323] {strides = array<i32>} : memref<2x6400xi32, #tpu.memory_space<vmem>>, vector<16xi32>,
        %get3A_325 = arith.constant 0 : i32
        %get3A_326 = arith.index_cast %get3A_325 : i32 to index
        %get3A_327 = arith.index_cast %add3A_320 : i32 to index
        %get3A_328 = tpu.vector_load %arg10[%get3A_326, %get3A_327] {strides = array<i32>} : memref<2x6400xi32, #tpu.memory_space<vmem>>, vector<16xi32>,
        %gather3A_329 = tpu.vector_load_idx %arg6[%get3A_324] : memref<10240xf32, #tpu.memory_space<vmem>>[vector<16xi32>], vector<16xf32>,
        %gather3A_330 = tpu.vector_load_idx %arg7[%get3A_328] : memref<10240xf32, #tpu.memory_space<vmem>>[vector<16xi32>], vector<16xf32>,
        %add3A_331 = arith.addf %gather3A_329, %gather3A_330 : vector<16xf32>
        %gather3A_332 = tpu.vector_load_idx %arg8[%get3A_324] : memref<10240xf32, #tpu.memory_space<vmem>>[vector<16xi32>], vector<16xf32>,
        %gt3A_333 = arith.cmpf ogt, %add3A_331, %gather3A_332 : vector<16xf32>
        tpu.vector_store_idx %arg8[%get3A_324], %add3A_331 masked %gt3A_333 : memref<10240xf32, #tpu.memory_space<vmem>>[vector<16xi32>], vector<16xf32>, vector<16xi1>
        %add3A_334 = arith.constant 112 : i32
        %add3A_335 = arith.addi %mul3A_231, %add3A_334 : i32
        %get3A_336 = arith.constant 0 : i32
        %get3A_337 = arith.index_cast %get3A_336 : i32 to index
        %get3A_338 = arith.index_cast %add3A_335 : i32 to index
        %get3A_339 = tpu.vector_load %arg9[%get3A_337, %get3A_338] {strides = array<i32>} : memref<2x6400xi32, #tpu.memory_space<vmem>>, vector<16xi32>,
        %get3A_340 = arith.constant 0 : i32
        %get3A_341 = arith.index_cast %get3A_340 : i32 to index
        %get3A_342 = arith.index_cast %add3A_335 : i32 to index
        %get3A_343 = tpu.vector_load %arg10[%get3A_341, %get3A_342] {strides = array<i32>} : memref<2x6400xi32, #tpu.memory_space<vmem>>, vector<16xi32>,
        %gather3A_344 = tpu.vector_load_idx %arg6[%get3A_339] : memref<10240xf32, #tpu.memory_space<vmem>>[vector<16xi32>], vector<16xf32>,
        %gather3A_345 = tpu.vector_load_idx %arg7[%get3A_343] : memref<10240xf32, #tpu.memory_space<vmem>>[vector<16xi32>], vector<16xf32>,
        %add3A_346 = arith.addf %gather3A_344, %gather3A_345 : vector<16xf32>
        %gather3A_347 = tpu.vector_load_idx %arg8[%get3A_339] : memref<10240xf32, #tpu.memory_space<vmem>>[vector<16xi32>], vector<16xf32>,
        %gt3A_348 = arith.cmpf ogt, %add3A_346, %gather3A_347 : vector<16xf32>
        tpu.vector_store_idx %arg8[%get3A_339], %add3A_346 masked %gt3A_348 : memref<10240xf32, #tpu.memory_space<vmem>>[vector<16xi32>], vector<16xf32>, vector<16xi1>
        %broadcast_in_dim3A_349 = arith.constant false
        %broadcast_in_dim3A_350 = vector.broadcast %broadcast_in_dim3A_349 : i1 to vector<16xi1>
        %gather3A_351 = tpu.vector_load_idx %arg8[%get3A_236] : memref<10240xf32, #tpu.memory_space<vmem>>[vector<16xi32>], vector<16xf32>,
        %gt3A_352 = arith.cmpf ogt, %add3A_242, %gather3A_351 : vector<16xf32>
        %or3A = arith.ori %broadcast_in_dim3A_350, %gt3A_352 : vector<16xi1>
        %gather3A_353 = tpu.vector_load_idx %arg8[%get3A_249] : memref<10240xf32, #tpu.memory_space<vmem>>[vector<16xi32>], vector<16xf32>,
        %gt3A_354 = arith.cmpf ogt, %add3A_256, %gather3A_353 : vector<16xf32>
        %or3A_355 = arith.ori %or3A, %gt3A_354 : vector<16xi1>
        %gather3A_356 = tpu.vector_load_idx %arg8[%get3A_264] : memref<10240xf32, #tpu.memory_space<vmem>>[vector<16xi32>], vector<16xf32>,
        %gt3A_357 = arith.cmpf ogt, %add3A_271, %gather3A_356 : vector<16xf32>
        %or3A_358 = arith.ori %or3A_355, %gt3A_357 : vector<16xi1>
        %gather3A_359 = tpu.vector_load_idx %arg8[%get3A_279] : memref<10240xf32, #tpu.memory_space<vmem>>[vector<16xi32>], vector<16xf32>,
        %gt3A_360 = arith.cmpf ogt, %add3A_286, %gather3A_359 : vector<16xf32>
        %or3A_361 = arith.ori %or3A_358, %gt3A_360 : vector<16xi1>
        %gather3A_362 = tpu.vector_load_idx %arg8[%get3A_294] : memref<10240xf32, #tpu.memory_space<vmem>>[vector<16xi32>], vector<16xf32>,
        %gt3A_363 = arith.cmpf ogt, %add3A_301, %gather3A_362 : vector<16xf32>
        %or3A_364 = arith.ori %or3A_361, %gt3A_363 : vector<16xi1>
        %gather3A_365 = tpu.vector_load_idx %arg8[%get3A_309] : memref<10240xf32, #tpu.memory_space<vmem>>[vector<16xi32>], vector<16xf32>,
        %gt3A_366 = arith.cmpf ogt, %add3A_316, %gather3A_365 : vector<16xf32>
        %or3A_367 = arith.ori %or3A_364, %gt3A_366 : vector<16xi1>
        %gather3A_368 = tpu.vector_load_idx %arg8[%get3A_324] : memref<10240xf32, #tpu.memory_space<vmem>>[vector<16xi32>], vector<16xf32>,
        %gt3A_369 = arith.cmpf ogt, %add3A_331, %gather3A_368 : vector<16xf32>
        %or3A_370 = arith.ori %or3A_367, %gt3A_369 : vector<16xi1>
        %gather3A_371 = tpu.vector_load_idx %arg8[%get3A_339] : memref<10240xf32, #tpu.memory_space<vmem>>[vector<16xi32>], vector<16xf32>,
        %gt3A_372 = arith.cmpf ogt, %add3A_346, %gather3A_371 : vector<16xf32>
        %or3A_373 = arith.ori %or3A_370, %gt3A_372 : vector<16xi1>
        %reduce_or3A = arith.constant 1.000000e+00 : f32
        %reduce_or3A_374 = arith.constant 0.000000e+00 : f32
        %reduce_or3A_375 = vector.broadcast %reduce_or3A : f32 to vector<16xf32>
        %reduce_or3A_376 = vector.broadcast %reduce_or3A_374 : f32 to vector<16xf32>
        %reduce_or3A_377 = arith.select %or3A_373, %reduce_or3A_375, %reduce_or3A_376 : vector<16xi1>, vector<16xf32>
        %reduce_or3A_378 = arith.constant true
        %reduce_or3A_379 = vector.broadcast %reduce_or3A_378 : i1 to vector<16xi1>
        %reduce_or3A_380 = tpu.scan <max>, %reduce_or3A_377 masked %reduce_or3A_379 : vector<16xf32>, vector<16xi1> -> vector<16xf32>
        %reduce_or3A_381 = vector.extract %reduce_or3A_380[15] : f32 from vector<16xf32>
        %reduce_or3A_382 = arith.constant 0.000000e+00 : f32
        %reduce_or3A_383 = arith.cmpf ogt, %reduce_or3A_381, %reduce_or3A_382 : f32
        %convert_element_type3A = arith.extui %reduce_or3A_383 : i1 to i32
        %cond3A = arith.constant 0 : i32
        %cond3A_384 = arith.constant 0 : i32
        %cond3A_385 = arith.cmpi ne, %convert_element_type3A, %cond3A_384 : i32
        %cond3A_386 = scf.if %cond3A_385 -> (i32) {
          %gather3A_388 = tpu.vector_load_idx %arg8[%get3A_236] : memref<10240xf32, #tpu.memory_space<vmem>>[vector<16xi32>], vector<16xf32>,
          %gt3A_389 = arith.cmpf ogt, %add3A_242, %gather3A_388 : vector<16xf32>
          %while3A = scf.while (%while3A_412 = %gt3A_389) : (vector<16xi1>) -> vector<16xi1> {
            %reduce_or3A_413 = arith.constant 1.000000e+00 : f32
            %reduce_or3A_414 = arith.constant 0.000000e+00 : f32
            %reduce_or3A_415 = vector.broadcast %reduce_or3A_413 : f32 to vector<16xf32>
            %reduce_or3A_416 = vector.broadcast %reduce_or3A_414 : f32 to vector<16xf32>
            %reduce_or3A_417 = arith.select %while3A_412, %reduce_or3A_415, %reduce_or3A_416 : vector<16xi1>, vector<16xf32>
            %reduce_or3A_418 = arith.constant true
            %reduce_or3A_419 = vector.broadcast %reduce_or3A_418 : i1 to vector<16xi1>
            %reduce_or3A_420 = tpu.scan <max>, %reduce_or3A_417 masked %reduce_or3A_419 : vector<16xf32>, vector<16xi1> -> vector<16xf32>
            %reduce_or3A_421 = vector.extract %reduce_or3A_420[15] : f32 from vector<16xf32>
            %reduce_or3A_422 = arith.constant 0.000000e+00 : f32
            %reduce_or3A_423 = arith.cmpf ogt, %reduce_or3A_421, %reduce_or3A_422 : f32
            scf.condition(%reduce_or3A_423) %while3A_412 : vector<16xi1>
          } do {
          ^bb0(%while3A_412: vector<16xi1>):
            tpu.vector_store_idx %arg8[%get3A_236], %add3A_242 masked %while3A_412 : memref<10240xf32, #tpu.memory_space<vmem>>[vector<16xi32>], vector<16xf32>, vector<16xi1>
            %gather3A_413 = tpu.vector_load_idx %arg8[%get3A_236] : memref<10240xf32, #tpu.memory_space<vmem>>[vector<16xi32>], vector<16xf32>,
            %gt3A_414 = arith.cmpf ogt, %add3A_242, %gather3A_413 : vector<16xf32>
            scf.yield %gt3A_414 : vector<16xi1>
          }
          %gather3A_390 = tpu.vector_load_idx %arg8[%get3A_249] : memref<10240xf32, #tpu.memory_space<vmem>>[vector<16xi32>], vector<16xf32>,
          %gt3A_391 = arith.cmpf ogt, %add3A_256, %gather3A_390 : vector<16xf32>
          %while3A_392 = scf.while (%while3A_412 = %gt3A_391) : (vector<16xi1>) -> vector<16xi1> {
            %reduce_or3A_413 = arith.constant 1.000000e+00 : f32
            %reduce_or3A_414 = arith.constant 0.000000e+00 : f32
            %reduce_or3A_415 = vector.broadcast %reduce_or3A_413 : f32 to vector<16xf32>
            %reduce_or3A_416 = vector.broadcast %reduce_or3A_414 : f32 to vector<16xf32>
            %reduce_or3A_417 = arith.select %while3A_412, %reduce_or3A_415, %reduce_or3A_416 : vector<16xi1>, vector<16xf32>
            %reduce_or3A_418 = arith.constant true
            %reduce_or3A_419 = vector.broadcast %reduce_or3A_418 : i1 to vector<16xi1>
            %reduce_or3A_420 = tpu.scan <max>, %reduce_or3A_417 masked %reduce_or3A_419 : vector<16xf32>, vector<16xi1> -> vector<16xf32>
            %reduce_or3A_421 = vector.extract %reduce_or3A_420[15] : f32 from vector<16xf32>
            %reduce_or3A_422 = arith.constant 0.000000e+00 : f32
            %reduce_or3A_423 = arith.cmpf ogt, %reduce_or3A_421, %reduce_or3A_422 : f32
            scf.condition(%reduce_or3A_423) %while3A_412 : vector<16xi1>
          } do {
          ^bb0(%while3A_412: vector<16xi1>):
            tpu.vector_store_idx %arg8[%get3A_249], %add3A_256 masked %while3A_412 : memref<10240xf32, #tpu.memory_space<vmem>>[vector<16xi32>], vector<16xf32>, vector<16xi1>
            %gather3A_413 = tpu.vector_load_idx %arg8[%get3A_249] : memref<10240xf32, #tpu.memory_space<vmem>>[vector<16xi32>], vector<16xf32>,
            %gt3A_414 = arith.cmpf ogt, %add3A_256, %gather3A_413 : vector<16xf32>
            scf.yield %gt3A_414 : vector<16xi1>
          }
          %gather3A_393 = tpu.vector_load_idx %arg8[%get3A_264] : memref<10240xf32, #tpu.memory_space<vmem>>[vector<16xi32>], vector<16xf32>,
          %gt3A_394 = arith.cmpf ogt, %add3A_271, %gather3A_393 : vector<16xf32>
          %while3A_395 = scf.while (%while3A_412 = %gt3A_394) : (vector<16xi1>) -> vector<16xi1> {
            %reduce_or3A_413 = arith.constant 1.000000e+00 : f32
            %reduce_or3A_414 = arith.constant 0.000000e+00 : f32
            %reduce_or3A_415 = vector.broadcast %reduce_or3A_413 : f32 to vector<16xf32>
            %reduce_or3A_416 = vector.broadcast %reduce_or3A_414 : f32 to vector<16xf32>
            %reduce_or3A_417 = arith.select %while3A_412, %reduce_or3A_415, %reduce_or3A_416 : vector<16xi1>, vector<16xf32>
            %reduce_or3A_418 = arith.constant true
            %reduce_or3A_419 = vector.broadcast %reduce_or3A_418 : i1 to vector<16xi1>
            %reduce_or3A_420 = tpu.scan <max>, %reduce_or3A_417 masked %reduce_or3A_419 : vector<16xf32>, vector<16xi1> -> vector<16xf32>
            %reduce_or3A_421 = vector.extract %reduce_or3A_420[15] : f32 from vector<16xf32>
            %reduce_or3A_422 = arith.constant 0.000000e+00 : f32
            %reduce_or3A_423 = arith.cmpf ogt, %reduce_or3A_421, %reduce_or3A_422 : f32
            scf.condition(%reduce_or3A_423) %while3A_412 : vector<16xi1>
          } do {
          ^bb0(%while3A_412: vector<16xi1>):
            tpu.vector_store_idx %arg8[%get3A_264], %add3A_271 masked %while3A_412 : memref<10240xf32, #tpu.memory_space<vmem>>[vector<16xi32>], vector<16xf32>, vector<16xi1>
            %gather3A_413 = tpu.vector_load_idx %arg8[%get3A_264] : memref<10240xf32, #tpu.memory_space<vmem>>[vector<16xi32>], vector<16xf32>,
            %gt3A_414 = arith.cmpf ogt, %add3A_271, %gather3A_413 : vector<16xf32>
            scf.yield %gt3A_414 : vector<16xi1>
          }
          %gather3A_396 = tpu.vector_load_idx %arg8[%get3A_279] : memref<10240xf32, #tpu.memory_space<vmem>>[vector<16xi32>], vector<16xf32>,
          %gt3A_397 = arith.cmpf ogt, %add3A_286, %gather3A_396 : vector<16xf32>
          %while3A_398 = scf.while (%while3A_412 = %gt3A_397) : (vector<16xi1>) -> vector<16xi1> {
            %reduce_or3A_413 = arith.constant 1.000000e+00 : f32
            %reduce_or3A_414 = arith.constant 0.000000e+00 : f32
            %reduce_or3A_415 = vector.broadcast %reduce_or3A_413 : f32 to vector<16xf32>
            %reduce_or3A_416 = vector.broadcast %reduce_or3A_414 : f32 to vector<16xf32>
            %reduce_or3A_417 = arith.select %while3A_412, %reduce_or3A_415, %reduce_or3A_416 : vector<16xi1>, vector<16xf32>
            %reduce_or3A_418 = arith.constant true
            %reduce_or3A_419 = vector.broadcast %reduce_or3A_418 : i1 to vector<16xi1>
            %reduce_or3A_420 = tpu.scan <max>, %reduce_or3A_417 masked %reduce_or3A_419 : vector<16xf32>, vector<16xi1> -> vector<16xf32>
            %reduce_or3A_421 = vector.extract %reduce_or3A_420[15] : f32 from vector<16xf32>
            %reduce_or3A_422 = arith.constant 0.000000e+00 : f32
            %reduce_or3A_423 = arith.cmpf ogt, %reduce_or3A_421, %reduce_or3A_422 : f32
            scf.condition(%reduce_or3A_423) %while3A_412 : vector<16xi1>
          } do {
          ^bb0(%while3A_412: vector<16xi1>):
            tpu.vector_store_idx %arg8[%get3A_279], %add3A_286 masked %while3A_412 : memref<10240xf32, #tpu.memory_space<vmem>>[vector<16xi32>], vector<16xf32>, vector<16xi1>
            %gather3A_413 = tpu.vector_load_idx %arg8[%get3A_279] : memref<10240xf32, #tpu.memory_space<vmem>>[vector<16xi32>], vector<16xf32>,
            %gt3A_414 = arith.cmpf ogt, %add3A_286, %gather3A_413 : vector<16xf32>
            scf.yield %gt3A_414 : vector<16xi1>
          }
          %gather3A_399 = tpu.vector_load_idx %arg8[%get3A_294] : memref<10240xf32, #tpu.memory_space<vmem>>[vector<16xi32>], vector<16xf32>,
          %gt3A_400 = arith.cmpf ogt, %add3A_301, %gather3A_399 : vector<16xf32>
          %while3A_401 = scf.while (%while3A_412 = %gt3A_400) : (vector<16xi1>) -> vector<16xi1> {
            %reduce_or3A_413 = arith.constant 1.000000e+00 : f32
            %reduce_or3A_414 = arith.constant 0.000000e+00 : f32
            %reduce_or3A_415 = vector.broadcast %reduce_or3A_413 : f32 to vector<16xf32>
            %reduce_or3A_416 = vector.broadcast %reduce_or3A_414 : f32 to vector<16xf32>
            %reduce_or3A_417 = arith.select %while3A_412, %reduce_or3A_415, %reduce_or3A_416 : vector<16xi1>, vector<16xf32>
            %reduce_or3A_418 = arith.constant true
            %reduce_or3A_419 = vector.broadcast %reduce_or3A_418 : i1 to vector<16xi1>
            %reduce_or3A_420 = tpu.scan <max>, %reduce_or3A_417 masked %reduce_or3A_419 : vector<16xf32>, vector<16xi1> -> vector<16xf32>
            %reduce_or3A_421 = vector.extract %reduce_or3A_420[15] : f32 from vector<16xf32>
            %reduce_or3A_422 = arith.constant 0.000000e+00 : f32
            %reduce_or3A_423 = arith.cmpf ogt, %reduce_or3A_421, %reduce_or3A_422 : f32
            scf.condition(%reduce_or3A_423) %while3A_412 : vector<16xi1>
          } do {
          ^bb0(%while3A_412: vector<16xi1>):
            tpu.vector_store_idx %arg8[%get3A_294], %add3A_301 masked %while3A_412 : memref<10240xf32, #tpu.memory_space<vmem>>[vector<16xi32>], vector<16xf32>, vector<16xi1>
            %gather3A_413 = tpu.vector_load_idx %arg8[%get3A_294] : memref<10240xf32, #tpu.memory_space<vmem>>[vector<16xi32>], vector<16xf32>,
            %gt3A_414 = arith.cmpf ogt, %add3A_301, %gather3A_413 : vector<16xf32>
            scf.yield %gt3A_414 : vector<16xi1>
          }
          %gather3A_402 = tpu.vector_load_idx %arg8[%get3A_309] : memref<10240xf32, #tpu.memory_space<vmem>>[vector<16xi32>], vector<16xf32>,
          %gt3A_403 = arith.cmpf ogt, %add3A_316, %gather3A_402 : vector<16xf32>
          %while3A_404 = scf.while (%while3A_412 = %gt3A_403) : (vector<16xi1>) -> vector<16xi1> {
            %reduce_or3A_413 = arith.constant 1.000000e+00 : f32
            %reduce_or3A_414 = arith.constant 0.000000e+00 : f32
            %reduce_or3A_415 = vector.broadcast %reduce_or3A_413 : f32 to vector<16xf32>
            %reduce_or3A_416 = vector.broadcast %reduce_or3A_414 : f32 to vector<16xf32>
            %reduce_or3A_417 = arith.select %while3A_412, %reduce_or3A_415, %reduce_or3A_416 : vector<16xi1>, vector<16xf32>
            %reduce_or3A_418 = arith.constant true
            %reduce_or3A_419 = vector.broadcast %reduce_or3A_418 : i1 to vector<16xi1>
            %reduce_or3A_420 = tpu.scan <max>, %reduce_or3A_417 masked %reduce_or3A_419 : vector<16xf32>, vector<16xi1> -> vector<16xf32>
            %reduce_or3A_421 = vector.extract %reduce_or3A_420[15] : f32 from vector<16xf32>
            %reduce_or3A_422 = arith.constant 0.000000e+00 : f32
            %reduce_or3A_423 = arith.cmpf ogt, %reduce_or3A_421, %reduce_or3A_422 : f32
            scf.condition(%reduce_or3A_423) %while3A_412 : vector<16xi1>
          } do {
          ^bb0(%while3A_412: vector<16xi1>):
            tpu.vector_store_idx %arg8[%get3A_309], %add3A_316 masked %while3A_412 : memref<10240xf32, #tpu.memory_space<vmem>>[vector<16xi32>], vector<16xf32>, vector<16xi1>
            %gather3A_413 = tpu.vector_load_idx %arg8[%get3A_309] : memref<10240xf32, #tpu.memory_space<vmem>>[vector<16xi32>], vector<16xf32>,
            %gt3A_414 = arith.cmpf ogt, %add3A_316, %gather3A_413 : vector<16xf32>
            scf.yield %gt3A_414 : vector<16xi1>
          }
          %gather3A_405 = tpu.vector_load_idx %arg8[%get3A_324] : memref<10240xf32, #tpu.memory_space<vmem>>[vector<16xi32>], vector<16xf32>,
          %gt3A_406 = arith.cmpf ogt, %add3A_331, %gather3A_405 : vector<16xf32>
          %while3A_407 = scf.while (%while3A_412 = %gt3A_406) : (vector<16xi1>) -> vector<16xi1> {
            %reduce_or3A_413 = arith.constant 1.000000e+00 : f32
            %reduce_or3A_414 = arith.constant 0.000000e+00 : f32
            %reduce_or3A_415 = vector.broadcast %reduce_or3A_413 : f32 to vector<16xf32>
            %reduce_or3A_416 = vector.broadcast %reduce_or3A_414 : f32 to vector<16xf32>
            %reduce_or3A_417 = arith.select %while3A_412, %reduce_or3A_415, %reduce_or3A_416 : vector<16xi1>, vector<16xf32>
            %reduce_or3A_418 = arith.constant true
            %reduce_or3A_419 = vector.broadcast %reduce_or3A_418 : i1 to vector<16xi1>
            %reduce_or3A_420 = tpu.scan <max>, %reduce_or3A_417 masked %reduce_or3A_419 : vector<16xf32>, vector<16xi1> -> vector<16xf32>
            %reduce_or3A_421 = vector.extract %reduce_or3A_420[15] : f32 from vector<16xf32>
            %reduce_or3A_422 = arith.constant 0.000000e+00 : f32
            %reduce_or3A_423 = arith.cmpf ogt, %reduce_or3A_421, %reduce_or3A_422 : f32
            scf.condition(%reduce_or3A_423) %while3A_412 : vector<16xi1>
          } do {
          ^bb0(%while3A_412: vector<16xi1>):
            tpu.vector_store_idx %arg8[%get3A_324], %add3A_331 masked %while3A_412 : memref<10240xf32, #tpu.memory_space<vmem>>[vector<16xi32>], vector<16xf32>, vector<16xi1>
            %gather3A_413 = tpu.vector_load_idx %arg8[%get3A_324] : memref<10240xf32, #tpu.memory_space<vmem>>[vector<16xi32>], vector<16xf32>,
            %gt3A_414 = arith.cmpf ogt, %add3A_331, %gather3A_413 : vector<16xf32>
            scf.yield %gt3A_414 : vector<16xi1>
          }
          %gather3A_408 = tpu.vector_load_idx %arg8[%get3A_339] : memref<10240xf32, #tpu.memory_space<vmem>>[vector<16xi32>], vector<16xf32>,
          %gt3A_409 = arith.cmpf ogt, %add3A_346, %gather3A_408 : vector<16xf32>
          %while3A_410 = scf.while (%while3A_412 = %gt3A_409) : (vector<16xi1>) -> vector<16xi1> {
            %reduce_or3A_413 = arith.constant 1.000000e+00 : f32
            %reduce_or3A_414 = arith.constant 0.000000e+00 : f32
            %reduce_or3A_415 = vector.broadcast %reduce_or3A_413 : f32 to vector<16xf32>
            %reduce_or3A_416 = vector.broadcast %reduce_or3A_414 : f32 to vector<16xf32>
            %reduce_or3A_417 = arith.select %while3A_412, %reduce_or3A_415, %reduce_or3A_416 : vector<16xi1>, vector<16xf32>
            %reduce_or3A_418 = arith.constant true
            %reduce_or3A_419 = vector.broadcast %reduce_or3A_418 : i1 to vector<16xi1>
            %reduce_or3A_420 = tpu.scan <max>, %reduce_or3A_417 masked %reduce_or3A_419 : vector<16xf32>, vector<16xi1> -> vector<16xf32>
            %reduce_or3A_421 = vector.extract %reduce_or3A_420[15] : f32 from vector<16xf32>
            %reduce_or3A_422 = arith.constant 0.000000e+00 : f32
            %reduce_or3A_423 = arith.cmpf ogt, %reduce_or3A_421, %reduce_or3A_422 : f32
            scf.condition(%reduce_or3A_423) %while3A_412 : vector<16xi1>
          } do {
          ^bb0(%while3A_412: vector<16xi1>):
            tpu.vector_store_idx %arg8[%get3A_339], %add3A_346 masked %while3A_412 : memref<10240xf32, #tpu.memory_space<vmem>>[vector<16xi32>], vector<16xf32>, vector<16xi1>
            %gather3A_413 = tpu.vector_load_idx %arg8[%get3A_339] : memref<10240xf32, #tpu.memory_space<vmem>>[vector<16xi32>], vector<16xf32>,
            %gt3A_414 = arith.cmpf ogt, %add3A_346, %gather3A_413 : vector<16xf32>
            scf.yield %gt3A_414 : vector<16xi1>
          }
          %cond3A_411 = arith.constant 0 : i32
          scf.yield %cond3A_411 : i32
        } else {
          %cond3A_388 = arith.constant 0 : i32
          scf.yield %cond3A_388 : i32
        }
        %scan3A_387 = arith.constant 0 : i32
        scf.yield %scan3A_387 : i32
      }
      %scan3A_141 = arith.constant 50 : i32
      %mul3A_142 = arith.constant 2 : i32
      %mul3A_143 = arith.muli %mul3A_142, %scan3A_111 : i32
      %add3A_144 = arith.constant 0 : i32
      %add3A_145 = arith.addi %mul3A_143, %add3A_144 : i32
      %add3A_146 = arith.constant 2 : i32
      %add3A_147 = arith.addi %add3A_145, %add3A_146 : i32
      %min3A_148 = arith.constant 49 : i32
      %min3A_149 = arith.minsi %add3A_147, %min3A_148 : i32
      %mul3A_150 = arith.constant 6400 : i32
      %mul3A_151 = arith.muli %min3A_149, %mul3A_150 : i32
      %dma_start3A_152 = arith.constant 0 : i32
      %dma_start3A_153 = arith.constant 0 : i32
      %dma_start3A_154 = tpu.memref_slice %arg9[%dma_start3A_152, %dma_start3A_153] : memref<2x6400xi32, #tpu.memory_space<vmem>> -> memref<1x6400xi32, #tpu.memory_space<vmem>>
      %dma_start3A_155 = tpu.memref_squeeze %dma_start3A_154 : memref<1x6400xi32, #tpu.memory_space<vmem>> -> memref<6400xi32, #tpu.memory_space<vmem>>
      %dma_start3A_156 = tpu.memref_slice %arg3[%mul3A_151] : memref<320000xi32, #tpu.memory_space<hbm>> -> memref<6400xi32, #tpu.memory_space<hbm>>
      %dma_start3A_157 = arith.constant 0 : i32
      %dma_start3A_158 = tpu.memref_slice %arg9[%dma_start3A_152, %dma_start3A_157] : memref<2x6400xi32, #tpu.memory_space<vmem>> -> memref<1x6400xi32, #tpu.memory_space<vmem>>
      %dma_start3A_159 = tpu.memref_squeeze %dma_start3A_158 : memref<1x6400xi32, #tpu.memory_space<vmem>> -> memref<6400xi32, #tpu.memory_space<vmem>>
      %dma_start3A_160 = tpu.memref_slice %arg3[%mul3A_151] : memref<320000xi32, #tpu.memory_space<hbm>> -> memref<6400xi32, #tpu.memory_space<hbm>>
      tpu.enqueue_dma source(%dma_start3A_160 : memref<6400xi32, #tpu.memory_space<hbm>>) target(%dma_start3A_159 : memref<6400xi32, #tpu.memory_space<vmem>>) target_semaphore(%arg11 : memref<!tpu.dma_semaphore, #tpu.memory_space<semaphore_mem>>)
      %dma_start3A_161 = arith.constant 0 : i32
      %dma_start3A_162 = arith.constant 0 : i32
      %dma_start3A_163 = tpu.memref_slice %arg10[%dma_start3A_161, %dma_start3A_162] : memref<2x6400xi32, #tpu.memory_space<vmem>> -> memref<1x6400xi32, #tpu.memory_space<vmem>>
      %dma_start3A_164 = tpu.memref_squeeze %dma_start3A_163 : memref<1x6400xi32, #tpu.memory_space<vmem>> -> memref<6400xi32, #tpu.memory_space<vmem>>
      %dma_start3A_165 = tpu.memref_slice %arg4[%mul3A_151] : memref<320000xi32, #tpu.memory_space<hbm>> -> memref<6400xi32, #tpu.memory_space<hbm>>
      %dma_start3A_166 = arith.constant 0 : i32
      %dma_start3A_167 = tpu.memref_slice %arg10[%dma_start3A_161, %dma_start3A_166] : memref<2x6400xi32, #tpu.memory_space<vmem>> -> memref<1x6400xi32, #tpu.memory_space<vmem>>
      %dma_start3A_168 = tpu.memref_squeeze %dma_start3A_167 : memref<1x6400xi32, #tpu.memory_space<vmem>> -> memref<6400xi32, #tpu.memory_space<vmem>>
      %dma_start3A_169 = tpu.memref_slice %arg4[%mul3A_151] : memref<320000xi32, #tpu.memory_space<hbm>> -> memref<6400xi32, #tpu.memory_space<hbm>>
      tpu.enqueue_dma source(%dma_start3A_169 : memref<6400xi32, #tpu.memory_space<hbm>>) target(%dma_start3A_168 : memref<6400xi32, #tpu.memory_space<vmem>>) target_semaphore(%arg11 : memref<!tpu.dma_semaphore, #tpu.memory_space<semaphore_mem>>)
      %dma_wait3A_170 = arith.constant 1 : i32
      %dma_wait3A_171 = arith.constant 0 : i32
      %dma_wait3A_172 = tpu.memref_slice %arg9[%dma_wait3A_170, %dma_wait3A_171] : memref<2x6400xi32, #tpu.memory_space<vmem>> -> memref<1x6400xi32, #tpu.memory_space<vmem>>
      %dma_wait3A_173 = tpu.memref_squeeze %dma_wait3A_172 : memref<1x6400xi32, #tpu.memory_space<vmem>> -> memref<6400xi32, #tpu.memory_space<vmem>>
      %dma_wait3A_174 = arith.constant 0 : i32
      %dma_wait3A_175 = tpu.memref_slice %arg3[%dma_wait3A_174] : memref<320000xi32, #tpu.memory_space<hbm>> -> memref<6400xi32, #tpu.memory_space<hbm>>
      %dma_wait3A_176 = arith.constant 0 : i32
      %dma_wait3A_177 = tpu.memref_slice %arg9[%dma_wait3A_170, %dma_wait3A_176] : memref<2x6400xi32, #tpu.memory_space<vmem>> -> memref<1x6400xi32, #tpu.memory_space<vmem>>
      %dma_wait3A_178 = tpu.memref_squeeze %dma_wait3A_177 : memref<1x6400xi32, #tpu.memory_space<vmem>> -> memref<6400xi32, #tpu.memory_space<vmem>>
      %dma_wait3A_179 = arith.constant 0 : i32
      %dma_wait3A_180 = tpu.memref_slice %arg3[%dma_wait3A_179] : memref<320000xi32, #tpu.memory_space<hbm>> -> memref<6400xi32, #tpu.memory_space<hbm>>
      tpu.wait_dma2 semaphore(%arg12 : memref<!tpu.dma_semaphore, #tpu.memory_space<semaphore_mem>>) src(%dma_wait3A_180 : memref<6400xi32, #tpu.memory_space<hbm>>) dst(%dma_wait3A_178 : memref<6400xi32, #tpu.memory_space<vmem>>)
      %dma_wait3A_181 = arith.constant 1 : i32
      %dma_wait3A_182 = arith.constant 0 : i32
      %dma_wait3A_183 = tpu.memref_slice %arg10[%dma_wait3A_181, %dma_wait3A_182] : memref<2x6400xi32, #tpu.memory_space<vmem>> -> memref<1x6400xi32, #tpu.memory_space<vmem>>
      %dma_wait3A_184 = tpu.memref_squeeze %dma_wait3A_183 : memref<1x6400xi32, #tpu.memory_space<vmem>> -> memref<6400xi32, #tpu.memory_space<vmem>>
      %dma_wait3A_185 = arith.constant 0 : i32
      %dma_wait3A_186 = tpu.memref_slice %arg4[%dma_wait3A_185] : memref<320000xi32, #tpu.memory_space<hbm>> -> memref<6400xi32, #tpu.memory_space<hbm>>
      %dma_wait3A_187 = arith.constant 0 : i32
      %dma_wait3A_188 = tpu.memref_slice %arg10[%dma_wait3A_181, %dma_wait3A_187] : memref<2x6400xi32, #tpu.memory_space<vmem>> -> memref<1x6400xi32, #tpu.memory_space<vmem>>
      %dma_wait3A_189 = tpu.memref_squeeze %dma_wait3A_188 : memref<1x6400xi32, #tpu.memory_space<vmem>> -> memref<6400xi32, #tpu.memory_space<vmem>>
      %dma_wait3A_190 = arith.constant 0 : i32
      %dma_wait3A_191 = tpu.memref_slice %arg4[%dma_wait3A_190] : memref<320000xi32, #tpu.memory_space<hbm>> -> memref<6400xi32, #tpu.memory_space<hbm>>
      tpu.wait_dma2 semaphore(%arg12 : memref<!tpu.dma_semaphore, #tpu.memory_space<semaphore_mem>>) src(%dma_wait3A_191 : memref<6400xi32, #tpu.memory_space<hbm>>) dst(%dma_wait3A_189 : memref<6400xi32, #tpu.memory_space<vmem>>)
      %scan3A_192 = arith.constant 0 : i32
      %scan3A_193 = arith.constant 0 : i32
      %scan3A_194 = arith.constant 50 : i32
      %scan3A_195 = arith.addi %scan3A_193, %scan3A_194 : i32
      %scan3A_196 = arith.constant 1 : i32
      %scan3A_197 = scf.for %scan3A_228 = %scan3A_193 to %scan3A_195 step %scan3A_196 iter_args(%scan3A_229 = %scan3A_192) -> (i32)  : i32 {
        %mul3A_230 = arith.constant 128 : i32
        %mul3A_231 = arith.muli %scan3A_228, %mul3A_230 : i32
        %add3A_232 = arith.constant 0 : i32
        %add3A_233 = arith.addi %mul3A_231, %add3A_232 : i32
        %get3A = arith.constant 1 : i32
        %get3A_234 = arith.index_cast %get3A : i32 to index
        %get3A_235 = arith.index_cast %add3A_233 : i32 to index
        %get3A_236 = tpu.vector_load %arg9[%get3A_234, %get3A_235] {strides = array<i32>} : memref<2x6400xi32, #tpu.memory_space<vmem>>, vector<16xi32>,
        %get3A_237 = arith.constant 1 : i32
        %get3A_238 = arith.index_cast %get3A_237 : i32 to index
        %get3A_239 = arith.index_cast %add3A_233 : i32 to index
        %get3A_240 = tpu.vector_load %arg10[%get3A_238, %get3A_239] {strides = array<i32>} : memref<2x6400xi32, #tpu.memory_space<vmem>>, vector<16xi32>,
        %gather3A = tpu.vector_load_idx %arg6[%get3A_236] : memref<10240xf32, #tpu.memory_space<vmem>>[vector<16xi32>], vector<16xf32>,
        %gather3A_241 = tpu.vector_load_idx %arg7[%get3A_240] : memref<10240xf32, #tpu.memory_space<vmem>>[vector<16xi32>], vector<16xf32>,
        %add3A_242 = arith.addf %gather3A, %gather3A_241 : vector<16xf32>
        %gather3A_243 = tpu.vector_load_idx %arg8[%get3A_236] : memref<10240xf32, #tpu.memory_space<vmem>>[vector<16xi32>], vector<16xf32>,
        %gt3A = arith.cmpf ogt, %add3A_242, %gather3A_243 : vector<16xf32>
        tpu.vector_store_idx %arg8[%get3A_236], %add3A_242 masked %gt3A : memref<10240xf32, #tpu.memory_space<vmem>>[vector<16xi32>], vector<16xf32>, vector<16xi1>
        %add3A_244 = arith.constant 16 : i32
        %add3A_245 = arith.addi %mul3A_231, %add3A_244 : i32
        %get3A_246 = arith.constant 1 : i32
        %get3A_247 = arith.index_cast %get3A_246 : i32 to index
        %get3A_248 = arith.index_cast %add3A_245 : i32 to index
        %get3A_249 = tpu.vector_load %arg9[%get3A_247, %get3A_248] {strides = array<i32>} : memref<2x6400xi32, #tpu.memory_space<vmem>>, vector<16xi32>,
        %get3A_250 = arith.constant 1 : i32
        %get3A_251 = arith.index_cast %get3A_250 : i32 to index
        %get3A_252 = arith.index_cast %add3A_245 : i32 to index
        %get3A_253 = tpu.vector_load %arg10[%get3A_251, %get3A_252] {strides = array<i32>} : memref<2x6400xi32, #tpu.memory_space<vmem>>, vector<16xi32>,
        %gather3A_254 = tpu.vector_load_idx %arg6[%get3A_249] : memref<10240xf32, #tpu.memory_space<vmem>>[vector<16xi32>], vector<16xf32>,
        %gather3A_255 = tpu.vector_load_idx %arg7[%get3A_253] : memref<10240xf32, #tpu.memory_space<vmem>>[vector<16xi32>], vector<16xf32>,
        %add3A_256 = arith.addf %gather3A_254, %gather3A_255 : vector<16xf32>
        %gather3A_257 = tpu.vector_load_idx %arg8[%get3A_249] : memref<10240xf32, #tpu.memory_space<vmem>>[vector<16xi32>], vector<16xf32>,
        %gt3A_258 = arith.cmpf ogt, %add3A_256, %gather3A_257 : vector<16xf32>
        tpu.vector_store_idx %arg8[%get3A_249], %add3A_256 masked %gt3A_258 : memref<10240xf32, #tpu.memory_space<vmem>>[vector<16xi32>], vector<16xf32>, vector<16xi1>
        %add3A_259 = arith.constant 32 : i32
        %add3A_260 = arith.addi %mul3A_231, %add3A_259 : i32
        %get3A_261 = arith.constant 1 : i32
        %get3A_262 = arith.index_cast %get3A_261 : i32 to index
        %get3A_263 = arith.index_cast %add3A_260 : i32 to index
        %get3A_264 = tpu.vector_load %arg9[%get3A_262, %get3A_263] {strides = array<i32>} : memref<2x6400xi32, #tpu.memory_space<vmem>>, vector<16xi32>,
        %get3A_265 = arith.constant 1 : i32
        %get3A_266 = arith.index_cast %get3A_265 : i32 to index
        %get3A_267 = arith.index_cast %add3A_260 : i32 to index
        %get3A_268 = tpu.vector_load %arg10[%get3A_266, %get3A_267] {strides = array<i32>} : memref<2x6400xi32, #tpu.memory_space<vmem>>, vector<16xi32>,
        %gather3A_269 = tpu.vector_load_idx %arg6[%get3A_264] : memref<10240xf32, #tpu.memory_space<vmem>>[vector<16xi32>], vector<16xf32>,
        %gather3A_270 = tpu.vector_load_idx %arg7[%get3A_268] : memref<10240xf32, #tpu.memory_space<vmem>>[vector<16xi32>], vector<16xf32>,
        %add3A_271 = arith.addf %gather3A_269, %gather3A_270 : vector<16xf32>
        %gather3A_272 = tpu.vector_load_idx %arg8[%get3A_264] : memref<10240xf32, #tpu.memory_space<vmem>>[vector<16xi32>], vector<16xf32>,
        %gt3A_273 = arith.cmpf ogt, %add3A_271, %gather3A_272 : vector<16xf32>
        tpu.vector_store_idx %arg8[%get3A_264], %add3A_271 masked %gt3A_273 : memref<10240xf32, #tpu.memory_space<vmem>>[vector<16xi32>], vector<16xf32>, vector<16xi1>
        %add3A_274 = arith.constant 48 : i32
        %add3A_275 = arith.addi %mul3A_231, %add3A_274 : i32
        %get3A_276 = arith.constant 1 : i32
        %get3A_277 = arith.index_cast %get3A_276 : i32 to index
        %get3A_278 = arith.index_cast %add3A_275 : i32 to index
        %get3A_279 = tpu.vector_load %arg9[%get3A_277, %get3A_278] {strides = array<i32>} : memref<2x6400xi32, #tpu.memory_space<vmem>>, vector<16xi32>,
        %get3A_280 = arith.constant 1 : i32
        %get3A_281 = arith.index_cast %get3A_280 : i32 to index
        %get3A_282 = arith.index_cast %add3A_275 : i32 to index
        %get3A_283 = tpu.vector_load %arg10[%get3A_281, %get3A_282] {strides = array<i32>} : memref<2x6400xi32, #tpu.memory_space<vmem>>, vector<16xi32>,
        %gather3A_284 = tpu.vector_load_idx %arg6[%get3A_279] : memref<10240xf32, #tpu.memory_space<vmem>>[vector<16xi32>], vector<16xf32>,
        %gather3A_285 = tpu.vector_load_idx %arg7[%get3A_283] : memref<10240xf32, #tpu.memory_space<vmem>>[vector<16xi32>], vector<16xf32>,
        %add3A_286 = arith.addf %gather3A_284, %gather3A_285 : vector<16xf32>
        %gather3A_287 = tpu.vector_load_idx %arg8[%get3A_279] : memref<10240xf32, #tpu.memory_space<vmem>>[vector<16xi32>], vector<16xf32>,
        %gt3A_288 = arith.cmpf ogt, %add3A_286, %gather3A_287 : vector<16xf32>
        tpu.vector_store_idx %arg8[%get3A_279], %add3A_286 masked %gt3A_288 : memref<10240xf32, #tpu.memory_space<vmem>>[vector<16xi32>], vector<16xf32>, vector<16xi1>
        %add3A_289 = arith.constant 64 : i32
        %add3A_290 = arith.addi %mul3A_231, %add3A_289 : i32
        %get3A_291 = arith.constant 1 : i32
        %get3A_292 = arith.index_cast %get3A_291 : i32 to index
        %get3A_293 = arith.index_cast %add3A_290 : i32 to index
        %get3A_294 = tpu.vector_load %arg9[%get3A_292, %get3A_293] {strides = array<i32>} : memref<2x6400xi32, #tpu.memory_space<vmem>>, vector<16xi32>,
        %get3A_295 = arith.constant 1 : i32
        %get3A_296 = arith.index_cast %get3A_295 : i32 to index
        %get3A_297 = arith.index_cast %add3A_290 : i32 to index
        %get3A_298 = tpu.vector_load %arg10[%get3A_296, %get3A_297] {strides = array<i32>} : memref<2x6400xi32, #tpu.memory_space<vmem>>, vector<16xi32>,
        %gather3A_299 = tpu.vector_load_idx %arg6[%get3A_294] : memref<10240xf32, #tpu.memory_space<vmem>>[vector<16xi32>], vector<16xf32>,
        %gather3A_300 = tpu.vector_load_idx %arg7[%get3A_298] : memref<10240xf32, #tpu.memory_space<vmem>>[vector<16xi32>], vector<16xf32>,
        %add3A_301 = arith.addf %gather3A_299, %gather3A_300 : vector<16xf32>
        %gather3A_302 = tpu.vector_load_idx %arg8[%get3A_294] : memref<10240xf32, #tpu.memory_space<vmem>>[vector<16xi32>], vector<16xf32>,
        %gt3A_303 = arith.cmpf ogt, %add3A_301, %gather3A_302 : vector<16xf32>
        tpu.vector_store_idx %arg8[%get3A_294], %add3A_301 masked %gt3A_303 : memref<10240xf32, #tpu.memory_space<vmem>>[vector<16xi32>], vector<16xf32>, vector<16xi1>
        %add3A_304 = arith.constant 80 : i32
        %add3A_305 = arith.addi %mul3A_231, %add3A_304 : i32
        %get3A_306 = arith.constant 1 : i32
        %get3A_307 = arith.index_cast %get3A_306 : i32 to index
        %get3A_308 = arith.index_cast %add3A_305 : i32 to index
        %get3A_309 = tpu.vector_load %arg9[%get3A_307, %get3A_308] {strides = array<i32>} : memref<2x6400xi32, #tpu.memory_space<vmem>>, vector<16xi32>,
        %get3A_310 = arith.constant 1 : i32
        %get3A_311 = arith.index_cast %get3A_310 : i32 to index
        %get3A_312 = arith.index_cast %add3A_305 : i32 to index
        %get3A_313 = tpu.vector_load %arg10[%get3A_311, %get3A_312] {strides = array<i32>} : memref<2x6400xi32, #tpu.memory_space<vmem>>, vector<16xi32>,
        %gather3A_314 = tpu.vector_load_idx %arg6[%get3A_309] : memref<10240xf32, #tpu.memory_space<vmem>>[vector<16xi32>], vector<16xf32>,
        %gather3A_315 = tpu.vector_load_idx %arg7[%get3A_313] : memref<10240xf32, #tpu.memory_space<vmem>>[vector<16xi32>], vector<16xf32>,
        %add3A_316 = arith.addf %gather3A_314, %gather3A_315 : vector<16xf32>
        %gather3A_317 = tpu.vector_load_idx %arg8[%get3A_309] : memref<10240xf32, #tpu.memory_space<vmem>>[vector<16xi32>], vector<16xf32>,
        %gt3A_318 = arith.cmpf ogt, %add3A_316, %gather3A_317 : vector<16xf32>
        tpu.vector_store_idx %arg8[%get3A_309], %add3A_316 masked %gt3A_318 : memref<10240xf32, #tpu.memory_space<vmem>>[vector<16xi32>], vector<16xf32>, vector<16xi1>
        %add3A_319 = arith.constant 96 : i32
        %add3A_320 = arith.addi %mul3A_231, %add3A_319 : i32
        %get3A_321 = arith.constant 1 : i32
        %get3A_322 = arith.index_cast %get3A_321 : i32 to index
        %get3A_323 = arith.index_cast %add3A_320 : i32 to index
        %get3A_324 = tpu.vector_load %arg9[%get3A_322, %get3A_323] {strides = array<i32>} : memref<2x6400xi32, #tpu.memory_space<vmem>>, vector<16xi32>,
        %get3A_325 = arith.constant 1 : i32
        %get3A_326 = arith.index_cast %get3A_325 : i32 to index
        %get3A_327 = arith.index_cast %add3A_320 : i32 to index
        %get3A_328 = tpu.vector_load %arg10[%get3A_326, %get3A_327] {strides = array<i32>} : memref<2x6400xi32, #tpu.memory_space<vmem>>, vector<16xi32>,
        %gather3A_329 = tpu.vector_load_idx %arg6[%get3A_324] : memref<10240xf32, #tpu.memory_space<vmem>>[vector<16xi32>], vector<16xf32>,
        %gather3A_330 = tpu.vector_load_idx %arg7[%get3A_328] : memref<10240xf32, #tpu.memory_space<vmem>>[vector<16xi32>], vector<16xf32>,
        %add3A_331 = arith.addf %gather3A_329, %gather3A_330 : vector<16xf32>
        %gather3A_332 = tpu.vector_load_idx %arg8[%get3A_324] : memref<10240xf32, #tpu.memory_space<vmem>>[vector<16xi32>], vector<16xf32>,
        %gt3A_333 = arith.cmpf ogt, %add3A_331, %gather3A_332 : vector<16xf32>
        tpu.vector_store_idx %arg8[%get3A_324], %add3A_331 masked %gt3A_333 : memref<10240xf32, #tpu.memory_space<vmem>>[vector<16xi32>], vector<16xf32>, vector<16xi1>
        %add3A_334 = arith.constant 112 : i32
        %add3A_335 = arith.addi %mul3A_231, %add3A_334 : i32
        %get3A_336 = arith.constant 1 : i32
        %get3A_337 = arith.index_cast %get3A_336 : i32 to index
        %get3A_338 = arith.index_cast %add3A_335 : i32 to index
        %get3A_339 = tpu.vector_load %arg9[%get3A_337, %get3A_338] {strides = array<i32>} : memref<2x6400xi32, #tpu.memory_space<vmem>>, vector<16xi32>,
        %get3A_340 = arith.constant 1 : i32
        %get3A_341 = arith.index_cast %get3A_340 : i32 to index
        %get3A_342 = arith.index_cast %add3A_335 : i32 to index
        %get3A_343 = tpu.vector_load %arg10[%get3A_341, %get3A_342] {strides = array<i32>} : memref<2x6400xi32, #tpu.memory_space<vmem>>, vector<16xi32>,
        %gather3A_344 = tpu.vector_load_idx %arg6[%get3A_339] : memref<10240xf32, #tpu.memory_space<vmem>>[vector<16xi32>], vector<16xf32>,
        %gather3A_345 = tpu.vector_load_idx %arg7[%get3A_343] : memref<10240xf32, #tpu.memory_space<vmem>>[vector<16xi32>], vector<16xf32>,
        %add3A_346 = arith.addf %gather3A_344, %gather3A_345 : vector<16xf32>
        %gather3A_347 = tpu.vector_load_idx %arg8[%get3A_339] : memref<10240xf32, #tpu.memory_space<vmem>>[vector<16xi32>], vector<16xf32>,
        %gt3A_348 = arith.cmpf ogt, %add3A_346, %gather3A_347 : vector<16xf32>
        tpu.vector_store_idx %arg8[%get3A_339], %add3A_346 masked %gt3A_348 : memref<10240xf32, #tpu.memory_space<vmem>>[vector<16xi32>], vector<16xf32>, vector<16xi1>
        %broadcast_in_dim3A_349 = arith.constant false
        %broadcast_in_dim3A_350 = vector.broadcast %broadcast_in_dim3A_349 : i1 to vector<16xi1>
        %gather3A_351 = tpu.vector_load_idx %arg8[%get3A_236] : memref<10240xf32, #tpu.memory_space<vmem>>[vector<16xi32>], vector<16xf32>,
        %gt3A_352 = arith.cmpf ogt, %add3A_242, %gather3A_351 : vector<16xf32>
        %or3A = arith.ori %broadcast_in_dim3A_350, %gt3A_352 : vector<16xi1>
        %gather3A_353 = tpu.vector_load_idx %arg8[%get3A_249] : memref<10240xf32, #tpu.memory_space<vmem>>[vector<16xi32>], vector<16xf32>,
        %gt3A_354 = arith.cmpf ogt, %add3A_256, %gather3A_353 : vector<16xf32>
        %or3A_355 = arith.ori %or3A, %gt3A_354 : vector<16xi1>
        %gather3A_356 = tpu.vector_load_idx %arg8[%get3A_264] : memref<10240xf32, #tpu.memory_space<vmem>>[vector<16xi32>], vector<16xf32>,
        %gt3A_357 = arith.cmpf ogt, %add3A_271, %gather3A_356 : vector<16xf32>
        %or3A_358 = arith.ori %or3A_355, %gt3A_357 : vector<16xi1>
        %gather3A_359 = tpu.vector_load_idx %arg8[%get3A_279] : memref<10240xf32, #tpu.memory_space<vmem>>[vector<16xi32>], vector<16xf32>,
        %gt3A_360 = arith.cmpf ogt, %add3A_286, %gather3A_359 : vector<16xf32>
        %or3A_361 = arith.ori %or3A_358, %gt3A_360 : vector<16xi1>
        %gather3A_362 = tpu.vector_load_idx %arg8[%get3A_294] : memref<10240xf32, #tpu.memory_space<vmem>>[vector<16xi32>], vector<16xf32>,
        %gt3A_363 = arith.cmpf ogt, %add3A_301, %gather3A_362 : vector<16xf32>
        %or3A_364 = arith.ori %or3A_361, %gt3A_363 : vector<16xi1>
        %gather3A_365 = tpu.vector_load_idx %arg8[%get3A_309] : memref<10240xf32, #tpu.memory_space<vmem>>[vector<16xi32>], vector<16xf32>,
        %gt3A_366 = arith.cmpf ogt, %add3A_316, %gather3A_365 : vector<16xf32>
        %or3A_367 = arith.ori %or3A_364, %gt3A_366 : vector<16xi1>
        %gather3A_368 = tpu.vector_load_idx %arg8[%get3A_324] : memref<10240xf32, #tpu.memory_space<vmem>>[vector<16xi32>], vector<16xf32>,
        %gt3A_369 = arith.cmpf ogt, %add3A_331, %gather3A_368 : vector<16xf32>
        %or3A_370 = arith.ori %or3A_367, %gt3A_369 : vector<16xi1>
        %gather3A_371 = tpu.vector_load_idx %arg8[%get3A_339] : memref<10240xf32, #tpu.memory_space<vmem>>[vector<16xi32>], vector<16xf32>,
        %gt3A_372 = arith.cmpf ogt, %add3A_346, %gather3A_371 : vector<16xf32>
        %or3A_373 = arith.ori %or3A_370, %gt3A_372 : vector<16xi1>
        %reduce_or3A = arith.constant 1.000000e+00 : f32
        %reduce_or3A_374 = arith.constant 0.000000e+00 : f32
        %reduce_or3A_375 = vector.broadcast %reduce_or3A : f32 to vector<16xf32>
        %reduce_or3A_376 = vector.broadcast %reduce_or3A_374 : f32 to vector<16xf32>
        %reduce_or3A_377 = arith.select %or3A_373, %reduce_or3A_375, %reduce_or3A_376 : vector<16xi1>, vector<16xf32>
        %reduce_or3A_378 = arith.constant true
        %reduce_or3A_379 = vector.broadcast %reduce_or3A_378 : i1 to vector<16xi1>
        %reduce_or3A_380 = tpu.scan <max>, %reduce_or3A_377 masked %reduce_or3A_379 : vector<16xf32>, vector<16xi1> -> vector<16xf32>
        %reduce_or3A_381 = vector.extract %reduce_or3A_380[15] : f32 from vector<16xf32>
        %reduce_or3A_382 = arith.constant 0.000000e+00 : f32
        %reduce_or3A_383 = arith.cmpf ogt, %reduce_or3A_381, %reduce_or3A_382 : f32
        %convert_element_type3A = arith.extui %reduce_or3A_383 : i1 to i32
        %cond3A = arith.constant 0 : i32
        %cond3A_384 = arith.constant 0 : i32
        %cond3A_385 = arith.cmpi ne, %convert_element_type3A, %cond3A_384 : i32
        %cond3A_386 = scf.if %cond3A_385 -> (i32) {
          %gather3A_388 = tpu.vector_load_idx %arg8[%get3A_236] : memref<10240xf32, #tpu.memory_space<vmem>>[vector<16xi32>], vector<16xf32>,
          %gt3A_389 = arith.cmpf ogt, %add3A_242, %gather3A_388 : vector<16xf32>
          %while3A = scf.while (%while3A_412 = %gt3A_389) : (vector<16xi1>) -> vector<16xi1> {
            %reduce_or3A_413 = arith.constant 1.000000e+00 : f32
            %reduce_or3A_414 = arith.constant 0.000000e+00 : f32
            %reduce_or3A_415 = vector.broadcast %reduce_or3A_413 : f32 to vector<16xf32>
            %reduce_or3A_416 = vector.broadcast %reduce_or3A_414 : f32 to vector<16xf32>
            %reduce_or3A_417 = arith.select %while3A_412, %reduce_or3A_415, %reduce_or3A_416 : vector<16xi1>, vector<16xf32>
            %reduce_or3A_418 = arith.constant true
            %reduce_or3A_419 = vector.broadcast %reduce_or3A_418 : i1 to vector<16xi1>
            %reduce_or3A_420 = tpu.scan <max>, %reduce_or3A_417 masked %reduce_or3A_419 : vector<16xf32>, vector<16xi1> -> vector<16xf32>
            %reduce_or3A_421 = vector.extract %reduce_or3A_420[15] : f32 from vector<16xf32>
            %reduce_or3A_422 = arith.constant 0.000000e+00 : f32
            %reduce_or3A_423 = arith.cmpf ogt, %reduce_or3A_421, %reduce_or3A_422 : f32
            scf.condition(%reduce_or3A_423) %while3A_412 : vector<16xi1>
          } do {
          ^bb0(%while3A_412: vector<16xi1>):
            tpu.vector_store_idx %arg8[%get3A_236], %add3A_242 masked %while3A_412 : memref<10240xf32, #tpu.memory_space<vmem>>[vector<16xi32>], vector<16xf32>, vector<16xi1>
            %gather3A_413 = tpu.vector_load_idx %arg8[%get3A_236] : memref<10240xf32, #tpu.memory_space<vmem>>[vector<16xi32>], vector<16xf32>,
            %gt3A_414 = arith.cmpf ogt, %add3A_242, %gather3A_413 : vector<16xf32>
            scf.yield %gt3A_414 : vector<16xi1>
          }
          %gather3A_390 = tpu.vector_load_idx %arg8[%get3A_249] : memref<10240xf32, #tpu.memory_space<vmem>>[vector<16xi32>], vector<16xf32>,
          %gt3A_391 = arith.cmpf ogt, %add3A_256, %gather3A_390 : vector<16xf32>
          %while3A_392 = scf.while (%while3A_412 = %gt3A_391) : (vector<16xi1>) -> vector<16xi1> {
            %reduce_or3A_413 = arith.constant 1.000000e+00 : f32
            %reduce_or3A_414 = arith.constant 0.000000e+00 : f32
            %reduce_or3A_415 = vector.broadcast %reduce_or3A_413 : f32 to vector<16xf32>
            %reduce_or3A_416 = vector.broadcast %reduce_or3A_414 : f32 to vector<16xf32>
            %reduce_or3A_417 = arith.select %while3A_412, %reduce_or3A_415, %reduce_or3A_416 : vector<16xi1>, vector<16xf32>
            %reduce_or3A_418 = arith.constant true
            %reduce_or3A_419 = vector.broadcast %reduce_or3A_418 : i1 to vector<16xi1>
            %reduce_or3A_420 = tpu.scan <max>, %reduce_or3A_417 masked %reduce_or3A_419 : vector<16xf32>, vector<16xi1> -> vector<16xf32>
            %reduce_or3A_421 = vector.extract %reduce_or3A_420[15] : f32 from vector<16xf32>
            %reduce_or3A_422 = arith.constant 0.000000e+00 : f32
            %reduce_or3A_423 = arith.cmpf ogt, %reduce_or3A_421, %reduce_or3A_422 : f32
            scf.condition(%reduce_or3A_423) %while3A_412 : vector<16xi1>
          } do {
          ^bb0(%while3A_412: vector<16xi1>):
            tpu.vector_store_idx %arg8[%get3A_249], %add3A_256 masked %while3A_412 : memref<10240xf32, #tpu.memory_space<vmem>>[vector<16xi32>], vector<16xf32>, vector<16xi1>
            %gather3A_413 = tpu.vector_load_idx %arg8[%get3A_249] : memref<10240xf32, #tpu.memory_space<vmem>>[vector<16xi32>], vector<16xf32>,
            %gt3A_414 = arith.cmpf ogt, %add3A_256, %gather3A_413 : vector<16xf32>
            scf.yield %gt3A_414 : vector<16xi1>
          }
          %gather3A_393 = tpu.vector_load_idx %arg8[%get3A_264] : memref<10240xf32, #tpu.memory_space<vmem>>[vector<16xi32>], vector<16xf32>,
          %gt3A_394 = arith.cmpf ogt, %add3A_271, %gather3A_393 : vector<16xf32>
          %while3A_395 = scf.while (%while3A_412 = %gt3A_394) : (vector<16xi1>) -> vector<16xi1> {
            %reduce_or3A_413 = arith.constant 1.000000e+00 : f32
            %reduce_or3A_414 = arith.constant 0.000000e+00 : f32
            %reduce_or3A_415 = vector.broadcast %reduce_or3A_413 : f32 to vector<16xf32>
            %reduce_or3A_416 = vector.broadcast %reduce_or3A_414 : f32 to vector<16xf32>
            %reduce_or3A_417 = arith.select %while3A_412, %reduce_or3A_415, %reduce_or3A_416 : vector<16xi1>, vector<16xf32>
            %reduce_or3A_418 = arith.constant true
            %reduce_or3A_419 = vector.broadcast %reduce_or3A_418 : i1 to vector<16xi1>
            %reduce_or3A_420 = tpu.scan <max>, %reduce_or3A_417 masked %reduce_or3A_419 : vector<16xf32>, vector<16xi1> -> vector<16xf32>
            %reduce_or3A_421 = vector.extract %reduce_or3A_420[15] : f32 from vector<16xf32>
            %reduce_or3A_422 = arith.constant 0.000000e+00 : f32
            %reduce_or3A_423 = arith.cmpf ogt, %reduce_or3A_421, %reduce_or3A_422 : f32
            scf.condition(%reduce_or3A_423) %while3A_412 : vector<16xi1>
          } do {
          ^bb0(%while3A_412: vector<16xi1>):
            tpu.vector_store_idx %arg8[%get3A_264], %add3A_271 masked %while3A_412 : memref<10240xf32, #tpu.memory_space<vmem>>[vector<16xi32>], vector<16xf32>, vector<16xi1>
            %gather3A_413 = tpu.vector_load_idx %arg8[%get3A_264] : memref<10240xf32, #tpu.memory_space<vmem>>[vector<16xi32>], vector<16xf32>,
            %gt3A_414 = arith.cmpf ogt, %add3A_271, %gather3A_413 : vector<16xf32>
            scf.yield %gt3A_414 : vector<16xi1>
          }
          %gather3A_396 = tpu.vector_load_idx %arg8[%get3A_279] : memref<10240xf32, #tpu.memory_space<vmem>>[vector<16xi32>], vector<16xf32>,
          %gt3A_397 = arith.cmpf ogt, %add3A_286, %gather3A_396 : vector<16xf32>
          %while3A_398 = scf.while (%while3A_412 = %gt3A_397) : (vector<16xi1>) -> vector<16xi1> {
            %reduce_or3A_413 = arith.constant 1.000000e+00 : f32
            %reduce_or3A_414 = arith.constant 0.000000e+00 : f32
            %reduce_or3A_415 = vector.broadcast %reduce_or3A_413 : f32 to vector<16xf32>
            %reduce_or3A_416 = vector.broadcast %reduce_or3A_414 : f32 to vector<16xf32>
            %reduce_or3A_417 = arith.select %while3A_412, %reduce_or3A_415, %reduce_or3A_416 : vector<16xi1>, vector<16xf32>
            %reduce_or3A_418 = arith.constant true
            %reduce_or3A_419 = vector.broadcast %reduce_or3A_418 : i1 to vector<16xi1>
            %reduce_or3A_420 = tpu.scan <max>, %reduce_or3A_417 masked %reduce_or3A_419 : vector<16xf32>, vector<16xi1> -> vector<16xf32>
            %reduce_or3A_421 = vector.extract %reduce_or3A_420[15] : f32 from vector<16xf32>
            %reduce_or3A_422 = arith.constant 0.000000e+00 : f32
            %reduce_or3A_423 = arith.cmpf ogt, %reduce_or3A_421, %reduce_or3A_422 : f32
            scf.condition(%reduce_or3A_423) %while3A_412 : vector<16xi1>
          } do {
          ^bb0(%while3A_412: vector<16xi1>):
            tpu.vector_store_idx %arg8[%get3A_279], %add3A_286 masked %while3A_412 : memref<10240xf32, #tpu.memory_space<vmem>>[vector<16xi32>], vector<16xf32>, vector<16xi1>
            %gather3A_413 = tpu.vector_load_idx %arg8[%get3A_279] : memref<10240xf32, #tpu.memory_space<vmem>>[vector<16xi32>], vector<16xf32>,
            %gt3A_414 = arith.cmpf ogt, %add3A_286, %gather3A_413 : vector<16xf32>
            scf.yield %gt3A_414 : vector<16xi1>
          }
          %gather3A_399 = tpu.vector_load_idx %arg8[%get3A_294] : memref<10240xf32, #tpu.memory_space<vmem>>[vector<16xi32>], vector<16xf32>,
          %gt3A_400 = arith.cmpf ogt, %add3A_301, %gather3A_399 : vector<16xf32>
          %while3A_401 = scf.while (%while3A_412 = %gt3A_400) : (vector<16xi1>) -> vector<16xi1> {
            %reduce_or3A_413 = arith.constant 1.000000e+00 : f32
            %reduce_or3A_414 = arith.constant 0.000000e+00 : f32
            %reduce_or3A_415 = vector.broadcast %reduce_or3A_413 : f32 to vector<16xf32>
            %reduce_or3A_416 = vector.broadcast %reduce_or3A_414 : f32 to vector<16xf32>
            %reduce_or3A_417 = arith.select %while3A_412, %reduce_or3A_415, %reduce_or3A_416 : vector<16xi1>, vector<16xf32>
            %reduce_or3A_418 = arith.constant true
            %reduce_or3A_419 = vector.broadcast %reduce_or3A_418 : i1 to vector<16xi1>
            %reduce_or3A_420 = tpu.scan <max>, %reduce_or3A_417 masked %reduce_or3A_419 : vector<16xf32>, vector<16xi1> -> vector<16xf32>
            %reduce_or3A_421 = vector.extract %reduce_or3A_420[15] : f32 from vector<16xf32>
            %reduce_or3A_422 = arith.constant 0.000000e+00 : f32
            %reduce_or3A_423 = arith.cmpf ogt, %reduce_or3A_421, %reduce_or3A_422 : f32
            scf.condition(%reduce_or3A_423) %while3A_412 : vector<16xi1>
          } do {
          ^bb0(%while3A_412: vector<16xi1>):
            tpu.vector_store_idx %arg8[%get3A_294], %add3A_301 masked %while3A_412 : memref<10240xf32, #tpu.memory_space<vmem>>[vector<16xi32>], vector<16xf32>, vector<16xi1>
            %gather3A_413 = tpu.vector_load_idx %arg8[%get3A_294] : memref<10240xf32, #tpu.memory_space<vmem>>[vector<16xi32>], vector<16xf32>,
            %gt3A_414 = arith.cmpf ogt, %add3A_301, %gather3A_413 : vector<16xf32>
            scf.yield %gt3A_414 : vector<16xi1>
          }
          %gather3A_402 = tpu.vector_load_idx %arg8[%get3A_309] : memref<10240xf32, #tpu.memory_space<vmem>>[vector<16xi32>], vector<16xf32>,
          %gt3A_403 = arith.cmpf ogt, %add3A_316, %gather3A_402 : vector<16xf32>
          %while3A_404 = scf.while (%while3A_412 = %gt3A_403) : (vector<16xi1>) -> vector<16xi1> {
            %reduce_or3A_413 = arith.constant 1.000000e+00 : f32
            %reduce_or3A_414 = arith.constant 0.000000e+00 : f32
            %reduce_or3A_415 = vector.broadcast %reduce_or3A_413 : f32 to vector<16xf32>
            %reduce_or3A_416 = vector.broadcast %reduce_or3A_414 : f32 to vector<16xf32>
            %reduce_or3A_417 = arith.select %while3A_412, %reduce_or3A_415, %reduce_or3A_416 : vector<16xi1>, vector<16xf32>
            %reduce_or3A_418 = arith.constant true
            %reduce_or3A_419 = vector.broadcast %reduce_or3A_418 : i1 to vector<16xi1>
            %reduce_or3A_420 = tpu.scan <max>, %reduce_or3A_417 masked %reduce_or3A_419 : vector<16xf32>, vector<16xi1> -> vector<16xf32>
            %reduce_or3A_421 = vector.extract %reduce_or3A_420[15] : f32 from vector<16xf32>
            %reduce_or3A_422 = arith.constant 0.000000e+00 : f32
            %reduce_or3A_423 = arith.cmpf ogt, %reduce_or3A_421, %reduce_or3A_422 : f32
            scf.condition(%reduce_or3A_423) %while3A_412 : vector<16xi1>
          } do {
          ^bb0(%while3A_412: vector<16xi1>):
            tpu.vector_store_idx %arg8[%get3A_309], %add3A_316 masked %while3A_412 : memref<10240xf32, #tpu.memory_space<vmem>>[vector<16xi32>], vector<16xf32>, vector<16xi1>
            %gather3A_413 = tpu.vector_load_idx %arg8[%get3A_309] : memref<10240xf32, #tpu.memory_space<vmem>>[vector<16xi32>], vector<16xf32>,
            %gt3A_414 = arith.cmpf ogt, %add3A_316, %gather3A_413 : vector<16xf32>
            scf.yield %gt3A_414 : vector<16xi1>
          }
          %gather3A_405 = tpu.vector_load_idx %arg8[%get3A_324] : memref<10240xf32, #tpu.memory_space<vmem>>[vector<16xi32>], vector<16xf32>,
          %gt3A_406 = arith.cmpf ogt, %add3A_331, %gather3A_405 : vector<16xf32>
          %while3A_407 = scf.while (%while3A_412 = %gt3A_406) : (vector<16xi1>) -> vector<16xi1> {
            %reduce_or3A_413 = arith.constant 1.000000e+00 : f32
            %reduce_or3A_414 = arith.constant 0.000000e+00 : f32
            %reduce_or3A_415 = vector.broadcast %reduce_or3A_413 : f32 to vector<16xf32>
            %reduce_or3A_416 = vector.broadcast %reduce_or3A_414 : f32 to vector<16xf32>
            %reduce_or3A_417 = arith.select %while3A_412, %reduce_or3A_415, %reduce_or3A_416 : vector<16xi1>, vector<16xf32>
            %reduce_or3A_418 = arith.constant true
            %reduce_or3A_419 = vector.broadcast %reduce_or3A_418 : i1 to vector<16xi1>
            %reduce_or3A_420 = tpu.scan <max>, %reduce_or3A_417 masked %reduce_or3A_419 : vector<16xf32>, vector<16xi1> -> vector<16xf32>
            %reduce_or3A_421 = vector.extract %reduce_or3A_420[15] : f32 from vector<16xf32>
            %reduce_or3A_422 = arith.constant 0.000000e+00 : f32
            %reduce_or3A_423 = arith.cmpf ogt, %reduce_or3A_421, %reduce_or3A_422 : f32
            scf.condition(%reduce_or3A_423) %while3A_412 : vector<16xi1>
          } do {
          ^bb0(%while3A_412: vector<16xi1>):
            tpu.vector_store_idx %arg8[%get3A_324], %add3A_331 masked %while3A_412 : memref<10240xf32, #tpu.memory_space<vmem>>[vector<16xi32>], vector<16xf32>, vector<16xi1>
            %gather3A_413 = tpu.vector_load_idx %arg8[%get3A_324] : memref<10240xf32, #tpu.memory_space<vmem>>[vector<16xi32>], vector<16xf32>,
            %gt3A_414 = arith.cmpf ogt, %add3A_331, %gather3A_413 : vector<16xf32>
            scf.yield %gt3A_414 : vector<16xi1>
          }
          %gather3A_408 = tpu.vector_load_idx %arg8[%get3A_339] : memref<10240xf32, #tpu.memory_space<vmem>>[vector<16xi32>], vector<16xf32>,
          %gt3A_409 = arith.cmpf ogt, %add3A_346, %gather3A_408 : vector<16xf32>
          %while3A_410 = scf.while (%while3A_412 = %gt3A_409) : (vector<16xi1>) -> vector<16xi1> {
            %reduce_or3A_413 = arith.constant 1.000000e+00 : f32
            %reduce_or3A_414 = arith.constant 0.000000e+00 : f32
            %reduce_or3A_415 = vector.broadcast %reduce_or3A_413 : f32 to vector<16xf32>
            %reduce_or3A_416 = vector.broadcast %reduce_or3A_414 : f32 to vector<16xf32>
            %reduce_or3A_417 = arith.select %while3A_412, %reduce_or3A_415, %reduce_or3A_416 : vector<16xi1>, vector<16xf32>
            %reduce_or3A_418 = arith.constant true
            %reduce_or3A_419 = vector.broadcast %reduce_or3A_418 : i1 to vector<16xi1>
            %reduce_or3A_420 = tpu.scan <max>, %reduce_or3A_417 masked %reduce_or3A_419 : vector<16xf32>, vector<16xi1> -> vector<16xf32>
            %reduce_or3A_421 = vector.extract %reduce_or3A_420[15] : f32 from vector<16xf32>
            %reduce_or3A_422 = arith.constant 0.000000e+00 : f32
            %reduce_or3A_423 = arith.cmpf ogt, %reduce_or3A_421, %reduce_or3A_422 : f32
            scf.condition(%reduce_or3A_423) %while3A_412 : vector<16xi1>
          } do {
          ^bb0(%while3A_412: vector<16xi1>):
            tpu.vector_store_idx %arg8[%get3A_339], %add3A_346 masked %while3A_412 : memref<10240xf32, #tpu.memory_space<vmem>>[vector<16xi32>], vector<16xf32>, vector<16xi1>
            %gather3A_413 = tpu.vector_load_idx %arg8[%get3A_339] : memref<10240xf32, #tpu.memory_space<vmem>>[vector<16xi32>], vector<16xf32>,
            %gt3A_414 = arith.cmpf ogt, %add3A_346, %gather3A_413 : vector<16xf32>
            scf.yield %gt3A_414 : vector<16xi1>
          }
          %cond3A_411 = arith.constant 0 : i32
          scf.yield %cond3A_411 : i32
        } else {
          %cond3A_388 = arith.constant 0 : i32
          scf.yield %cond3A_388 : i32
        }
        %scan3A_387 = arith.constant 0 : i32
        scf.yield %scan3A_387 : i32
      }
      %scan3A_198 = arith.constant 50 : i32
      %mul3A_199 = arith.constant 2 : i32
      %mul3A_200 = arith.muli %mul3A_199, %scan3A_111 : i32
      %add3A_201 = arith.constant 1 : i32
      %add3A_202 = arith.addi %mul3A_200, %add3A_201 : i32
      %add3A_203 = arith.constant 2 : i32
      %add3A_204 = arith.addi %add3A_202, %add3A_203 : i32
      %min3A_205 = arith.constant 49 : i32
      %min3A_206 = arith.minsi %add3A_204, %min3A_205 : i32
      %mul3A_207 = arith.constant 6400 : i32
      %mul3A_208 = arith.muli %min3A_206, %mul3A_207 : i32
      %dma_start3A_209 = arith.constant 1 : i32
      %dma_start3A_210 = arith.constant 0 : i32
      %dma_start3A_211 = tpu.memref_slice %arg9[%dma_start3A_209, %dma_start3A_210] : memref<2x6400xi32, #tpu.memory_space<vmem>> -> memref<1x6400xi32, #tpu.memory_space<vmem>>
      %dma_start3A_212 = tpu.memref_squeeze %dma_start3A_211 : memref<1x6400xi32, #tpu.memory_space<vmem>> -> memref<6400xi32, #tpu.memory_space<vmem>>
      %dma_start3A_213 = tpu.memref_slice %arg3[%mul3A_208] : memref<320000xi32, #tpu.memory_space<hbm>> -> memref<6400xi32, #tpu.memory_space<hbm>>
      %dma_start3A_214 = arith.constant 0 : i32
      %dma_start3A_215 = tpu.memref_slice %arg9[%dma_start3A_209, %dma_start3A_214] : memref<2x6400xi32, #tpu.memory_space<vmem>> -> memref<1x6400xi32, #tpu.memory_space<vmem>>
      %dma_start3A_216 = tpu.memref_squeeze %dma_start3A_215 : memref<1x6400xi32, #tpu.memory_space<vmem>> -> memref<6400xi32, #tpu.memory_space<vmem>>
      %dma_start3A_217 = tpu.memref_slice %arg3[%mul3A_208] : memref<320000xi32, #tpu.memory_space<hbm>> -> memref<6400xi32, #tpu.memory_space<hbm>>
      tpu.enqueue_dma source(%dma_start3A_217 : memref<6400xi32, #tpu.memory_space<hbm>>) target(%dma_start3A_216 : memref<6400xi32, #tpu.memory_space<vmem>>) target_semaphore(%arg12 : memref<!tpu.dma_semaphore, #tpu.memory_space<semaphore_mem>>)
      %dma_start3A_218 = arith.constant 1 : i32
      %dma_start3A_219 = arith.constant 0 : i32
      %dma_start3A_220 = tpu.memref_slice %arg10[%dma_start3A_218, %dma_start3A_219] : memref<2x6400xi32, #tpu.memory_space<vmem>> -> memref<1x6400xi32, #tpu.memory_space<vmem>>
      %dma_start3A_221 = tpu.memref_squeeze %dma_start3A_220 : memref<1x6400xi32, #tpu.memory_space<vmem>> -> memref<6400xi32, #tpu.memory_space<vmem>>
      %dma_start3A_222 = tpu.memref_slice %arg4[%mul3A_208] : memref<320000xi32, #tpu.memory_space<hbm>> -> memref<6400xi32, #tpu.memory_space<hbm>>
      %dma_start3A_223 = arith.constant 0 : i32
      %dma_start3A_224 = tpu.memref_slice %arg10[%dma_start3A_218, %dma_start3A_223] : memref<2x6400xi32, #tpu.memory_space<vmem>> -> memref<1x6400xi32, #tpu.memory_space<vmem>>
      %dma_start3A_225 = tpu.memref_squeeze %dma_start3A_224 : memref<1x6400xi32, #tpu.memory_space<vmem>> -> memref<6400xi32, #tpu.memory_space<vmem>>
      %dma_start3A_226 = tpu.memref_slice %arg4[%mul3A_208] : memref<320000xi32, #tpu.memory_space<hbm>> -> memref<6400xi32, #tpu.memory_space<hbm>>
      tpu.enqueue_dma source(%dma_start3A_226 : memref<6400xi32, #tpu.memory_space<hbm>>) target(%dma_start3A_225 : memref<6400xi32, #tpu.memory_space<vmem>>) target_semaphore(%arg12 : memref<!tpu.dma_semaphore, #tpu.memory_space<semaphore_mem>>)
      %scan3A_227 = arith.constant 0 : i32
      scf.yield %scan3A_227 : i32
    }
    %scan3A_60 = arith.constant 25 : i32
    %dma_wait3A = arith.constant 0 : i32
    %dma_wait3A_61 = arith.constant 0 : i32
    %dma_wait3A_62 = tpu.memref_slice %arg9[%dma_wait3A, %dma_wait3A_61] : memref<2x6400xi32, #tpu.memory_space<vmem>> -> memref<1x6400xi32, #tpu.memory_space<vmem>>
    %dma_wait3A_63 = tpu.memref_squeeze %dma_wait3A_62 : memref<1x6400xi32, #tpu.memory_space<vmem>> -> memref<6400xi32, #tpu.memory_space<vmem>>
    %dma_wait3A_64 = arith.constant 0 : i32
    %dma_wait3A_65 = tpu.memref_slice %arg3[%dma_wait3A_64] : memref<320000xi32, #tpu.memory_space<hbm>> -> memref<6400xi32, #tpu.memory_space<hbm>>
    %dma_wait3A_66 = arith.constant 0 : i32
    %dma_wait3A_67 = tpu.memref_slice %arg9[%dma_wait3A, %dma_wait3A_66] : memref<2x6400xi32, #tpu.memory_space<vmem>> -> memref<1x6400xi32, #tpu.memory_space<vmem>>
    %dma_wait3A_68 = tpu.memref_squeeze %dma_wait3A_67 : memref<1x6400xi32, #tpu.memory_space<vmem>> -> memref<6400xi32, #tpu.memory_space<vmem>>
    %dma_wait3A_69 = arith.constant 0 : i32
    %dma_wait3A_70 = tpu.memref_slice %arg3[%dma_wait3A_69] : memref<320000xi32, #tpu.memory_space<hbm>> -> memref<6400xi32, #tpu.memory_space<hbm>>
    tpu.wait_dma2 semaphore(%arg11 : memref<!tpu.dma_semaphore, #tpu.memory_space<semaphore_mem>>) src(%dma_wait3A_70 : memref<6400xi32, #tpu.memory_space<hbm>>) dst(%dma_wait3A_68 : memref<6400xi32, #tpu.memory_space<vmem>>)
    %dma_wait3A_71 = arith.constant 0 : i32
    %dma_wait3A_72 = arith.constant 0 : i32
    %dma_wait3A_73 = tpu.memref_slice %arg10[%dma_wait3A_71, %dma_wait3A_72] : memref<2x6400xi32, #tpu.memory_space<vmem>> -> memref<1x6400xi32, #tpu.memory_space<vmem>>
    %dma_wait3A_74 = tpu.memref_squeeze %dma_wait3A_73 : memref<1x6400xi32, #tpu.memory_space<vmem>> -> memref<6400xi32, #tpu.memory_space<vmem>>
    %dma_wait3A_75 = arith.constant 0 : i32
    %dma_wait3A_76 = tpu.memref_slice %arg4[%dma_wait3A_75] : memref<320000xi32, #tpu.memory_space<hbm>> -> memref<6400xi32, #tpu.memory_space<hbm>>
    %dma_wait3A_77 = arith.constant 0 : i32
    %dma_wait3A_78 = tpu.memref_slice %arg10[%dma_wait3A_71, %dma_wait3A_77] : memref<2x6400xi32, #tpu.memory_space<vmem>> -> memref<1x6400xi32, #tpu.memory_space<vmem>>
    %dma_wait3A_79 = tpu.memref_squeeze %dma_wait3A_78 : memref<1x6400xi32, #tpu.memory_space<vmem>> -> memref<6400xi32, #tpu.memory_space<vmem>>
    %dma_wait3A_80 = arith.constant 0 : i32
    %dma_wait3A_81 = tpu.memref_slice %arg4[%dma_wait3A_80] : memref<320000xi32, #tpu.memory_space<hbm>> -> memref<6400xi32, #tpu.memory_space<hbm>>
    tpu.wait_dma2 semaphore(%arg11 : memref<!tpu.dma_semaphore, #tpu.memory_space<semaphore_mem>>) src(%dma_wait3A_81 : memref<6400xi32, #tpu.memory_space<hbm>>) dst(%dma_wait3A_79 : memref<6400xi32, #tpu.memory_space<vmem>>)
    %dma_wait3A_82 = arith.constant 1 : i32
    %dma_wait3A_83 = arith.constant 0 : i32
    %dma_wait3A_84 = tpu.memref_slice %arg9[%dma_wait3A_82, %dma_wait3A_83] : memref<2x6400xi32, #tpu.memory_space<vmem>> -> memref<1x6400xi32, #tpu.memory_space<vmem>>
    %dma_wait3A_85 = tpu.memref_squeeze %dma_wait3A_84 : memref<1x6400xi32, #tpu.memory_space<vmem>> -> memref<6400xi32, #tpu.memory_space<vmem>>
    %dma_wait3A_86 = arith.constant 0 : i32
    %dma_wait3A_87 = tpu.memref_slice %arg3[%dma_wait3A_86] : memref<320000xi32, #tpu.memory_space<hbm>> -> memref<6400xi32, #tpu.memory_space<hbm>>
    %dma_wait3A_88 = arith.constant 0 : i32
    %dma_wait3A_89 = tpu.memref_slice %arg9[%dma_wait3A_82, %dma_wait3A_88] : memref<2x6400xi32, #tpu.memory_space<vmem>> -> memref<1x6400xi32, #tpu.memory_space<vmem>>
    %dma_wait3A_90 = tpu.memref_squeeze %dma_wait3A_89 : memref<1x6400xi32, #tpu.memory_space<vmem>> -> memref<6400xi32, #tpu.memory_space<vmem>>
    %dma_wait3A_91 = arith.constant 0 : i32
    %dma_wait3A_92 = tpu.memref_slice %arg3[%dma_wait3A_91] : memref<320000xi32, #tpu.memory_space<hbm>> -> memref<6400xi32, #tpu.memory_space<hbm>>
    tpu.wait_dma2 semaphore(%arg12 : memref<!tpu.dma_semaphore, #tpu.memory_space<semaphore_mem>>) src(%dma_wait3A_92 : memref<6400xi32, #tpu.memory_space<hbm>>) dst(%dma_wait3A_90 : memref<6400xi32, #tpu.memory_space<vmem>>)
    %dma_wait3A_93 = arith.constant 1 : i32
    %dma_wait3A_94 = arith.constant 0 : i32
    %dma_wait3A_95 = tpu.memref_slice %arg10[%dma_wait3A_93, %dma_wait3A_94] : memref<2x6400xi32, #tpu.memory_space<vmem>> -> memref<1x6400xi32, #tpu.memory_space<vmem>>
    %dma_wait3A_96 = tpu.memref_squeeze %dma_wait3A_95 : memref<1x6400xi32, #tpu.memory_space<vmem>> -> memref<6400xi32, #tpu.memory_space<vmem>>
    %dma_wait3A_97 = arith.constant 0 : i32
    %dma_wait3A_98 = tpu.memref_slice %arg4[%dma_wait3A_97] : memref<320000xi32, #tpu.memory_space<hbm>> -> memref<6400xi32, #tpu.memory_space<hbm>>
    %dma_wait3A_99 = arith.constant 0 : i32
    %dma_wait3A_100 = tpu.memref_slice %arg10[%dma_wait3A_93, %dma_wait3A_99] : memref<2x6400xi32, #tpu.memory_space<vmem>> -> memref<1x6400xi32, #tpu.memory_space<vmem>>
    %dma_wait3A_101 = tpu.memref_squeeze %dma_wait3A_100 : memref<1x6400xi32, #tpu.memory_space<vmem>> -> memref<6400xi32, #tpu.memory_space<vmem>>
    %dma_wait3A_102 = arith.constant 0 : i32
    %dma_wait3A_103 = tpu.memref_slice %arg4[%dma_wait3A_102] : memref<320000xi32, #tpu.memory_space<hbm>> -> memref<6400xi32, #tpu.memory_space<hbm>>
    tpu.wait_dma2 semaphore(%arg12 : memref<!tpu.dma_semaphore, #tpu.memory_space<semaphore_mem>>) src(%dma_wait3A_103 : memref<6400xi32, #tpu.memory_space<hbm>>) dst(%dma_wait3A_101 : memref<6400xi32, #tpu.memory_space<vmem>>)
    %scan3A_104 = arith.constant 0 : i32
    %scan3A_105 = arith.constant 0 : i32
    %scan3A_106 = arith.constant 640 : i32
    %scan3A_107 = arith.addi %scan3A_105, %scan3A_106 : i32
    %scan3A_108 = arith.constant 1 : i32
    %scan3A_109 = scf.for %scan3A_111 = %scan3A_105 to %scan3A_107 step %scan3A_108 iter_args(%scan3A_112 = %scan3A_104) -> (i32)  : i32 {
      %mul3A_113 = arith.constant 16 : i32
      %mul3A_114 = arith.muli %scan3A_111, %mul3A_113 : i32
      %get3A = arith.index_cast %mul3A_114 : i32 to index
      %get3A_115 = tpu.vector_load %arg8[%get3A] {strides = array<i32>} : memref<10240xf32, #tpu.memory_space<vmem>>, vector<16xf32>,
      %eq3A = arith.constant 0xFF800000 : f32
      %eq3A_116 = vector.broadcast %eq3A : f32 to vector<16xf32>
      %eq3A_117 = arith.cmpf oeq, %get3A_115, %eq3A_116 : vector<16xf32>
      %broadcast_in_dim3A_118 = arith.constant 0.000000e+00 : f32
      %broadcast_in_dim3A_119 = vector.broadcast %broadcast_in_dim3A_118 : f32 to vector<16xf32>
      %select_n3A = arith.select %eq3A_117, %broadcast_in_dim3A_119, %get3A_115 : vector<16xi1>, vector<16xf32>
      %swap3A = arith.index_cast %mul3A_114 : i32 to index
      %swap3A_120 = tpu.vector_load %arg8[%swap3A] {strides = array<i32>} : memref<10240xf32, #tpu.memory_space<vmem>>, vector<16xf32>,
      tpu.vector_store %arg8[%swap3A], %select_n3A {strides = array<i32>} : memref<10240xf32, #tpu.memory_space<vmem>>, vector<16xf32>,
      %scan3A_121 = arith.constant 0 : i32
      scf.yield %scan3A_121 : i32
    }
    %scan3A_110 = arith.constant 640 : i32
    "tpu.region"() ({
      %run_scoped3A = tpu.sem_alloc : memref<!tpu.dma_semaphore, #tpu.memory_space<semaphore_mem>>
      %dma_start3A_111 = arith.constant 0 : i32
      %dma_start3A_112 = tpu.memref_slice %arg5[%add3A, %dma_start3A_111] : memref<32x10240xf32, #tpu.memory_space<hbm>> -> memref<1x10240xf32, #tpu.memory_space<hbm>>
      %dma_start3A_113 = tpu.memref_squeeze %dma_start3A_112 : memref<1x10240xf32, #tpu.memory_space<hbm>> -> memref<10240xf32, #tpu.memory_space<hbm>>
      %dma_start3A_114 = arith.constant 0 : i32
      %dma_start3A_115 = tpu.memref_slice %arg5[%add3A, %dma_start3A_114] : memref<32x10240xf32, #tpu.memory_space<hbm>> -> memref<1x10240xf32, #tpu.memory_space<hbm>>
      %dma_start3A_116 = tpu.memref_squeeze %dma_start3A_115 : memref<1x10240xf32, #tpu.memory_space<hbm>> -> memref<10240xf32, #tpu.memory_space<hbm>>
      tpu.enqueue_dma source(%arg8 : memref<10240xf32, #tpu.memory_space<vmem>>) target(%dma_start3A_116 : memref<10240xf32, #tpu.memory_space<hbm>>) target_semaphore(%run_scoped3A : memref<!tpu.dma_semaphore, #tpu.memory_space<semaphore_mem>>)
      %dma_wait3A_117 = arith.constant 0 : i32
      %dma_wait3A_118 = tpu.memref_slice %arg5[%add3A, %dma_wait3A_117] : memref<32x10240xf32, #tpu.memory_space<hbm>> -> memref<1x10240xf32, #tpu.memory_space<hbm>>
      %dma_wait3A_119 = tpu.memref_squeeze %dma_wait3A_118 : memref<1x10240xf32, #tpu.memory_space<hbm>> -> memref<10240xf32, #tpu.memory_space<hbm>>
      %dma_wait3A_120 = arith.constant 0 : i32
      %dma_wait3A_121 = tpu.memref_slice %arg5[%add3A, %dma_wait3A_120] : memref<32x10240xf32, #tpu.memory_space<hbm>> -> memref<1x10240xf32, #tpu.memory_space<hbm>>
      %dma_wait3A_122 = tpu.memref_squeeze %dma_wait3A_121 : memref<1x10240xf32, #tpu.memory_space<hbm>> -> memref<10240xf32, #tpu.memory_space<hbm>>
      tpu.wait_dma2 semaphore(%run_scoped3A : memref<!tpu.dma_semaphore, #tpu.memory_space<semaphore_mem>>) src(%arg8 : memref<10240xf32, #tpu.memory_space<vmem>>) dst(%dma_wait3A_122 : memref<10240xf32, #tpu.memory_space<hbm>>)
      tpu.yield
    }) : () -> ()
    return
  }
}

module attributes {stable_mosaic.version = 14 : i64} {
  func.func @body(%arg0: i32, %arg1: memref<256x32xf32, #tpu.memory_space<vmem>>, %arg2: memref<32x1xf32, #tpu.memory_space<vmem>>, %arg3: memref<128x2048xf32, #tpu.memory_space<vmem>>, %arg4: memref<64x2048xf32, #tpu.memory_space<vmem>>) attributes {dimension_semantics = [#tpu.dimension_semantics<arbitrary>], iteration_bounds = array<i64: 5>, scalar_prefetch = 0 : i64, scratch_operands = 0 : i64, tpu.core_type = #tpu.core_type<tc>, window_params = [{pipeline_mode = #tpu.pipeline_mode<synchronous>, transform_indices = @transform_0, window_bounds = array<i64: 256, 32>}, {pipeline_mode = #tpu.pipeline_mode<synchronous>, transform_indices = @transform_1, window_bounds = array<i64: 32, 1>}, {transform_indices = @transform_2, window_bounds = array<i64: 128, 2048>}, {transform_indices = @transform_3, window_bounds = array<i64: 64, 2048>}]} {
    %get3A = arith.constant 0 : index
    %get3A_0 = arith.constant 0 : index
    %get3A_1 = vector.load %arg1[%get3A, %get3A_0] : memref<256x32xf32, #tpu.memory_space<vmem>>, vector<128x32xf32>
    %get3A_2 = arith.constant 128 : index
    %get3A_3 = arith.constant 0 : index
    %get3A_4 = vector.load %arg1[%get3A_2, %get3A_3] : memref<256x32xf32, #tpu.memory_space<vmem>>, vector<128x32xf32>
    %sub3A = arith.subf %get3A_1, %get3A_4 : vector<128x32xf32>
    %get3A_5 = arith.constant 128 : index
    %get3A_6 = arith.constant 0 : index
    %get3A_7 = vector.load %arg1[%get3A_5, %get3A_6] : memref<256x32xf32, #tpu.memory_space<vmem>>, vector<128x32xf32>
    %get3A_8 = arith.constant 0 : index
    %get3A_9 = arith.constant 0 : index
    %get3A_10 = vector.load %arg3[%get3A_8, %get3A_9] : memref<128x2048xf32, #tpu.memory_space<vmem>>, vector<128x2048xf32>
    %dot_general3A = arith.constant dense<0.000000e+00> : vector<32x2048xf32>
    %dot_general3A_11 = tpu.matmul %sub3A, %get3A_10, %dot_general3A {dimension_numbers = #tpu.dot_dimension_numbers<[0], [0], [1], [1], [0, 1, 1, 1], [], []>, transpose_lhs_hint = false} : vector<128x32xf32>, vector<128x2048xf32>, vector<32x2048xf32> -> vector<32x2048xf32>
    %dot_general3A_12 = arith.constant dense<0.000000e+00> : vector<32x2048xf32>
    %dot_general3A_13 = tpu.matmul %get3A_7, %get3A_10, %dot_general3A_12 {dimension_numbers = #tpu.dot_dimension_numbers<[0], [0], [1], [1], [0, 1, 1, 1], [], []>, transpose_lhs_hint = false} : vector<128x32xf32>, vector<128x2048xf32>, vector<32x2048xf32> -> vector<32x2048xf32>
    %get3A_14 = arith.constant 0 : index
    %get3A_15 = arith.constant 0 : index
    %get3A_16 = vector.load %arg2[%get3A_14, %get3A_15] : memref<32x1xf32, #tpu.memory_space<vmem>>, vector<32x1xf32>
    %add3A = vector.broadcast %get3A_16 : vector<32x1xf32> to vector<32x2048xf32>
    %add3A_17 = arith.addf %dot_general3A_11, %add3A : vector<32x2048xf32>
    %concatenate3A = tpu.concatenate %add3A_17, %dot_general3A_13 in 0 : vector<32x2048xf32>, vector<32x2048xf32> -> vector<64x2048xf32>
    %swap3A = arith.constant 0 : index
    %swap3A_18 = arith.constant 0 : index
    %swap3A_19 = vector.load %arg4[%swap3A, %swap3A_18] : memref<64x2048xf32, #tpu.memory_space<vmem>>, vector<64x2048xf32>
    tpu.vector_store %arg4[%swap3A, %swap3A_18], %concatenate3A {strides = array<i32>} : memref<64x2048xf32, #tpu.memory_space<vmem>>, vector<64x2048xf32>,
    return
  }
  func.func @transform_0(%arg0: i32) -> (i32, i32) {
    %c0_i32 = arith.constant 0 : i32
    %c0_i32_0 = arith.constant 0 : i32
    %c0_i32_1 = arith.constant 0 : i32
    return %c0_i32, %c0_i32_0 : i32, i32
  }
  func.func @transform_1(%arg0: i32) -> (i32, i32) {
    %c0_i32 = arith.constant 0 : i32
    %c0_i32_0 = arith.constant 0 : i32
    %c0_i32_1 = arith.constant 0 : i32
    return %c0_i32, %c0_i32_0 : i32, i32
  }
  func.func @transform_2(%arg0: i32) -> (i32, i32) {
    %c0_i32 = arith.constant 0 : i32
    %c0_i32_0 = arith.constant 0 : i32
    return %c0_i32, %arg0 : i32, i32
  }
  func.func @transform_3(%arg0: i32) -> (i32, i32) {
    %c0_i32 = arith.constant 0 : i32
    %c0_i32_0 = arith.constant 0 : i32
    return %c0_i32, %arg0 : i32, i32
  }
}

module attributes {stable_mosaic.version = 14 : i64} {
  func.func @body(%arg0: i32, %arg1: memref<320x32xf32, #tpu.memory_space<vmem>>, %arg2: memref<32x1xf32, #tpu.memory_space<vmem>>, %arg3: memref<160x2048xf32, #tpu.memory_space<vmem>>, %arg4: memref<64x2048xf32, #tpu.memory_space<vmem>>) attributes {dimension_semantics = [#tpu.dimension_semantics<arbitrary>], iteration_bounds = array<i64: 5>, scalar_prefetch = 0 : i64, scratch_operands = 0 : i64, tpu.core_type = #tpu.core_type<tc>, window_params = [{pipeline_mode = #tpu.pipeline_mode<synchronous>, transform_indices = @transform_0, window_bounds = array<i64: 320, 32>}, {pipeline_mode = #tpu.pipeline_mode<synchronous>, transform_indices = @transform_1, window_bounds = array<i64: 32, 1>}, {transform_indices = @transform_2, window_bounds = array<i64: 160, 2048>}, {transform_indices = @transform_3, window_bounds = array<i64: 64, 2048>}]} {
    %get3A = arith.constant 0 : index
    %get3A_0 = arith.constant 0 : index
    %get3A_1 = vector.load %arg1[%get3A, %get3A_0] : memref<320x32xf32, #tpu.memory_space<vmem>>, vector<160x32xf32>
    %get3A_2 = arith.constant 160 : index
    %get3A_3 = arith.constant 0 : index
    %get3A_4 = vector.load %arg1[%get3A_2, %get3A_3] : memref<320x32xf32, #tpu.memory_space<vmem>>, vector<160x32xf32>
    %sub3A = arith.subf %get3A_1, %get3A_4 : vector<160x32xf32>
    %get3A_5 = arith.constant 160 : index
    %get3A_6 = arith.constant 0 : index
    %get3A_7 = vector.load %arg1[%get3A_5, %get3A_6] : memref<320x32xf32, #tpu.memory_space<vmem>>, vector<160x32xf32>
    %get3A_8 = arith.constant 0 : index
    %get3A_9 = arith.constant 0 : index
    %get3A_10 = vector.load %arg3[%get3A_8, %get3A_9] : memref<160x2048xf32, #tpu.memory_space<vmem>>, vector<160x2048xf32>
    %dot_general3A = arith.constant dense<0.000000e+00> : vector<32x2048xf32>
    %dot_general3A_11 = tpu.matmul %sub3A, %get3A_10, %dot_general3A {dimension_numbers = #tpu.dot_dimension_numbers<[0], [0], [1], [1], [0, 1, 1, 1], [], []>, transpose_lhs_hint = false} : vector<160x32xf32>, vector<160x2048xf32>, vector<32x2048xf32> -> vector<32x2048xf32>
    %dot_general3A_12 = arith.constant dense<0.000000e+00> : vector<32x2048xf32>
    %dot_general3A_13 = tpu.matmul %get3A_7, %get3A_10, %dot_general3A_12 {dimension_numbers = #tpu.dot_dimension_numbers<[0], [0], [1], [1], [0, 1, 1, 1], [], []>, transpose_lhs_hint = false} : vector<160x32xf32>, vector<160x2048xf32>, vector<32x2048xf32> -> vector<32x2048xf32>
    %get3A_14 = arith.constant 0 : index
    %get3A_15 = arith.constant 0 : index
    %get3A_16 = vector.load %arg2[%get3A_14, %get3A_15] : memref<32x1xf32, #tpu.memory_space<vmem>>, vector<32x1xf32>
    %add3A = vector.broadcast %get3A_16 : vector<32x1xf32> to vector<32x2048xf32>
    %add3A_17 = arith.addf %dot_general3A_11, %add3A : vector<32x2048xf32>
    %concatenate3A = tpu.concatenate %add3A_17, %dot_general3A_13 in 0 : vector<32x2048xf32>, vector<32x2048xf32> -> vector<64x2048xf32>
    %swap3A = arith.constant 0 : index
    %swap3A_18 = arith.constant 0 : index
    %swap3A_19 = vector.load %arg4[%swap3A, %swap3A_18] : memref<64x2048xf32, #tpu.memory_space<vmem>>, vector<64x2048xf32>
    tpu.vector_store %arg4[%swap3A, %swap3A_18], %concatenate3A {strides = array<i32>} : memref<64x2048xf32, #tpu.memory_space<vmem>>, vector<64x2048xf32>,
    return
  }
  func.func @transform_0(%arg0: i32) -> (i32, i32) {
    %c0_i32 = arith.constant 0 : i32
    %c0_i32_0 = arith.constant 0 : i32
    %c0_i32_1 = arith.constant 0 : i32
    return %c0_i32, %c0_i32_0 : i32, i32
  }
  func.func @transform_1(%arg0: i32) -> (i32, i32) {
    %c0_i32 = arith.constant 0 : i32
    %c0_i32_0 = arith.constant 0 : i32
    %c0_i32_1 = arith.constant 0 : i32
    return %c0_i32, %c0_i32_0 : i32, i32
  }
  func.func @transform_2(%arg0: i32) -> (i32, i32) {
    %c0_i32 = arith.constant 0 : i32
    %c0_i32_0 = arith.constant 0 : i32
    return %c0_i32, %arg0 : i32, i32
  }
  func.func @transform_3(%arg0: i32) -> (i32, i32) {
    %c0_i32 = arith.constant 0 : i32
    %c0_i32_0 = arith.constant 0 : i32
    return %c0_i32, %arg0 : i32, i32
  }
}

module attributes {stable_mosaic.version = 14 : i64} {
  func.func @body(%arg0: i32, %arg1: memref<384x32xf32, #tpu.memory_space<vmem>>, %arg2: memref<32x1xf32, #tpu.memory_space<vmem>>, %arg3: memref<192x2048xf32, #tpu.memory_space<vmem>>, %arg4: memref<64x2048xf32, #tpu.memory_space<vmem>>) attributes {dimension_semantics = [#tpu.dimension_semantics<arbitrary>], iteration_bounds = array<i64: 5>, scalar_prefetch = 0 : i64, scratch_operands = 0 : i64, tpu.core_type = #tpu.core_type<tc>, window_params = [{pipeline_mode = #tpu.pipeline_mode<synchronous>, transform_indices = @transform_0, window_bounds = array<i64: 384, 32>}, {pipeline_mode = #tpu.pipeline_mode<synchronous>, transform_indices = @transform_1, window_bounds = array<i64: 32, 1>}, {transform_indices = @transform_2, window_bounds = array<i64: 192, 2048>}, {transform_indices = @transform_3, window_bounds = array<i64: 64, 2048>}]} {
    %get3A = arith.constant 0 : index
    %get3A_0 = arith.constant 0 : index
    %get3A_1 = vector.load %arg1[%get3A, %get3A_0] : memref<384x32xf32, #tpu.memory_space<vmem>>, vector<192x32xf32>
    %get3A_2 = arith.constant 192 : index
    %get3A_3 = arith.constant 0 : index
    %get3A_4 = vector.load %arg1[%get3A_2, %get3A_3] : memref<384x32xf32, #tpu.memory_space<vmem>>, vector<192x32xf32>
    %sub3A = arith.subf %get3A_1, %get3A_4 : vector<192x32xf32>
    %get3A_5 = arith.constant 192 : index
    %get3A_6 = arith.constant 0 : index
    %get3A_7 = vector.load %arg1[%get3A_5, %get3A_6] : memref<384x32xf32, #tpu.memory_space<vmem>>, vector<192x32xf32>
    %get3A_8 = arith.constant 0 : index
    %get3A_9 = arith.constant 0 : index
    %get3A_10 = vector.load %arg3[%get3A_8, %get3A_9] : memref<192x2048xf32, #tpu.memory_space<vmem>>, vector<192x2048xf32>
    %dot_general3A = arith.constant dense<0.000000e+00> : vector<32x2048xf32>
    %dot_general3A_11 = tpu.matmul %sub3A, %get3A_10, %dot_general3A {dimension_numbers = #tpu.dot_dimension_numbers<[0], [0], [1], [1], [0, 1, 1, 1], [], []>, transpose_lhs_hint = false} : vector<192x32xf32>, vector<192x2048xf32>, vector<32x2048xf32> -> vector<32x2048xf32>
    %dot_general3A_12 = arith.constant dense<0.000000e+00> : vector<32x2048xf32>
    %dot_general3A_13 = tpu.matmul %get3A_7, %get3A_10, %dot_general3A_12 {dimension_numbers = #tpu.dot_dimension_numbers<[0], [0], [1], [1], [0, 1, 1, 1], [], []>, transpose_lhs_hint = false} : vector<192x32xf32>, vector<192x2048xf32>, vector<32x2048xf32> -> vector<32x2048xf32>
    %get3A_14 = arith.constant 0 : index
    %get3A_15 = arith.constant 0 : index
    %get3A_16 = vector.load %arg2[%get3A_14, %get3A_15] : memref<32x1xf32, #tpu.memory_space<vmem>>, vector<32x1xf32>
    %add3A = vector.broadcast %get3A_16 : vector<32x1xf32> to vector<32x2048xf32>
    %add3A_17 = arith.addf %dot_general3A_11, %add3A : vector<32x2048xf32>
    %concatenate3A = tpu.concatenate %add3A_17, %dot_general3A_13 in 0 : vector<32x2048xf32>, vector<32x2048xf32> -> vector<64x2048xf32>
    %swap3A = arith.constant 0 : index
    %swap3A_18 = arith.constant 0 : index
    %swap3A_19 = vector.load %arg4[%swap3A, %swap3A_18] : memref<64x2048xf32, #tpu.memory_space<vmem>>, vector<64x2048xf32>
    tpu.vector_store %arg4[%swap3A, %swap3A_18], %concatenate3A {strides = array<i32>} : memref<64x2048xf32, #tpu.memory_space<vmem>>, vector<64x2048xf32>,
    return
  }
  func.func @transform_0(%arg0: i32) -> (i32, i32) {
    %c0_i32 = arith.constant 0 : i32
    %c0_i32_0 = arith.constant 0 : i32
    %c0_i32_1 = arith.constant 0 : i32
    return %c0_i32, %c0_i32_0 : i32, i32
  }
  func.func @transform_1(%arg0: i32) -> (i32, i32) {
    %c0_i32 = arith.constant 0 : i32
    %c0_i32_0 = arith.constant 0 : i32
    %c0_i32_1 = arith.constant 0 : i32
    return %c0_i32, %c0_i32_0 : i32, i32
  }
  func.func @transform_2(%arg0: i32) -> (i32, i32) {
    %c0_i32 = arith.constant 0 : i32
    %c0_i32_0 = arith.constant 0 : i32
    return %c0_i32, %arg0 : i32, i32
  }
  func.func @transform_3(%arg0: i32) -> (i32, i32) {
    %c0_i32 = arith.constant 0 : i32
    %c0_i32_0 = arith.constant 0 : i32
    return %c0_i32, %arg0 : i32, i32
  }
}

module attributes {stable_mosaic.version = 14 : i64} {
  func.func @body(%arg0: i32, %arg1: memref<224x128xf32, #tpu.memory_space<vmem>>, %arg2: memref<1x128xf32, #tpu.memory_space<vmem>>, %arg3: memref<224x2048xf32, #tpu.memory_space<vmem>>, %arg4: memref<2048x128xf32, #tpu.memory_space<vmem>>) attributes {dimension_semantics = [#tpu.dimension_semantics<arbitrary>], iteration_bounds = array<i64: 5>, scalar_prefetch = 0 : i64, scratch_operands = 0 : i64, tpu.core_type = #tpu.core_type<tc>, window_params = [{pipeline_mode = #tpu.pipeline_mode<synchronous>, transform_indices = @transform_0, window_bounds = array<i64: 224, 128>}, {pipeline_mode = #tpu.pipeline_mode<synchronous>, transform_indices = @transform_1, window_bounds = array<i64: 1, 128>}, {transform_indices = @transform_2, window_bounds = array<i64: 224, 2048>}, {transform_indices = @transform_3, window_bounds = array<i64: 2048, 128>}]} {
    %get3A = arith.constant 0 : index
    %get3A_0 = arith.constant 0 : index
    %get3A_1 = vector.load %arg3[%get3A, %get3A_0] : memref<224x2048xf32, #tpu.memory_space<vmem>>, vector<224x2048xf32>
    %get3A_2 = arith.constant 0 : index
    %get3A_3 = arith.constant 0 : index
    %get3A_4 = vector.load %arg1[%get3A_2, %get3A_3] : memref<224x128xf32, #tpu.memory_space<vmem>>, vector<224x128xf32>
    %dot_general3A = arith.constant dense<0.000000e+00> : vector<2048x128xf32>
    %dot_general3A_5 = tpu.matmul %get3A_1, %get3A_4, %dot_general3A {dimension_numbers = #tpu.dot_dimension_numbers<[0], [0], [1], [1], [0, 1, 1, 1], [], []>, transpose_lhs_hint = false} : vector<224x2048xf32>, vector<224x128xf32>, vector<2048x128xf32> -> vector<2048x128xf32>
    %get3A_6 = arith.constant 0 : index
    %get3A_7 = arith.constant 0 : index
    %get3A_8 = vector.load %arg2[%get3A_6, %get3A_7] : memref<1x128xf32, #tpu.memory_space<vmem>>, vector<1x128xf32>
    %add3A = vector.broadcast %get3A_8 : vector<1x128xf32> to vector<2048x128xf32>
    %add3A_9 = arith.addf %dot_general3A_5, %add3A : vector<2048x128xf32>
    %swap3A = arith.constant 0 : index
    %swap3A_10 = arith.constant 0 : index
    %swap3A_11 = vector.load %arg4[%swap3A, %swap3A_10] : memref<2048x128xf32, #tpu.memory_space<vmem>>, vector<2048x128xf32>
    tpu.vector_store %arg4[%swap3A, %swap3A_10], %add3A_9 {strides = array<i32>} : memref<2048x128xf32, #tpu.memory_space<vmem>>, vector<2048x128xf32>,
    return
  }
  func.func @transform_0(%arg0: i32) -> (i32, i32) {
    %c0_i32 = arith.constant 0 : i32
    %c0_i32_0 = arith.constant 0 : i32
    %c0_i32_1 = arith.constant 0 : i32
    return %c0_i32, %c0_i32_0 : i32, i32
  }
  func.func @transform_1(%arg0: i32) -> (i32, i32) {
    %c0_i32 = arith.constant 0 : i32
    %c0_i32_0 = arith.constant 0 : i32
    %c0_i32_1 = arith.constant 0 : i32
    return %c0_i32, %c0_i32_0 : i32, i32
  }
  func.func @transform_2(%arg0: i32) -> (i32, i32) {
    %c0_i32 = arith.constant 0 : i32
    %c0_i32_0 = arith.constant 0 : i32
    return %c0_i32, %arg0 : i32, i32
  }
  func.func @transform_3(%arg0: i32) -> (i32, i32) {
    %c0_i32 = arith.constant 0 : i32
    %c0_i32_0 = arith.constant 0 : i32
    return %arg0, %c0_i32 : i32, i32
  }
}

</mosaic_0001>

<sc_bundles>
// kernel: kernel.12.cloned.1.call-start
scs
__scs_entry_jumppad:
0x0: {  	(pc) =	sbr.rel $0x88, $3  }
0x1: {  	(tag) =	ssettag $0x0;
	lr =	simm.s32 $0x1  }
0x2: {  	[smem:$0x3F97] =	sst lr;
	_ =	strace $0xD0000000  }
0x3: {  	_ = 	snop  }
0x4: {  	_ = 	snop  }
0x5: {  	_ = 	snop  }
0x6: {  	_ = 	snop  }
0x7: {  	_ = 	snop  }
__scs_overlays_trampoline_lowered:
0x8: {  	[smem:$0x3FA6] =	sst s0  }
0x9: {  	[smem:$0x3FA7] =	sst s1  }
0xa: {  	[smem:$0x3FA8] =	sst s2  }
0xb: {  	[smem:$0x3FA9] =	sst s3  }
0xc: {  	[smem:$0x3FAA] =	sst s4  }
0xd: {  	[smem:$0x3FAB] =	sst s5  }
0xe: {  	[smem:$0x3FAC] =	sst s6  }
0xf: {  	[smem:$0x3FAD] =	sst s7  }
0x10: {  	[smem:$0x3FAE] =	sst s8  }
0x11: {  	[smem:$0x3FAF] =	sst s9;
	s0 =	simm.s32 @!p0 $0x0  }
0x12: {  	s1 =	sld [smem:$0x3F95];
	s0 =	simm.s32 @p0 $0x1  }
0x13: {  	[smem:$0x3FB0] =	sst s0;
	s0 =	simm.s32 @!p1 $0x0  }
0x14: {  	s2 =	sld [smem:$0x3F94];
	s0 =	simm.s32 @p1 $0x1  }
0x15: {  	[smem:$0x3FB1] =	sst s0;
	s0 =	simm.s32 @!p2 $0x0  }
0x16: {  	s3 =	sld [smem:$0x3FDB];
	s0 =	simm.s32 @p2 $0x1  }
0x17: {  	s4 =	simm.s32 $0x1BF5;
	[smem:$0x3FB3] =	sst s0  }
0x18: {  	s0 =	sld [smem:$0x3F96];
	_ =	swait.ge [sflag:s4], $0x0  }
0x19: {  	s7 =	sld [smem:$0x3F97]  }
0x1a: {  	s8 =	sadd.s32 $0xFFFFE003, lr  }
0x1b: {  	s9 =	sadd.s32 $0xFFFFFEF7, lr;
	s5 =	simm.s32 $0xFFFFFFFF;
	p2 =	slt.u32 s8, $0xFFFFF086  }
0x1c: {  	p1 =	slt.u32 s9, $0xF7A;
	s5 =	simm.s32 @!p2 $0x0  }
0x1d: {  	s5 =	simm.s32 @p1 $0x1;
	p0 =	seq.s32 s7, s2  }
0x1e: {  	s7 =	smul.u32 @!p0 $0xF7A, s2;
	p2 =	seq.s32 @!p0 s5, $0x0  }
0x1f: {  	s9 =	smul.u32 $0xF7A, s1;
	s8 =	simm.s32 @!p0 $0x1BF5;
	p2 =	por !p2, p0  }
0x20: {  	[sflag:s8] =	ssyncset.s32 @!p0 $0xFFFFF086;
	s6 =	sadd.s32 @!p0 s3, s7;
	s7 =	simm.s32 @!p0 $0x108  }
0x21: {  	s3 =	sadd.s32 s3, s9;
	s6 =	sadd.s32 @!p0 $0x88, s6;
	s7 =	simm.s32 @p2 $0x1082  }
0x22: {  	[simem:s7], [sflag:s8] =	dma.local @!p0 [hbm:s6], $0xF7A  }
0x23: {  	s9 =	sor.u32 $0xD0000000, s2;
	s6 =	simm.s32 $0x108;
	_ =	swait.ge @!p0 [sflag:s8], $0x0  }
0x24: {  	s3 =	sadd.s32 $0x88, s3;
	s6 =	simm.s32 @!p1 $0x1082;
	[sflag:s4] =	ssyncset.s32 $0xFFFFF086  }
0x25: {  	[simem:s6], [sflag:s4] =	dma.local [hbm:s3], $0xF7A  }
0x26: {  	[smem:$0x3F97] =	sst s1;
	(tag) =	ssettag s2;
	_ =	strace s9  }
0x27: {  	s1 =	sld [smem:$0x3FA7]  }
0x28: {  	s2 =	sld [smem:$0x3FA8]  }
0x29: {  	s4 =	sld [smem:$0x3FAA]  }
0x2a: {  	p0 =	seq.s32 s5, $0x0;
	s5 =	sld [smem:$0x3FAB]  }
0x2b: {  	s6 =	sld [smem:$0x3FAC]  }
0x2c: {  	s7 =	sld [smem:$0x3FAD]  }
0x2d: {  	s3 =	simm.s32 $0x108;
	s8 =	sld [smem:$0x3FAE]  }
0x2e: {  	s3 =	simm.s32 @!p0 $0x1082;
	s9 =	sld [smem:$0x3FAF]  }
0x2f: {  	lr =	sadd.s32 s0, s3;
	s0 =	sld [smem:$0x3FA6]  }
0x30: {  	s3 =	sld [smem:$0x3FA9]  }
0x31: {  	[smem:$0x3FB2] =	sst s10  }
0x32: {  	s10 =	sld [smem:$0x3FB0];
	_ =	sdelay $0x3  }
0x33: {  	p0 =	seq.s32 s10, $0x1;
	s10 =	sld [smem:$0x3FB2];
	_ =	sdelay $0x3  }
0x34: {  	[smem:$0x3FB2] =	sst s10  }
0x35: {  	s10 =	sld [smem:$0x3FB1];
	_ =	sdelay $0x3  }
0x36: {  	p1 =	seq.s32 s10, $0x1;
	s10 =	sld [smem:$0x3FB2];
	_ =	sdelay $0x3  }
0x37: {  	[smem:$0x3FB2] =	sst s10  }
0x38: {  	s10 =	sld [smem:$0x3FB3]  }
0x39: {  	_ = 	snop;
	(pc) =	sbr.ind lr, $3  }
0x3a: {  	_ = 	snop  }
0x3b: {  	_ = 	snop  }
0x3c: {  	p2 =	seq.s32 s10, $0x1;
	s10 =	sld [smem:$0x3FB2]  }
0x3d: {  	_ =	shalt  }
0x3e: {  	_ =	shalt  }
0x3f: {  	_ =	shalt  }
0x40: {  	_ =	shalt  }
0x41: {  	_ =	shalt  }
0x42: {  	_ =	shalt  }
0x43: {  	_ =	shalt  }
0x44: {  	_ =	shalt  }
0x45: {  	_ =	shalt  }
0x46: {  	_ =	shalt  }
0x47: {  	_ =	shalt  }
0x48: {  	_ =	shalt  }
0x49: {  	_ =	shalt  }
0x4a: {  	_ =	shalt  }
0x4b: {  	_ =	shalt  }
0x4c: {  	_ =	shalt  }
0x4d: {  	_ =	shalt  }
0x4e: {  	_ =	shalt  }
0x4f: {  	_ =	shalt  }
0x50: {  	_ =	shalt  }
0x51: {  	_ =	shalt  }
0x52: {  	_ =	shalt  }
0x53: {  	_ =	shalt  }
0x54: {  	_ =	shalt  }
0x55: {  	_ =	shalt  }
0x56: {  	_ =	shalt  }
0x57: {  	_ =	shalt  }
0x58: {  	_ =	shalt  }
0x59: {  	_ =	shalt  }
0x5a: {  	_ =	shalt  }
0x5b: {  	_ =	shalt  }
0x5c: {  	_ =	shalt  }
0x5d: {  	_ =	shalt  }
0x5e: {  	_ =	shalt  }
0x5f: {  	_ =	shalt  }
0x60: {  	_ =	shalt  }
0x61: {  	_ =	shalt  }
0x62: {  	_ =	shalt  }
0x63: {  	_ =	shalt  }
0x64: {  	_ =	shalt  }
0x65: {  	_ =	shalt  }
0x66: {  	_ =	shalt  }
0x67: {  	_ =	shalt  }
0x68: {  	_ =	shalt  }
0x69: {  	_ =	shalt  }
0x6a: {  	_ =	shalt  }
0x6b: {  	_ =	shalt  }
0x6c: {  	_ =	shalt  }
0x6d: {  	_ =	shalt  }
0x6e: {  	_ =	shalt  }
0x6f: {  	_ =	shalt  }
0x70: {  	_ =	shalt  }
0x71: {  	_ =	shalt  }
0x72: {  	_ =	shalt  }
0x73: {  	_ =	shalt  }
0x74: {  	_ =	shalt  }
0x75: {  	_ =	shalt  }
0x76: {  	_ =	shalt  }
0x77: {  	_ =	shalt  }
0x78: {  	_ =	shalt  }
0x79: {  	_ =	shalt  }
0x7a: {  	_ =	shalt  }
0x7b: {  	_ =	shalt  }
0x7c: {  	_ =	shalt  }
0x7d: {  	_ =	shalt  }
0x7e: {  	_ =	shalt  }
0x7f: {  	_ =	shalt  }
0x80: {  	_ =	shalt  }
0x81: {  	_ =	shalt  }
0x82: {  	_ =	shalt  }
0x83: {  	_ =	shalt  }
0x84: {  	_ =	shalt  }
0x85: {  	_ =	shalt  }
0x86: {  	_ =	shalt  }
0x87: {  	_ =	shalt  }
.Lfunc_end0:
.L_simem_size_0:
called_computation.1_lowered:
.L_overlay_start_0:
0x88: {  	s2 =	sld [smem:$0x3FD9]  }
0x89: {  	s3 =	sld [smem:$0x3FFE];
	_ =	sdelay $0x1  }
0x8a: {  	s1 =	srdreg.scid  }
0x8b: {  	s0 =	sand.u32 $0x1, s1  }
0x8c: {  	s17 =	sshll.u32 s0, $0xA;
	s2 =	sadd.s32 s3, s2  }
0x8d: {  	s2 =	sadd.s32 s2, s17  }
0x8e: {  	[smem:$0x3FBE] =	sst s2  }
0x8f: {  	_ = 	snop  }
0x90: {  	s2 =	sld [smem:$0x3FD0];
	(tm) =	ssettm $0x1  }
0x91: {  	s18 =	sld [smem:$0x3FFB];
	_ =	sdelay $0x3  }
0x92: {  	_ =	strace s18  }
0x93: {  	s3 =	sld [smem:$0x3FFC];
	_ =	sdelay $0x3  }
0x94: {  	_ =	strace s3  }
0x95: {  	s3 =	sld [smem:$0x3FFD];
	_ =	sdelay $0x3  }
0x96: {  	_ =	strace s3  }
0x97: {  	_ =	strace $0x8FFFFFFF  }
0x98: {  	s19 =	sld [smem:$0x3FDB];
	_ =	sdelay $0x1  }
0x99: {  	s4 =	simm.s32 $_scs_section_size  }
0x9a: {  	s5 =	simm.s32 $_size__tile_overlayer_lowered;
	s6 =	simm.s32 $_tile_overlayer_lowered  }
0x9b: {  	s22 =	simm.s32 $0x1BFF;
	s21 =	sshll.u32 s6, $0x1;
	s3 =	sadd.s32 s4, s19  }
0x9c: {  	s7 =	simm.s32 $0x0;
	s20 =	sshll.u32 s5, $0x1;
	s5 =	sadd.s32 s21, s3  }
0x9d: {  	[timem:s7], [sflag:s22] =	dma.local [hbm:s5], s20  }
0x9e: {  	_ =	swait.ge [sflag:s22], s20  }
0x9f: {  	s4 =	ssub.s32 $0x0, s20;
	[sflag:s22] =	ssyncset.done $0x0  }
0xa0: {  	[sflag:s22] =	ssyncadd.s32 s4;
	_ =	sdelay $0x1  }
0xa1: {  	s23 =	simm.s32 $0x1B8B  }
0xa2: {  	_ =	swait.ge [sflag:s23], $0x1  }
0xa3: {  	[sflag:s23] =	ssyncset.done $0x0  }
0xa4: {  	s25 =	simm.s32 $0x1B8E;
	s24 =	sld [smem:$0x3FFE];
	[sflag:s23] =	ssyncadd.s32 $0xFFFFFFFF  }
0xa5: {  	s26 =	simm.s32 $execute0_lowered;
	[smem:$0x3FD2] =	sst s25  }
0xa6: {  	s5 =	sshll.u32 s26, $0x1;
	_ =	strace $0x80000049;
	[dreg:$0x1] =	wrdreg $0xFFFFFFFF  }
0xa7: {  	s28 =	simm.s32 $_size_execute0_lowered;
	s3 =	sadd.s32 s3, s5;
	[dreg:$0x0] =	wrdreg $0x0  }
0xa8: {  	s5 =	sshll.u32 s28, $0x1;
	[dreg:$0x2] =	wrdreg s3  }
0xa9: {  	[dreg:$0x3] =	wrdreg s5  }
0xaa: {  	[dreg:$0x4] =	wrdreg $0xC0  }
0xab: {  	_ =	task [dreg:s7], $0x5FFFF  }
0xac: {  	[dreg:$0x1] =	wrdreg $0xFFFFFFFF  }
0xad: {  	[dreg:$0x0] =	wrdreg $0x60  }
0xae: {  	[dreg:$0x2] =	wrdreg s2  }
0xaf: {  	[dreg:$0x3] =	wrdreg s24  }
0xb0: {  	[dreg:$0x4] =	wrdreg $0x9  }
0xb1: {  	_ =	task.clear_ibuf [dreg:s7], $0x5FFFF;
	_ =	strace $0x90000049  }
0xb2: {  	s29 =	simm.s32 $0x9;
	_ =	strace $0x8000004B  }
0xb3: {  	_ =	swait.ge [sflag:s29], $0x1  }
0xb4: {  	[sflag:s29] =	ssyncadd.s32 $0xFFFFFFFF  }
0xb5: {  	_ =	strace $0x9000004B  }
0xb6: {  	_ =	sfence  }
0xb7: {  	s30 =	sld [smem:$0x0];
	_ =	sdelay $0x2  }
0xb8: {  	s31 =	sshll.u32 s1, $0xD;
	s1 =	sshrl.u32 s1, $0x2  }
0xb9: {  	s3 =	sand.u32 $0x4000, s31;
	s1 =	sadd.s32 s1, s30  }
0xba: {  	s0 =	sor.u32 s3, s0;
	s1 =	sshll.u32 s1, $0x11  }
0xbb: {  	s0 =	sor.u32 s1, s0  }
0xbc: {  	s0 =	sadd.s32 $0x8F2B, s0  }
0xbd: {  	[sflag:s0] =	ssyncadd.remote.s32 $0x1  }
0xbe: {  	_ =	sfence.sel $0xFFFF  }
0xbf: {  	[dreg:$0x0] =	wrdreg $0xFFFFFFFF;
	(pc) =	sbr.abs _section_cstart, $3  }
0xc0: {  	[dreg:$0x1] =	wrdreg $0xFFFFFFFF  }
0xc1: {  	_ =	task.clear_ibuf [dreg:s7], $0x2FFFF;
	_ =	strace $0x9FFFFFFF  }
0xc2: {  	(tm) =	ssettm $0x7FFFFFFF  }
0xc3: {  	_ =	shalt  }
tec
execute0_lowered:
.L_overlay_start_1:
0x0: {  	(tag) =	ssettag $0x1  }
0x1: {  	s6 =	rddreg [dreg:$0x0]  }
0x2: {  	s8 =	rddreg [dreg:$0x1]  }
0x3: {  	s0 =	rddreg [dreg:$0x2]  }
0x4: {  	s2 =	simm.s32 $0x0;
	s3 =	srdreg.scid;
	s1 =	stileid.u32  }
0x5: {  	s12 =	simm.s32 $0x400;
	s13 =	simm.s32 $0x3;
	s14 =	simm.s32 $0x2800  }
0x6: {  	s15 =	simm.s32 $0x1;
	s16 =	simm.s32 $0x5000;
	s17 =	simm.s32 $0x2  }
0x7: {  	s18 =	simm.s32 $0x0;
	[smem:$0x7FF] =	sst s2;
	s5 =	sand.u32 $0x1, s3  }
0x8: {  	s30 =	sshrl.u32 s1, $0x2;
	s4 =	sshll.u32 s1, $0x8;
	s3 =	sadd.s32 $0xBA00, s8  }
0x9: {  	s7 =	smul.u32 $0x14000, s30;
	s31 =	sshll.u32 s5, $0x7;
	s4 =	sand.u32 $0x300, s4  }
0xa: {  	_ =	strace $0x8000004A;
	s5 =	ssub.s32 $0x2, s5;
	s9 =	sor.u32 s31, s4  }
0xb: {  	s4 =	sadd.s32 $0x1C00, s8;
	s11 =	sshrl.u32 s5, $0x1;
	s7 =	sor.u32 s7, s9  }
0xc: {  	s11 =	ssub.s32 s5, s11;
	s9 =	sshrl.u32 s7, $0x3;
	s7 =	sadd.s32 $0x50000, s7  }
0xd: {  	s10 =	sadd.s32 s9, s8;
	s7 =	sshrl.u32 s7, $0x3;
	s5 =	sadd.s32 s6, s9  }
0xe: {  	s6 =	sadd.s32 s6, s7;
	s7 =	sadd.s32 $0xBD20, s8;
	s8 =	sadd.s32 $0x1F20, s8  }
0xf: {  	v0 =	vimm.f32 $-Inf;
	v1 =	vimm.f32 $0.0e+00;
	s9 =	sadd.s32 $0x1F800, s10;
	s10 =	smax.u32 s11, $0x1;
	s11 =	simm.s32 $0x80  }
.LBB2_1:
0x10: {  	[tilespmem:s2], [sflag:$0x3] =	stream.strided.gather [hbm4b:s5+s11], $0x2800, s12, s11, $0x38;
	[tilespmem:$0xDC00] =	vst v63  }
0x11: {  	_ =	swait.ge [sflag:s13], $0x2800  }
0x12: {  	[sflag:s13] =	ssyncset.done $0x0  }
0x13: {  	[sflag:s13] =	ssyncadd.s32 $0xFFFFD800  }
0x14: {  	[tilespmem:s14], [sflag:$0x3] =	stream.strided.gather [hbm4b:s6+s11], $0x2800, s12, s11, $0x38;
	[tilespmem:$0xDC00] =	vst v63  }
0x15: {  	_ =	swait.ge [sflag:s13], $0x2800  }
0x16: {  	[sflag:s13] =	ssyncset.done $0x0  }
0x17: {  	s19 =	simm.s32 $0x0;
	[sflag:s13] =	ssyncadd.s32 $0xFFFFD800  }
.LBB2_2:
0x18: {  	p0 =	sne.s32 s19, $0x9FC0  }
.Ltmp0:
0x19: {  	_ = 	snop;
	(pc) =	sbr.rel @p0 .LBB2_2-.Ltmp0, $3  }
0x1a: {  	_ =	sdelay $0x1  }
0x1b: {  	s20 =	sshra.s32 s19, $0x2  }
0x1c: {  	s19 =	sadd.s32 $0x40, s19;
	[tilespmem:s20+$0x5000] =	vst v0  }
0x1d: {  	s19 =	simm.s32 $0x0;
	s20 =	simm.s32 $0x7800;
	s21 =	simm.s32 $0x0  }
.LBB2_4:
0x1e: {  	p0 =	sne.s32 s21, $0x310  }
.Ltmp1:
0x1f: {  	_ = 	snop;
	(pc) =	sbr.rel @p0 .LBB2_4-.Ltmp1, $4  }
0x20: {  	_ = 	snop  }
0x21: {  	s22 =	sadd.s32 s21, s3  }
0x22: {  	[tilespmem:s20], [sflag:$0x1] =	stream.linear.gather [hbm4b:s22+s19], $0x80, $0x38;
	[tilespmem:$0xDC00] =	vst v63  }
0x23: {  	s21 =	sadd.s32 $0x10, s21;
	s20 =	sadd.s32 $0x100, s20  }
0x24: {  	s19 =	simm.s32 $0xAA00  }
0x25: {  	s20 =	simm.s32 $0x10;
	s22 =	sadd.s32 $0x0, s4;
	s21 =	simm.s32 $0xAB00  }
.LBB2_6:
0x26: {  	[tilespmem:s19], [sflag:$0x1] =	stream.linear.gather [hbm4b:s22+s2], $0x80, $0x38;
	[tilespmem:$0xDC00] =	vst v63  }
0x27: {  	s22 =	smov.u32 s20;
	s19 =	smov.u32 s21;
	p0 =	sne.s32 s20, $0x310  }
.Ltmp2:
0x28: {  	s20 =	sadd.s32 $0x10, s20;
	(pc) =	sbr.rel @p0 .LBB2_6-.Ltmp2, $2  }
0x29: {  	_ =	sdelay $0x2  }
0x2a: {  	s21 =	sadd.s32 $0x100, s21;
	s22 =	sadd.s32 s22, s4  }
0x2b: {  	[tilespmem:s19], [sflag:$0x1] =	stream.linear.gather [hbm4b:s22+s2], $0x80, $0x38;
	[tilespmem:$0xDC00] =	vst v63  }
0x2c: {  	s19 =	simm.s32 $0x7880  }
0x2d: {  	s20 =	simm.s32 $0x10;
	s22 =	sadd.s32 $0x0, s7;
	s21 =	simm.s32 $0x7980  }
.LBB2_8:
0x2e: {  	[tilespmem:s19], [sflag:$0x2] =	stream.linear.gather [hbm4b:s22+s2], $0x80, $0x38;
	[tilespmem:$0xDC00] =	vst v63  }
0x2f: {  	s22 =	smov.u32 s20;
	s19 =	smov.u32 s21;
	p0 =	sne.s32 s20, $0x310  }
.Ltmp3:
0x30: {  	s20 =	sadd.s32 $0x10, s20;
	(pc) =	sbr.rel @p0 .LBB2_8-.Ltmp3, $2  }
0x31: {  	_ =	sdelay $0x2  }
0x32: {  	s21 =	sadd.s32 $0x100, s21;
	s22 =	sadd.s32 s22, s7  }
0x33: {  	[tilespmem:s19], [sflag:$0x2] =	stream.linear.gather [hbm4b:s22+s2], $0x80, $0x38;
	[tilespmem:$0xDC00] =	vst v63  }
0x34: {  	s19 =	simm.s32 $0x0;
	s20 =	simm.s32 $0xAA80  }
0x35: {  	s21 =	simm.s32 $0x10;
	s23 =	sadd.s32 $0x0, s8;
	s22 =	simm.s32 $0xAB80  }
.LBB2_10:
0x36: {  	[tilespmem:s20], [sflag:$0x2] =	stream.linear.gather [hbm4b:s23+s19], $0x80, $0x38;
	[tilespmem:$0xDC00] =	vst v63  }
0x37: {  	s23 =	smov.u32 s21;
	s20 =	smov.u32 s22;
	p0 =	sne.s32 s21, $0x310  }
.Ltmp4:
0x38: {  	s21 =	sadd.s32 $0x10, s21;
	(pc) =	sbr.rel @p0 .LBB2_10-.Ltmp4, $2  }
0x39: {  	_ =	sdelay $0x2  }
0x3a: {  	s22 =	sadd.s32 $0x100, s22;
	s23 =	sadd.s32 s23, s8  }
0x3b: {  	[tilespmem:s20], [sflag:$0x2] =	stream.linear.gather [hbm4b:s23+s19], $0x80, $0x38;
	[tilespmem:$0xDC00] =	vst v63  }
.LBB2_12:
0x3c: {  	_ =	swait.ge [sflag:s15], $0x1900  }
.Ltmp5:
0x3d: {  	[sflag:s15] =	ssyncset.done $0x0;
	(pc) =	sbr.rel .LBB2_13-.Ltmp5, $4  }
0x3e: {  	[sflag:s15] =	ssyncadd.s32 $0xFFFFE700  }
0x3f: {  	_ =	swait.ge [sflag:s15], $0x1900  }
0x40: {  	[sflag:s15] =	ssyncset.done $0x0  }
0x41: {  	s20 =	simm.s32 $0x0;
	[sflag:s15] =	ssyncadd.s32 $0xFFFFE700  }
.LBB2_30:
0x42: {  	s20 =	sadd.s32 $0x1, s20  }
0x43: {  	p0 =	sne.s32 s20, $0x32  }
.Ltmp6:
0x44: {  	_ = 	snop;
	(pc) =	sbr.rel @!p0 .LBB2_31-.Ltmp6, $1  }
0x45: {  	_ =	sdelay $0x3  }
.LBB2_13:
0x46: {  	s21 =	sshll.u32 s20, $0x8  }
0x47: {  	v16 =	vld [tilespmem:s21+$0x7800]  }
0x48: {  	v2 =	vld [tilespmem:s21+$0xAA00];
	_ =	sdelay $0x6  }
0x49: {  	v3 =	vld.idx.msk [tilespmem:v16+s2+$0x0], $0xffff  }
0x4a: {  	v2 =	vld.idx.msk [tilespmem:v2+s14+$0x0], $0xffff;
	_ =	sdelay $0x1  }
0x4b: {  	v4 =	vld.idx.msk [tilespmem:v16+s16+$0x0], $0xffff;
	_ =	sdelay $0x2  }
0x4c: {  	v17 =	vadd.f32 v2, v3;
	_ =	sdelay $0x1  }
0x4d: {  	vm0 =	vgt.f32 v17, v4;
	_ =	sdelay $0x5  }
0x4e: {  	[tilespmem:v16+s16+$0x0] =	vst.idx.msk vm0, v17  }
0x4f: {  	v14 =	vld [tilespmem:s21+$0x7810]  }
0x50: {  	v2 =	vld [tilespmem:s21+$0xAA10];
	_ =	sdelay $0x6  }
0x51: {  	v3 =	vld.idx.msk [tilespmem:v14+s2+$0x0], $0xffff  }
0x52: {  	v2 =	vld.idx.msk [tilespmem:v2+s14+$0x0], $0xffff;
	_ =	sdelay $0x1  }
0x53: {  	v4 =	vld.idx.msk [tilespmem:v14+s16+$0x0], $0xffff;
	_ =	sdelay $0x2  }
0x54: {  	v15 =	vadd.f32 v2, v3;
	_ =	sdelay $0x1  }
0x55: {  	vm0 =	vgt.f32 v15, v4;
	_ =	sdelay $0x5  }
0x56: {  	[tilespmem:v14+s16+$0x0] =	vst.idx.msk vm0, v15  }
0x57: {  	v12 =	vld [tilespmem:s21+$0x7820]  }
0x58: {  	v2 =	vld [tilespmem:s21+$0xAA20];
	_ =	sdelay $0x6  }
0x59: {  	v3 =	vld.idx.msk [tilespmem:v12+s2+$0x0], $0xffff  }
0x5a: {  	v2 =	vld.idx.msk [tilespmem:v2+s14+$0x0], $0xffff;
	_ =	sdelay $0x1  }
0x5b: {  	v4 =	vld.idx.msk [tilespmem:v12+s16+$0x0], $0xffff;
	_ =	sdelay $0x2  }
0x5c: {  	v13 =	vadd.f32 v2, v3;
	_ =	sdelay $0x1  }
0x5d: {  	vm0 =	vgt.f32 v13, v4;
	_ =	sdelay $0x5  }
0x5e: {  	[tilespmem:v12+s16+$0x0] =	vst.idx.msk vm0, v13  }
0x5f: {  	v10 =	vld [tilespmem:s21+$0x7830]  }
0x60: {  	v2 =	vld [tilespmem:s21+$0xAA30];
	_ =	sdelay $0x6  }
0x61: {  	v3 =	vld.idx.msk [tilespmem:v10+s2+$0x0], $0xffff  }
0x62: {  	v2 =	vld.idx.msk [tilespmem:v2+s14+$0x0], $0xffff;
	_ =	sdelay $0x1  }
0x63: {  	v4 =	vld.idx.msk [tilespmem:v10+s16+$0x0], $0xffff;
	_ =	sdelay $0x2  }
0x64: {  	v11 =	vadd.f32 v2, v3;
	_ =	sdelay $0x1  }
0x65: {  	vm0 =	vgt.f32 v11, v4;
	_ =	sdelay $0x5  }
0x66: {  	[tilespmem:v10+s16+$0x0] =	vst.idx.msk vm0, v11  }
0x67: {  	v8 =	vld [tilespmem:s21+$0x7840]  }
0x68: {  	v2 =	vld [tilespmem:s21+$0xAA40];
	_ =	sdelay $0x6  }
0x69: {  	v3 =	vld.idx.msk [tilespmem:v8+s2+$0x0], $0xffff  }
0x6a: {  	v2 =	vld.idx.msk [tilespmem:v2+s14+$0x0], $0xffff;
	_ =	sdelay $0x1  }
0x6b: {  	v4 =	vld.idx.msk [tilespmem:v8+s16+$0x0], $0xffff;
	_ =	sdelay $0x2  }
0x6c: {  	v9 =	vadd.f32 v2, v3;
	_ =	sdelay $0x1  }
0x6d: {  	vm0 =	vgt.f32 v9, v4;
	_ =	sdelay $0x5  }
0x6e: {  	[tilespmem:v8+s16+$0x0] =	vst.idx.msk vm0, v9  }
0x6f: {  	v6 =	vld [tilespmem:s21+$0x7850]  }
0x70: {  	v2 =	vld [tilespmem:s21+$0xAA50];
	_ =	sdelay $0x6  }
0x71: {  	v3 =	vld.idx.msk [tilespmem:v6+s2+$0x0], $0xffff  }
0x72: {  	v2 =	vld.idx.msk [tilespmem:v2+s14+$0x0], $0xffff;
	_ =	sdelay $0x1  }
0x73: {  	v4 =	vld.idx.msk [tilespmem:v6+s16+$0x0], $0xffff;
	_ =	sdelay $0x2  }
0x74: {  	v7 =	vadd.f32 v2, v3;
	_ =	sdelay $0x1  }
0x75: {  	vm0 =	vgt.f32 v7, v4;
	_ =	sdelay $0x5  }
0x76: {  	[tilespmem:v6+s16+$0x0] =	vst.idx.msk vm0, v7  }
0x77: {  	v4 =	vld [tilespmem:s21+$0x7860]  }
0x78: {  	v2 =	vld [tilespmem:s21+$0xAA60];
	_ =	sdelay $0x6  }
0x79: {  	v3 =	vld.idx.msk [tilespmem:v4+s2+$0x0], $0xffff  }
0x7a: {  	v2 =	vld.idx.msk [tilespmem:v2+s14+$0x0], $0xffff;
	_ =	sdelay $0x1  }
0x7b: {  	v18 =	vld.idx.msk [tilespmem:v4+s16+$0x0], $0xffff;
	_ =	sdelay $0x2  }
0x7c: {  	v5 =	vadd.f32 v2, v3;
	_ =	sdelay $0x1  }
0x7d: {  	vm0 =	vgt.f32 v5, v18;
	_ =	sdelay $0x5  }
0x7e: {  	[tilespmem:v4+s16+$0x0] =	vst.idx.msk vm0, v5  }
0x7f: {  	v2 =	vld [tilespmem:s21+$0x7870]  }
0x80: {  	v3 =	vld [tilespmem:s21+$0xAA70];
	_ =	sdelay $0x6  }
0x81: {  	v18 =	vld.idx.msk [tilespmem:v2+s2+$0x0], $0xffff  }
0x82: {  	v3 =	vld.idx.msk [tilespmem:v3+s14+$0x0], $0xffff;
	_ =	sdelay $0x1  }
0x83: {  	v19 =	vld.idx.msk [tilespmem:v2+s16+$0x0], $0xffff;
	_ =	sdelay $0x2  }
0x84: {  	v3 =	vadd.f32 v3, v18;
	_ =	sdelay $0x1  }
0x85: {  	vm0 =	vgt.f32 v3, v19;
	_ =	sdelay $0x5  }
0x86: {  	[tilespmem:v2+s16+$0x0] =	vst.idx.msk vm0, v3  }
0x87: {  	v18 =	vld.idx.msk [tilespmem:v14+s16+$0x0], $0xffff  }
0x88: {  	v19 =	vld.idx.msk [tilespmem:v12+s16+$0x0], $0xffff  }
0x89: {  	v20 =	vld.idx.msk [tilespmem:v10+s16+$0x0], $0xffff  }
0x8a: {  	v21 =	vld.idx.msk [tilespmem:v8+s16+$0x0], $0xffff  }
0x8b: {  	v22 =	vld.idx.msk [tilespmem:v6+s16+$0x0], $0xffff  }
0x8c: {  	v23 =	vld.idx.msk [tilespmem:v4+s16+$0x0], $0xffff  }
0x8d: {  	vm0 =	vgt.f32 v15, v18;
	vm1 =	vgt.f32 v13, v19;
	v19 =	vld.idx.msk [tilespmem:v2+s16+$0x0], $0xffff  }
0x8e: {  	v18 =	vld.idx.msk [tilespmem:v16+s16+$0x0], $0xffff;
	vm0 =	vmor vm0, vm1;
	vm1 =	vgt.f32 v11, v20  }
0x8f: {  	vm2 =	vgt.f32 v9, v21;
	vm0 =	vmor vm0, vm1  }
0x90: {  	vm1 =	vgt.f32 v7, v22;
	vm0 =	vmor vm0, vm2  }
0x91: {  	vm2 =	vgt.f32 v5, v23;
	vm0 =	vmor vm0, vm1  }
0x92: {  	vm1 =	vmor vm0, vm2;
	vm2 =	vgt.f32 v3, v19  }
0x93: {  	vm0 =	vgt.f32 v17, v18;
	vm1 =	vmor vm1, vm2  }
0x94: {  	vm1 =	vmor vm0, vm1  }
0x95: {  	v19 =	vsel vm1, $0x3F800000, v1  }
0x96: {  	(xrf0) =	vmax.scan.msk.f32 $0xffff, v19;
	_ =	sdelay $0x5  }
0x97: {  	v19, _, _ =	vpop (xrf0)  }
0x98: {  	(v2sf) =	vpush v19, $0xF;
	_ =	sdelay $0xe  }
0x99: {  	s31 =	spop (v2sf)  }
0x9a: {  	p0 =	sgt.f32 s31, $0.0e+00  }
.Ltmp7:
0x9b: {  	_ = 	snop;
	(pc) =	sbr.rel @!p0 .LBB2_30-.Ltmp7, $1  }
0x9c: {  	_ =	sdelay $0x3  }
0x9d: {  	vm1 =	vgt.f32 v17, v18  }
0x9e: {  	v18 =	vsel vm1, $0x3F800000, v1  }
0x9f: {  	(xrf0) =	vmax.scan.msk.f32 $0xffff, v18;
	_ =	sdelay $0x5  }
0xa0: {  	v18, _, _ =	vpop (xrf0)  }
0xa1: {  	(v2sf) =	vpush v18, $0xF;
	_ =	sdelay $0xe  }
0xa2: {  	s21 =	spop (v2sf)  }
0xa3: {  	p0 =	sgt.f32 s21, $0.0e+00  }
.Ltmp8:
0xa4: {  	_ = 	snop;
	(pc) =	sbr.rel @!p0 .LBB2_16-.Ltmp8, $1  }
0xa5: {  	_ =	sdelay $0x3  }
.LBB2_15:
0xa6: {  	[tilespmem:v16+s16+$0x0] =	vst.idx.msk vm0, v17  }
0xa7: {  	v18 =	vld.idx.msk [tilespmem:v16+s16+$0x0], $0xffff;
	_ =	sdelay $0x4  }
0xa8: {  	vm0 =	vgt.f32 v17, v18  }
0xa9: {  	v18 =	vsel vm0, $0x3F800000, v1  }
0xaa: {  	(xrf0) =	vmax.scan.msk.f32 $0xffff, v18;
	_ =	sdelay $0x5  }
0xab: {  	v18, _, _ =	vpop (xrf0)  }
0xac: {  	(v2sf) =	vpush v18, $0xF;
	_ =	sdelay $0xe  }
0xad: {  	s21 =	spop (v2sf)  }
0xae: {  	p0 =	sgt.f32 s21, $0.0e+00  }
.Ltmp9:
0xaf: {  	_ = 	snop;
	(pc) =	sbr.rel @p0 .LBB2_15-.Ltmp9, $1  }
0xb0: {  	_ =	sdelay $0x3  }
.LBB2_16:
0xb1: {  	_ =	sdelay $0x3  }
0xb2: {  	v16 =	vld.idx.msk [tilespmem:v14+s16+$0x0], $0xffff;
	_ =	sdelay $0x4  }
0xb3: {  	vm0 =	vgt.f32 v15, v16  }
0xb4: {  	v16 =	vsel vm0, $0x3F800000, v1  }
0xb5: {  	(xrf0) =	vmax.scan.msk.f32 $0xffff, v16;
	_ =	sdelay $0x5  }
0xb6: {  	v16, _, _ =	vpop (xrf0)  }
0xb7: {  	(v2sf) =	vpush v16, $0xF;
	_ =	sdelay $0xe  }
0xb8: {  	s21 =	spop (v2sf)  }
0xb9: {  	p0 =	sgt.f32 s21, $0.0e+00  }
.Ltmp10:
0xba: {  	_ = 	snop;
	(pc) =	sbr.rel @!p0 .LBB2_18-.Ltmp10, $1  }
0xbb: {  	_ =	sdelay $0x3  }
.LBB2_17:
0xbc: {  	[tilespmem:v14+s16+$0x0] =	vst.idx.msk vm0, v15  }
0xbd: {  	v16 =	vld.idx.msk [tilespmem:v14+s16+$0x0], $0xffff;
	_ =	sdelay $0x4  }
0xbe: {  	vm0 =	vgt.f32 v15, v16  }
0xbf: {  	v16 =	vsel vm0, $0x3F800000, v1  }
0xc0: {  	(xrf0) =	vmax.scan.msk.f32 $0xffff, v16;
	_ =	sdelay $0x5  }
0xc1: {  	v16, _, _ =	vpop (xrf0)  }
0xc2: {  	(v2sf) =	vpush v16, $0xF;
	_ =	sdelay $0xe  }
0xc3: {  	s21 =	spop (v2sf)  }
0xc4: {  	p0 =	sgt.f32 s21, $0.0e+00  }
.Ltmp11:
0xc5: {  	_ = 	snop;
	(pc) =	sbr.rel @p0 .LBB2_17-.Ltmp11, $1  }
0xc6: {  	_ =	sdelay $0x3  }
.LBB2_18:
0xc7: {  	_ =	sdelay $0x3  }
0xc8: {  	v14 =	vld.idx.msk [tilespmem:v12+s16+$0x0], $0xffff;
	_ =	sdelay $0x4  }
0xc9: {  	vm0 =	vgt.f32 v13, v14  }
0xca: {  	v14 =	vsel vm0, $0x3F800000, v1  }
0xcb: {  	(xrf0) =	vmax.scan.msk.f32 $0xffff, v14;
	_ =	sdelay $0x5  }
0xcc: {  	v14, _, _ =	vpop (xrf0)  }
0xcd: {  	(v2sf) =	vpush v14, $0xF;
	_ =	sdelay $0xe  }
0xce: {  	s21 =	spop (v2sf)  }
0xcf: {  	p0 =	sgt.f32 s21, $0.0e+00  }
.Ltmp12:
0xd0: {  	_ = 	snop;
	(pc) =	sbr.rel @!p0 .LBB2_20-.Ltmp12, $1  }
0xd1: {  	_ =	sdelay $0x3  }
.LBB2_19:
0xd2: {  	[tilespmem:v12+s16+$0x0] =	vst.idx.msk vm0, v13  }
0xd3: {  	v14 =	vld.idx.msk [tilespmem:v12+s16+$0x0], $0xffff;
	_ =	sdelay $0x4  }
0xd4: {  	vm0 =	vgt.f32 v13, v14  }
0xd5: {  	v14 =	vsel vm0, $0x3F800000, v1  }
0xd6: {  	(xrf0) =	vmax.scan.msk.f32 $0xffff, v14;
	_ =	sdelay $0x5  }
0xd7: {  	v14, _, _ =	vpop (xrf0)  }
0xd8: {  	(v2sf) =	vpush v14, $0xF;
	_ =	sdelay $0xe  }
0xd9: {  	s21 =	spop (v2sf)  }
0xda: {  	p0 =	sgt.f32 s21, $0.0e+00  }
.Ltmp13:
0xdb: {  	_ = 	snop;
	(pc) =	sbr.rel @p0 .LBB2_19-.Ltmp13, $1  }
0xdc: {  	_ =	sdelay $0x3  }
.LBB2_20:
0xdd: {  	_ =	sdelay $0x3  }
0xde: {  	v12 =	vld.idx.msk [tilespmem:v10+s16+$0x0], $0xffff;
	_ =	sdelay $0x4  }
0xdf: {  	vm0 =	vgt.f32 v11, v12  }
0xe0: {  	v12 =	vsel vm0, $0x3F800000, v1  }
0xe1: {  	(xrf0) =	vmax.scan.msk.f32 $0xffff, v12;
	_ =	sdelay $0x5  }
0xe2: {  	v12, _, _ =	vpop (xrf0)  }
0xe3: {  	(v2sf) =	vpush v12, $0xF;
	_ =	sdelay $0xe  }
0xe4: {  	s21 =	spop (v2sf)  }
0xe5: {  	p0 =	sgt.f32 s21, $0.0e+00  }
.Ltmp14:
0xe6: {  	_ = 	snop;
	(pc) =	sbr.rel @!p0 .LBB2_22-.Ltmp14, $1  }
0xe7: {  	_ =	sdelay $0x3  }
.LBB2_21:
0xe8: {  	[tilespmem:v10+s16+$0x0] =	vst.idx.msk vm0, v11  }
0xe9: {  	v12 =	vld.idx.msk [tilespmem:v10+s16+$0x0], $0xffff;
	_ =	sdelay $0x4  }
0xea: {  	vm0 =	vgt.f32 v11, v12  }
0xeb: {  	v12 =	vsel vm0, $0x3F800000, v1  }
0xec: {  	(xrf0) =	vmax.scan.msk.f32 $0xffff, v12;
	_ =	sdelay $0x5  }
0xed: {  	v12, _, _ =	vpop (xrf0)  }
0xee: {  	(v2sf) =	vpush v12, $0xF;
	_ =	sdelay $0xe  }
0xef: {  	s21 =	spop (v2sf)  }
0xf0: {  	p0 =	sgt.f32 s21, $0.0e+00  }
.Ltmp15:
0xf1: {  	_ = 	snop;
	(pc) =	sbr.rel @p0 .LBB2_21-.Ltmp15, $1  }
0xf2: {  	_ =	sdelay $0x3  }
.LBB2_22:
0xf3: {  	_ =	sdelay $0x3  }
0xf4: {  	v10 =	vld.idx.msk [tilespmem:v8+s16+$0x0], $0xffff;
	_ =	sdelay $0x4  }
0xf5: {  	vm0 =	vgt.f32 v9, v10  }
0xf6: {  	v10 =	vsel vm0, $0x3F800000, v1  }
0xf7: {  	(xrf0) =	vmax.scan.msk.f32 $0xffff, v10;
	_ =	sdelay $0x5  }
0xf8: {  	v10, _, _ =	vpop (xrf0)  }
0xf9: {  	(v2sf) =	vpush v10, $0xF;
	_ =	sdelay $0xe  }
0xfa: {  	s21 =	spop (v2sf)  }
0xfb: {  	p0 =	sgt.f32 s21, $0.0e+00  }
.Ltmp16:
0xfc: {  	_ = 	snop;
	(pc) =	sbr.rel @!p0 .LBB2_24-.Ltmp16, $1  }
0xfd: {  	_ =	sdelay $0x3  }
.LBB2_23:
0xfe: {  	[tilespmem:v8+s16+$0x0] =	vst.idx.msk vm0, v9  }
0xff: {  	v10 =	vld.idx.msk [tilespmem:v8+s16+$0x0], $0xffff;
	_ =	sdelay $0x4  }
0x100: {  	vm0 =	vgt.f32 v9, v10  }
0x101: {  	v10 =	vsel vm0, $0x3F800000, v1  }
0x102: {  	(xrf0) =	vmax.scan.msk.f32 $0xffff, v10;
	_ =	sdelay $0x5  }
0x103: {  	v10, _, _ =	vpop (xrf0)  }
0x104: {  	(v2sf) =	vpush v10, $0xF;
	_ =	sdelay $0xe  }
0x105: {  	s21 =	spop (v2sf)  }
0x106: {  	p0 =	sgt.f32 s21, $0.0e+00  }
.Ltmp17:
0x107: {  	_ = 	snop;
	(pc) =	sbr.rel @p0 .LBB2_23-.Ltmp17, $1  }
0x108: {  	_ =	sdelay $0x3  }
.LBB2_24:
0x109: {  	_ =	sdelay $0x3  }
0x10a: {  	v8 =	vld.idx.msk [tilespmem:v6+s16+$0x0], $0xffff;
	_ =	sdelay $0x4  }
0x10b: {  	vm0 =	vgt.f32 v7, v8  }
0x10c: {  	v8 =	vsel vm0, $0x3F800000, v1  }
0x10d: {  	(xrf0) =	vmax.scan.msk.f32 $0xffff, v8;
	_ =	sdelay $0x5  }
0x10e: {  	v8, _, _ =	vpop (xrf0)  }
0x10f: {  	(v2sf) =	vpush v8, $0xF;
	_ =	sdelay $0xe  }
0x110: {  	s21 =	spop (v2sf)  }
0x111: {  	p0 =	sgt.f32 s21, $0.0e+00  }
.Ltmp18:
0x112: {  	_ = 	snop;
	(pc) =	sbr.rel @!p0 .LBB2_26-.Ltmp18, $1  }
0x113: {  	_ =	sdelay $0x3  }
.LBB2_25:
0x114: {  	[tilespmem:v6+s16+$0x0] =	vst.idx.msk vm0, v7  }
0x115: {  	v8 =	vld.idx.msk [tilespmem:v6+s16+$0x0], $0xffff;
	_ =	sdelay $0x4  }
0x116: {  	vm0 =	vgt.f32 v7, v8  }
0x117: {  	v8 =	vsel vm0, $0x3F800000, v1  }
0x118: {  	(xrf0) =	vmax.scan.msk.f32 $0xffff, v8;
	_ =	sdelay $0x5  }
0x119: {  	v8, _, _ =	vpop (xrf0)  }
0x11a: {  	(v2sf) =	vpush v8, $0xF;
	_ =	sdelay $0xe  }
0x11b: {  	s21 =	spop (v2sf)  }
0x11c: {  	p0 =	sgt.f32 s21, $0.0e+00  }
.Ltmp19:
0x11d: {  	_ = 	snop;
	(pc) =	sbr.rel @p0 .LBB2_25-.Ltmp19, $1  }
0x11e: {  	_ =	sdelay $0x3  }
.LBB2_26:
0x11f: {  	_ =	sdelay $0x3  }
0x120: {  	v6 =	vld.idx.msk [tilespmem:v4+s16+$0x0], $0xffff;
	_ =	sdelay $0x4  }
0x121: {  	vm0 =	vgt.f32 v5, v6  }
0x122: {  	v6 =	vsel vm0, $0x3F800000, v1  }
0x123: {  	(xrf0) =	vmax.scan.msk.f32 $0xffff, v6;
	_ =	sdelay $0x5  }
0x124: {  	v6, _, _ =	vpop (xrf0)  }
0x125: {  	(v2sf) =	vpush v6, $0xF;
	_ =	sdelay $0xe  }
0x126: {  	s21 =	spop (v2sf)  }
0x127: {  	p0 =	sgt.f32 s21, $0.0e+00  }
.Ltmp20:
0x128: {  	_ = 	snop;
	(pc) =	sbr.rel @!p0 .LBB2_28-.Ltmp20, $1  }
0x129: {  	_ =	sdelay $0x3  }
.LBB2_27:
0x12a: {  	[tilespmem:v4+s16+$0x0] =	vst.idx.msk vm0, v5  }
0x12b: {  	v6 =	vld.idx.msk [tilespmem:v4+s16+$0x0], $0xffff;
	_ =	sdelay $0x4  }
0x12c: {  	vm0 =	vgt.f32 v5, v6  }
0x12d: {  	v6 =	vsel vm0, $0x3F800000, v1  }
0x12e: {  	(xrf0) =	vmax.scan.msk.f32 $0xffff, v6;
	_ =	sdelay $0x5  }
0x12f: {  	v6, _, _ =	vpop (xrf0)  }
0x130: {  	(v2sf) =	vpush v6, $0xF;
	_ =	sdelay $0xe  }
0x131: {  	s21 =	spop (v2sf)  }
0x132: {  	p0 =	sgt.f32 s21, $0.0e+00  }
.Ltmp21:
0x133: {  	_ = 	snop;
	(pc) =	sbr.rel @p0 .LBB2_27-.Ltmp21, $1  }
0x134: {  	_ =	sdelay $0x3  }
.LBB2_28:
0x135: {  	_ =	sdelay $0x3  }
0x136: {  	v4 =	vld.idx.msk [tilespmem:v2+s16+$0x0], $0xffff;
	_ =	sdelay $0x4  }
0x137: {  	vm0 =	vgt.f32 v3, v4  }
0x138: {  	v4 =	vsel vm0, $0x3F800000, v1  }
0x139: {  	(xrf0) =	vmax.scan.msk.f32 $0xffff, v4;
	_ =	sdelay $0x5  }
0x13a: {  	v4, _, _ =	vpop (xrf0)  }
0x13b: {  	(v2sf) =	vpush v4, $0xF;
	_ =	sdelay $0xe  }
0x13c: {  	s21 =	spop (v2sf)  }
0x13d: {  	p0 =	sgt.f32 s21, $0.0e+00  }
.Ltmp22:
0x13e: {  	_ = 	snop;
	(pc) =	sbr.rel @!p0 .LBB2_30-.Ltmp22, $1  }
0x13f: {  	_ =	sdelay $0x3  }
.LBB2_29:
0x140: {  	[tilespmem:v2+s16+$0x0] =	vst.idx.msk vm0, v3  }
0x141: {  	v4 =	vld.idx.msk [tilespmem:v2+s16+$0x0], $0xffff;
	_ =	sdelay $0x4  }
0x142: {  	vm0 =	vgt.f32 v3, v4  }
0x143: {  	v4 =	vsel vm0, $0x3F800000, v1  }
0x144: {  	(xrf0) =	vmax.scan.msk.f32 $0xffff, v4;
	_ =	sdelay $0x5  }
0x145: {  	v4, _, _ =	vpop (xrf0)  }
0x146: {  	(v2sf) =	vpush v4, $0xF;
	_ =	sdelay $0xe  }
0x147: {  	s21 =	spop (v2sf)  }
0x148: {  	p0 =	sgt.f32 s21, $0.0e+00  }
.Ltmp23:
0x149: {  	_ = 	snop;
	(pc) =	sbr.rel @p0 .LBB2_29-.Ltmp23, $1  }
0x14a: {  	_ =	sdelay $0x3  }
.Ltmp24:
0x14b: {  	_ = 	snop;
	(pc) =	sbr.rel .LBB2_30-.Ltmp24, $1  }
0x14c: {  	_ =	sdelay $0x3  }
.LBB2_31:
0x14d: {  	s20 =	sshll.u32 s19, $0x1  }
0x14e: {  	s21 =	smin.u32 s20, $0x2F  }
0x14f: {  	s21 =	smul.u32 $0x1900, s21;
	_ =	sdelay $0x1  }
0x150: {  	s21 =	sshrl.u32 s21, $0x3  }
0x151: {  	s21 =	sadd.s32 $0x640, s21  }
0x152: {  	s23 =	simm.s32 $0x7800;
	s22 =	sadd.s32 s3, s21  }
0x153: {  	s24 =	simm.s32 $0x10;
	s25 =	simm.s32 $0x7900;
	s26 =	sadd.s32 $0x0, s22  }
.LBB2_32:
0x154: {  	[tilespmem:s23], [sflag:$0x1] =	stream.linear.gather [hbm4b:s26+s2], $0x80, $0x38;
	[tilespmem:$0xDC00] =	vst v63  }
0x155: {  	s26 =	smov.u32 s24;
	s23 =	smov.u32 s25;
	p0 =	sne.s32 s24, $0x310  }
.Ltmp25:
0x156: {  	s24 =	sadd.s32 $0x10, s24;
	(pc) =	sbr.rel @p0 .LBB2_32-.Ltmp25, $2  }
0x157: {  	_ =	sdelay $0x2  }
0x158: {  	s25 =	sadd.s32 $0x100, s25;
	s26 =	sadd.s32 s26, s22  }
0x159: {  	[tilespmem:s23], [sflag:$0x1] =	stream.linear.gather [hbm4b:s26+s2], $0x80, $0x38;
	[tilespmem:$0xDC00] =	vst v63  }
0x15a: {  	s21 =	sadd.s32 s4, s21;
	s22 =	simm.s32 $0xAA00  }
0x15b: {  	s23 =	simm.s32 $0x10;
	s24 =	simm.s32 $0xAB00;
	s25 =	sadd.s32 $0x0, s21  }
.LBB2_34:
0x15c: {  	[tilespmem:s22], [sflag:$0x1] =	stream.linear.gather [hbm4b:s25+s2], $0x80, $0x38;
	[tilespmem:$0xDC00] =	vst v63  }
0x15d: {  	s25 =	smov.u32 s23;
	s22 =	smov.u32 s24;
	p0 =	sne.s32 s23, $0x310  }
.Ltmp26:
0x15e: {  	s23 =	sadd.s32 $0x10, s23;
	(pc) =	sbr.rel @p0 .LBB2_34-.Ltmp26, $2  }
0x15f: {  	_ =	sdelay $0x2  }
0x160: {  	s24 =	sadd.s32 $0x100, s24;
	s25 =	sadd.s32 s25, s21  }
0x161: {  	[tilespmem:s22], [sflag:$0x1] =	stream.linear.gather [hbm4b:s25+s2], $0x80, $0x38;
	[tilespmem:$0xDC00] =	vst v63  }
0x162: {  	_ =	swait.ge [sflag:s17], $0x1900  }
.Ltmp27:
0x163: {  	[sflag:s17] =	ssyncset.done $0x0;
	(pc) =	sbr.rel .LBB2_36-.Ltmp27, $4  }
0x164: {  	[sflag:s17] =	ssyncadd.s32 $0xFFFFE700  }
0x165: {  	_ =	swait.ge [sflag:s17], $0x1900  }
0x166: {  	[sflag:s17] =	ssyncset.done $0x0  }
0x167: {  	s21 =	simm.s32 $0x0;
	[sflag:s17] =	ssyncadd.s32 $0xFFFFE700  }
.LBB2_53:
0x168: {  	s21 =	sadd.s32 $0x1, s21  }
0x169: {  	p0 =	sne.s32 s21, $0x32  }
.Ltmp28:
0x16a: {  	_ = 	snop;
	(pc) =	sbr.rel @!p0 .LBB2_54-.Ltmp28, $1  }
0x16b: {  	_ =	sdelay $0x3  }
.LBB2_36:
0x16c: {  	s22 =	sshll.u32 s21, $0x8  }
0x16d: {  	v16 =	vld [tilespmem:s22+$0x7880]  }
0x16e: {  	v2 =	vld [tilespmem:s22+$0xAA80];
	_ =	sdelay $0x6  }
0x16f: {  	v3 =	vld.idx.msk [tilespmem:v16+s2+$0x0], $0xffff  }
0x170: {  	v2 =	vld.idx.msk [tilespmem:v2+s14+$0x0], $0xffff;
	_ =	sdelay $0x1  }
0x171: {  	v4 =	vld.idx.msk [tilespmem:v16+s16+$0x0], $0xffff;
	_ =	sdelay $0x2  }
0x172: {  	v17 =	vadd.f32 v2, v3;
	_ =	sdelay $0x1  }
0x173: {  	vm0 =	vgt.f32 v17, v4;
	_ =	sdelay $0x5  }
0x174: {  	[tilespmem:v16+s16+$0x0] =	vst.idx.msk vm0, v17  }
0x175: {  	v14 =	vld [tilespmem:s22+$0x7890]  }
0x176: {  	v2 =	vld [tilespmem:s22+$0xAA90];
	_ =	sdelay $0x6  }
0x177: {  	v3 =	vld.idx.msk [tilespmem:v14+s2+$0x0], $0xffff  }
0x178: {  	v2 =	vld.idx.msk [tilespmem:v2+s14+$0x0], $0xffff;
	_ =	sdelay $0x1  }
0x179: {  	v4 =	vld.idx.msk [tilespmem:v14+s16+$0x0], $0xffff;
	_ =	sdelay $0x2  }
0x17a: {  	v15 =	vadd.f32 v2, v3;
	_ =	sdelay $0x1  }
0x17b: {  	vm0 =	vgt.f32 v15, v4;
	_ =	sdelay $0x5  }
0x17c: {  	[tilespmem:v14+s16+$0x0] =	vst.idx.msk vm0, v15  }
0x17d: {  	v12 =	vld [tilespmem:s22+$0x78A0]  }
0x17e: {  	v2 =	vld [tilespmem:s22+$0xAAA0];
	_ =	sdelay $0x6  }
0x17f: {  	v3 =	vld.idx.msk [tilespmem:v12+s2+$0x0], $0xffff  }
0x180: {  	v2 =	vld.idx.msk [tilespmem:v2+s14+$0x0], $0xffff;
	_ =	sdelay $0x1  }
0x181: {  	v4 =	vld.idx.msk [tilespmem:v12+s16+$0x0], $0xffff;
	_ =	sdelay $0x2  }
0x182: {  	v13 =	vadd.f32 v2, v3;
	_ =	sdelay $0x1  }
0x183: {  	vm0 =	vgt.f32 v13, v4;
	_ =	sdelay $0x5  }
0x184: {  	[tilespmem:v12+s16+$0x0] =	vst.idx.msk vm0, v13  }
0x185: {  	v10 =	vld [tilespmem:s22+$0x78B0]  }
0x186: {  	v2 =	vld [tilespmem:s22+$0xAAB0];
	_ =	sdelay $0x6  }
0x187: {  	v3 =	vld.idx.msk [tilespmem:v10+s2+$0x0], $0xffff  }
0x188: {  	v2 =	vld.idx.msk [tilespmem:v2+s14+$0x0], $0xffff;
	_ =	sdelay $0x1  }
0x189: {  	v4 =	vld.idx.msk [tilespmem:v10+s16+$0x0], $0xffff;
	_ =	sdelay $0x2  }
0x18a: {  	v11 =	vadd.f32 v2, v3;
	_ =	sdelay $0x1  }
0x18b: {  	vm0 =	vgt.f32 v11, v4;
	_ =	sdelay $0x5  }
0x18c: {  	[tilespmem:v10+s16+$0x0] =	vst.idx.msk vm0, v11  }
0x18d: {  	v8 =	vld [tilespmem:s22+$0x78C0]  }
0x18e: {  	v2 =	vld [tilespmem:s22+$0xAAC0];
	_ =	sdelay $0x6  }
0x18f: {  	v3 =	vld.idx.msk [tilespmem:v8+s2+$0x0], $0xffff  }
0x190: {  	v2 =	vld.idx.msk [tilespmem:v2+s14+$0x0], $0xffff;
	_ =	sdelay $0x1  }
0x191: {  	v4 =	vld.idx.msk [tilespmem:v8+s16+$0x0], $0xffff;
	_ =	sdelay $0x2  }
0x192: {  	v9 =	vadd.f32 v2, v3;
	_ =	sdelay $0x1  }
0x193: {  	vm0 =	vgt.f32 v9, v4;
	_ =	sdelay $0x5  }
0x194: {  	[tilespmem:v8+s16+$0x0] =	vst.idx.msk vm0, v9  }
0x195: {  	v6 =	vld [tilespmem:s22+$0x78D0]  }
0x196: {  	v2 =	vld [tilespmem:s22+$0xAAD0];
	_ =	sdelay $0x6  }
0x197: {  	v3 =	vld.idx.msk [tilespmem:v6+s2+$0x0], $0xffff  }
0x198: {  	v2 =	vld.idx.msk [tilespmem:v2+s14+$0x0], $0xffff;
	_ =	sdelay $0x1  }
0x199: {  	v4 =	vld.idx.msk [tilespmem:v6+s16+$0x0], $0xffff;
	_ =	sdelay $0x2  }
0x19a: {  	v7 =	vadd.f32 v2, v3;
	_ =	sdelay $0x1  }
0x19b: {  	vm0 =	vgt.f32 v7, v4;
	_ =	sdelay $0x5  }
0x19c: {  	[tilespmem:v6+s16+$0x0] =	vst.idx.msk vm0, v7  }
0x19d: {  	v4 =	vld [tilespmem:s22+$0x78E0]  }
0x19e: {  	v2 =	vld [tilespmem:s22+$0xAAE0];
	_ =	sdelay $0x6  }
0x19f: {  	v3 =	vld.idx.msk [tilespmem:v4+s2+$0x0], $0xffff  }
0x1a0: {  	v2 =	vld.idx.msk [tilespmem:v2+s14+$0x0], $0xffff;
	_ =	sdelay $0x1  }
0x1a1: {  	v18 =	vld.idx.msk [tilespmem:v4+s16+$0x0], $0xffff;
	_ =	sdelay $0x2  }
0x1a2: {  	v5 =	vadd.f32 v2, v3;
	_ =	sdelay $0x1  }
0x1a3: {  	vm0 =	vgt.f32 v5, v18;
	_ =	sdelay $0x5  }
0x1a4: {  	[tilespmem:v4+s16+$0x0] =	vst.idx.msk vm0, v5  }
0x1a5: {  	v2 =	vld [tilespmem:s22+$0x78F0]  }
0x1a6: {  	v3 =	vld [tilespmem:s22+$0xAAF0];
	_ =	sdelay $0x6  }
0x1a7: {  	v18 =	vld.idx.msk [tilespmem:v2+s2+$0x0], $0xffff  }
0x1a8: {  	v3 =	vld.idx.msk [tilespmem:v3+s14+$0x0], $0xffff;
	_ =	sdelay $0x1  }
0x1a9: {  	v19 =	vld.idx.msk [tilespmem:v2+s16+$0x0], $0xffff;
	_ =	sdelay $0x2  }
0x1aa: {  	v3 =	vadd.f32 v3, v18;
	_ =	sdelay $0x1  }
0x1ab: {  	vm0 =	vgt.f32 v3, v19;
	_ =	sdelay $0x5  }
0x1ac: {  	[tilespmem:v2+s16+$0x0] =	vst.idx.msk vm0, v3  }
0x1ad: {  	v18 =	vld.idx.msk [tilespmem:v14+s16+$0x0], $0xffff  }
0x1ae: {  	v19 =	vld.idx.msk [tilespmem:v12+s16+$0x0], $0xffff  }
0x1af: {  	v20 =	vld.idx.msk [tilespmem:v10+s16+$0x0], $0xffff  }
0x1b0: {  	v21 =	vld.idx.msk [tilespmem:v8+s16+$0x0], $0xffff  }
0x1b1: {  	v22 =	vld.idx.msk [tilespmem:v6+s16+$0x0], $0xffff  }
0x1b2: {  	v23 =	vld.idx.msk [tilespmem:v4+s16+$0x0], $0xffff  }
0x1b3: {  	vm0 =	vgt.f32 v15, v18;
	vm1 =	vgt.f32 v13, v19;
	v19 =	vld.idx.msk [tilespmem:v2+s16+$0x0], $0xffff  }
0x1b4: {  	v18 =	vld.idx.msk [tilespmem:v16+s16+$0x0], $0xffff;
	vm0 =	vmor vm0, vm1;
	vm1 =	vgt.f32 v11, v20  }
0x1b5: {  	vm2 =	vgt.f32 v9, v21;
	vm0 =	vmor vm0, vm1  }
0x1b6: {  	vm1 =	vgt.f32 v7, v22;
	vm0 =	vmor vm0, vm2  }
0x1b7: {  	vm2 =	vgt.f32 v5, v23;
	vm0 =	vmor vm0, vm1  }
0x1b8: {  	vm1 =	vmor vm0, vm2;
	vm2 =	vgt.f32 v3, v19  }
0x1b9: {  	vm0 =	vgt.f32 v17, v18;
	vm1 =	vmor vm1, vm2  }
0x1ba: {  	vm1 =	vmor vm0, vm1  }
0x1bb: {  	v19 =	vsel vm1, $0x3F800000, v1  }
0x1bc: {  	(xrf0) =	vmax.scan.msk.f32 $0xffff, v19;
	_ =	sdelay $0x5  }
0x1bd: {  	v19, _, _ =	vpop (xrf0)  }
0x1be: {  	(v2sf) =	vpush v19, $0xF;
	_ =	sdelay $0xe  }
0x1bf: {  	s31 =	spop (v2sf)  }
0x1c0: {  	p0 =	sgt.f32 s31, $0.0e+00  }
.Ltmp29:
0x1c1: {  	_ = 	snop;
	(pc) =	sbr.rel @!p0 .LBB2_53-.Ltmp29, $1  }
0x1c2: {  	_ =	sdelay $0x3  }
0x1c3: {  	vm1 =	vgt.f32 v17, v18  }
0x1c4: {  	v18 =	vsel vm1, $0x3F800000, v1  }
0x1c5: {  	(xrf0) =	vmax.scan.msk.f32 $0xffff, v18;
	_ =	sdelay $0x5  }
0x1c6: {  	v18, _, _ =	vpop (xrf0)  }
0x1c7: {  	(v2sf) =	vpush v18, $0xF;
	_ =	sdelay $0xe  }
0x1c8: {  	s22 =	spop (v2sf)  }
0x1c9: {  	p0 =	sgt.f32 s22, $0.0e+00  }
.Ltmp30:
0x1ca: {  	_ = 	snop;
	(pc) =	sbr.rel @!p0 .LBB2_39-.Ltmp30, $1  }
0x1cb: {  	_ =	sdelay $0x3  }
.LBB2_38:
0x1cc: {  	[tilespmem:v16+s16+$0x0] =	vst.idx.msk vm0, v17  }
0x1cd: {  	v18 =	vld.idx.msk [tilespmem:v16+s16+$0x0], $0xffff;
	_ =	sdelay $0x4  }
0x1ce: {  	vm0 =	vgt.f32 v17, v18  }
0x1cf: {  	v18 =	vsel vm0, $0x3F800000, v1  }
0x1d0: {  	(xrf0) =	vmax.scan.msk.f32 $0xffff, v18;
	_ =	sdelay $0x5  }
0x1d1: {  	v18, _, _ =	vpop (xrf0)  }
0x1d2: {  	(v2sf) =	vpush v18, $0xF;
	_ =	sdelay $0xe  }
0x1d3: {  	s22 =	spop (v2sf)  }
0x1d4: {  	p0 =	sgt.f32 s22, $0.0e+00  }
.Ltmp31:
0x1d5: {  	_ = 	snop;
	(pc) =	sbr.rel @p0 .LBB2_38-.Ltmp31, $1  }
0x1d6: {  	_ =	sdelay $0x3  }
.LBB2_39:
0x1d7: {  	_ =	sdelay $0x3  }
0x1d8: {  	v16 =	vld.idx.msk [tilespmem:v14+s16+$0x0], $0xffff;
	_ =	sdelay $0x4  }
0x1d9: {  	vm0 =	vgt.f32 v15, v16  }
0x1da: {  	v16 =	vsel vm0, $0x3F800000, v1  }
0x1db: {  	(xrf0) =	vmax.scan.msk.f32 $0xffff, v16;
	_ =	sdelay $0x5  }
0x1dc: {  	v16, _, _ =	vpop (xrf0)  }
0x1dd: {  	(v2sf) =	vpush v16, $0xF;
	_ =	sdelay $0xe  }
0x1de: {  	s22 =	spop (v2sf)  }
0x1df: {  	p0 =	sgt.f32 s22, $0.0e+00  }
.Ltmp32:
0x1e0: {  	_ = 	snop;
	(pc) =	sbr.rel @!p0 .LBB2_41-.Ltmp32, $1  }
0x1e1: {  	_ =	sdelay $0x3  }
.LBB2_40:
0x1e2: {  	[tilespmem:v14+s16+$0x0] =	vst.idx.msk vm0, v15  }
0x1e3: {  	v16 =	vld.idx.msk [tilespmem:v14+s16+$0x0], $0xffff;
	_ =	sdelay $0x4  }
0x1e4: {  	vm0 =	vgt.f32 v15, v16  }
0x1e5: {  	v16 =	vsel vm0, $0x3F800000, v1  }
0x1e6: {  	(xrf0) =	vmax.scan.msk.f32 $0xffff, v16;
	_ =	sdelay $0x5  }
0x1e7: {  	v16, _, _ =	vpop (xrf0)  }
0x1e8: {  	(v2sf) =	vpush v16, $0xF;
	_ =	sdelay $0xe  }
0x1e9: {  	s22 =	spop (v2sf)  }
0x1ea: {  	p0 =	sgt.f32 s22, $0.0e+00  }
.Ltmp33:
0x1eb: {  	_ = 	snop;
	(pc) =	sbr.rel @p0 .LBB2_40-.Ltmp33, $1  }
0x1ec: {  	_ =	sdelay $0x3  }
.LBB2_41:
0x1ed: {  	_ =	sdelay $0x3  }
0x1ee: {  	v14 =	vld.idx.msk [tilespmem:v12+s16+$0x0], $0xffff;
	_ =	sdelay $0x4  }
0x1ef: {  	vm0 =	vgt.f32 v13, v14  }
0x1f0: {  	v14 =	vsel vm0, $0x3F800000, v1  }
0x1f1: {  	(xrf0) =	vmax.scan.msk.f32 $0xffff, v14;
	_ =	sdelay $0x5  }
0x1f2: {  	v14, _, _ =	vpop (xrf0)  }
0x1f3: {  	(v2sf) =	vpush v14, $0xF;
	_ =	sdelay $0xe  }
0x1f4: {  	s22 =	spop (v2sf)  }
0x1f5: {  	p0 =	sgt.f32 s22, $0.0e+00  }
.Ltmp34:
0x1f6: {  	_ = 	snop;
	(pc) =	sbr.rel @!p0 .LBB2_43-.Ltmp34, $1  }
0x1f7: {  	_ =	sdelay $0x3  }
.LBB2_42:
0x1f8: {  	[tilespmem:v12+s16+$0x0] =	vst.idx.msk vm0, v13  }
0x1f9: {  	v14 =	vld.idx.msk [tilespmem:v12+s16+$0x0], $0xffff;
	_ =	sdelay $0x4  }
0x1fa: {  	vm0 =	vgt.f32 v13, v14  }
0x1fb: {  	v14 =	vsel vm0, $0x3F800000, v1  }
0x1fc: {  	(xrf0) =	vmax.scan.msk.f32 $0xffff, v14;
	_ =	sdelay $0x5  }
0x1fd: {  	v14, _, _ =	vpop (xrf0)  }
0x1fe: {  	(v2sf) =	vpush v14, $0xF;
	_ =	sdelay $0xe  }
0x1ff: {  	s22 =	spop (v2sf)  }
0x200: {  	p0 =	sgt.f32 s22, $0.0e+00  }
.Ltmp35:
0x201: {  	_ = 	snop;
	(pc) =	sbr.rel @p0 .LBB2_42-.Ltmp35, $1  }
0x202: {  	_ =	sdelay $0x3  }
.LBB2_43:
0x203: {  	_ =	sdelay $0x3  }
0x204: {  	v12 =	vld.idx.msk [tilespmem:v10+s16+$0x0], $0xffff;
	_ =	sdelay $0x4  }
0x205: {  	vm0 =	vgt.f32 v11, v12  }
0x206: {  	v12 =	vsel vm0, $0x3F800000, v1  }
0x207: {  	(xrf0) =	vmax.scan.msk.f32 $0xffff, v12;
	_ =	sdelay $0x5  }
0x208: {  	v12, _, _ =	vpop (xrf0)  }
0x209: {  	(v2sf) =	vpush v12, $0xF;
	_ =	sdelay $0xe  }
0x20a: {  	s22 =	spop (v2sf)  }
0x20b: {  	p0 =	sgt.f32 s22, $0.0e+00  }
.Ltmp36:
0x20c: {  	_ = 	snop;
	(pc) =	sbr.rel @!p0 .LBB2_45-.Ltmp36, $1  }
0x20d: {  	_ =	sdelay $0x3  }
.LBB2_44:
0x20e: {  	[tilespmem:v10+s16+$0x0] =	vst.idx.msk vm0, v11  }
0x20f: {  	v12 =	vld.idx.msk [tilespmem:v10+s16+$0x0], $0xffff;
	_ =	sdelay $0x4  }
0x210: {  	vm0 =	vgt.f32 v11, v12  }
0x211: {  	v12 =	vsel vm0, $0x3F800000, v1  }
0x212: {  	(xrf0) =	vmax.scan.msk.f32 $0xffff, v12;
	_ =	sdelay $0x5  }
0x213: {  	v12, _, _ =	vpop (xrf0)  }
0x214: {  	(v2sf) =	vpush v12, $0xF;
	_ =	sdelay $0xe  }
0x215: {  	s22 =	spop (v2sf)  }
0x216: {  	p0 =	sgt.f32 s22, $0.0e+00  }
.Ltmp37:
0x217: {  	_ = 	snop;
	(pc) =	sbr.rel @p0 .LBB2_44-.Ltmp37, $1  }
0x218: {  	_ =	sdelay $0x3  }
.LBB2_45:
0x219: {  	_ =	sdelay $0x3  }
0x21a: {  	v10 =	vld.idx.msk [tilespmem:v8+s16+$0x0], $0xffff;
	_ =	sdelay $0x4  }
0x21b: {  	vm0 =	vgt.f32 v9, v10  }
0x21c: {  	v10 =	vsel vm0, $0x3F800000, v1  }
0x21d: {  	(xrf0) =	vmax.scan.msk.f32 $0xffff, v10;
	_ =	sdelay $0x5  }
0x21e: {  	v10, _, _ =	vpop (xrf0)  }
0x21f: {  	(v2sf) =	vpush v10, $0xF;
	_ =	sdelay $0xe  }
0x220: {  	s22 =	spop (v2sf)  }
0x221: {  	p0 =	sgt.f32 s22, $0.0e+00  }
.Ltmp38:
0x222: {  	_ = 	snop;
	(pc) =	sbr.rel @!p0 .LBB2_47-.Ltmp38, $1  }
0x223: {  	_ =	sdelay $0x3  }
.LBB2_46:
0x224: {  	[tilespmem:v8+s16+$0x0] =	vst.idx.msk vm0, v9  }
0x225: {  	v10 =	vld.idx.msk [tilespmem:v8+s16+$0x0], $0xffff;
	_ =	sdelay $0x4  }
0x226: {  	vm0 =	vgt.f32 v9, v10  }
0x227: {  	v10 =	vsel vm0, $0x3F800000, v1  }
0x228: {  	(xrf0) =	vmax.scan.msk.f32 $0xffff, v10;
	_ =	sdelay $0x5  }
0x229: {  	v10, _, _ =	vpop (xrf0)  }
0x22a: {  	(v2sf) =	vpush v10, $0xF;
	_ =	sdelay $0xe  }
0x22b: {  	s22 =	spop (v2sf)  }
0x22c: {  	p0 =	sgt.f32 s22, $0.0e+00  }
.Ltmp39:
0x22d: {  	_ = 	snop;
	(pc) =	sbr.rel @p0 .LBB2_46-.Ltmp39, $1  }
0x22e: {  	_ =	sdelay $0x3  }
.LBB2_47:
0x22f: {  	_ =	sdelay $0x3  }
0x230: {  	v8 =	vld.idx.msk [tilespmem:v6+s16+$0x0], $0xffff;
	_ =	sdelay $0x4  }
0x231: {  	vm0 =	vgt.f32 v7, v8  }
0x232: {  	v8 =	vsel vm0, $0x3F800000, v1  }
0x233: {  	(xrf0) =	vmax.scan.msk.f32 $0xffff, v8;
	_ =	sdelay $0x5  }
0x234: {  	v8, _, _ =	vpop (xrf0)  }
0x235: {  	(v2sf) =	vpush v8, $0xF;
	_ =	sdelay $0xe  }
0x236: {  	s22 =	spop (v2sf)  }
0x237: {  	p0 =	sgt.f32 s22, $0.0e+00  }
.Ltmp40:
0x238: {  	_ = 	snop;
	(pc) =	sbr.rel @!p0 .LBB2_49-.Ltmp40, $1  }
0x239: {  	_ =	sdelay $0x3  }
.LBB2_48:
0x23a: {  	[tilespmem:v6+s16+$0x0] =	vst.idx.msk vm0, v7  }
0x23b: {  	v8 =	vld.idx.msk [tilespmem:v6+s16+$0x0], $0xffff;
	_ =	sdelay $0x4  }
0x23c: {  	vm0 =	vgt.f32 v7, v8  }
0x23d: {  	v8 =	vsel vm0, $0x3F800000, v1  }
0x23e: {  	(xrf0) =	vmax.scan.msk.f32 $0xffff, v8;
	_ =	sdelay $0x5  }
0x23f: {  	v8, _, _ =	vpop (xrf0)  }
0x240: {  	(v2sf) =	vpush v8, $0xF;
	_ =	sdelay $0xe  }
0x241: {  	s22 =	spop (v2sf)  }
0x242: {  	p0 =	sgt.f32 s22, $0.0e+00  }
.Ltmp41:
0x243: {  	_ = 	snop;
	(pc) =	sbr.rel @p0 .LBB2_48-.Ltmp41, $1  }
0x244: {  	_ =	sdelay $0x3  }
.LBB2_49:
0x245: {  	_ =	sdelay $0x3  }
0x246: {  	v6 =	vld.idx.msk [tilespmem:v4+s16+$0x0], $0xffff;
	_ =	sdelay $0x4  }
0x247: {  	vm0 =	vgt.f32 v5, v6  }
0x248: {  	v6 =	vsel vm0, $0x3F800000, v1  }
0x249: {  	(xrf0) =	vmax.scan.msk.f32 $0xffff, v6;
	_ =	sdelay $0x5  }
0x24a: {  	v6, _, _ =	vpop (xrf0)  }
0x24b: {  	(v2sf) =	vpush v6, $0xF;
	_ =	sdelay $0xe  }
0x24c: {  	s22 =	spop (v2sf)  }
0x24d: {  	p0 =	sgt.f32 s22, $0.0e+00  }
.Ltmp42:
0x24e: {  	_ = 	snop;
	(pc) =	sbr.rel @!p0 .LBB2_51-.Ltmp42, $1  }
0x24f: {  	_ =	sdelay $0x3  }
.LBB2_50:
0x250: {  	[tilespmem:v4+s16+$0x0] =	vst.idx.msk vm0, v5  }
0x251: {  	v6 =	vld.idx.msk [tilespmem:v4+s16+$0x0], $0xffff;
	_ =	sdelay $0x4  }
0x252: {  	vm0 =	vgt.f32 v5, v6  }
0x253: {  	v6 =	vsel vm0, $0x3F800000, v1  }
0x254: {  	(xrf0) =	vmax.scan.msk.f32 $0xffff, v6;
	_ =	sdelay $0x5  }
0x255: {  	v6, _, _ =	vpop (xrf0)  }
0x256: {  	(v2sf) =	vpush v6, $0xF;
	_ =	sdelay $0xe  }
0x257: {  	s22 =	spop (v2sf)  }
0x258: {  	p0 =	sgt.f32 s22, $0.0e+00  }
.Ltmp43:
0x259: {  	_ = 	snop;
	(pc) =	sbr.rel @p0 .LBB2_50-.Ltmp43, $1  }
0x25a: {  	_ =	sdelay $0x3  }
.LBB2_51:
0x25b: {  	_ =	sdelay $0x3  }
0x25c: {  	v4 =	vld.idx.msk [tilespmem:v2+s16+$0x0], $0xffff;
	_ =	sdelay $0x4  }
0x25d: {  	vm0 =	vgt.f32 v3, v4  }
0x25e: {  	v4 =	vsel vm0, $0x3F800000, v1  }
0x25f: {  	(xrf0) =	vmax.scan.msk.f32 $0xffff, v4;
	_ =	sdelay $0x5  }
0x260: {  	v4, _, _ =	vpop (xrf0)  }
0x261: {  	(v2sf) =	vpush v4, $0xF;
	_ =	sdelay $0xe  }
0x262: {  	s22 =	spop (v2sf)  }
0x263: {  	p0 =	sgt.f32 s22, $0.0e+00  }
.Ltmp44:
0x264: {  	_ = 	snop;
	(pc) =	sbr.rel @!p0 .LBB2_53-.Ltmp44, $1  }
0x265: {  	_ =	sdelay $0x3  }
.LBB2_52:
0x266: {  	[tilespmem:v2+s16+$0x0] =	vst.idx.msk vm0, v3  }
0x267: {  	v4 =	vld.idx.msk [tilespmem:v2+s16+$0x0], $0xffff;
	_ =	sdelay $0x4  }
0x268: {  	vm0 =	vgt.f32 v3, v4  }
0x269: {  	v4 =	vsel vm0, $0x3F800000, v1  }
0x26a: {  	(xrf0) =	vmax.scan.msk.f32 $0xffff, v4;
	_ =	sdelay $0x5  }
0x26b: {  	v4, _, _ =	vpop (xrf0)  }
0x26c: {  	(v2sf) =	vpush v4, $0xF;
	_ =	sdelay $0xe  }
0x26d: {  	s22 =	spop (v2sf)  }
0x26e: {  	p0 =	sgt.f32 s22, $0.0e+00  }
.Ltmp45:
0x26f: {  	_ = 	snop;
	(pc) =	sbr.rel @p0 .LBB2_52-.Ltmp45, $1  }
0x270: {  	_ =	sdelay $0x3  }
.Ltmp46:
0x271: {  	_ = 	snop;
	(pc) =	sbr.rel .LBB2_53-.Ltmp46, $1  }
0x272: {  	_ =	sdelay $0x3  }
.LBB2_54:
0x273: {  	s20 =	smin.u32 s20, $0x2E  }
0x274: {  	s20 =	smul.u32 $0x1900, s20;
	_ =	sdelay $0x1  }
0x275: {  	s20 =	sshrl.u32 s20, $0x3  }
0x276: {  	s20 =	sadd.s32 $0x960, s20  }
0x277: {  	s22 =	simm.s32 $0x7880;
	s21 =	sadd.s32 s3, s20  }
0x278: {  	s23 =	simm.s32 $0x10;
	s24 =	simm.s32 $0x7980;
	s25 =	sadd.s32 $0x0, s21  }
.LBB2_55:
0x279: {  	[tilespmem:s22], [sflag:$0x2] =	stream.linear.gather [hbm4b:s25+s2], $0x80, $0x38;
	[tilespmem:$0xDC00] =	vst v63  }
0x27a: {  	s25 =	smov.u32 s23;
	s22 =	smov.u32 s24;
	p0 =	sne.s32 s23, $0x310  }
.Ltmp47:
0x27b: {  	s23 =	sadd.s32 $0x10, s23;
	(pc) =	sbr.rel @p0 .LBB2_55-.Ltmp47, $2  }
0x27c: {  	_ =	sdelay $0x2  }
0x27d: {  	s24 =	sadd.s32 $0x100, s24;
	s25 =	sadd.s32 s25, s21  }
0x27e: {  	[tilespmem:s22], [sflag:$0x2] =	stream.linear.gather [hbm4b:s25+s2], $0x80, $0x38;
	[tilespmem:$0xDC00] =	vst v63  }
0x27f: {  	s20 =	sadd.s32 s4, s20;
	s21 =	simm.s32 $0xAA80  }
0x280: {  	s22 =	simm.s32 $0x10;
	s23 =	simm.s32 $0xAB80;
	s24 =	sadd.s32 $0x0, s20  }
.LBB2_57:
0x281: {  	[tilespmem:s21], [sflag:$0x2] =	stream.linear.gather [hbm4b:s24+s2], $0x80, $0x38;
	[tilespmem:$0xDC00] =	vst v63  }
0x282: {  	s24 =	smov.u32 s22;
	s21 =	smov.u32 s23;
	p0 =	sne.s32 s22, $0x310  }
.Ltmp48:
0x283: {  	s22 =	sadd.s32 $0x10, s22;
	(pc) =	sbr.rel @p0 .LBB2_57-.Ltmp48, $2  }
0x284: {  	_ =	sdelay $0x2  }
0x285: {  	s23 =	sadd.s32 $0x100, s23;
	s24 =	sadd.s32 s24, s20  }
0x286: {  	s19 =	sadd.s32 $0x1, s19  }
0x287: {  	p0 =	sne.s32 s19, $0x19  }
.Ltmp49:
0x288: {  	_ = 	snop;
	(pc) =	sbr.rel @p0 .LBB2_12-.Ltmp49, $2  }
0x289: {  	_ =	sdelay $0x2  }
0x28a: {  	[tilespmem:s21], [sflag:$0x2] =	stream.linear.gather [hbm4b:s24+s2], $0x80, $0x38;
	[tilespmem:$0xDC00] =	vst v63  }
0x28b: {  	_ =	swait.ge [sflag:s15], $0x1900  }
0x28c: {  	[sflag:s15] =	ssyncset.done $0x0  }
0x28d: {  	[sflag:s15] =	ssyncadd.s32 $0xFFFFE700  }
0x28e: {  	_ =	swait.ge [sflag:s15], $0x1900  }
0x28f: {  	[sflag:s15] =	ssyncset.done $0x0  }
0x290: {  	[sflag:s15] =	ssyncadd.s32 $0xFFFFE700  }
0x291: {  	_ =	swait.ge [sflag:s17], $0x1900  }
0x292: {  	[sflag:s17] =	ssyncset.done $0x0  }
0x293: {  	[sflag:s17] =	ssyncadd.s32 $0xFFFFE700  }
0x294: {  	_ =	swait.ge [sflag:s17], $0x1900  }
0x295: {  	[sflag:s17] =	ssyncset.done $0x0  }
0x296: {  	s19 =	simm.s32 $0x0;
	s20 =	simm.s32 $0x40;
	[sflag:s17] =	ssyncadd.s32 $0xFFFFE700  }
.LBB2_60:
0x297: {  	p0 =	sne.s32 s20, $0x9FC0;
	v2 =	vld [tilespmem:s19+$0x5000];
	_ =	sdelay $0x2  }
.Ltmp50:
0x298: {  	(pc) =	sbr.rel @p0 .LBB2_60-.Ltmp50, $4  }
0x299: {  	_ = 	snop  }
0x29a: {  	vm0 =	veq.f32 v2, $-Inf  }
0x29b: {  	v2 =	vsel vm0, $0x0, v2  }
0x29c: {  	[tilespmem:s19+$0x5000] =	vst v2;
	s19 =	sshra.s32 s20, $0x2;
	s20 =	sadd.s32 $0x40, s20  }
0x29d: {  	v2 =	vld [tilespmem:s19+$0x5000];
	_ =	sdelay $0x4  }
0x29e: {  	s18 =	sadd.s32 $0x1, s18;
	vm0 =	veq.f32 v2, $-Inf  }
0x29f: {  	p0 =	sne.s32 s18, s10;
	v2 =	vsel vm0, $0x0, v2  }
.Ltmp51:
0x2a0: {  	[tilespmem:s19+$0x5000] =	vst v2;
	(pc) =	sbr.rel @p0 .LBB2_1-.Ltmp51, $4  }
0x2a1: {  	[hbm4b:s9+s11] =	stream.strided.scatter [tilespmem:s16], [sflag:$0x3], $0x2800, s12, s11, $0x38;
	[tilespmem:$0xDC00] =	vst v63  }
0x2a2: {  	_ =	swait.ge [sflag:s13], $0x2800  }
0x2a3: {  	[sflag:s13] =	ssyncset.done $0x0  }
0x2a4: {  	[sflag:s13] =	ssyncadd.s32 $0xFFFFD800  }
0x2a5: {  	_ =	sfence.sel $0x180000  }
0x2a6: {  	[bflag:$0x0] =	sbarrier.arrive $0xFFFF  }
0x2a7: {  	p0 =	sne.s32 s1, $0x0;
	_ =	strace $0x9000004A  }
0x2a8: {  	s0 =	sadd.s32 @!p0 $0x100000, s0;
	[bflag:$0x2] =	sbarrier.arrive $0xFFFF  }
0x2a9: {  	[sflag:s0] =	ssyncadd.tile.s32 @!p0 $0x1;
	_ =	shalt  }
.Lfunc_end2:
_tile_overlayer_lowered:
.L_overlay_start_2:
0x2aa: {  	(tag) =	ssettag $0x2  }
0x2ab: {  	s0 =	rddreg [dreg:$0x0];
	s2 =	stileid.u32  }
0x2ac: {  	s1 =	rddreg [dreg:$0x1];
	p0 =	sne.s32 s2, $0x0  }
0x2ad: {  	s3 =	rddreg [dreg:$0x2];
	[bflag:$0x3] =	sbarrier.arrive $0xFFFF;
	s2 =	simm.s32 @!p0 $0x1C03  }
0x2ae: {  	[timem:s3], [sflag:s2] =	dma.local @!p0 [hbm:s0], s1  }
0x2af: {  	s0 =	simm.s32 @!p0 $0x3  }
0x2b0: {  	_ =	swait.ge @!p0 [sflag:s0], s1  }
0x2b1: {  	s1 =	ssub.s32 @!p0 $0x0, s1;
	[sflag:s0] =	ssyncset.done @!p0 $0x0  }
0x2b2: {  	[sflag:s0] =	ssyncadd.s32 @!p0 s1  }
0x2b3: {  	[bflag:$0x3] =	sbarrier.arrive $0xFFFF  }
0x2b4: {  	_ =	shalt  }

// kernel: kernel.15.cloned.1.call-start
scs
__scs_entry_jumppad:
0x0: {  	(pc) =	sbr.rel $0x88, $3  }
0x1: {  	(tag) =	ssettag $0x0;
	lr =	simm.s32 $0x1  }
0x2: {  	[smem:$0x3F97] =	sst lr;
	_ =	strace $0xD0000000  }
0x3: {  	_ = 	snop  }
0x4: {  	_ = 	snop  }
0x5: {  	_ = 	snop  }
0x6: {  	_ = 	snop  }
0x7: {  	_ = 	snop  }
__scs_overlays_trampoline_lowered:
0x8: {  	[smem:$0x3FA6] =	sst s0  }
0x9: {  	[smem:$0x3FA7] =	sst s1  }
0xa: {  	[smem:$0x3FA8] =	sst s2  }
0xb: {  	[smem:$0x3FA9] =	sst s3  }
0xc: {  	[smem:$0x3FAA] =	sst s4  }
0xd: {  	[smem:$0x3FAB] =	sst s5  }
0xe: {  	[smem:$0x3FAC] =	sst s6  }
0xf: {  	[smem:$0x3FAD] =	sst s7  }
0x10: {  	[smem:$0x3FAE] =	sst s8  }
0x11: {  	[smem:$0x3FAF] =	sst s9;
	s0 =	simm.s32 @!p0 $0x0  }
0x12: {  	s1 =	sld [smem:$0x3F95];
	s0 =	simm.s32 @p0 $0x1  }
0x13: {  	[smem:$0x3FB0] =	sst s0;
	s0 =	simm.s32 @!p1 $0x0  }
0x14: {  	s2 =	sld [smem:$0x3F94];
	s0 =	simm.s32 @p1 $0x1  }
0x15: {  	[smem:$0x3FB1] =	sst s0;
	s0 =	simm.s32 @!p2 $0x0  }
0x16: {  	s3 =	sld [smem:$0x3FDB];
	s0 =	simm.s32 @p2 $0x1  }
0x17: {  	s4 =	simm.s32 $0x1BF5;
	[smem:$0x3FB3] =	sst s0  }
0x18: {  	s0 =	sld [smem:$0x3F96];
	_ =	swait.ge [sflag:s4], $0x0  }
0x19: {  	s7 =	sld [smem:$0x3F97]  }
0x1a: {  	s8 =	sadd.s32 $0xFFFFE003, lr  }
0x1b: {  	s9 =	sadd.s32 $0xFFFFFEF7, lr;
	s5 =	simm.s32 $0xFFFFFFFF;
	p2 =	slt.u32 s8, $0xFFFFF086  }
0x1c: {  	p1 =	slt.u32 s9, $0xF7A;
	s5 =	simm.s32 @!p2 $0x0  }
0x1d: {  	s5 =	simm.s32 @p1 $0x1;
	p0 =	seq.s32 s7, s2  }
0x1e: {  	s7 =	smul.u32 @!p0 $0xF7A, s2;
	p2 =	seq.s32 @!p0 s5, $0x0  }
0x1f: {  	s9 =	smul.u32 $0xF7A, s1;
	s8 =	simm.s32 @!p0 $0x1BF5;
	p2 =	por !p2, p0  }
0x20: {  	[sflag:s8] =	ssyncset.s32 @!p0 $0xFFFFF086;
	s6 =	sadd.s32 @!p0 s3, s7;
	s7 =	simm.s32 @!p0 $0x108  }
0x21: {  	s3 =	sadd.s32 s3, s9;
	s6 =	sadd.s32 @!p0 $0x88, s6;
	s7 =	simm.s32 @p2 $0x1082  }
0x22: {  	[simem:s7], [sflag:s8] =	dma.local @!p0 [hbm:s6], $0xF7A  }
0x23: {  	s9 =	sor.u32 $0xD0000000, s2;
	s6 =	simm.s32 $0x108;
	_ =	swait.ge @!p0 [sflag:s8], $0x0  }
0x24: {  	s3 =	sadd.s32 $0x88, s3;
	s6 =	simm.s32 @!p1 $0x1082;
	[sflag:s4] =	ssyncset.s32 $0xFFFFF086  }
0x25: {  	[simem:s6], [sflag:s4] =	dma.local [hbm:s3], $0xF7A  }
0x26: {  	[smem:$0x3F97] =	sst s1;
	(tag) =	ssettag s2;
	_ =	strace s9  }
0x27: {  	s1 =	sld [smem:$0x3FA7]  }
0x28: {  	s2 =	sld [smem:$0x3FA8]  }
0x29: {  	s4 =	sld [smem:$0x3FAA]  }
0x2a: {  	p0 =	seq.s32 s5, $0x0;
	s5 =	sld [smem:$0x3FAB]  }
0x2b: {  	s6 =	sld [smem:$0x3FAC]  }
0x2c: {  	s7 =	sld [smem:$0x3FAD]  }
0x2d: {  	s3 =	simm.s32 $0x108;
	s8 =	sld [smem:$0x3FAE]  }
0x2e: {  	s3 =	simm.s32 @!p0 $0x1082;
	s9 =	sld [smem:$0x3FAF]  }
0x2f: {  	lr =	sadd.s32 s0, s3;
	s0 =	sld [smem:$0x3FA6]  }
0x30: {  	s3 =	sld [smem:$0x3FA9]  }
0x31: {  	[smem:$0x3FB2] =	sst s10  }
0x32: {  	s10 =	sld [smem:$0x3FB0];
	_ =	sdelay $0x3  }
0x33: {  	p0 =	seq.s32 s10, $0x1;
	s10 =	sld [smem:$0x3FB2];
	_ =	sdelay $0x3  }
0x34: {  	[smem:$0x3FB2] =	sst s10  }
0x35: {  	s10 =	sld [smem:$0x3FB1];
	_ =	sdelay $0x3  }
0x36: {  	p1 =	seq.s32 s10, $0x1;
	s10 =	sld [smem:$0x3FB2];
	_ =	sdelay $0x3  }
0x37: {  	[smem:$0x3FB2] =	sst s10  }
0x38: {  	s10 =	sld [smem:$0x3FB3]  }
0x39: {  	_ = 	snop;
	(pc) =	sbr.ind lr, $3  }
0x3a: {  	_ = 	snop  }
0x3b: {  	_ = 	snop  }
0x3c: {  	p2 =	seq.s32 s10, $0x1;
	s10 =	sld [smem:$0x3FB2]  }
0x3d: {  	_ =	shalt  }
0x3e: {  	_ =	shalt  }
0x3f: {  	_ =	shalt  }
0x40: {  	_ =	shalt  }
0x41: {  	_ =	shalt  }
0x42: {  	_ =	shalt  }
0x43: {  	_ =	shalt  }
0x44: {  	_ =	shalt  }
0x45: {  	_ =	shalt  }
0x46: {  	_ =	shalt  }
0x47: {  	_ =	shalt  }
0x48: {  	_ =	shalt  }
0x49: {  	_ =	shalt  }
0x4a: {  	_ =	shalt  }
0x4b: {  	_ =	shalt  }
0x4c: {  	_ =	shalt  }
0x4d: {  	_ =	shalt  }
0x4e: {  	_ =	shalt  }
0x4f: {  	_ =	shalt  }
0x50: {  	_ =	shalt  }
0x51: {  	_ =	shalt  }
0x52: {  	_ =	shalt  }
0x53: {  	_ =	shalt  }
0x54: {  	_ =	shalt  }
0x55: {  	_ =	shalt  }
0x56: {  	_ =	shalt  }
0x57: {  	_ =	shalt  }
0x58: {  	_ =	shalt  }
0x59: {  	_ =	shalt  }
0x5a: {  	_ =	shalt  }
0x5b: {  	_ =	shalt  }
0x5c: {  	_ =	shalt  }
0x5d: {  	_ =	shalt  }
0x5e: {  	_ =	shalt  }
0x5f: {  	_ =	shalt  }
0x60: {  	_ =	shalt  }
0x61: {  	_ =	shalt  }
0x62: {  	_ =	shalt  }
0x63: {  	_ =	shalt  }
0x64: {  	_ =	shalt  }
0x65: {  	_ =	shalt  }
0x66: {  	_ =	shalt  }
0x67: {  	_ =	shalt  }
0x68: {  	_ =	shalt  }
0x69: {  	_ =	shalt  }
0x6a: {  	_ =	shalt  }
0x6b: {  	_ =	shalt  }
0x6c: {  	_ =	shalt  }
0x6d: {  	_ =	shalt  }
0x6e: {  	_ =	shalt  }
0x6f: {  	_ =	shalt  }
0x70: {  	_ =	shalt  }
0x71: {  	_ =	shalt  }
0x72: {  	_ =	shalt  }
0x73: {  	_ =	shalt  }
0x74: {  	_ =	shalt  }
0x75: {  	_ =	shalt  }
0x76: {  	_ =	shalt  }
0x77: {  	_ =	shalt  }
0x78: {  	_ =	shalt  }
0x79: {  	_ =	shalt  }
0x7a: {  	_ =	shalt  }
0x7b: {  	_ =	shalt  }
0x7c: {  	_ =	shalt  }
0x7d: {  	_ =	shalt  }
0x7e: {  	_ =	shalt  }
0x7f: {  	_ =	shalt  }
0x80: {  	_ =	shalt  }
0x81: {  	_ =	shalt  }
0x82: {  	_ =	shalt  }
0x83: {  	_ =	shalt  }
0x84: {  	_ =	shalt  }
0x85: {  	_ =	shalt  }
0x86: {  	_ =	shalt  }
0x87: {  	_ =	shalt  }
.Lfunc_end0:
.L_simem_size_0:
called_computation.2_lowered:
.L_overlay_start_0:
0x88: {  	s2 =	sld [smem:$0x3FD9]  }
0x89: {  	s3 =	sld [smem:$0x3FFE];
	_ =	sdelay $0x1  }
0x8a: {  	s1 =	srdreg.scid  }
0x8b: {  	s0 =	sand.u32 $0x1, s1  }
0x8c: {  	s17 =	sshll.u32 s0, $0xA;
	s2 =	sadd.s32 s3, s2  }
0x8d: {  	s2 =	sadd.s32 s2, s17  }
0x8e: {  	[smem:$0x3FBE] =	sst s2  }
0x8f: {  	_ = 	snop  }
0x90: {  	s2 =	sld [smem:$0x3FD0];
	(tm) =	ssettm $0x1  }
0x91: {  	s18 =	sld [smem:$0x3FFB];
	_ =	sdelay $0x3  }
0x92: {  	_ =	strace s18  }
0x93: {  	s3 =	sld [smem:$0x3FFC];
	_ =	sdelay $0x3  }
0x94: {  	_ =	strace s3  }
0x95: {  	s3 =	sld [smem:$0x3FFD];
	_ =	sdelay $0x3  }
0x96: {  	_ =	strace s3  }
0x97: {  	_ =	strace $0x8FFFFFFF  }
0x98: {  	s19 =	sld [smem:$0x3FDB];
	_ =	sdelay $0x1  }
0x99: {  	s4 =	simm.s32 $_scs_section_size  }
0x9a: {  	s5 =	simm.s32 $_size__tile_overlayer_lowered;
	s6 =	simm.s32 $_tile_overlayer_lowered  }
0x9b: {  	s22 =	simm.s32 $0x1BFF;
	s21 =	sshll.u32 s6, $0x1;
	s3 =	sadd.s32 s4, s19  }
0x9c: {  	s7 =	simm.s32 $0x0;
	s20 =	sshll.u32 s5, $0x1;
	s5 =	sadd.s32 s21, s3  }
0x9d: {  	[timem:s7], [sflag:s22] =	dma.local [hbm:s5], s20  }
0x9e: {  	_ =	swait.ge [sflag:s22], s20  }
0x9f: {  	s4 =	ssub.s32 $0x0, s20;
	[sflag:s22] =	ssyncset.done $0x0  }
0xa0: {  	[sflag:s22] =	ssyncadd.s32 s4;
	_ =	sdelay $0x1  }
0xa1: {  	s23 =	simm.s32 $0x1B8B  }
0xa2: {  	_ =	swait.ge [sflag:s23], $0x1  }
0xa3: {  	[sflag:s23] =	ssyncset.done $0x0  }
0xa4: {  	s25 =	simm.s32 $0x1B8E;
	s24 =	sld [smem:$0x3FFE];
	[sflag:s23] =	ssyncadd.s32 $0xFFFFFFFF  }
0xa5: {  	s26 =	simm.s32 $execute0_lowered;
	[smem:$0x3FD2] =	sst s25  }
0xa6: {  	s5 =	sshll.u32 s26, $0x1;
	_ =	strace $0x8000004C;
	[dreg:$0x1] =	wrdreg $0xFFFFFFFF  }
0xa7: {  	s28 =	simm.s32 $_size_execute0_lowered;
	s3 =	sadd.s32 s3, s5;
	[dreg:$0x0] =	wrdreg $0x0  }
0xa8: {  	s5 =	sshll.u32 s28, $0x1;
	[dreg:$0x2] =	wrdreg s3  }
0xa9: {  	[dreg:$0x3] =	wrdreg s5  }
0xaa: {  	[dreg:$0x4] =	wrdreg $0xC0  }
0xab: {  	_ =	task [dreg:s7], $0x5FFFF  }
0xac: {  	[dreg:$0x1] =	wrdreg $0xFFFFFFFF  }
0xad: {  	[dreg:$0x0] =	wrdreg $0x60  }
0xae: {  	[dreg:$0x2] =	wrdreg s2  }
0xaf: {  	[dreg:$0x3] =	wrdreg s24  }
0xb0: {  	[dreg:$0x4] =	wrdreg $0x9  }
0xb1: {  	_ =	task.clear_ibuf [dreg:s7], $0x5FFFF;
	_ =	strace $0x9000004C  }
0xb2: {  	s29 =	simm.s32 $0x9;
	_ =	strace $0x8000004E  }
0xb3: {  	_ =	swait.ge [sflag:s29], $0x1  }
0xb4: {  	[sflag:s29] =	ssyncadd.s32 $0xFFFFFFFF  }
0xb5: {  	_ =	strace $0x9000004E  }
0xb6: {  	_ =	sfence  }
0xb7: {  	s30 =	sld [smem:$0x0];
	_ =	sdelay $0x2  }
0xb8: {  	s31 =	sshll.u32 s1, $0xD;
	s1 =	sshrl.u32 s1, $0x2  }
0xb9: {  	s3 =	sand.u32 $0x4000, s31;
	s1 =	sadd.s32 s1, s30  }
0xba: {  	s0 =	sor.u32 s3, s0;
	s1 =	sshll.u32 s1, $0x11  }
0xbb: {  	s0 =	sor.u32 s1, s0  }
0xbc: {  	s0 =	sadd.s32 $0x8F2B, s0  }
0xbd: {  	[sflag:s0] =	ssyncadd.remote.s32 $0x1  }
0xbe: {  	_ =	sfence.sel $0xFFFF  }
0xbf: {  	[dreg:$0x0] =	wrdreg $0xFFFFFFFF;
	(pc) =	sbr.abs _section_cstart, $3  }
0xc0: {  	[dreg:$0x1] =	wrdreg $0xFFFFFFFF  }
0xc1: {  	_ =	task.clear_ibuf [dreg:s7], $0x2FFFF;
	_ =	strace $0x9FFFFFFF  }
0xc2: {  	(tm) =	ssettm $0x7FFFFFFF  }
0xc3: {  	_ =	shalt  }
tec
execute0_lowered:
.L_overlay_start_1:
0x0: {  	(tag) =	ssettag $0x1  }
0x1: {  	s6 =	rddreg [dreg:$0x0]  }
0x2: {  	s8 =	rddreg [dreg:$0x1]  }
0x3: {  	s0 =	rddreg [dreg:$0x2]  }
0x4: {  	s2 =	simm.s32 $0x0;
	s3 =	srdreg.scid;
	s1 =	stileid.u32  }
0x5: {  	s12 =	simm.s32 $0x400;
	s13 =	simm.s32 $0x3;
	s14 =	simm.s32 $0x2800  }
0x6: {  	s15 =	simm.s32 $0x1;
	s16 =	simm.s32 $0x5000;
	s17 =	simm.s32 $0x2  }
0x7: {  	s18 =	simm.s32 $0x0;
	[smem:$0x7FF] =	sst s2;
	s5 =	sand.u32 $0x1, s3  }
0x8: {  	s30 =	sshrl.u32 s1, $0x2;
	s4 =	sshll.u32 s1, $0x8;
	s3 =	sadd.s32 $0xBA00, s8  }
0x9: {  	s7 =	smul.u32 $0x14000, s30;
	s31 =	sshll.u32 s5, $0x7;
	s4 =	sand.u32 $0x300, s4  }
0xa: {  	_ =	strace $0x8000004D;
	s5 =	ssub.s32 $0x2, s5;
	s9 =	sor.u32 s31, s4  }
0xb: {  	s4 =	sadd.s32 $0x1C00, s8;
	s11 =	sshrl.u32 s5, $0x1;
	s7 =	sor.u32 s7, s9  }
0xc: {  	s11 =	ssub.s32 s5, s11;
	s9 =	sshrl.u32 s7, $0x3;
	s7 =	sadd.s32 $0x50000, s7  }
0xd: {  	s10 =	sadd.s32 s9, s8;
	s7 =	sshrl.u32 s7, $0x3;
	s5 =	sadd.s32 s6, s9  }
0xe: {  	s6 =	sadd.s32 s6, s7;
	s7 =	sadd.s32 $0xBD20, s8;
	s8 =	sadd.s32 $0x1F20, s8  }
0xf: {  	v0 =	vimm.f32 $-Inf;
	v1 =	vimm.f32 $0.0e+00;
	s9 =	sadd.s32 $0x15800, s10;
	s10 =	smax.u32 s11, $0x1;
	s11 =	simm.s32 $0x80  }
.LBB2_1:
0x10: {  	[tilespmem:s2], [sflag:$0x3] =	stream.strided.gather [hbm4b:s5+s11], $0x2800, s12, s11, $0x38;
	[tilespmem:$0xDC00] =	vst v63  }
0x11: {  	_ =	swait.ge [sflag:s13], $0x2800  }
0x12: {  	[sflag:s13] =	ssyncset.done $0x0  }
0x13: {  	[sflag:s13] =	ssyncadd.s32 $0xFFFFD800  }
0x14: {  	[tilespmem:s14], [sflag:$0x3] =	stream.strided.gather [hbm4b:s6+s11], $0x2800, s12, s11, $0x38;
	[tilespmem:$0xDC00] =	vst v63  }
0x15: {  	_ =	swait.ge [sflag:s13], $0x2800  }
0x16: {  	[sflag:s13] =	ssyncset.done $0x0  }
0x17: {  	s19 =	simm.s32 $0x0;
	[sflag:s13] =	ssyncadd.s32 $0xFFFFD800  }
.LBB2_2:
0x18: {  	p0 =	sne.s32 s19, $0x9FC0  }
.Ltmp0:
0x19: {  	_ = 	snop;
	(pc) =	sbr.rel @p0 .LBB2_2-.Ltmp0, $3  }
0x1a: {  	_ =	sdelay $0x1  }
0x1b: {  	s20 =	sshra.s32 s19, $0x2  }
0x1c: {  	s19 =	sadd.s32 $0x40, s19;
	[tilespmem:s20+$0x5000] =	vst v0  }
0x1d: {  	s19 =	simm.s32 $0x0;
	s20 =	simm.s32 $0x7800;
	s21 =	simm.s32 $0x0  }
.LBB2_4:
0x1e: {  	p0 =	sne.s32 s21, $0x310  }
.Ltmp1:
0x1f: {  	_ = 	snop;
	(pc) =	sbr.rel @p0 .LBB2_4-.Ltmp1, $4  }
0x20: {  	_ = 	snop  }
0x21: {  	s22 =	sadd.s32 s21, s3  }
0x22: {  	[tilespmem:s20], [sflag:$0x1] =	stream.linear.gather [hbm4b:s22+s19], $0x80, $0x38;
	[tilespmem:$0xDC00] =	vst v63  }
0x23: {  	s21 =	sadd.s32 $0x10, s21;
	s20 =	sadd.s32 $0x100, s20  }
0x24: {  	s19 =	simm.s32 $0xAA00  }
0x25: {  	s20 =	simm.s32 $0x10;
	s22 =	sadd.s32 $0x0, s4;
	s21 =	simm.s32 $0xAB00  }
.LBB2_6:
0x26: {  	[tilespmem:s19], [sflag:$0x1] =	stream.linear.gather [hbm4b:s22+s2], $0x80, $0x38;
	[tilespmem:$0xDC00] =	vst v63  }
0x27: {  	s22 =	smov.u32 s20;
	s19 =	smov.u32 s21;
	p0 =	sne.s32 s20, $0x310  }
.Ltmp2:
0x28: {  	s20 =	sadd.s32 $0x10, s20;
	(pc) =	sbr.rel @p0 .LBB2_6-.Ltmp2, $2  }
0x29: {  	_ =	sdelay $0x2  }
0x2a: {  	s21 =	sadd.s32 $0x100, s21;
	s22 =	sadd.s32 s22, s4  }
0x2b: {  	[tilespmem:s19], [sflag:$0x1] =	stream.linear.gather [hbm4b:s22+s2], $0x80, $0x38;
	[tilespmem:$0xDC00] =	vst v63  }
0x2c: {  	s19 =	simm.s32 $0x7880  }
0x2d: {  	s20 =	simm.s32 $0x10;
	s22 =	sadd.s32 $0x0, s7;
	s21 =	simm.s32 $0x7980  }
.LBB2_8:
0x2e: {  	[tilespmem:s19], [sflag:$0x2] =	stream.linear.gather [hbm4b:s22+s2], $0x80, $0x38;
	[tilespmem:$0xDC00] =	vst v63  }
0x2f: {  	s22 =	smov.u32 s20;
	s19 =	smov.u32 s21;
	p0 =	sne.s32 s20, $0x310  }
.Ltmp3:
0x30: {  	s20 =	sadd.s32 $0x10, s20;
	(pc) =	sbr.rel @p0 .LBB2_8-.Ltmp3, $2  }
0x31: {  	_ =	sdelay $0x2  }
0x32: {  	s21 =	sadd.s32 $0x100, s21;
	s22 =	sadd.s32 s22, s7  }
0x33: {  	[tilespmem:s19], [sflag:$0x2] =	stream.linear.gather [hbm4b:s22+s2], $0x80, $0x38;
	[tilespmem:$0xDC00] =	vst v63  }
0x34: {  	s19 =	simm.s32 $0x0;
	s20 =	simm.s32 $0xAA80  }
0x35: {  	s21 =	simm.s32 $0x10;
	s23 =	sadd.s32 $0x0, s8;
	s22 =	simm.s32 $0xAB80  }
.LBB2_10:
0x36: {  	[tilespmem:s20], [sflag:$0x2] =	stream.linear.gather [hbm4b:s23+s19], $0x80, $0x38;
	[tilespmem:$0xDC00] =	vst v63  }
0x37: {  	s23 =	smov.u32 s21;
	s20 =	smov.u32 s22;
	p0 =	sne.s32 s21, $0x310  }
.Ltmp4:
0x38: {  	s21 =	sadd.s32 $0x10, s21;
	(pc) =	sbr.rel @p0 .LBB2_10-.Ltmp4, $2  }
0x39: {  	_ =	sdelay $0x2  }
0x3a: {  	s22 =	sadd.s32 $0x100, s22;
	s23 =	sadd.s32 s23, s8  }
0x3b: {  	[tilespmem:s20], [sflag:$0x2] =	stream.linear.gather [hbm4b:s23+s19], $0x80, $0x38;
	[tilespmem:$0xDC00] =	vst v63  }
.LBB2_12:
0x3c: {  	_ =	swait.ge [sflag:s15], $0x1900  }
.Ltmp5:
0x3d: {  	[sflag:s15] =	ssyncset.done $0x0;
	(pc) =	sbr.rel .LBB2_13-.Ltmp5, $4  }
0x3e: {  	[sflag:s15] =	ssyncadd.s32 $0xFFFFE700  }
0x3f: {  	_ =	swait.ge [sflag:s15], $0x1900  }
0x40: {  	[sflag:s15] =	ssyncset.done $0x0  }
0x41: {  	s20 =	simm.s32 $0x0;
	[sflag:s15] =	ssyncadd.s32 $0xFFFFE700  }
.LBB2_30:
0x42: {  	s20 =	sadd.s32 $0x1, s20  }
0x43: {  	p0 =	sne.s32 s20, $0x32  }
.Ltmp6:
0x44: {  	_ = 	snop;
	(pc) =	sbr.rel @!p0 .LBB2_31-.Ltmp6, $1  }
0x45: {  	_ =	sdelay $0x3  }
.LBB2_13:
0x46: {  	s21 =	sshll.u32 s20, $0x8  }
0x47: {  	v16 =	vld [tilespmem:s21+$0x7800]  }
0x48: {  	v2 =	vld [tilespmem:s21+$0xAA00];
	_ =	sdelay $0x6  }
0x49: {  	v3 =	vld.idx.msk [tilespmem:v16+s2+$0x0], $0xffff  }
0x4a: {  	v2 =	vld.idx.msk [tilespmem:v2+s14+$0x0], $0xffff;
	_ =	sdelay $0x1  }
0x4b: {  	v4 =	vld.idx.msk [tilespmem:v16+s16+$0x0], $0xffff;
	_ =	sdelay $0x2  }
0x4c: {  	v17 =	vadd.f32 v2, v3;
	_ =	sdelay $0x1  }
0x4d: {  	vm0 =	vgt.f32 v17, v4;
	_ =	sdelay $0x5  }
0x4e: {  	[tilespmem:v16+s16+$0x0] =	vst.idx.msk vm0, v17  }
0x4f: {  	v14 =	vld [tilespmem:s21+$0x7810]  }
0x50: {  	v2 =	vld [tilespmem:s21+$0xAA10];
	_ =	sdelay $0x6  }
0x51: {  	v3 =	vld.idx.msk [tilespmem:v14+s2+$0x0], $0xffff  }
0x52: {  	v2 =	vld.idx.msk [tilespmem:v2+s14+$0x0], $0xffff;
	_ =	sdelay $0x1  }
0x53: {  	v4 =	vld.idx.msk [tilespmem:v14+s16+$0x0], $0xffff;
	_ =	sdelay $0x2  }
0x54: {  	v15 =	vadd.f32 v2, v3;
	_ =	sdelay $0x1  }
0x55: {  	vm0 =	vgt.f32 v15, v4;
	_ =	sdelay $0x5  }
0x56: {  	[tilespmem:v14+s16+$0x0] =	vst.idx.msk vm0, v15  }
0x57: {  	v12 =	vld [tilespmem:s21+$0x7820]  }
0x58: {  	v2 =	vld [tilespmem:s21+$0xAA20];
	_ =	sdelay $0x6  }
0x59: {  	v3 =	vld.idx.msk [tilespmem:v12+s2+$0x0], $0xffff  }
0x5a: {  	v2 =	vld.idx.msk [tilespmem:v2+s14+$0x0], $0xffff;
	_ =	sdelay $0x1  }
0x5b: {  	v4 =	vld.idx.msk [tilespmem:v12+s16+$0x0], $0xffff;
	_ =	sdelay $0x2  }
0x5c: {  	v13 =	vadd.f32 v2, v3;
	_ =	sdelay $0x1  }
0x5d: {  	vm0 =	vgt.f32 v13, v4;
	_ =	sdelay $0x5  }
0x5e: {  	[tilespmem:v12+s16+$0x0] =	vst.idx.msk vm0, v13  }
0x5f: {  	v10 =	vld [tilespmem:s21+$0x7830]  }
0x60: {  	v2 =	vld [tilespmem:s21+$0xAA30];
	_ =	sdelay $0x6  }
0x61: {  	v3 =	vld.idx.msk [tilespmem:v10+s2+$0x0], $0xffff  }
0x62: {  	v2 =	vld.idx.msk [tilespmem:v2+s14+$0x0], $0xffff;
	_ =	sdelay $0x1  }
0x63: {  	v4 =	vld.idx.msk [tilespmem:v10+s16+$0x0], $0xffff;
	_ =	sdelay $0x2  }
0x64: {  	v11 =	vadd.f32 v2, v3;
	_ =	sdelay $0x1  }
0x65: {  	vm0 =	vgt.f32 v11, v4;
	_ =	sdelay $0x5  }
0x66: {  	[tilespmem:v10+s16+$0x0] =	vst.idx.msk vm0, v11  }
0x67: {  	v8 =	vld [tilespmem:s21+$0x7840]  }
0x68: {  	v2 =	vld [tilespmem:s21+$0xAA40];
	_ =	sdelay $0x6  }
0x69: {  	v3 =	vld.idx.msk [tilespmem:v8+s2+$0x0], $0xffff  }
0x6a: {  	v2 =	vld.idx.msk [tilespmem:v2+s14+$0x0], $0xffff;
	_ =	sdelay $0x1  }
0x6b: {  	v4 =	vld.idx.msk [tilespmem:v8+s16+$0x0], $0xffff;
	_ =	sdelay $0x2  }
0x6c: {  	v9 =	vadd.f32 v2, v3;
	_ =	sdelay $0x1  }
0x6d: {  	vm0 =	vgt.f32 v9, v4;
	_ =	sdelay $0x5  }
0x6e: {  	[tilespmem:v8+s16+$0x0] =	vst.idx.msk vm0, v9  }
0x6f: {  	v6 =	vld [tilespmem:s21+$0x7850]  }
0x70: {  	v2 =	vld [tilespmem:s21+$0xAA50];
	_ =	sdelay $0x6  }
0x71: {  	v3 =	vld.idx.msk [tilespmem:v6+s2+$0x0], $0xffff  }
0x72: {  	v2 =	vld.idx.msk [tilespmem:v2+s14+$0x0], $0xffff;
	_ =	sdelay $0x1  }
0x73: {  	v4 =	vld.idx.msk [tilespmem:v6+s16+$0x0], $0xffff;
	_ =	sdelay $0x2  }
0x74: {  	v7 =	vadd.f32 v2, v3;
	_ =	sdelay $0x1  }
0x75: {  	vm0 =	vgt.f32 v7, v4;
	_ =	sdelay $0x5  }
0x76: {  	[tilespmem:v6+s16+$0x0] =	vst.idx.msk vm0, v7  }
0x77: {  	v4 =	vld [tilespmem:s21+$0x7860]  }
0x78: {  	v2 =	vld [tilespmem:s21+$0xAA60];
	_ =	sdelay $0x6  }
0x79: {  	v3 =	vld.idx.msk [tilespmem:v4+s2+$0x0], $0xffff  }
0x7a: {  	v2 =	vld.idx.msk [tilespmem:v2+s14+$0x0], $0xffff;
	_ =	sdelay $0x1  }
0x7b: {  	v18 =	vld.idx.msk [tilespmem:v4+s16+$0x0], $0xffff;
	_ =	sdelay $0x2  }
0x7c: {  	v5 =	vadd.f32 v2, v3;
	_ =	sdelay $0x1  }
0x7d: {  	vm0 =	vgt.f32 v5, v18;
	_ =	sdelay $0x5  }
0x7e: {  	[tilespmem:v4+s16+$0x0] =	vst.idx.msk vm0, v5  }
0x7f: {  	v2 =	vld [tilespmem:s21+$0x7870]  }
0x80: {  	v3 =	vld [tilespmem:s21+$0xAA70];
	_ =	sdelay $0x6  }
0x81: {  	v18 =	vld.idx.msk [tilespmem:v2+s2+$0x0], $0xffff  }
0x82: {  	v3 =	vld.idx.msk [tilespmem:v3+s14+$0x0], $0xffff;
	_ =	sdelay $0x1  }
0x83: {  	v19 =	vld.idx.msk [tilespmem:v2+s16+$0x0], $0xffff;
	_ =	sdelay $0x2  }
0x84: {  	v3 =	vadd.f32 v3, v18;
	_ =	sdelay $0x1  }
0x85: {  	vm0 =	vgt.f32 v3, v19;
	_ =	sdelay $0x5  }
0x86: {  	[tilespmem:v2+s16+$0x0] =	vst.idx.msk vm0, v3  }
0x87: {  	v18 =	vld.idx.msk [tilespmem:v14+s16+$0x0], $0xffff  }
0x88: {  	v19 =	vld.idx.msk [tilespmem:v12+s16+$0x0], $0xffff  }
0x89: {  	v20 =	vld.idx.msk [tilespmem:v10+s16+$0x0], $0xffff  }
0x8a: {  	v21 =	vld.idx.msk [tilespmem:v8+s16+$0x0], $0xffff  }
0x8b: {  	v22 =	vld.idx.msk [tilespmem:v6+s16+$0x0], $0xffff  }
0x8c: {  	v23 =	vld.idx.msk [tilespmem:v4+s16+$0x0], $0xffff  }
0x8d: {  	vm0 =	vgt.f32 v15, v18;
	vm1 =	vgt.f32 v13, v19;
	v19 =	vld.idx.msk [tilespmem:v2+s16+$0x0], $0xffff  }
0x8e: {  	v18 =	vld.idx.msk [tilespmem:v16+s16+$0x0], $0xffff;
	vm0 =	vmor vm0, vm1;
	vm1 =	vgt.f32 v11, v20  }
0x8f: {  	vm2 =	vgt.f32 v9, v21;
	vm0 =	vmor vm0, vm1  }
0x90: {  	vm1 =	vgt.f32 v7, v22;
	vm0 =	vmor vm0, vm2  }
0x91: {  	vm2 =	vgt.f32 v5, v23;
	vm0 =	vmor vm0, vm1  }
0x92: {  	vm1 =	vmor vm0, vm2;
	vm2 =	vgt.f32 v3, v19  }
0x93: {  	vm0 =	vgt.f32 v17, v18;
	vm1 =	vmor vm1, vm2  }
0x94: {  	vm1 =	vmor vm0, vm1  }
0x95: {  	v19 =	vsel vm1, $0x3F800000, v1  }
0x96: {  	(xrf0) =	vmax.scan.msk.f32 $0xffff, v19;
	_ =	sdelay $0x5  }
0x97: {  	v19, _, _ =	vpop (xrf0)  }
0x98: {  	(v2sf) =	vpush v19, $0xF;
	_ =	sdelay $0xe  }
0x99: {  	s31 =	spop (v2sf)  }
0x9a: {  	p0 =	sgt.f32 s31, $0.0e+00  }
.Ltmp7:
0x9b: {  	_ = 	snop;
	(pc) =	sbr.rel @!p0 .LBB2_30-.Ltmp7, $1  }
0x9c: {  	_ =	sdelay $0x3  }
0x9d: {  	vm1 =	vgt.f32 v17, v18  }
0x9e: {  	v18 =	vsel vm1, $0x3F800000, v1  }
0x9f: {  	(xrf0) =	vmax.scan.msk.f32 $0xffff, v18;
	_ =	sdelay $0x5  }
0xa0: {  	v18, _, _ =	vpop (xrf0)  }
0xa1: {  	(v2sf) =	vpush v18, $0xF;
	_ =	sdelay $0xe  }
0xa2: {  	s21 =	spop (v2sf)  }
0xa3: {  	p0 =	sgt.f32 s21, $0.0e+00  }
.Ltmp8:
0xa4: {  	_ = 	snop;
	(pc) =	sbr.rel @!p0 .LBB2_16-.Ltmp8, $1  }
0xa5: {  	_ =	sdelay $0x3  }
.LBB2_15:
0xa6: {  	[tilespmem:v16+s16+$0x0] =	vst.idx.msk vm0, v17  }
0xa7: {  	v18 =	vld.idx.msk [tilespmem:v16+s16+$0x0], $0xffff;
	_ =	sdelay $0x4  }
0xa8: {  	vm0 =	vgt.f32 v17, v18  }
0xa9: {  	v18 =	vsel vm0, $0x3F800000, v1  }
0xaa: {  	(xrf0) =	vmax.scan.msk.f32 $0xffff, v18;
	_ =	sdelay $0x5  }
0xab: {  	v18, _, _ =	vpop (xrf0)  }
0xac: {  	(v2sf) =	vpush v18, $0xF;
	_ =	sdelay $0xe  }
0xad: {  	s21 =	spop (v2sf)  }
0xae: {  	p0 =	sgt.f32 s21, $0.0e+00  }
.Ltmp9:
0xaf: {  	_ = 	snop;
	(pc) =	sbr.rel @p0 .LBB2_15-.Ltmp9, $1  }
0xb0: {  	_ =	sdelay $0x3  }
.LBB2_16:
0xb1: {  	_ =	sdelay $0x3  }
0xb2: {  	v16 =	vld.idx.msk [tilespmem:v14+s16+$0x0], $0xffff;
	_ =	sdelay $0x4  }
0xb3: {  	vm0 =	vgt.f32 v15, v16  }
0xb4: {  	v16 =	vsel vm0, $0x3F800000, v1  }
0xb5: {  	(xrf0) =	vmax.scan.msk.f32 $0xffff, v16;
	_ =	sdelay $0x5  }
0xb6: {  	v16, _, _ =	vpop (xrf0)  }
0xb7: {  	(v2sf) =	vpush v16, $0xF;
	_ =	sdelay $0xe  }
0xb8: {  	s21 =	spop (v2sf)  }
0xb9: {  	p0 =	sgt.f32 s21, $0.0e+00  }
.Ltmp10:
0xba: {  	_ = 	snop;
	(pc) =	sbr.rel @!p0 .LBB2_18-.Ltmp10, $1  }
0xbb: {  	_ =	sdelay $0x3  }
.LBB2_17:
0xbc: {  	[tilespmem:v14+s16+$0x0] =	vst.idx.msk vm0, v15  }
0xbd: {  	v16 =	vld.idx.msk [tilespmem:v14+s16+$0x0], $0xffff;
	_ =	sdelay $0x4  }
0xbe: {  	vm0 =	vgt.f32 v15, v16  }
0xbf: {  	v16 =	vsel vm0, $0x3F800000, v1  }
0xc0: {  	(xrf0) =	vmax.scan.msk.f32 $0xffff, v16;
	_ =	sdelay $0x5  }
0xc1: {  	v16, _, _ =	vpop (xrf0)  }
0xc2: {  	(v2sf) =	vpush v16, $0xF;
	_ =	sdelay $0xe  }
0xc3: {  	s21 =	spop (v2sf)  }
0xc4: {  	p0 =	sgt.f32 s21, $0.0e+00  }
.Ltmp11:
0xc5: {  	_ = 	snop;
	(pc) =	sbr.rel @p0 .LBB2_17-.Ltmp11, $1  }
0xc6: {  	_ =	sdelay $0x3  }
.LBB2_18:
0xc7: {  	_ =	sdelay $0x3  }
0xc8: {  	v14 =	vld.idx.msk [tilespmem:v12+s16+$0x0], $0xffff;
	_ =	sdelay $0x4  }
0xc9: {  	vm0 =	vgt.f32 v13, v14  }
0xca: {  	v14 =	vsel vm0, $0x3F800000, v1  }
0xcb: {  	(xrf0) =	vmax.scan.msk.f32 $0xffff, v14;
	_ =	sdelay $0x5  }
0xcc: {  	v14, _, _ =	vpop (xrf0)  }
0xcd: {  	(v2sf) =	vpush v14, $0xF;
	_ =	sdelay $0xe  }
0xce: {  	s21 =	spop (v2sf)  }
0xcf: {  	p0 =	sgt.f32 s21, $0.0e+00  }
.Ltmp12:
0xd0: {  	_ = 	snop;
	(pc) =	sbr.rel @!p0 .LBB2_20-.Ltmp12, $1  }
0xd1: {  	_ =	sdelay $0x3  }
.LBB2_19:
0xd2: {  	[tilespmem:v12+s16+$0x0] =	vst.idx.msk vm0, v13  }
0xd3: {  	v14 =	vld.idx.msk [tilespmem:v12+s16+$0x0], $0xffff;
	_ =	sdelay $0x4  }
0xd4: {  	vm0 =	vgt.f32 v13, v14  }
0xd5: {  	v14 =	vsel vm0, $0x3F800000, v1  }
0xd6: {  	(xrf0) =	vmax.scan.msk.f32 $0xffff, v14;
	_ =	sdelay $0x5  }
0xd7: {  	v14, _, _ =	vpop (xrf0)  }
0xd8: {  	(v2sf) =	vpush v14, $0xF;
	_ =	sdelay $0xe  }
0xd9: {  	s21 =	spop (v2sf)  }
0xda: {  	p0 =	sgt.f32 s21, $0.0e+00  }
.Ltmp13:
0xdb: {  	_ = 	snop;
	(pc) =	sbr.rel @p0 .LBB2_19-.Ltmp13, $1  }
0xdc: {  	_ =	sdelay $0x3  }
.LBB2_20:
0xdd: {  	_ =	sdelay $0x3  }
0xde: {  	v12 =	vld.idx.msk [tilespmem:v10+s16+$0x0], $0xffff;
	_ =	sdelay $0x4  }
0xdf: {  	vm0 =	vgt.f32 v11, v12  }
0xe0: {  	v12 =	vsel vm0, $0x3F800000, v1  }
0xe1: {  	(xrf0) =	vmax.scan.msk.f32 $0xffff, v12;
	_ =	sdelay $0x5  }
0xe2: {  	v12, _, _ =	vpop (xrf0)  }
0xe3: {  	(v2sf) =	vpush v12, $0xF;
	_ =	sdelay $0xe  }
0xe4: {  	s21 =	spop (v2sf)  }
0xe5: {  	p0 =	sgt.f32 s21, $0.0e+00  }
.Ltmp14:
0xe6: {  	_ = 	snop;
	(pc) =	sbr.rel @!p0 .LBB2_22-.Ltmp14, $1  }
0xe7: {  	_ =	sdelay $0x3  }
.LBB2_21:
0xe8: {  	[tilespmem:v10+s16+$0x0] =	vst.idx.msk vm0, v11  }
0xe9: {  	v12 =	vld.idx.msk [tilespmem:v10+s16+$0x0], $0xffff;
	_ =	sdelay $0x4  }
0xea: {  	vm0 =	vgt.f32 v11, v12  }
0xeb: {  	v12 =	vsel vm0, $0x3F800000, v1  }
0xec: {  	(xrf0) =	vmax.scan.msk.f32 $0xffff, v12;
	_ =	sdelay $0x5  }
0xed: {  	v12, _, _ =	vpop (xrf0)  }
0xee: {  	(v2sf) =	vpush v12, $0xF;
	_ =	sdelay $0xe  }
0xef: {  	s21 =	spop (v2sf)  }
0xf0: {  	p0 =	sgt.f32 s21, $0.0e+00  }
.Ltmp15:
0xf1: {  	_ = 	snop;
	(pc) =	sbr.rel @p0 .LBB2_21-.Ltmp15, $1  }
0xf2: {  	_ =	sdelay $0x3  }
.LBB2_22:
0xf3: {  	_ =	sdelay $0x3  }
0xf4: {  	v10 =	vld.idx.msk [tilespmem:v8+s16+$0x0], $0xffff;
	_ =	sdelay $0x4  }
0xf5: {  	vm0 =	vgt.f32 v9, v10  }
0xf6: {  	v10 =	vsel vm0, $0x3F800000, v1  }
0xf7: {  	(xrf0) =	vmax.scan.msk.f32 $0xffff, v10;
	_ =	sdelay $0x5  }
0xf8: {  	v10, _, _ =	vpop (xrf0)  }
0xf9: {  	(v2sf) =	vpush v10, $0xF;
	_ =	sdelay $0xe  }
0xfa: {  	s21 =	spop (v2sf)  }
0xfb: {  	p0 =	sgt.f32 s21, $0.0e+00  }
.Ltmp16:
0xfc: {  	_ = 	snop;
	(pc) =	sbr.rel @!p0 .LBB2_24-.Ltmp16, $1  }
0xfd: {  	_ =	sdelay $0x3  }
.LBB2_23:
0xfe: {  	[tilespmem:v8+s16+$0x0] =	vst.idx.msk vm0, v9  }
0xff: {  	v10 =	vld.idx.msk [tilespmem:v8+s16+$0x0], $0xffff;
	_ =	sdelay $0x4  }
0x100: {  	vm0 =	vgt.f32 v9, v10  }
0x101: {  	v10 =	vsel vm0, $0x3F800000, v1  }
0x102: {  	(xrf0) =	vmax.scan.msk.f32 $0xffff, v10;
	_ =	sdelay $0x5  }
0x103: {  	v10, _, _ =	vpop (xrf0)  }
0x104: {  	(v2sf) =	vpush v10, $0xF;
	_ =	sdelay $0xe  }
0x105: {  	s21 =	spop (v2sf)  }
0x106: {  	p0 =	sgt.f32 s21, $0.0e+00  }
.Ltmp17:
0x107: {  	_ = 	snop;
	(pc) =	sbr.rel @p0 .LBB2_23-.Ltmp17, $1  }
0x108: {  	_ =	sdelay $0x3  }
.LBB2_24:
0x109: {  	_ =	sdelay $0x3  }
0x10a: {  	v8 =	vld.idx.msk [tilespmem:v6+s16+$0x0], $0xffff;
	_ =	sdelay $0x4  }
0x10b: {  	vm0 =	vgt.f32 v7, v8  }
0x10c: {  	v8 =	vsel vm0, $0x3F800000, v1  }
0x10d: {  	(xrf0) =	vmax.scan.msk.f32 $0xffff, v8;
	_ =	sdelay $0x5  }
0x10e: {  	v8, _, _ =	vpop (xrf0)  }
0x10f: {  	(v2sf) =	vpush v8, $0xF;
	_ =	sdelay $0xe  }
0x110: {  	s21 =	spop (v2sf)  }
0x111: {  	p0 =	sgt.f32 s21, $0.0e+00  }
.Ltmp18:
0x112: {  	_ = 	snop;
	(pc) =	sbr.rel @!p0 .LBB2_26-.Ltmp18, $1  }
0x113: {  	_ =	sdelay $0x3  }
.LBB2_25:
0x114: {  	[tilespmem:v6+s16+$0x0] =	vst.idx.msk vm0, v7  }
0x115: {  	v8 =	vld.idx.msk [tilespmem:v6+s16+$0x0], $0xffff;
	_ =	sdelay $0x4  }
0x116: {  	vm0 =	vgt.f32 v7, v8  }
0x117: {  	v8 =	vsel vm0, $0x3F800000, v1  }
0x118: {  	(xrf0) =	vmax.scan.msk.f32 $0xffff, v8;
	_ =	sdelay $0x5  }
0x119: {  	v8, _, _ =	vpop (xrf0)  }
0x11a: {  	(v2sf) =	vpush v8, $0xF;
	_ =	sdelay $0xe  }
0x11b: {  	s21 =	spop (v2sf)  }
0x11c: {  	p0 =	sgt.f32 s21, $0.0e+00  }
.Ltmp19:
0x11d: {  	_ = 	snop;
	(pc) =	sbr.rel @p0 .LBB2_25-.Ltmp19, $1  }
0x11e: {  	_ =	sdelay $0x3  }
.LBB2_26:
0x11f: {  	_ =	sdelay $0x3  }
0x120: {  	v6 =	vld.idx.msk [tilespmem:v4+s16+$0x0], $0xffff;
	_ =	sdelay $0x4  }
0x121: {  	vm0 =	vgt.f32 v5, v6  }
0x122: {  	v6 =	vsel vm0, $0x3F800000, v1  }
0x123: {  	(xrf0) =	vmax.scan.msk.f32 $0xffff, v6;
	_ =	sdelay $0x5  }
0x124: {  	v6, _, _ =	vpop (xrf0)  }
0x125: {  	(v2sf) =	vpush v6, $0xF;
	_ =	sdelay $0xe  }
0x126: {  	s21 =	spop (v2sf)  }
0x127: {  	p0 =	sgt.f32 s21, $0.0e+00  }
.Ltmp20:
0x128: {  	_ = 	snop;
	(pc) =	sbr.rel @!p0 .LBB2_28-.Ltmp20, $1  }
0x129: {  	_ =	sdelay $0x3  }
.LBB2_27:
0x12a: {  	[tilespmem:v4+s16+$0x0] =	vst.idx.msk vm0, v5  }
0x12b: {  	v6 =	vld.idx.msk [tilespmem:v4+s16+$0x0], $0xffff;
	_ =	sdelay $0x4  }
0x12c: {  	vm0 =	vgt.f32 v5, v6  }
0x12d: {  	v6 =	vsel vm0, $0x3F800000, v1  }
0x12e: {  	(xrf0) =	vmax.scan.msk.f32 $0xffff, v6;
	_ =	sdelay $0x5  }
0x12f: {  	v6, _, _ =	vpop (xrf0)  }
0x130: {  	(v2sf) =	vpush v6, $0xF;
	_ =	sdelay $0xe  }
0x131: {  	s21 =	spop (v2sf)  }
0x132: {  	p0 =	sgt.f32 s21, $0.0e+00  }
.Ltmp21:
0x133: {  	_ = 	snop;
	(pc) =	sbr.rel @p0 .LBB2_27-.Ltmp21, $1  }
0x134: {  	_ =	sdelay $0x3  }
.LBB2_28:
0x135: {  	_ =	sdelay $0x3  }
0x136: {  	v4 =	vld.idx.msk [tilespmem:v2+s16+$0x0], $0xffff;
	_ =	sdelay $0x4  }
0x137: {  	vm0 =	vgt.f32 v3, v4  }
0x138: {  	v4 =	vsel vm0, $0x3F800000, v1  }
0x139: {  	(xrf0) =	vmax.scan.msk.f32 $0xffff, v4;
	_ =	sdelay $0x5  }
0x13a: {  	v4, _, _ =	vpop (xrf0)  }
0x13b: {  	(v2sf) =	vpush v4, $0xF;
	_ =	sdelay $0xe  }
0x13c: {  	s21 =	spop (v2sf)  }
0x13d: {  	p0 =	sgt.f32 s21, $0.0e+00  }
.Ltmp22:
0x13e: {  	_ = 	snop;
	(pc) =	sbr.rel @!p0 .LBB2_30-.Ltmp22, $1  }
0x13f: {  	_ =	sdelay $0x3  }
.LBB2_29:
0x140: {  	[tilespmem:v2+s16+$0x0] =	vst.idx.msk vm0, v3  }
0x141: {  	v4 =	vld.idx.msk [tilespmem:v2+s16+$0x0], $0xffff;
	_ =	sdelay $0x4  }
0x142: {  	vm0 =	vgt.f32 v3, v4  }
0x143: {  	v4 =	vsel vm0, $0x3F800000, v1  }
0x144: {  	(xrf0) =	vmax.scan.msk.f32 $0xffff, v4;
	_ =	sdelay $0x5  }
0x145: {  	v4, _, _ =	vpop (xrf0)  }
0x146: {  	(v2sf) =	vpush v4, $0xF;
	_ =	sdelay $0xe  }
0x147: {  	s21 =	spop (v2sf)  }
0x148: {  	p0 =	sgt.f32 s21, $0.0e+00  }
.Ltmp23:
0x149: {  	_ = 	snop;
	(pc) =	sbr.rel @p0 .LBB2_29-.Ltmp23, $1  }
0x14a: {  	_ =	sdelay $0x3  }
.Ltmp24:
0x14b: {  	_ = 	snop;
	(pc) =	sbr.rel .LBB2_30-.Ltmp24, $1  }
0x14c: {  	_ =	sdelay $0x3  }
.LBB2_31:
0x14d: {  	s20 =	sshll.u32 s19, $0x1  }
0x14e: {  	s21 =	smin.u32 s20, $0x2F  }
0x14f: {  	s21 =	smul.u32 $0x1900, s21;
	_ =	sdelay $0x1  }
0x150: {  	s21 =	sshrl.u32 s21, $0x3  }
0x151: {  	s21 =	sadd.s32 $0x640, s21  }
0x152: {  	s23 =	simm.s32 $0x7800;
	s22 =	sadd.s32 s3, s21  }
0x153: {  	s24 =	simm.s32 $0x10;
	s25 =	simm.s32 $0x7900;
	s26 =	sadd.s32 $0x0, s22  }
.LBB2_32:
0x154: {  	[tilespmem:s23], [sflag:$0x1] =	stream.linear.gather [hbm4b:s26+s2], $0x80, $0x38;
	[tilespmem:$0xDC00] =	vst v63  }
0x155: {  	s26 =	smov.u32 s24;
	s23 =	smov.u32 s25;
	p0 =	sne.s32 s24, $0x310  }
.Ltmp25:
0x156: {  	s24 =	sadd.s32 $0x10, s24;
	(pc) =	sbr.rel @p0 .LBB2_32-.Ltmp25, $2  }
0x157: {  	_ =	sdelay $0x2  }
0x158: {  	s25 =	sadd.s32 $0x100, s25;
	s26 =	sadd.s32 s26, s22  }
0x159: {  	[tilespmem:s23], [sflag:$0x1] =	stream.linear.gather [hbm4b:s26+s2], $0x80, $0x38;
	[tilespmem:$0xDC00] =	vst v63  }
0x15a: {  	s21 =	sadd.s32 s4, s21;
	s22 =	simm.s32 $0xAA00  }
0x15b: {  	s23 =	simm.s32 $0x10;
	s24 =	simm.s32 $0xAB00;
	s25 =	sadd.s32 $0x0, s21  }
.LBB2_34:
0x15c: {  	[tilespmem:s22], [sflag:$0x1] =	stream.linear.gather [hbm4b:s25+s2], $0x80, $0x38;
	[tilespmem:$0xDC00] =	vst v63  }
0x15d: {  	s25 =	smov.u32 s23;
	s22 =	smov.u32 s24;
	p0 =	sne.s32 s23, $0x310  }
.Ltmp26:
0x15e: {  	s23 =	sadd.s32 $0x10, s23;
	(pc) =	sbr.rel @p0 .LBB2_34-.Ltmp26, $2  }
0x15f: {  	_ =	sdelay $0x2  }
0x160: {  	s24 =	sadd.s32 $0x100, s24;
	s25 =	sadd.s32 s25, s21  }
0x161: {  	[tilespmem:s22], [sflag:$0x1] =	stream.linear.gather [hbm4b:s25+s2], $0x80, $0x38;
	[tilespmem:$0xDC00] =	vst v63  }
0x162: {  	_ =	swait.ge [sflag:s17], $0x1900  }
.Ltmp27:
0x163: {  	[sflag:s17] =	ssyncset.done $0x0;
	(pc) =	sbr.rel .LBB2_36-.Ltmp27, $4  }
0x164: {  	[sflag:s17] =	ssyncadd.s32 $0xFFFFE700  }
0x165: {  	_ =	swait.ge [sflag:s17], $0x1900  }
0x166: {  	[sflag:s17] =	ssyncset.done $0x0  }
0x167: {  	s21 =	simm.s32 $0x0;
	[sflag:s17] =	ssyncadd.s32 $0xFFFFE700  }
.LBB2_53:
0x168: {  	s21 =	sadd.s32 $0x1, s21  }
0x169: {  	p0 =	sne.s32 s21, $0x32  }
.Ltmp28:
0x16a: {  	_ = 	snop;
	(pc) =	sbr.rel @!p0 .LBB2_54-.Ltmp28, $1  }
0x16b: {  	_ =	sdelay $0x3  }
.LBB2_36:
0x16c: {  	s22 =	sshll.u32 s21, $0x8  }
0x16d: {  	v16 =	vld [tilespmem:s22+$0x7880]  }
0x16e: {  	v2 =	vld [tilespmem:s22+$0xAA80];
	_ =	sdelay $0x6  }
0x16f: {  	v3 =	vld.idx.msk [tilespmem:v16+s2+$0x0], $0xffff  }
0x170: {  	v2 =	vld.idx.msk [tilespmem:v2+s14+$0x0], $0xffff;
	_ =	sdelay $0x1  }
0x171: {  	v4 =	vld.idx.msk [tilespmem:v16+s16+$0x0], $0xffff;
	_ =	sdelay $0x2  }
0x172: {  	v17 =	vadd.f32 v2, v3;
	_ =	sdelay $0x1  }
0x173: {  	vm0 =	vgt.f32 v17, v4;
	_ =	sdelay $0x5  }
0x174: {  	[tilespmem:v16+s16+$0x0] =	vst.idx.msk vm0, v17  }
0x175: {  	v14 =	vld [tilespmem:s22+$0x7890]  }
0x176: {  	v2 =	vld [tilespmem:s22+$0xAA90];
	_ =	sdelay $0x6  }
0x177: {  	v3 =	vld.idx.msk [tilespmem:v14+s2+$0x0], $0xffff  }
0x178: {  	v2 =	vld.idx.msk [tilespmem:v2+s14+$0x0], $0xffff;
	_ =	sdelay $0x1  }
0x179: {  	v4 =	vld.idx.msk [tilespmem:v14+s16+$0x0], $0xffff;
	_ =	sdelay $0x2  }
0x17a: {  	v15 =	vadd.f32 v2, v3;
	_ =	sdelay $0x1  }
0x17b: {  	vm0 =	vgt.f32 v15, v4;
	_ =	sdelay $0x5  }
0x17c: {  	[tilespmem:v14+s16+$0x0] =	vst.idx.msk vm0, v15  }
0x17d: {  	v12 =	vld [tilespmem:s22+$0x78A0]  }
0x17e: {  	v2 =	vld [tilespmem:s22+$0xAAA0];
	_ =	sdelay $0x6  }
0x17f: {  	v3 =	vld.idx.msk [tilespmem:v12+s2+$0x0], $0xffff  }
0x180: {  	v2 =	vld.idx.msk [tilespmem:v2+s14+$0x0], $0xffff;
	_ =	sdelay $0x1  }
0x181: {  	v4 =	vld.idx.msk [tilespmem:v12+s16+$0x0], $0xffff;
	_ =	sdelay $0x2  }
0x182: {  	v13 =	vadd.f32 v2, v3;
	_ =	sdelay $0x1  }
0x183: {  	vm0 =	vgt.f32 v13, v4;
	_ =	sdelay $0x5  }
0x184: {  	[tilespmem:v12+s16+$0x0] =	vst.idx.msk vm0, v13  }
0x185: {  	v10 =	vld [tilespmem:s22+$0x78B0]  }
0x186: {  	v2 =	vld [tilespmem:s22+$0xAAB0];
	_ =	sdelay $0x6  }
0x187: {  	v3 =	vld.idx.msk [tilespmem:v10+s2+$0x0], $0xffff  }
0x188: {  	v2 =	vld.idx.msk [tilespmem:v2+s14+$0x0], $0xffff;
	_ =	sdelay $0x1  }
0x189: {  	v4 =	vld.idx.msk [tilespmem:v10+s16+$0x0], $0xffff;
	_ =	sdelay $0x2  }
0x18a: {  	v11 =	vadd.f32 v2, v3;
	_ =	sdelay $0x1  }
0x18b: {  	vm0 =	vgt.f32 v11, v4;
	_ =	sdelay $0x5  }
0x18c: {  	[tilespmem:v10+s16+$0x0] =	vst.idx.msk vm0, v11  }
0x18d: {  	v8 =	vld [tilespmem:s22+$0x78C0]  }
0x18e: {  	v2 =	vld [tilespmem:s22+$0xAAC0];
	_ =	sdelay $0x6  }
0x18f: {  	v3 =	vld.idx.msk [tilespmem:v8+s2+$0x0], $0xffff  }
0x190: {  	v2 =	vld.idx.msk [tilespmem:v2+s14+$0x0], $0xffff;
	_ =	sdelay $0x1  }
0x191: {  	v4 =	vld.idx.msk [tilespmem:v8+s16+$0x0], $0xffff;
	_ =	sdelay $0x2  }
0x192: {  	v9 =	vadd.f32 v2, v3;
	_ =	sdelay $0x1  }
0x193: {  	vm0 =	vgt.f32 v9, v4;
	_ =	sdelay $0x5  }
0x194: {  	[tilespmem:v8+s16+$0x0] =	vst.idx.msk vm0, v9  }
0x195: {  	v6 =	vld [tilespmem:s22+$0x78D0]  }
0x196: {  	v2 =	vld [tilespmem:s22+$0xAAD0];
	_ =	sdelay $0x6  }
0x197: {  	v3 =	vld.idx.msk [tilespmem:v6+s2+$0x0], $0xffff  }
0x198: {  	v2 =	vld.idx.msk [tilespmem:v2+s14+$0x0], $0xffff;
	_ =	sdelay $0x1  }
0x199: {  	v4 =	vld.idx.msk [tilespmem:v6+s16+$0x0], $0xffff;
	_ =	sdelay $0x2  }
0x19a: {  	v7 =	vadd.f32 v2, v3;
	_ =	sdelay $0x1  }
0x19b: {  	vm0 =	vgt.f32 v7, v4;
	_ =	sdelay $0x5  }
0x19c: {  	[tilespmem:v6+s16+$0x0] =	vst.idx.msk vm0, v7  }
0x19d: {  	v4 =	vld [tilespmem:s22+$0x78E0]  }
0x19e: {  	v2 =	vld [tilespmem:s22+$0xAAE0];
	_ =	sdelay $0x6  }
0x19f: {  	v3 =	vld.idx.msk [tilespmem:v4+s2+$0x0], $0xffff  }
0x1a0: {  	v2 =	vld.idx.msk [tilespmem:v2+s14+$0x0], $0xffff;
	_ =	sdelay $0x1  }
0x1a1: {  	v18 =	vld.idx.msk [tilespmem:v4+s16+$0x0], $0xffff;
	_ =	sdelay $0x2  }
0x1a2: {  	v5 =	vadd.f32 v2, v3;
	_ =	sdelay $0x1  }
0x1a3: {  	vm0 =	vgt.f32 v5, v18;
	_ =	sdelay $0x5  }
0x1a4: {  	[tilespmem:v4+s16+$0x0] =	vst.idx.msk vm0, v5  }
0x1a5: {  	v2 =	vld [tilespmem:s22+$0x78F0]  }
0x1a6: {  	v3 =	vld [tilespmem:s22+$0xAAF0];
	_ =	sdelay $0x6  }
0x1a7: {  	v18 =	vld.idx.msk [tilespmem:v2+s2+$0x0], $0xffff  }
0x1a8: {  	v3 =	vld.idx.msk [tilespmem:v3+s14+$0x0], $0xffff;
	_ =	sdelay $0x1  }
0x1a9: {  	v19 =	vld.idx.msk [tilespmem:v2+s16+$0x0], $0xffff;
	_ =	sdelay $0x2  }
0x1aa: {  	v3 =	vadd.f32 v3, v18;
	_ =	sdelay $0x1  }
0x1ab: {  	vm0 =	vgt.f32 v3, v19;
	_ =	sdelay $0x5  }
0x1ac: {  	[tilespmem:v2+s16+$0x0] =	vst.idx.msk vm0, v3  }
0x1ad: {  	v18 =	vld.idx.msk [tilespmem:v14+s16+$0x0], $0xffff  }
0x1ae: {  	v19 =	vld.idx.msk [tilespmem:v12+s16+$0x0], $0xffff  }
0x1af: {  	v20 =	vld.idx.msk [tilespmem:v10+s16+$0x0], $0xffff  }
0x1b0: {  	v21 =	vld.idx.msk [tilespmem:v8+s16+$0x0], $0xffff  }
0x1b1: {  	v22 =	vld.idx.msk [tilespmem:v6+s16+$0x0], $0xffff  }
0x1b2: {  	v23 =	vld.idx.msk [tilespmem:v4+s16+$0x0], $0xffff  }
0x1b3: {  	vm0 =	vgt.f32 v15, v18;
	vm1 =	vgt.f32 v13, v19;
	v19 =	vld.idx.msk [tilespmem:v2+s16+$0x0], $0xffff  }
0x1b4: {  	v18 =	vld.idx.msk [tilespmem:v16+s16+$0x0], $0xffff;
	vm0 =	vmor vm0, vm1;
	vm1 =	vgt.f32 v11, v20  }
0x1b5: {  	vm2 =	vgt.f32 v9, v21;
	vm0 =	vmor vm0, vm1  }
0x1b6: {  	vm1 =	vgt.f32 v7, v22;
	vm0 =	vmor vm0, vm2  }
0x1b7: {  	vm2 =	vgt.f32 v5, v23;
	vm0 =	vmor vm0, vm1  }
0x1b8: {  	vm1 =	vmor vm0, vm2;
	vm2 =	vgt.f32 v3, v19  }
0x1b9: {  	vm0 =	vgt.f32 v17, v18;
	vm1 =	vmor vm1, vm2  }
0x1ba: {  	vm1 =	vmor vm0, vm1  }
0x1bb: {  	v19 =	vsel vm1, $0x3F800000, v1  }
0x1bc: {  	(xrf0) =	vmax.scan.msk.f32 $0xffff, v19;
	_ =	sdelay $0x5  }
0x1bd: {  	v19, _, _ =	vpop (xrf0)  }
0x1be: {  	(v2sf) =	vpush v19, $0xF;
	_ =	sdelay $0xe  }
0x1bf: {  	s31 =	spop (v2sf)  }
0x1c0: {  	p0 =	sgt.f32 s31, $0.0e+00  }
.Ltmp29:
0x1c1: {  	_ = 	snop;
	(pc) =	sbr.rel @!p0 .LBB2_53-.Ltmp29, $1  }
0x1c2: {  	_ =	sdelay $0x3  }
0x1c3: {  	vm1 =	vgt.f32 v17, v18  }
0x1c4: {  	v18 =	vsel vm1, $0x3F800000, v1  }
0x1c5: {  	(xrf0) =	vmax.scan.msk.f32 $0xffff, v18;
	_ =	sdelay $0x5  }
0x1c6: {  	v18, _, _ =	vpop (xrf0)  }
0x1c7: {  	(v2sf) =	vpush v18, $0xF;
	_ =	sdelay $0xe  }
0x1c8: {  	s22 =	spop (v2sf)  }
0x1c9: {  	p0 =	sgt.f32 s22, $0.0e+00  }
.Ltmp30:
0x1ca: {  	_ = 	snop;
	(pc) =	sbr.rel @!p0 .LBB2_39-.Ltmp30, $1  }
0x1cb: {  	_ =	sdelay $0x3  }
.LBB2_38:
0x1cc: {  	[tilespmem:v16+s16+$0x0] =	vst.idx.msk vm0, v17  }
0x1cd: {  	v18 =	vld.idx.msk [tilespmem:v16+s16+$0x0], $0xffff;
	_ =	sdelay $0x4  }
0x1ce: {  	vm0 =	vgt.f32 v17, v18  }
0x1cf: {  	v18 =	vsel vm0, $0x3F800000, v1  }
0x1d0: {  	(xrf0) =	vmax.scan.msk.f32 $0xffff, v18;
	_ =	sdelay $0x5  }
0x1d1: {  	v18, _, _ =	vpop (xrf0)  }
0x1d2: {  	(v2sf) =	vpush v18, $0xF;
	_ =	sdelay $0xe  }
0x1d3: {  	s22 =	spop (v2sf)  }
0x1d4: {  	p0 =	sgt.f32 s22, $0.0e+00  }
.Ltmp31:
0x1d5: {  	_ = 	snop;
	(pc) =	sbr.rel @p0 .LBB2_38-.Ltmp31, $1  }
0x1d6: {  	_ =	sdelay $0x3  }
.LBB2_39:
0x1d7: {  	_ =	sdelay $0x3  }
0x1d8: {  	v16 =	vld.idx.msk [tilespmem:v14+s16+$0x0], $0xffff;
	_ =	sdelay $0x4  }
0x1d9: {  	vm0 =	vgt.f32 v15, v16  }
0x1da: {  	v16 =	vsel vm0, $0x3F800000, v1  }
0x1db: {  	(xrf0) =	vmax.scan.msk.f32 $0xffff, v16;
	_ =	sdelay $0x5  }
0x1dc: {  	v16, _, _ =	vpop (xrf0)  }
0x1dd: {  	(v2sf) =	vpush v16, $0xF;
	_ =	sdelay $0xe  }
0x1de: {  	s22 =	spop (v2sf)  }
0x1df: {  	p0 =	sgt.f32 s22, $0.0e+00  }
.Ltmp32:
0x1e0: {  	_ = 	snop;
	(pc) =	sbr.rel @!p0 .LBB2_41-.Ltmp32, $1  }
0x1e1: {  	_ =	sdelay $0x3  }
.LBB2_40:
0x1e2: {  	[tilespmem:v14+s16+$0x0] =	vst.idx.msk vm0, v15  }
0x1e3: {  	v16 =	vld.idx.msk [tilespmem:v14+s16+$0x0], $0xffff;
	_ =	sdelay $0x4  }
0x1e4: {  	vm0 =	vgt.f32 v15, v16  }
0x1e5: {  	v16 =	vsel vm0, $0x3F800000, v1  }
0x1e6: {  	(xrf0) =	vmax.scan.msk.f32 $0xffff, v16;
	_ =	sdelay $0x5  }
0x1e7: {  	v16, _, _ =	vpop (xrf0)  }
0x1e8: {  	(v2sf) =	vpush v16, $0xF;
	_ =	sdelay $0xe  }
0x1e9: {  	s22 =	spop (v2sf)  }
0x1ea: {  	p0 =	sgt.f32 s22, $0.0e+00  }
.Ltmp33:
0x1eb: {  	_ = 	snop;
	(pc) =	sbr.rel @p0 .LBB2_40-.Ltmp33, $1  }
0x1ec: {  	_ =	sdelay $0x3  }
.LBB2_41:
0x1ed: {  	_ =	sdelay $0x3  }
0x1ee: {  	v14 =	vld.idx.msk [tilespmem:v12+s16+$0x0], $0xffff;
	_ =	sdelay $0x4  }
0x1ef: {  	vm0 =	vgt.f32 v13, v14  }
0x1f0: {  	v14 =	vsel vm0, $0x3F800000, v1  }
0x1f1: {  	(xrf0) =	vmax.scan.msk.f32 $0xffff, v14;
	_ =	sdelay $0x5  }
0x1f2: {  	v14, _, _ =	vpop (xrf0)  }
0x1f3: {  	(v2sf) =	vpush v14, $0xF;
	_ =	sdelay $0xe  }
0x1f4: {  	s22 =	spop (v2sf)  }
0x1f5: {  	p0 =	sgt.f32 s22, $0.0e+00  }
.Ltmp34:
0x1f6: {  	_ = 	snop;
	(pc) =	sbr.rel @!p0 .LBB2_43-.Ltmp34, $1  }
0x1f7: {  	_ =	sdelay $0x3  }
.LBB2_42:
0x1f8: {  	[tilespmem:v12+s16+$0x0] =	vst.idx.msk vm0, v13  }
0x1f9: {  	v14 =	vld.idx.msk [tilespmem:v12+s16+$0x0], $0xffff;
	_ =	sdelay $0x4  }
0x1fa: {  	vm0 =	vgt.f32 v13, v14  }
0x1fb: {  	v14 =	vsel vm0, $0x3F800000, v1  }
0x1fc: {  	(xrf0) =	vmax.scan.msk.f32 $0xffff, v14;
	_ =	sdelay $0x5  }
0x1fd: {  	v14, _, _ =	vpop (xrf0)  }
0x1fe: {  	(v2sf) =	vpush v14, $0xF;
	_ =	sdelay $0xe  }
0x1ff: {  	s22 =	spop (v2sf)  }
0x200: {  	p0 =	sgt.f32 s22, $0.0e+00  }
.Ltmp35:
0x201: {  	_ = 	snop;
	(pc) =	sbr.rel @p0 .LBB2_42-.Ltmp35, $1  }
0x202: {  	_ =	sdelay $0x3  }
.LBB2_43:
0x203: {  	_ =	sdelay $0x3  }
0x204: {  	v12 =	vld.idx.msk [tilespmem:v10+s16+$0x0], $0xffff;
	_ =	sdelay $0x4  }
0x205: {  	vm0 =	vgt.f32 v11, v12  }
0x206: {  	v12 =	vsel vm0, $0x3F800000, v1  }
0x207: {  	(xrf0) =	vmax.scan.msk.f32 $0xffff, v12;
	_ =	sdelay $0x5  }
0x208: {  	v12, _, _ =	vpop (xrf0)  }
0x209: {  	(v2sf) =	vpush v12, $0xF;
	_ =	sdelay $0xe  }
0x20a: {  	s22 =	spop (v2sf)  }
0x20b: {  	p0 =	sgt.f32 s22, $0.0e+00  }
.Ltmp36:
0x20c: {  	_ = 	snop;
	(pc) =	sbr.rel @!p0 .LBB2_45-.Ltmp36, $1  }
0x20d: {  	_ =	sdelay $0x3  }
.LBB2_44:
0x20e: {  	[tilespmem:v10+s16+$0x0] =	vst.idx.msk vm0, v11  }
0x20f: {  	v12 =	vld.idx.msk [tilespmem:v10+s16+$0x0], $0xffff;
	_ =	sdelay $0x4  }
0x210: {  	vm0 =	vgt.f32 v11, v12  }
0x211: {  	v12 =	vsel vm0, $0x3F800000, v1  }
0x212: {  	(xrf0) =	vmax.scan.msk.f32 $0xffff, v12;
	_ =	sdelay $0x5  }
0x213: {  	v12, _, _ =	vpop (xrf0)  }
0x214: {  	(v2sf) =	vpush v12, $0xF;
	_ =	sdelay $0xe  }
0x215: {  	s22 =	spop (v2sf)  }
0x216: {  	p0 =	sgt.f32 s22, $0.0e+00  }
.Ltmp37:
0x217: {  	_ = 	snop;
	(pc) =	sbr.rel @p0 .LBB2_44-.Ltmp37, $1  }
0x218: {  	_ =	sdelay $0x3  }
.LBB2_45:
0x219: {  	_ =	sdelay $0x3  }
0x21a: {  	v10 =	vld.idx.msk [tilespmem:v8+s16+$0x0], $0xffff;
	_ =	sdelay $0x4  }
0x21b: {  	vm0 =	vgt.f32 v9, v10  }
0x21c: {  	v10 =	vsel vm0, $0x3F800000, v1  }
0x21d: {  	(xrf0) =	vmax.scan.msk.f32 $0xffff, v10;
	_ =	sdelay $0x5  }
0x21e: {  	v10, _, _ =	vpop (xrf0)  }
0x21f: {  	(v2sf) =	vpush v10, $0xF;
	_ =	sdelay $0xe  }
0x220: {  	s22 =	spop (v2sf)  }
0x221: {  	p0 =	sgt.f32 s22, $0.0e+00  }
.Ltmp38:
0x222: {  	_ = 	snop;
	(pc) =	sbr.rel @!p0 .LBB2_47-.Ltmp38, $1  }
0x223: {  	_ =	sdelay $0x3  }
.LBB2_46:
0x224: {  	[tilespmem:v8+s16+$0x0] =	vst.idx.msk vm0, v9  }
0x225: {  	v10 =	vld.idx.msk [tilespmem:v8+s16+$0x0], $0xffff;
	_ =	sdelay $0x4  }
0x226: {  	vm0 =	vgt.f32 v9, v10  }
0x227: {  	v10 =	vsel vm0, $0x3F800000, v1  }
0x228: {  	(xrf0) =	vmax.scan.msk.f32 $0xffff, v10;
	_ =	sdelay $0x5  }
0x229: {  	v10, _, _ =	vpop (xrf0)  }
0x22a: {  	(v2sf) =	vpush v10, $0xF;
	_ =	sdelay $0xe  }
0x22b: {  	s22 =	spop (v2sf)  }
0x22c: {  	p0 =	sgt.f32 s22, $0.0e+00  }
.Ltmp39:
0x22d: {  	_ = 	snop;
	(pc) =	sbr.rel @p0 .LBB2_46-.Ltmp39, $1  }
0x22e: {  	_ =	sdelay $0x3  }
.LBB2_47:
0x22f: {  	_ =	sdelay $0x3  }
0x230: {  	v8 =	vld.idx.msk [tilespmem:v6+s16+$0x0], $0xffff;
	_ =	sdelay $0x4  }
0x231: {  	vm0 =	vgt.f32 v7, v8  }
0x232: {  	v8 =	vsel vm0, $0x3F800000, v1  }
0x233: {  	(xrf0) =	vmax.scan.msk.f32 $0xffff, v8;
	_ =	sdelay $0x5  }
0x234: {  	v8, _, _ =	vpop (xrf0)  }
0x235: {  	(v2sf) =	vpush v8, $0xF;
	_ =	sdelay $0xe  }
0x236: {  	s22 =	spop (v2sf)  }
0x237: {  	p0 =	sgt.f32 s22, $0.0e+00  }
.Ltmp40:
0x238: {  	_ = 	snop;
	(pc) =	sbr.rel @!p0 .LBB2_49-.Ltmp40, $1  }
0x239: {  	_ =	sdelay $0x3  }
.LBB2_48:
0x23a: {  	[tilespmem:v6+s16+$0x0] =	vst.idx.msk vm0, v7  }
0x23b: {  	v8 =	vld.idx.msk [tilespmem:v6+s16+$0x0], $0xffff;
	_ =	sdelay $0x4  }
0x23c: {  	vm0 =	vgt.f32 v7, v8  }
0x23d: {  	v8 =	vsel vm0, $0x3F800000, v1  }
0x23e: {  	(xrf0) =	vmax.scan.msk.f32 $0xffff, v8;
	_ =	sdelay $0x5  }
0x23f: {  	v8, _, _ =	vpop (xrf0)  }
0x240: {  	(v2sf) =	vpush v8, $0xF;
	_ =	sdelay $0xe  }
0x241: {  	s22 =	spop (v2sf)  }
0x242: {  	p0 =	sgt.f32 s22, $0.0e+00  }
.Ltmp41:
0x243: {  	_ = 	snop;
	(pc) =	sbr.rel @p0 .LBB2_48-.Ltmp41, $1  }
0x244: {  	_ =	sdelay $0x3  }
.LBB2_49:
0x245: {  	_ =	sdelay $0x3  }
0x246: {  	v6 =	vld.idx.msk [tilespmem:v4+s16+$0x0], $0xffff;
	_ =	sdelay $0x4  }
0x247: {  	vm0 =	vgt.f32 v5, v6  }
0x248: {  	v6 =	vsel vm0, $0x3F800000, v1  }
0x249: {  	(xrf0) =	vmax.scan.msk.f32 $0xffff, v6;
	_ =	sdelay $0x5  }
0x24a: {  	v6, _, _ =	vpop (xrf0)  }
0x24b: {  	(v2sf) =	vpush v6, $0xF;
	_ =	sdelay $0xe  }
0x24c: {  	s22 =	spop (v2sf)  }
0x24d: {  	p0 =	sgt.f32 s22, $0.0e+00  }
.Ltmp42:
0x24e: {  	_ = 	snop;
	(pc) =	sbr.rel @!p0 .LBB2_51-.Ltmp42, $1  }
0x24f: {  	_ =	sdelay $0x3  }
.LBB2_50:
0x250: {  	[tilespmem:v4+s16+$0x0] =	vst.idx.msk vm0, v5  }
0x251: {  	v6 =	vld.idx.msk [tilespmem:v4+s16+$0x0], $0xffff;
	_ =	sdelay $0x4  }
0x252: {  	vm0 =	vgt.f32 v5, v6  }
0x253: {  	v6 =	vsel vm0, $0x3F800000, v1  }
0x254: {  	(xrf0) =	vmax.scan.msk.f32 $0xffff, v6;
	_ =	sdelay $0x5  }
0x255: {  	v6, _, _ =	vpop (xrf0)  }
0x256: {  	(v2sf) =	vpush v6, $0xF;
	_ =	sdelay $0xe  }
0x257: {  	s22 =	spop (v2sf)  }
0x258: {  	p0 =	sgt.f32 s22, $0.0e+00  }
.Ltmp43:
0x259: {  	_ = 	snop;
	(pc) =	sbr.rel @p0 .LBB2_50-.Ltmp43, $1  }
0x25a: {  	_ =	sdelay $0x3  }
.LBB2_51:
0x25b: {  	_ =	sdelay $0x3  }
0x25c: {  	v4 =	vld.idx.msk [tilespmem:v2+s16+$0x0], $0xffff;
	_ =	sdelay $0x4  }
0x25d: {  	vm0 =	vgt.f32 v3, v4  }
0x25e: {  	v4 =	vsel vm0, $0x3F800000, v1  }
0x25f: {  	(xrf0) =	vmax.scan.msk.f32 $0xffff, v4;
	_ =	sdelay $0x5  }
0x260: {  	v4, _, _ =	vpop (xrf0)  }
0x261: {  	(v2sf) =	vpush v4, $0xF;
	_ =	sdelay $0xe  }
0x262: {  	s22 =	spop (v2sf)  }
0x263: {  	p0 =	sgt.f32 s22, $0.0e+00  }
.Ltmp44:
0x264: {  	_ = 	snop;
	(pc) =	sbr.rel @!p0 .LBB2_53-.Ltmp44, $1  }
0x265: {  	_ =	sdelay $0x3  }
.LBB2_52:
0x266: {  	[tilespmem:v2+s16+$0x0] =	vst.idx.msk vm0, v3  }
0x267: {  	v4 =	vld.idx.msk [tilespmem:v2+s16+$0x0], $0xffff;
	_ =	sdelay $0x4  }
0x268: {  	vm0 =	vgt.f32 v3, v4  }
0x269: {  	v4 =	vsel vm0, $0x3F800000, v1  }
0x26a: {  	(xrf0) =	vmax.scan.msk.f32 $0xffff, v4;
	_ =	sdelay $0x5  }
0x26b: {  	v4, _, _ =	vpop (xrf0)  }
0x26c: {  	(v2sf) =	vpush v4, $0xF;
	_ =	sdelay $0xe  }
0x26d: {  	s22 =	spop (v2sf)  }
0x26e: {  	p0 =	sgt.f32 s22, $0.0e+00  }
.Ltmp45:
0x26f: {  	_ = 	snop;
	(pc) =	sbr.rel @p0 .LBB2_52-.Ltmp45, $1  }
0x270: {  	_ =	sdelay $0x3  }
.Ltmp46:
0x271: {  	_ = 	snop;
	(pc) =	sbr.rel .LBB2_53-.Ltmp46, $1  }
0x272: {  	_ =	sdelay $0x3  }
.LBB2_54:
0x273: {  	s20 =	smin.u32 s20, $0x2E  }
0x274: {  	s20 =	smul.u32 $0x1900, s20;
	_ =	sdelay $0x1  }
0x275: {  	s20 =	sshrl.u32 s20, $0x3  }
0x276: {  	s20 =	sadd.s32 $0x960, s20  }
0x277: {  	s22 =	simm.s32 $0x7880;
	s21 =	sadd.s32 s3, s20  }
0x278: {  	s23 =	simm.s32 $0x10;
	s24 =	simm.s32 $0x7980;
	s25 =	sadd.s32 $0x0, s21  }
.LBB2_55:
0x279: {  	[tilespmem:s22], [sflag:$0x2] =	stream.linear.gather [hbm4b:s25+s2], $0x80, $0x38;
	[tilespmem:$0xDC00] =	vst v63  }
0x27a: {  	s25 =	smov.u32 s23;
	s22 =	smov.u32 s24;
	p0 =	sne.s32 s23, $0x310  }
.Ltmp47:
0x27b: {  	s23 =	sadd.s32 $0x10, s23;
	(pc) =	sbr.rel @p0 .LBB2_55-.Ltmp47, $2  }
0x27c: {  	_ =	sdelay $0x2  }
0x27d: {  	s24 =	sadd.s32 $0x100, s24;
	s25 =	sadd.s32 s25, s21  }
0x27e: {  	[tilespmem:s22], [sflag:$0x2] =	stream.linear.gather [hbm4b:s25+s2], $0x80, $0x38;
	[tilespmem:$0xDC00] =	vst v63  }
0x27f: {  	s20 =	sadd.s32 s4, s20;
	s21 =	simm.s32 $0xAA80  }
0x280: {  	s22 =	simm.s32 $0x10;
	s23 =	simm.s32 $0xAB80;
	s24 =	sadd.s32 $0x0, s20  }
.LBB2_57:
0x281: {  	[tilespmem:s21], [sflag:$0x2] =	stream.linear.gather [hbm4b:s24+s2], $0x80, $0x38;
	[tilespmem:$0xDC00] =	vst v63  }
0x282: {  	s24 =	smov.u32 s22;
	s21 =	smov.u32 s23;
	p0 =	sne.s32 s22, $0x310  }
.Ltmp48:
0x283: {  	s22 =	sadd.s32 $0x10, s22;
	(pc) =	sbr.rel @p0 .LBB2_57-.Ltmp48, $2  }
0x284: {  	_ =	sdelay $0x2  }
0x285: {  	s23 =	sadd.s32 $0x100, s23;
	s24 =	sadd.s32 s24, s20  }
0x286: {  	s19 =	sadd.s32 $0x1, s19  }
0x287: {  	p0 =	sne.s32 s19, $0x19  }
.Ltmp49:
0x288: {  	_ = 	snop;
	(pc) =	sbr.rel @p0 .LBB2_12-.Ltmp49, $2  }
0x289: {  	_ =	sdelay $0x2  }
0x28a: {  	[tilespmem:s21], [sflag:$0x2] =	stream.linear.gather [hbm4b:s24+s2], $0x80, $0x38;
	[tilespmem:$0xDC00] =	vst v63  }
0x28b: {  	_ =	swait.ge [sflag:s15], $0x1900  }
0x28c: {  	[sflag:s15] =	ssyncset.done $0x0  }
0x28d: {  	[sflag:s15] =	ssyncadd.s32 $0xFFFFE700  }
0x28e: {  	_ =	swait.ge [sflag:s15], $0x1900  }
0x28f: {  	[sflag:s15] =	ssyncset.done $0x0  }
0x290: {  	[sflag:s15] =	ssyncadd.s32 $0xFFFFE700  }
0x291: {  	_ =	swait.ge [sflag:s17], $0x1900  }
0x292: {  	[sflag:s17] =	ssyncset.done $0x0  }
0x293: {  	[sflag:s17] =	ssyncadd.s32 $0xFFFFE700  }
0x294: {  	_ =	swait.ge [sflag:s17], $0x1900  }
0x295: {  	[sflag:s17] =	ssyncset.done $0x0  }
0x296: {  	s19 =	simm.s32 $0x0;
	s20 =	simm.s32 $0x40;
	[sflag:s17] =	ssyncadd.s32 $0xFFFFE700  }
.LBB2_60:
0x297: {  	p0 =	sne.s32 s20, $0x9FC0;
	v2 =	vld [tilespmem:s19+$0x5000];
	_ =	sdelay $0x2  }
.Ltmp50:
0x298: {  	(pc) =	sbr.rel @p0 .LBB2_60-.Ltmp50, $4  }
0x299: {  	_ = 	snop  }
0x29a: {  	vm0 =	veq.f32 v2, $-Inf  }
0x29b: {  	v2 =	vsel vm0, $0x0, v2  }
0x29c: {  	[tilespmem:s19+$0x5000] =	vst v2;
	s19 =	sshra.s32 s20, $0x2;
	s20 =	sadd.s32 $0x40, s20  }
0x29d: {  	v2 =	vld [tilespmem:s19+$0x5000];
	_ =	sdelay $0x4  }
0x29e: {  	s18 =	sadd.s32 $0x1, s18;
	vm0 =	veq.f32 v2, $-Inf  }
0x29f: {  	p0 =	sne.s32 s18, s10;
	v2 =	vsel vm0, $0x0, v2  }
.Ltmp51:
0x2a0: {  	[tilespmem:s19+$0x5000] =	vst v2;
	(pc) =	sbr.rel @p0 .LBB2_1-.Ltmp51, $4  }
0x2a1: {  	[hbm4b:s9+s11] =	stream.strided.scatter [tilespmem:s16], [sflag:$0x3], $0x2800, s12, s11, $0x38;
	[tilespmem:$0xDC00] =	vst v63  }
0x2a2: {  	_ =	swait.ge [sflag:s13], $0x2800  }
0x2a3: {  	[sflag:s13] =	ssyncset.done $0x0  }
0x2a4: {  	[sflag:s13] =	ssyncadd.s32 $0xFFFFD800  }
0x2a5: {  	_ =	sfence.sel $0x180000  }
0x2a6: {  	[bflag:$0x0] =	sbarrier.arrive $0xFFFF  }
0x2a7: {  	p0 =	sne.s32 s1, $0x0;
	_ =	strace $0x9000004D  }
0x2a8: {  	s0 =	sadd.s32 @!p0 $0x100000, s0;
	[bflag:$0x2] =	sbarrier.arrive $0xFFFF  }
0x2a9: {  	[sflag:s0] =	ssyncadd.tile.s32 @!p0 $0x1;
	_ =	shalt  }
.Lfunc_end2:
_tile_overlayer_lowered:
.L_overlay_start_2:
0x2aa: {  	(tag) =	ssettag $0x2  }
0x2ab: {  	s0 =	rddreg [dreg:$0x0];
	s2 =	stileid.u32  }
0x2ac: {  	s1 =	rddreg [dreg:$0x1];
	p0 =	sne.s32 s2, $0x0  }
0x2ad: {  	s3 =	rddreg [dreg:$0x2];
	[bflag:$0x3] =	sbarrier.arrive $0xFFFF;
	s2 =	simm.s32 @!p0 $0x1C03  }
0x2ae: {  	[timem:s3], [sflag:s2] =	dma.local @!p0 [hbm:s0], s1  }
0x2af: {  	s0 =	simm.s32 @!p0 $0x3  }
0x2b0: {  	_ =	swait.ge @!p0 [sflag:s0], s1  }
0x2b1: {  	s1 =	ssub.s32 @!p0 $0x0, s1;
	[sflag:s0] =	ssyncset.done @!p0 $0x0  }
0x2b2: {  	[sflag:s0] =	ssyncadd.s32 @!p0 s1  }
0x2b3: {  	[bflag:$0x3] =	sbarrier.arrive $0xFFFF  }
0x2b4: {  	_ =	shalt  }

// kernel: kernel.9.cloned.1.call-start
scs
__scs_entry_jumppad:
0x0: {  	(pc) =	sbr.rel $0x88, $3  }
0x1: {  	(tag) =	ssettag $0x0;
	lr =	simm.s32 $0x1  }
0x2: {  	[smem:$0x3F97] =	sst lr;
	_ =	strace $0xD0000000  }
0x3: {  	_ = 	snop  }
0x4: {  	_ = 	snop  }
0x5: {  	_ = 	snop  }
0x6: {  	_ = 	snop  }
0x7: {  	_ = 	snop  }
__scs_overlays_trampoline_lowered:
0x8: {  	[smem:$0x3FA6] =	sst s0  }
0x9: {  	[smem:$0x3FA7] =	sst s1  }
0xa: {  	[smem:$0x3FA8] =	sst s2  }
0xb: {  	[smem:$0x3FA9] =	sst s3  }
0xc: {  	[smem:$0x3FAA] =	sst s4  }
0xd: {  	[smem:$0x3FAB] =	sst s5  }
0xe: {  	[smem:$0x3FAC] =	sst s6  }
0xf: {  	[smem:$0x3FAD] =	sst s7  }
0x10: {  	[smem:$0x3FAE] =	sst s8  }
0x11: {  	[smem:$0x3FAF] =	sst s9;
	s0 =	simm.s32 @!p0 $0x0  }
0x12: {  	s1 =	sld [smem:$0x3F95];
	s0 =	simm.s32 @p0 $0x1  }
0x13: {  	[smem:$0x3FB0] =	sst s0;
	s0 =	simm.s32 @!p1 $0x0  }
0x14: {  	s2 =	sld [smem:$0x3F94];
	s0 =	simm.s32 @p1 $0x1  }
0x15: {  	[smem:$0x3FB1] =	sst s0;
	s0 =	simm.s32 @!p2 $0x0  }
0x16: {  	s3 =	sld [smem:$0x3FDB];
	s0 =	simm.s32 @p2 $0x1  }
0x17: {  	s4 =	simm.s32 $0x1BF5;
	[smem:$0x3FB3] =	sst s0  }
0x18: {  	s0 =	sld [smem:$0x3F96];
	_ =	swait.ge [sflag:s4], $0x0  }
0x19: {  	s7 =	sld [smem:$0x3F97]  }
0x1a: {  	s8 =	sadd.s32 $0xFFFFE003, lr  }
0x1b: {  	s9 =	sadd.s32 $0xFFFFFEF7, lr;
	s5 =	simm.s32 $0xFFFFFFFF;
	p2 =	slt.u32 s8, $0xFFFFF086  }
0x1c: {  	p1 =	slt.u32 s9, $0xF7A;
	s5 =	simm.s32 @!p2 $0x0  }
0x1d: {  	s5 =	simm.s32 @p1 $0x1;
	p0 =	seq.s32 s7, s2  }
0x1e: {  	s7 =	smul.u32 @!p0 $0xF7A, s2;
	p2 =	seq.s32 @!p0 s5, $0x0  }
0x1f: {  	s9 =	smul.u32 $0xF7A, s1;
	s8 =	simm.s32 @!p0 $0x1BF5;
	p2 =	por !p2, p0  }
0x20: {  	[sflag:s8] =	ssyncset.s32 @!p0 $0xFFFFF086;
	s6 =	sadd.s32 @!p0 s3, s7;
	s7 =	simm.s32 @!p0 $0x108  }
0x21: {  	s3 =	sadd.s32 s3, s9;
	s6 =	sadd.s32 @!p0 $0x88, s6;
	s7 =	simm.s32 @p2 $0x1082  }
0x22: {  	[simem:s7], [sflag:s8] =	dma.local @!p0 [hbm:s6], $0xF7A  }
0x23: {  	s9 =	sor.u32 $0xD0000000, s2;
	s6 =	simm.s32 $0x108;
	_ =	swait.ge @!p0 [sflag:s8], $0x0  }
0x24: {  	s3 =	sadd.s32 $0x88, s3;
	s6 =	simm.s32 @!p1 $0x1082;
	[sflag:s4] =	ssyncset.s32 $0xFFFFF086  }
0x25: {  	[simem:s6], [sflag:s4] =	dma.local [hbm:s3], $0xF7A  }
0x26: {  	[smem:$0x3F97] =	sst s1;
	(tag) =	ssettag s2;
	_ =	strace s9  }
0x27: {  	s1 =	sld [smem:$0x3FA7]  }
0x28: {  	s2 =	sld [smem:$0x3FA8]  }
0x29: {  	s4 =	sld [smem:$0x3FAA]  }
0x2a: {  	p0 =	seq.s32 s5, $0x0;
	s5 =	sld [smem:$0x3FAB]  }
0x2b: {  	s6 =	sld [smem:$0x3FAC]  }
0x2c: {  	s7 =	sld [smem:$0x3FAD]  }
0x2d: {  	s3 =	simm.s32 $0x108;
	s8 =	sld [smem:$0x3FAE]  }
0x2e: {  	s3 =	simm.s32 @!p0 $0x1082;
	s9 =	sld [smem:$0x3FAF]  }
0x2f: {  	lr =	sadd.s32 s0, s3;
	s0 =	sld [smem:$0x3FA6]  }
0x30: {  	s3 =	sld [smem:$0x3FA9]  }
0x31: {  	[smem:$0x3FB2] =	sst s10  }
0x32: {  	s10 =	sld [smem:$0x3FB0];
	_ =	sdelay $0x3  }
0x33: {  	p0 =	seq.s32 s10, $0x1;
	s10 =	sld [smem:$0x3FB2];
	_ =	sdelay $0x3  }
0x34: {  	[smem:$0x3FB2] =	sst s10  }
0x35: {  	s10 =	sld [smem:$0x3FB1];
	_ =	sdelay $0x3  }
0x36: {  	p1 =	seq.s32 s10, $0x1;
	s10 =	sld [smem:$0x3FB2];
	_ =	sdelay $0x3  }
0x37: {  	[smem:$0x3FB2] =	sst s10  }
0x38: {  	s10 =	sld [smem:$0x3FB3]  }
0x39: {  	_ = 	snop;
	(pc) =	sbr.ind lr, $3  }
0x3a: {  	_ = 	snop  }
0x3b: {  	_ = 	snop  }
0x3c: {  	p2 =	seq.s32 s10, $0x1;
	s10 =	sld [smem:$0x3FB2]  }
0x3d: {  	_ =	shalt  }
0x3e: {  	_ =	shalt  }
0x3f: {  	_ =	shalt  }
0x40: {  	_ =	shalt  }
0x41: {  	_ =	shalt  }
0x42: {  	_ =	shalt  }
0x43: {  	_ =	shalt  }
0x44: {  	_ =	shalt  }
0x45: {  	_ =	shalt  }
0x46: {  	_ =	shalt  }
0x47: {  	_ =	shalt  }
0x48: {  	_ =	shalt  }
0x49: {  	_ =	shalt  }
0x4a: {  	_ =	shalt  }
0x4b: {  	_ =	shalt  }
0x4c: {  	_ =	shalt  }
0x4d: {  	_ =	shalt  }
0x4e: {  	_ =	shalt  }
0x4f: {  	_ =	shalt  }
0x50: {  	_ =	shalt  }
0x51: {  	_ =	shalt  }
0x52: {  	_ =	shalt  }
0x53: {  	_ =	shalt  }
0x54: {  	_ =	shalt  }
0x55: {  	_ =	shalt  }
0x56: {  	_ =	shalt  }
0x57: {  	_ =	shalt  }
0x58: {  	_ =	shalt  }
0x59: {  	_ =	shalt  }
0x5a: {  	_ =	shalt  }
0x5b: {  	_ =	shalt  }
0x5c: {  	_ =	shalt  }
0x5d: {  	_ =	shalt  }
0x5e: {  	_ =	shalt  }
0x5f: {  	_ =	shalt  }
0x60: {  	_ =	shalt  }
0x61: {  	_ =	shalt  }
0x62: {  	_ =	shalt  }
0x63: {  	_ =	shalt  }
0x64: {  	_ =	shalt  }
0x65: {  	_ =	shalt  }
0x66: {  	_ =	shalt  }
0x67: {  	_ =	shalt  }
0x68: {  	_ =	shalt  }
0x69: {  	_ =	shalt  }
0x6a: {  	_ =	shalt  }
0x6b: {  	_ =	shalt  }
0x6c: {  	_ =	shalt  }
0x6d: {  	_ =	shalt  }
0x6e: {  	_ =	shalt  }
0x6f: {  	_ =	shalt  }
0x70: {  	_ =	shalt  }
0x71: {  	_ =	shalt  }
0x72: {  	_ =	shalt  }
0x73: {  	_ =	shalt  }
0x74: {  	_ =	shalt  }
0x75: {  	_ =	shalt  }
0x76: {  	_ =	shalt  }
0x77: {  	_ =	shalt  }
0x78: {  	_ =	shalt  }
0x79: {  	_ =	shalt  }
0x7a: {  	_ =	shalt  }
0x7b: {  	_ =	shalt  }
0x7c: {  	_ =	shalt  }
0x7d: {  	_ =	shalt  }
0x7e: {  	_ =	shalt  }
0x7f: {  	_ =	shalt  }
0x80: {  	_ =	shalt  }
0x81: {  	_ =	shalt  }
0x82: {  	_ =	shalt  }
0x83: {  	_ =	shalt  }
0x84: {  	_ =	shalt  }
0x85: {  	_ =	shalt  }
0x86: {  	_ =	shalt  }
0x87: {  	_ =	shalt  }
.Lfunc_end0:
.L_simem_size_0:
called_computation_lowered:
.L_overlay_start_0:
0x88: {  	s2 =	sld [smem:$0x3FD9]  }
0x89: {  	s3 =	sld [smem:$0x3FFE];
	_ =	sdelay $0x1  }
0x8a: {  	s1 =	srdreg.scid  }
0x8b: {  	s0 =	sand.u32 $0x1, s1  }
0x8c: {  	s17 =	sshll.u32 s0, $0xA;
	s2 =	sadd.s32 s3, s2  }
0x8d: {  	s2 =	sadd.s32 s2, s17  }
0x8e: {  	[smem:$0x3FBE] =	sst s2  }
0x8f: {  	_ = 	snop  }
0x90: {  	s2 =	sld [smem:$0x3FD0];
	(tm) =	ssettm $0x1  }
0x91: {  	s18 =	sld [smem:$0x3FFB];
	_ =	sdelay $0x3  }
0x92: {  	_ =	strace s18  }
0x93: {  	s3 =	sld [smem:$0x3FFC];
	_ =	sdelay $0x3  }
0x94: {  	_ =	strace s3  }
0x95: {  	s3 =	sld [smem:$0x3FFD];
	_ =	sdelay $0x3  }
0x96: {  	_ =	strace s3  }
0x97: {  	_ =	strace $0x8FFFFFFF  }
0x98: {  	s19 =	sld [smem:$0x3FDB];
	_ =	sdelay $0x1  }
0x99: {  	s4 =	simm.s32 $_scs_section_size  }
0x9a: {  	s5 =	simm.s32 $_size__tile_overlayer_lowered;
	s6 =	simm.s32 $_tile_overlayer_lowered  }
0x9b: {  	s22 =	simm.s32 $0x1BFF;
	s21 =	sshll.u32 s6, $0x1;
	s3 =	sadd.s32 s4, s19  }
0x9c: {  	s7 =	simm.s32 $0x0;
	s20 =	sshll.u32 s5, $0x1;
	s5 =	sadd.s32 s21, s3  }
0x9d: {  	[timem:s7], [sflag:s22] =	dma.local [hbm:s5], s20  }
0x9e: {  	_ =	swait.ge [sflag:s22], s20  }
0x9f: {  	s4 =	ssub.s32 $0x0, s20;
	[sflag:s22] =	ssyncset.done $0x0  }
0xa0: {  	[sflag:s22] =	ssyncadd.s32 s4;
	_ =	sdelay $0x1  }
0xa1: {  	s23 =	simm.s32 $0x1B8B  }
0xa2: {  	_ =	swait.ge [sflag:s23], $0x1  }
0xa3: {  	[sflag:s23] =	ssyncset.done $0x0  }
0xa4: {  	s25 =	simm.s32 $0x1B8E;
	s24 =	sld [smem:$0x3FFE];
	[sflag:s23] =	ssyncadd.s32 $0xFFFFFFFF  }
0xa5: {  	s26 =	simm.s32 $execute0_lowered;
	[smem:$0x3FD2] =	sst s25  }
0xa6: {  	s5 =	sshll.u32 s26, $0x1;
	_ =	strace $0x80000046;
	[dreg:$0x1] =	wrdreg $0xFFFFFFFF  }
0xa7: {  	s28 =	simm.s32 $_size_execute0_lowered;
	s3 =	sadd.s32 s3, s5;
	[dreg:$0x0] =	wrdreg $0x0  }
0xa8: {  	s5 =	sshll.u32 s28, $0x1;
	[dreg:$0x2] =	wrdreg s3  }
0xa9: {  	[dreg:$0x3] =	wrdreg s5  }
0xaa: {  	[dreg:$0x4] =	wrdreg $0xC0  }
0xab: {  	_ =	task [dreg:s7], $0x5FFFF  }
0xac: {  	[dreg:$0x1] =	wrdreg $0xFFFFFFFF  }
0xad: {  	[dreg:$0x0] =	wrdreg $0x60  }
0xae: {  	[dreg:$0x2] =	wrdreg s2  }
0xaf: {  	[dreg:$0x3] =	wrdreg s24  }
0xb0: {  	[dreg:$0x4] =	wrdreg $0x9  }
0xb1: {  	_ =	task.clear_ibuf [dreg:s7], $0x5FFFF;
	_ =	strace $0x90000046  }
0xb2: {  	s29 =	simm.s32 $0x9;
	_ =	strace $0x80000048  }
0xb3: {  	_ =	swait.ge [sflag:s29], $0x1  }
0xb4: {  	[sflag:s29] =	ssyncadd.s32 $0xFFFFFFFF  }
0xb5: {  	_ =	strace $0x90000048  }
0xb6: {  	_ =	sfence  }
0xb7: {  	s30 =	sld [smem:$0x0];
	_ =	sdelay $0x2  }
0xb8: {  	s31 =	sshll.u32 s1, $0xD;
	s1 =	sshrl.u32 s1, $0x2  }
0xb9: {  	s3 =	sand.u32 $0x4000, s31;
	s1 =	sadd.s32 s1, s30  }
0xba: {  	s0 =	sor.u32 s3, s0;
	s1 =	sshll.u32 s1, $0x11  }
0xbb: {  	s0 =	sor.u32 s1, s0  }
0xbc: {  	s0 =	sadd.s32 $0x8F2B, s0  }
0xbd: {  	[sflag:s0] =	ssyncadd.remote.s32 $0x1  }
0xbe: {  	_ =	sfence.sel $0xFFFF  }
0xbf: {  	[dreg:$0x0] =	wrdreg $0xFFFFFFFF;
	(pc) =	sbr.abs _section_cstart, $3  }
0xc0: {  	[dreg:$0x1] =	wrdreg $0xFFFFFFFF  }
0xc1: {  	_ =	task.clear_ibuf [dreg:s7], $0x2FFFF;
	_ =	strace $0x9FFFFFFF  }
0xc2: {  	(tm) =	ssettm $0x7FFFFFFF  }
0xc3: {  	_ =	shalt  }
tec
execute0_lowered:
.L_overlay_start_1:
0x0: {  	(tag) =	ssettag $0x1  }
0x1: {  	s6 =	rddreg [dreg:$0x0]  }
0x2: {  	s8 =	rddreg [dreg:$0x1]  }
0x3: {  	s0 =	rddreg [dreg:$0x2]  }
0x4: {  	s2 =	simm.s32 $0x0;
	s3 =	srdreg.scid;
	s1 =	stileid.u32  }
0x5: {  	s12 =	simm.s32 $0x400;
	s13 =	simm.s32 $0x3;
	s14 =	simm.s32 $0x2800  }
0x6: {  	s15 =	simm.s32 $0x1;
	s16 =	simm.s32 $0x5000;
	s17 =	simm.s32 $0x2  }
0x7: {  	s18 =	simm.s32 $0x0;
	[smem:$0x7FF] =	sst s2;
	s5 =	sand.u32 $0x1, s3  }
0x8: {  	s30 =	sshrl.u32 s1, $0x2;
	s4 =	sshll.u32 s1, $0x8;
	s3 =	sadd.s32 $0xBA00, s8  }
0x9: {  	s7 =	smul.u32 $0x14000, s30;
	s31 =	sshll.u32 s5, $0x7;
	s4 =	sand.u32 $0x300, s4  }
0xa: {  	_ =	strace $0x80000047;
	s5 =	ssub.s32 $0x2, s5;
	s9 =	sor.u32 s31, s4  }
0xb: {  	s4 =	sadd.s32 $0x1C00, s8;
	s11 =	sshrl.u32 s5, $0x1;
	s7 =	sor.u32 s7, s9  }
0xc: {  	s11 =	ssub.s32 s5, s11;
	s9 =	sshrl.u32 s7, $0x3;
	s7 =	sadd.s32 $0x50000, s7  }
0xd: {  	s10 =	sadd.s32 s9, s8;
	s7 =	sshrl.u32 s7, $0x3;
	s5 =	sadd.s32 s6, s9  }
0xe: {  	s6 =	sadd.s32 s6, s7;
	s7 =	sadd.s32 $0xBD20, s8;
	s8 =	sadd.s32 $0x1F20, s8  }
0xf: {  	v0 =	vimm.f32 $-Inf;
	v1 =	vimm.f32 $0.0e+00;
	s9 =	sadd.s32 $0x15800, s10;
	s10 =	smax.u32 s11, $0x1;
	s11 =	simm.s32 $0x80  }
.LBB2_1:
0x10: {  	[tilespmem:s2], [sflag:$0x3] =	stream.strided.gather [hbm4b:s5+s11], $0x2800, s12, s11, $0x38;
	[tilespmem:$0xDC00] =	vst v63  }
0x11: {  	_ =	swait.ge [sflag:s13], $0x2800  }
0x12: {  	[sflag:s13] =	ssyncset.done $0x0  }
0x13: {  	[sflag:s13] =	ssyncadd.s32 $0xFFFFD800  }
0x14: {  	[tilespmem:s14], [sflag:$0x3] =	stream.strided.gather [hbm4b:s6+s11], $0x2800, s12, s11, $0x38;
	[tilespmem:$0xDC00] =	vst v63  }
0x15: {  	_ =	swait.ge [sflag:s13], $0x2800  }
0x16: {  	[sflag:s13] =	ssyncset.done $0x0  }
0x17: {  	s19 =	simm.s32 $0x0;
	[sflag:s13] =	ssyncadd.s32 $0xFFFFD800  }
.LBB2_2:
0x18: {  	p0 =	sne.s32 s19, $0x9FC0  }
.Ltmp0:
0x19: {  	_ = 	snop;
	(pc) =	sbr.rel @p0 .LBB2_2-.Ltmp0, $3  }
0x1a: {  	_ =	sdelay $0x1  }
0x1b: {  	s20 =	sshra.s32 s19, $0x2  }
0x1c: {  	s19 =	sadd.s32 $0x40, s19;
	[tilespmem:s20+$0x5000] =	vst v0  }
0x1d: {  	s19 =	simm.s32 $0x0;
	s20 =	simm.s32 $0x7800;
	s21 =	simm.s32 $0x0  }
.LBB2_4:
0x1e: {  	p0 =	sne.s32 s21, $0x310  }
.Ltmp1:
0x1f: {  	_ = 	snop;
	(pc) =	sbr.rel @p0 .LBB2_4-.Ltmp1, $4  }
0x20: {  	_ = 	snop  }
0x21: {  	s22 =	sadd.s32 s21, s3  }
0x22: {  	[tilespmem:s20], [sflag:$0x1] =	stream.linear.gather [hbm4b:s22+s19], $0x80, $0x38;
	[tilespmem:$0xDC00] =	vst v63  }
0x23: {  	s21 =	sadd.s32 $0x10, s21;
	s20 =	sadd.s32 $0x100, s20  }
0x24: {  	s19 =	simm.s32 $0xAA00  }
0x25: {  	s20 =	simm.s32 $0x10;
	s22 =	sadd.s32 $0x0, s4;
	s21 =	simm.s32 $0xAB00  }
.LBB2_6:
0x26: {  	[tilespmem:s19], [sflag:$0x1] =	stream.linear.gather [hbm4b:s22+s2], $0x80, $0x38;
	[tilespmem:$0xDC00] =	vst v63  }
0x27: {  	s22 =	smov.u32 s20;
	s19 =	smov.u32 s21;
	p0 =	sne.s32 s20, $0x310  }
.Ltmp2:
0x28: {  	s20 =	sadd.s32 $0x10, s20;
	(pc) =	sbr.rel @p0 .LBB2_6-.Ltmp2, $2  }
0x29: {  	_ =	sdelay $0x2  }
0x2a: {  	s21 =	sadd.s32 $0x100, s21;
	s22 =	sadd.s32 s22, s4  }
0x2b: {  	[tilespmem:s19], [sflag:$0x1] =	stream.linear.gather [hbm4b:s22+s2], $0x80, $0x38;
	[tilespmem:$0xDC00] =	vst v63  }
0x2c: {  	s19 =	simm.s32 $0x7880  }
0x2d: {  	s20 =	simm.s32 $0x10;
	s22 =	sadd.s32 $0x0, s7;
	s21 =	simm.s32 $0x7980  }
.LBB2_8:
0x2e: {  	[tilespmem:s19], [sflag:$0x2] =	stream.linear.gather [hbm4b:s22+s2], $0x80, $0x38;
	[tilespmem:$0xDC00] =	vst v63  }
0x2f: {  	s22 =	smov.u32 s20;
	s19 =	smov.u32 s21;
	p0 =	sne.s32 s20, $0x310  }
.Ltmp3:
0x30: {  	s20 =	sadd.s32 $0x10, s20;
	(pc) =	sbr.rel @p0 .LBB2_8-.Ltmp3, $2  }
0x31: {  	_ =	sdelay $0x2  }
0x32: {  	s21 =	sadd.s32 $0x100, s21;
	s22 =	sadd.s32 s22, s7  }
0x33: {  	[tilespmem:s19], [sflag:$0x2] =	stream.linear.gather [hbm4b:s22+s2], $0x80, $0x38;
	[tilespmem:$0xDC00] =	vst v63  }
0x34: {  	s19 =	simm.s32 $0x0;
	s20 =	simm.s32 $0xAA80  }
0x35: {  	s21 =	simm.s32 $0x10;
	s23 =	sadd.s32 $0x0, s8;
	s22 =	simm.s32 $0xAB80  }
.LBB2_10:
0x36: {  	[tilespmem:s20], [sflag:$0x2] =	stream.linear.gather [hbm4b:s23+s19], $0x80, $0x38;
	[tilespmem:$0xDC00] =	vst v63  }
0x37: {  	s23 =	smov.u32 s21;
	s20 =	smov.u32 s22;
	p0 =	sne.s32 s21, $0x310  }
.Ltmp4:
0x38: {  	s21 =	sadd.s32 $0x10, s21;
	(pc) =	sbr.rel @p0 .LBB2_10-.Ltmp4, $2  }
0x39: {  	_ =	sdelay $0x2  }
0x3a: {  	s22 =	sadd.s32 $0x100, s22;
	s23 =	sadd.s32 s23, s8  }
0x3b: {  	[tilespmem:s20], [sflag:$0x2] =	stream.linear.gather [hbm4b:s23+s19], $0x80, $0x38;
	[tilespmem:$0xDC00] =	vst v63  }
.LBB2_12:
0x3c: {  	_ =	swait.ge [sflag:s15], $0x1900  }
.Ltmp5:
0x3d: {  	[sflag:s15] =	ssyncset.done $0x0;
	(pc) =	sbr.rel .LBB2_13-.Ltmp5, $4  }
0x3e: {  	[sflag:s15] =	ssyncadd.s32 $0xFFFFE700  }
0x3f: {  	_ =	swait.ge [sflag:s15], $0x1900  }
0x40: {  	[sflag:s15] =	ssyncset.done $0x0  }
0x41: {  	s20 =	simm.s32 $0x0;
	[sflag:s15] =	ssyncadd.s32 $0xFFFFE700  }
.LBB2_30:
0x42: {  	s20 =	sadd.s32 $0x1, s20  }
0x43: {  	p0 =	sne.s32 s20, $0x32  }
.Ltmp6:
0x44: {  	_ = 	snop;
	(pc) =	sbr.rel @!p0 .LBB2_31-.Ltmp6, $1  }
0x45: {  	_ =	sdelay $0x3  }
.LBB2_13:
0x46: {  	s21 =	sshll.u32 s20, $0x8  }
0x47: {  	v16 =	vld [tilespmem:s21+$0x7800]  }
0x48: {  	v2 =	vld [tilespmem:s21+$0xAA00];
	_ =	sdelay $0x6  }
0x49: {  	v3 =	vld.idx.msk [tilespmem:v16+s2+$0x0], $0xffff  }
0x4a: {  	v2 =	vld.idx.msk [tilespmem:v2+s14+$0x0], $0xffff;
	_ =	sdelay $0x1  }
0x4b: {  	v4 =	vld.idx.msk [tilespmem:v16+s16+$0x0], $0xffff;
	_ =	sdelay $0x2  }
0x4c: {  	v17 =	vadd.f32 v2, v3;
	_ =	sdelay $0x1  }
0x4d: {  	vm0 =	vgt.f32 v17, v4;
	_ =	sdelay $0x5  }
0x4e: {  	[tilespmem:v16+s16+$0x0] =	vst.idx.msk vm0, v17  }
0x4f: {  	v14 =	vld [tilespmem:s21+$0x7810]  }
0x50: {  	v2 =	vld [tilespmem:s21+$0xAA10];
	_ =	sdelay $0x6  }
0x51: {  	v3 =	vld.idx.msk [tilespmem:v14+s2+$0x0], $0xffff  }
0x52: {  	v2 =	vld.idx.msk [tilespmem:v2+s14+$0x0], $0xffff;
	_ =	sdelay $0x1  }
0x53: {  	v4 =	vld.idx.msk [tilespmem:v14+s16+$0x0], $0xffff;
	_ =	sdelay $0x2  }
0x54: {  	v15 =	vadd.f32 v2, v3;
	_ =	sdelay $0x1  }
0x55: {  	vm0 =	vgt.f32 v15, v4;
	_ =	sdelay $0x5  }
0x56: {  	[tilespmem:v14+s16+$0x0] =	vst.idx.msk vm0, v15  }
0x57: {  	v12 =	vld [tilespmem:s21+$0x7820]  }
0x58: {  	v2 =	vld [tilespmem:s21+$0xAA20];
	_ =	sdelay $0x6  }
0x59: {  	v3 =	vld.idx.msk [tilespmem:v12+s2+$0x0], $0xffff  }
0x5a: {  	v2 =	vld.idx.msk [tilespmem:v2+s14+$0x0], $0xffff;
	_ =	sdelay $0x1  }
0x5b: {  	v4 =	vld.idx.msk [tilespmem:v12+s16+$0x0], $0xffff;
	_ =	sdelay $0x2  }
0x5c: {  	v13 =	vadd.f32 v2, v3;
	_ =	sdelay $0x1  }
0x5d: {  	vm0 =	vgt.f32 v13, v4;
	_ =	sdelay $0x5  }
0x5e: {  	[tilespmem:v12+s16+$0x0] =	vst.idx.msk vm0, v13  }
0x5f: {  	v10 =	vld [tilespmem:s21+$0x7830]  }
0x60: {  	v2 =	vld [tilespmem:s21+$0xAA30];
	_ =	sdelay $0x6  }
0x61: {  	v3 =	vld.idx.msk [tilespmem:v10+s2+$0x0], $0xffff  }
0x62: {  	v2 =	vld.idx.msk [tilespmem:v2+s14+$0x0], $0xffff;
	_ =	sdelay $0x1  }
0x63: {  	v4 =	vld.idx.msk [tilespmem:v10+s16+$0x0], $0xffff;
	_ =	sdelay $0x2  }
0x64: {  	v11 =	vadd.f32 v2, v3;
	_ =	sdelay $0x1  }
0x65: {  	vm0 =	vgt.f32 v11, v4;
	_ =	sdelay $0x5  }
0x66: {  	[tilespmem:v10+s16+$0x0] =	vst.idx.msk vm0, v11  }
0x67: {  	v8 =	vld [tilespmem:s21+$0x7840]  }
0x68: {  	v2 =	vld [tilespmem:s21+$0xAA40];
	_ =	sdelay $0x6  }
0x69: {  	v3 =	vld.idx.msk [tilespmem:v8+s2+$0x0], $0xffff  }
0x6a: {  	v2 =	vld.idx.msk [tilespmem:v2+s14+$0x0], $0xffff;
	_ =	sdelay $0x1  }
0x6b: {  	v4 =	vld.idx.msk [tilespmem:v8+s16+$0x0], $0xffff;
	_ =	sdelay $0x2  }
0x6c: {  	v9 =	vadd.f32 v2, v3;
	_ =	sdelay $0x1  }
0x6d: {  	vm0 =	vgt.f32 v9, v4;
	_ =	sdelay $0x5  }
0x6e: {  	[tilespmem:v8+s16+$0x0] =	vst.idx.msk vm0, v9  }
0x6f: {  	v6 =	vld [tilespmem:s21+$0x7850]  }
0x70: {  	v2 =	vld [tilespmem:s21+$0xAA50];
	_ =	sdelay $0x6  }
0x71: {  	v3 =	vld.idx.msk [tilespmem:v6+s2+$0x0], $0xffff  }
0x72: {  	v2 =	vld.idx.msk [tilespmem:v2+s14+$0x0], $0xffff;
	_ =	sdelay $0x1  }
0x73: {  	v4 =	vld.idx.msk [tilespmem:v6+s16+$0x0], $0xffff;
	_ =	sdelay $0x2  }
0x74: {  	v7 =	vadd.f32 v2, v3;
	_ =	sdelay $0x1  }
0x75: {  	vm0 =	vgt.f32 v7, v4;
	_ =	sdelay $0x5  }
0x76: {  	[tilespmem:v6+s16+$0x0] =	vst.idx.msk vm0, v7  }
0x77: {  	v4 =	vld [tilespmem:s21+$0x7860]  }
0x78: {  	v2 =	vld [tilespmem:s21+$0xAA60];
	_ =	sdelay $0x6  }
0x79: {  	v3 =	vld.idx.msk [tilespmem:v4+s2+$0x0], $0xffff  }
0x7a: {  	v2 =	vld.idx.msk [tilespmem:v2+s14+$0x0], $0xffff;
	_ =	sdelay $0x1  }
0x7b: {  	v18 =	vld.idx.msk [tilespmem:v4+s16+$0x0], $0xffff;
	_ =	sdelay $0x2  }
0x7c: {  	v5 =	vadd.f32 v2, v3;
	_ =	sdelay $0x1  }
0x7d: {  	vm0 =	vgt.f32 v5, v18;
	_ =	sdelay $0x5  }
0x7e: {  	[tilespmem:v4+s16+$0x0] =	vst.idx.msk vm0, v5  }
0x7f: {  	v2 =	vld [tilespmem:s21+$0x7870]  }
0x80: {  	v3 =	vld [tilespmem:s21+$0xAA70];
	_ =	sdelay $0x6  }
0x81: {  	v18 =	vld.idx.msk [tilespmem:v2+s2+$0x0], $0xffff  }
0x82: {  	v3 =	vld.idx.msk [tilespmem:v3+s14+$0x0], $0xffff;
	_ =	sdelay $0x1  }
0x83: {  	v19 =	vld.idx.msk [tilespmem:v2+s16+$0x0], $0xffff;
	_ =	sdelay $0x2  }
0x84: {  	v3 =	vadd.f32 v3, v18;
	_ =	sdelay $0x1  }
0x85: {  	vm0 =	vgt.f32 v3, v19;
	_ =	sdelay $0x5  }
0x86: {  	[tilespmem:v2+s16+$0x0] =	vst.idx.msk vm0, v3  }
0x87: {  	v18 =	vld.idx.msk [tilespmem:v14+s16+$0x0], $0xffff  }
0x88: {  	v19 =	vld.idx.msk [tilespmem:v12+s16+$0x0], $0xffff  }
0x89: {  	v20 =	vld.idx.msk [tilespmem:v10+s16+$0x0], $0xffff  }
0x8a: {  	v21 =	vld.idx.msk [tilespmem:v8+s16+$0x0], $0xffff  }
0x8b: {  	v22 =	vld.idx.msk [tilespmem:v6+s16+$0x0], $0xffff  }
0x8c: {  	v23 =	vld.idx.msk [tilespmem:v4+s16+$0x0], $0xffff  }
0x8d: {  	vm0 =	vgt.f32 v15, v18;
	vm1 =	vgt.f32 v13, v19;
	v19 =	vld.idx.msk [tilespmem:v2+s16+$0x0], $0xffff  }
0x8e: {  	v18 =	vld.idx.msk [tilespmem:v16+s16+$0x0], $0xffff;
	vm0 =	vmor vm0, vm1;
	vm1 =	vgt.f32 v11, v20  }
0x8f: {  	vm2 =	vgt.f32 v9, v21;
	vm0 =	vmor vm0, vm1  }
0x90: {  	vm1 =	vgt.f32 v7, v22;
	vm0 =	vmor vm0, vm2  }
0x91: {  	vm2 =	vgt.f32 v5, v23;
	vm0 =	vmor vm0, vm1  }
0x92: {  	vm1 =	vmor vm0, vm2;
	vm2 =	vgt.f32 v3, v19  }
0x93: {  	vm0 =	vgt.f32 v17, v18;
	vm1 =	vmor vm1, vm2  }
0x94: {  	vm1 =	vmor vm0, vm1  }
0x95: {  	v19 =	vsel vm1, $0x3F800000, v1  }
0x96: {  	(xrf0) =	vmax.scan.msk.f32 $0xffff, v19;
	_ =	sdelay $0x5  }
0x97: {  	v19, _, _ =	vpop (xrf0)  }
0x98: {  	(v2sf) =	vpush v19, $0xF;
	_ =	sdelay $0xe  }
0x99: {  	s31 =	spop (v2sf)  }
0x9a: {  	p0 =	sgt.f32 s31, $0.0e+00  }
.Ltmp7:
0x9b: {  	_ = 	snop;
	(pc) =	sbr.rel @!p0 .LBB2_30-.Ltmp7, $1  }
0x9c: {  	_ =	sdelay $0x3  }
0x9d: {  	vm1 =	vgt.f32 v17, v18  }
0x9e: {  	v18 =	vsel vm1, $0x3F800000, v1  }
0x9f: {  	(xrf0) =	vmax.scan.msk.f32 $0xffff, v18;
	_ =	sdelay $0x5  }
0xa0: {  	v18, _, _ =	vpop (xrf0)  }
0xa1: {  	(v2sf) =	vpush v18, $0xF;
	_ =	sdelay $0xe  }
0xa2: {  	s21 =	spop (v2sf)  }
0xa3: {  	p0 =	sgt.f32 s21, $0.0e+00  }
.Ltmp8:
0xa4: {  	_ = 	snop;
	(pc) =	sbr.rel @!p0 .LBB2_16-.Ltmp8, $1  }
0xa5: {  	_ =	sdelay $0x3  }
.LBB2_15:
0xa6: {  	[tilespmem:v16+s16+$0x0] =	vst.idx.msk vm0, v17  }
0xa7: {  	v18 =	vld.idx.msk [tilespmem:v16+s16+$0x0], $0xffff;
	_ =	sdelay $0x4  }
0xa8: {  	vm0 =	vgt.f32 v17, v18  }
0xa9: {  	v18 =	vsel vm0, $0x3F800000, v1  }
0xaa: {  	(xrf0) =	vmax.scan.msk.f32 $0xffff, v18;
	_ =	sdelay $0x5  }
0xab: {  	v18, _, _ =	vpop (xrf0)  }
0xac: {  	(v2sf) =	vpush v18, $0xF;
	_ =	sdelay $0xe  }
0xad: {  	s21 =	spop (v2sf)  }
0xae: {  	p0 =	sgt.f32 s21, $0.0e+00  }
.Ltmp9:
0xaf: {  	_ = 	snop;
	(pc) =	sbr.rel @p0 .LBB2_15-.Ltmp9, $1  }
0xb0: {  	_ =	sdelay $0x3  }
.LBB2_16:
0xb1: {  	_ =	sdelay $0x3  }
0xb2: {  	v16 =	vld.idx.msk [tilespmem:v14+s16+$0x0], $0xffff;
	_ =	sdelay $0x4  }
0xb3: {  	vm0 =	vgt.f32 v15, v16  }
0xb4: {  	v16 =	vsel vm0, $0x3F800000, v1  }
0xb5: {  	(xrf0) =	vmax.scan.msk.f32 $0xffff, v16;
	_ =	sdelay $0x5  }
0xb6: {  	v16, _, _ =	vpop (xrf0)  }
0xb7: {  	(v2sf) =	vpush v16, $0xF;
	_ =	sdelay $0xe  }
0xb8: {  	s21 =	spop (v2sf)  }
0xb9: {  	p0 =	sgt.f32 s21, $0.0e+00  }
.Ltmp10:
0xba: {  	_ = 	snop;
	(pc) =	sbr.rel @!p0 .LBB2_18-.Ltmp10, $1  }
0xbb: {  	_ =	sdelay $0x3  }
.LBB2_17:
0xbc: {  	[tilespmem:v14+s16+$0x0] =	vst.idx.msk vm0, v15  }
0xbd: {  	v16 =	vld.idx.msk [tilespmem:v14+s16+$0x0], $0xffff;
	_ =	sdelay $0x4  }
0xbe: {  	vm0 =	vgt.f32 v15, v16  }
0xbf: {  	v16 =	vsel vm0, $0x3F800000, v1  }
0xc0: {  	(xrf0) =	vmax.scan.msk.f32 $0xffff, v16;
	_ =	sdelay $0x5  }
0xc1: {  	v16, _, _ =	vpop (xrf0)  }
0xc2: {  	(v2sf) =	vpush v16, $0xF;
	_ =	sdelay $0xe  }
0xc3: {  	s21 =	spop (v2sf)  }
0xc4: {  	p0 =	sgt.f32 s21, $0.0e+00  }
.Ltmp11:
0xc5: {  	_ = 	snop;
	(pc) =	sbr.rel @p0 .LBB2_17-.Ltmp11, $1  }
0xc6: {  	_ =	sdelay $0x3  }
.LBB2_18:
0xc7: {  	_ =	sdelay $0x3  }
0xc8: {  	v14 =	vld.idx.msk [tilespmem:v12+s16+$0x0], $0xffff;
	_ =	sdelay $0x4  }
0xc9: {  	vm0 =	vgt.f32 v13, v14  }
0xca: {  	v14 =	vsel vm0, $0x3F800000, v1  }
0xcb: {  	(xrf0) =	vmax.scan.msk.f32 $0xffff, v14;
	_ =	sdelay $0x5  }
0xcc: {  	v14, _, _ =	vpop (xrf0)  }
0xcd: {  	(v2sf) =	vpush v14, $0xF;
	_ =	sdelay $0xe  }
0xce: {  	s21 =	spop (v2sf)  }
0xcf: {  	p0 =	sgt.f32 s21, $0.0e+00  }
.Ltmp12:
0xd0: {  	_ = 	snop;
	(pc) =	sbr.rel @!p0 .LBB2_20-.Ltmp12, $1  }
0xd1: {  	_ =	sdelay $0x3  }
.LBB2_19:
0xd2: {  	[tilespmem:v12+s16+$0x0] =	vst.idx.msk vm0, v13  }
0xd3: {  	v14 =	vld.idx.msk [tilespmem:v12+s16+$0x0], $0xffff;
	_ =	sdelay $0x4  }
0xd4: {  	vm0 =	vgt.f32 v13, v14  }
0xd5: {  	v14 =	vsel vm0, $0x3F800000, v1  }
0xd6: {  	(xrf0) =	vmax.scan.msk.f32 $0xffff, v14;
	_ =	sdelay $0x5  }
0xd7: {  	v14, _, _ =	vpop (xrf0)  }
0xd8: {  	(v2sf) =	vpush v14, $0xF;
	_ =	sdelay $0xe  }
0xd9: {  	s21 =	spop (v2sf)  }
0xda: {  	p0 =	sgt.f32 s21, $0.0e+00  }
.Ltmp13:
0xdb: {  	_ = 	snop;
	(pc) =	sbr.rel @p0 .LBB2_19-.Ltmp13, $1  }
0xdc: {  	_ =	sdelay $0x3  }
.LBB2_20:
0xdd: {  	_ =	sdelay $0x3  }
0xde: {  	v12 =	vld.idx.msk [tilespmem:v10+s16+$0x0], $0xffff;
	_ =	sdelay $0x4  }
0xdf: {  	vm0 =	vgt.f32 v11, v12  }
0xe0: {  	v12 =	vsel vm0, $0x3F800000, v1  }
0xe1: {  	(xrf0) =	vmax.scan.msk.f32 $0xffff, v12;
	_ =	sdelay $0x5  }
0xe2: {  	v12, _, _ =	vpop (xrf0)  }
0xe3: {  	(v2sf) =	vpush v12, $0xF;
	_ =	sdelay $0xe  }
0xe4: {  	s21 =	spop (v2sf)  }
0xe5: {  	p0 =	sgt.f32 s21, $0.0e+00  }
.Ltmp14:
0xe6: {  	_ = 	snop;
	(pc) =	sbr.rel @!p0 .LBB2_22-.Ltmp14, $1  }
0xe7: {  	_ =	sdelay $0x3  }
.LBB2_21:
0xe8: {  	[tilespmem:v10+s16+$0x0] =	vst.idx.msk vm0, v11  }
0xe9: {  	v12 =	vld.idx.msk [tilespmem:v10+s16+$0x0], $0xffff;
	_ =	sdelay $0x4  }
0xea: {  	vm0 =	vgt.f32 v11, v12  }
0xeb: {  	v12 =	vsel vm0, $0x3F800000, v1  }
0xec: {  	(xrf0) =	vmax.scan.msk.f32 $0xffff, v12;
	_ =	sdelay $0x5  }
0xed: {  	v12, _, _ =	vpop (xrf0)  }
0xee: {  	(v2sf) =	vpush v12, $0xF;
	_ =	sdelay $0xe  }
0xef: {  	s21 =	spop (v2sf)  }
0xf0: {  	p0 =	sgt.f32 s21, $0.0e+00  }
.Ltmp15:
0xf1: {  	_ = 	snop;
	(pc) =	sbr.rel @p0 .LBB2_21-.Ltmp15, $1  }
0xf2: {  	_ =	sdelay $0x3  }
.LBB2_22:
0xf3: {  	_ =	sdelay $0x3  }
0xf4: {  	v10 =	vld.idx.msk [tilespmem:v8+s16+$0x0], $0xffff;
	_ =	sdelay $0x4  }
0xf5: {  	vm0 =	vgt.f32 v9, v10  }
0xf6: {  	v10 =	vsel vm0, $0x3F800000, v1  }
0xf7: {  	(xrf0) =	vmax.scan.msk.f32 $0xffff, v10;
	_ =	sdelay $0x5  }
0xf8: {  	v10, _, _ =	vpop (xrf0)  }
0xf9: {  	(v2sf) =	vpush v10, $0xF;
	_ =	sdelay $0xe  }
0xfa: {  	s21 =	spop (v2sf)  }
0xfb: {  	p0 =	sgt.f32 s21, $0.0e+00  }
.Ltmp16:
0xfc: {  	_ = 	snop;
	(pc) =	sbr.rel @!p0 .LBB2_24-.Ltmp16, $1  }
0xfd: {  	_ =	sdelay $0x3  }
.LBB2_23:
0xfe: {  	[tilespmem:v8+s16+$0x0] =	vst.idx.msk vm0, v9  }
0xff: {  	v10 =	vld.idx.msk [tilespmem:v8+s16+$0x0], $0xffff;
	_ =	sdelay $0x4  }
0x100: {  	vm0 =	vgt.f32 v9, v10  }
0x101: {  	v10 =	vsel vm0, $0x3F800000, v1  }
0x102: {  	(xrf0) =	vmax.scan.msk.f32 $0xffff, v10;
	_ =	sdelay $0x5  }
0x103: {  	v10, _, _ =	vpop (xrf0)  }
0x104: {  	(v2sf) =	vpush v10, $0xF;
	_ =	sdelay $0xe  }
0x105: {  	s21 =	spop (v2sf)  }
0x106: {  	p0 =	sgt.f32 s21, $0.0e+00  }
.Ltmp17:
0x107: {  	_ = 	snop;
	(pc) =	sbr.rel @p0 .LBB2_23-.Ltmp17, $1  }
0x108: {  	_ =	sdelay $0x3  }
.LBB2_24:
0x109: {  	_ =	sdelay $0x3  }
0x10a: {  	v8 =	vld.idx.msk [tilespmem:v6+s16+$0x0], $0xffff;
	_ =	sdelay $0x4  }
0x10b: {  	vm0 =	vgt.f32 v7, v8  }
0x10c: {  	v8 =	vsel vm0, $0x3F800000, v1  }
0x10d: {  	(xrf0) =	vmax.scan.msk.f32 $0xffff, v8;
	_ =	sdelay $0x5  }
0x10e: {  	v8, _, _ =	vpop (xrf0)  }
0x10f: {  	(v2sf) =	vpush v8, $0xF;
	_ =	sdelay $0xe  }
0x110: {  	s21 =	spop (v2sf)  }
0x111: {  	p0 =	sgt.f32 s21, $0.0e+00  }
.Ltmp18:
0x112: {  	_ = 	snop;
	(pc) =	sbr.rel @!p0 .LBB2_26-.Ltmp18, $1  }
0x113: {  	_ =	sdelay $0x3  }
.LBB2_25:
0x114: {  	[tilespmem:v6+s16+$0x0] =	vst.idx.msk vm0, v7  }
0x115: {  	v8 =	vld.idx.msk [tilespmem:v6+s16+$0x0], $0xffff;
	_ =	sdelay $0x4  }
0x116: {  	vm0 =	vgt.f32 v7, v8  }
0x117: {  	v8 =	vsel vm0, $0x3F800000, v1  }
0x118: {  	(xrf0) =	vmax.scan.msk.f32 $0xffff, v8;
	_ =	sdelay $0x5  }
0x119: {  	v8, _, _ =	vpop (xrf0)  }
0x11a: {  	(v2sf) =	vpush v8, $0xF;
	_ =	sdelay $0xe  }
0x11b: {  	s21 =	spop (v2sf)  }
0x11c: {  	p0 =	sgt.f32 s21, $0.0e+00  }
.Ltmp19:
0x11d: {  	_ = 	snop;
	(pc) =	sbr.rel @p0 .LBB2_25-.Ltmp19, $1  }
0x11e: {  	_ =	sdelay $0x3  }
.LBB2_26:
0x11f: {  	_ =	sdelay $0x3  }
0x120: {  	v6 =	vld.idx.msk [tilespmem:v4+s16+$0x0], $0xffff;
	_ =	sdelay $0x4  }
0x121: {  	vm0 =	vgt.f32 v5, v6  }
0x122: {  	v6 =	vsel vm0, $0x3F800000, v1  }
0x123: {  	(xrf0) =	vmax.scan.msk.f32 $0xffff, v6;
	_ =	sdelay $0x5  }
0x124: {  	v6, _, _ =	vpop (xrf0)  }
0x125: {  	(v2sf) =	vpush v6, $0xF;
	_ =	sdelay $0xe  }
0x126: {  	s21 =	spop (v2sf)  }
0x127: {  	p0 =	sgt.f32 s21, $0.0e+00  }
.Ltmp20:
0x128: {  	_ = 	snop;
	(pc) =	sbr.rel @!p0 .LBB2_28-.Ltmp20, $1  }
0x129: {  	_ =	sdelay $0x3  }
.LBB2_27:
0x12a: {  	[tilespmem:v4+s16+$0x0] =	vst.idx.msk vm0, v5  }
0x12b: {  	v6 =	vld.idx.msk [tilespmem:v4+s16+$0x0], $0xffff;
	_ =	sdelay $0x4  }
0x12c: {  	vm0 =	vgt.f32 v5, v6  }
0x12d: {  	v6 =	vsel vm0, $0x3F800000, v1  }
0x12e: {  	(xrf0) =	vmax.scan.msk.f32 $0xffff, v6;
	_ =	sdelay $0x5  }
0x12f: {  	v6, _, _ =	vpop (xrf0)  }
0x130: {  	(v2sf) =	vpush v6, $0xF;
	_ =	sdelay $0xe  }
0x131: {  	s21 =	spop (v2sf)  }
0x132: {  	p0 =	sgt.f32 s21, $0.0e+00  }
.Ltmp21:
0x133: {  	_ = 	snop;
	(pc) =	sbr.rel @p0 .LBB2_27-.Ltmp21, $1  }
0x134: {  	_ =	sdelay $0x3  }
.LBB2_28:
0x135: {  	_ =	sdelay $0x3  }
0x136: {  	v4 =	vld.idx.msk [tilespmem:v2+s16+$0x0], $0xffff;
	_ =	sdelay $0x4  }
0x137: {  	vm0 =	vgt.f32 v3, v4  }
0x138: {  	v4 =	vsel vm0, $0x3F800000, v1  }
0x139: {  	(xrf0) =	vmax.scan.msk.f32 $0xffff, v4;
	_ =	sdelay $0x5  }
0x13a: {  	v4, _, _ =	vpop (xrf0)  }
0x13b: {  	(v2sf) =	vpush v4, $0xF;
	_ =	sdelay $0xe  }
0x13c: {  	s21 =	spop (v2sf)  }
0x13d: {  	p0 =	sgt.f32 s21, $0.0e+00  }
.Ltmp22:
0x13e: {  	_ = 	snop;
	(pc) =	sbr.rel @!p0 .LBB2_30-.Ltmp22, $1  }
0x13f: {  	_ =	sdelay $0x3  }
.LBB2_29:
0x140: {  	[tilespmem:v2+s16+$0x0] =	vst.idx.msk vm0, v3  }
0x141: {  	v4 =	vld.idx.msk [tilespmem:v2+s16+$0x0], $0xffff;
	_ =	sdelay $0x4  }
0x142: {  	vm0 =	vgt.f32 v3, v4  }
0x143: {  	v4 =	vsel vm0, $0x3F800000, v1  }
0x144: {  	(xrf0) =	vmax.scan.msk.f32 $0xffff, v4;
	_ =	sdelay $0x5  }
0x145: {  	v4, _, _ =	vpop (xrf0)  }
0x146: {  	(v2sf) =	vpush v4, $0xF;
	_ =	sdelay $0xe  }
0x147: {  	s21 =	spop (v2sf)  }
0x148: {  	p0 =	sgt.f32 s21, $0.0e+00  }
.Ltmp23:
0x149: {  	_ = 	snop;
	(pc) =	sbr.rel @p0 .LBB2_29-.Ltmp23, $1  }
0x14a: {  	_ =	sdelay $0x3  }
.Ltmp24:
0x14b: {  	_ = 	snop;
	(pc) =	sbr.rel .LBB2_30-.Ltmp24, $1  }
0x14c: {  	_ =	sdelay $0x3  }
.LBB2_31:
0x14d: {  	s20 =	sshll.u32 s19, $0x1  }
0x14e: {  	s21 =	smin.u32 s20, $0x2F  }
0x14f: {  	s21 =	smul.u32 $0x1900, s21;
	_ =	sdelay $0x1  }
0x150: {  	s21 =	sshrl.u32 s21, $0x3  }
0x151: {  	s21 =	sadd.s32 $0x640, s21  }
0x152: {  	s23 =	simm.s32 $0x7800;
	s22 =	sadd.s32 s3, s21  }
0x153: {  	s24 =	simm.s32 $0x10;
	s25 =	simm.s32 $0x7900;
	s26 =	sadd.s32 $0x0, s22  }
.LBB2_32:
0x154: {  	[tilespmem:s23], [sflag:$0x1] =	stream.linear.gather [hbm4b:s26+s2], $0x80, $0x38;
	[tilespmem:$0xDC00] =	vst v63  }
0x155: {  	s26 =	smov.u32 s24;
	s23 =	smov.u32 s25;
	p0 =	sne.s32 s24, $0x310  }
.Ltmp25:
0x156: {  	s24 =	sadd.s32 $0x10, s24;
	(pc) =	sbr.rel @p0 .LBB2_32-.Ltmp25, $2  }
0x157: {  	_ =	sdelay $0x2  }
0x158: {  	s25 =	sadd.s32 $0x100, s25;
	s26 =	sadd.s32 s26, s22  }
0x159: {  	[tilespmem:s23], [sflag:$0x1] =	stream.linear.gather [hbm4b:s26+s2], $0x80, $0x38;
	[tilespmem:$0xDC00] =	vst v63  }
0x15a: {  	s21 =	sadd.s32 s4, s21;
	s22 =	simm.s32 $0xAA00  }
0x15b: {  	s23 =	simm.s32 $0x10;
	s24 =	simm.s32 $0xAB00;
	s25 =	sadd.s32 $0x0, s21  }
.LBB2_34:
0x15c: {  	[tilespmem:s22], [sflag:$0x1] =	stream.linear.gather [hbm4b:s25+s2], $0x80, $0x38;
	[tilespmem:$0xDC00] =	vst v63  }
0x15d: {  	s25 =	smov.u32 s23;
	s22 =	smov.u32 s24;
	p0 =	sne.s32 s23, $0x310  }
.Ltmp26:
0x15e: {  	s23 =	sadd.s32 $0x10, s23;
	(pc) =	sbr.rel @p0 .LBB2_34-.Ltmp26, $2  }
0x15f: {  	_ =	sdelay $0x2  }
0x160: {  	s24 =	sadd.s32 $0x100, s24;
	s25 =	sadd.s32 s25, s21  }
0x161: {  	[tilespmem:s22], [sflag:$0x1] =	stream.linear.gather [hbm4b:s25+s2], $0x80, $0x38;
	[tilespmem:$0xDC00] =	vst v63  }
0x162: {  	_ =	swait.ge [sflag:s17], $0x1900  }
.Ltmp27:
0x163: {  	[sflag:s17] =	ssyncset.done $0x0;
	(pc) =	sbr.rel .LBB2_36-.Ltmp27, $4  }
0x164: {  	[sflag:s17] =	ssyncadd.s32 $0xFFFFE700  }
0x165: {  	_ =	swait.ge [sflag:s17], $0x1900  }
0x166: {  	[sflag:s17] =	ssyncset.done $0x0  }
0x167: {  	s21 =	simm.s32 $0x0;
	[sflag:s17] =	ssyncadd.s32 $0xFFFFE700  }
.LBB2_53:
0x168: {  	s21 =	sadd.s32 $0x1, s21  }
0x169: {  	p0 =	sne.s32 s21, $0x32  }
.Ltmp28:
0x16a: {  	_ = 	snop;
	(pc) =	sbr.rel @!p0 .LBB2_54-.Ltmp28, $1  }
0x16b: {  	_ =	sdelay $0x3  }
.LBB2_36:
0x16c: {  	s22 =	sshll.u32 s21, $0x8  }
0x16d: {  	v16 =	vld [tilespmem:s22+$0x7880]  }
0x16e: {  	v2 =	vld [tilespmem:s22+$0xAA80];
	_ =	sdelay $0x6  }
0x16f: {  	v3 =	vld.idx.msk [tilespmem:v16+s2+$0x0], $0xffff  }
0x170: {  	v2 =	vld.idx.msk [tilespmem:v2+s14+$0x0], $0xffff;
	_ =	sdelay $0x1  }
0x171: {  	v4 =	vld.idx.msk [tilespmem:v16+s16+$0x0], $0xffff;
	_ =	sdelay $0x2  }
0x172: {  	v17 =	vadd.f32 v2, v3;
	_ =	sdelay $0x1  }
0x173: {  	vm0 =	vgt.f32 v17, v4;
	_ =	sdelay $0x5  }
0x174: {  	[tilespmem:v16+s16+$0x0] =	vst.idx.msk vm0, v17  }
0x175: {  	v14 =	vld [tilespmem:s22+$0x7890]  }
0x176: {  	v2 =	vld [tilespmem:s22+$0xAA90];
	_ =	sdelay $0x6  }
0x177: {  	v3 =	vld.idx.msk [tilespmem:v14+s2+$0x0], $0xffff  }
0x178: {  	v2 =	vld.idx.msk [tilespmem:v2+s14+$0x0], $0xffff;
	_ =	sdelay $0x1  }
0x179: {  	v4 =	vld.idx.msk [tilespmem:v14+s16+$0x0], $0xffff;
	_ =	sdelay $0x2  }
0x17a: {  	v15 =	vadd.f32 v2, v3;
	_ =	sdelay $0x1  }
0x17b: {  	vm0 =	vgt.f32 v15, v4;
	_ =	sdelay $0x5  }
0x17c: {  	[tilespmem:v14+s16+$0x0] =	vst.idx.msk vm0, v15  }
0x17d: {  	v12 =	vld [tilespmem:s22+$0x78A0]  }
0x17e: {  	v2 =	vld [tilespmem:s22+$0xAAA0];
	_ =	sdelay $0x6  }
0x17f: {  	v3 =	vld.idx.msk [tilespmem:v12+s2+$0x0], $0xffff  }
0x180: {  	v2 =	vld.idx.msk [tilespmem:v2+s14+$0x0], $0xffff;
	_ =	sdelay $0x1  }
0x181: {  	v4 =	vld.idx.msk [tilespmem:v12+s16+$0x0], $0xffff;
	_ =	sdelay $0x2  }
0x182: {  	v13 =	vadd.f32 v2, v3;
	_ =	sdelay $0x1  }
0x183: {  	vm0 =	vgt.f32 v13, v4;
	_ =	sdelay $0x5  }
0x184: {  	[tilespmem:v12+s16+$0x0] =	vst.idx.msk vm0, v13  }
0x185: {  	v10 =	vld [tilespmem:s22+$0x78B0]  }
0x186: {  	v2 =	vld [tilespmem:s22+$0xAAB0];
	_ =	sdelay $0x6  }
0x187: {  	v3 =	vld.idx.msk [tilespmem:v10+s2+$0x0], $0xffff  }
0x188: {  	v2 =	vld.idx.msk [tilespmem:v2+s14+$0x0], $0xffff;
	_ =	sdelay $0x1  }
0x189: {  	v4 =	vld.idx.msk [tilespmem:v10+s16+$0x0], $0xffff;
	_ =	sdelay $0x2  }
0x18a: {  	v11 =	vadd.f32 v2, v3;
	_ =	sdelay $0x1  }
0x18b: {  	vm0 =	vgt.f32 v11, v4;
	_ =	sdelay $0x5  }
0x18c: {  	[tilespmem:v10+s16+$0x0] =	vst.idx.msk vm0, v11  }
0x18d: {  	v8 =	vld [tilespmem:s22+$0x78C0]  }
0x18e: {  	v2 =	vld [tilespmem:s22+$0xAAC0];
	_ =	sdelay $0x6  }
0x18f: {  	v3 =	vld.idx.msk [tilespmem:v8+s2+$0x0], $0xffff  }
0x190: {  	v2 =	vld.idx.msk [tilespmem:v2+s14+$0x0], $0xffff;
	_ =	sdelay $0x1  }
0x191: {  	v4 =	vld.idx.msk [tilespmem:v8+s16+$0x0], $0xffff;
	_ =	sdelay $0x2  }
0x192: {  	v9 =	vadd.f32 v2, v3;
	_ =	sdelay $0x1  }
0x193: {  	vm0 =	vgt.f32 v9, v4;
	_ =	sdelay $0x5  }
0x194: {  	[tilespmem:v8+s16+$0x0] =	vst.idx.msk vm0, v9  }
0x195: {  	v6 =	vld [tilespmem:s22+$0x78D0]  }
0x196: {  	v2 =	vld [tilespmem:s22+$0xAAD0];
	_ =	sdelay $0x6  }
0x197: {  	v3 =	vld.idx.msk [tilespmem:v6+s2+$0x0], $0xffff  }
0x198: {  	v2 =	vld.idx.msk [tilespmem:v2+s14+$0x0], $0xffff;
	_ =	sdelay $0x1  }
0x199: {  	v4 =	vld.idx.msk [tilespmem:v6+s16+$0x0], $0xffff;
	_ =	sdelay $0x2  }
0x19a: {  	v7 =	vadd.f32 v2, v3;
	_ =	sdelay $0x1  }
0x19b: {  	vm0 =	vgt.f32 v7, v4;
	_ =	sdelay $0x5  }
0x19c: {  	[tilespmem:v6+s16+$0x0] =	vst.idx.msk vm0, v7  }
0x19d: {  	v4 =	vld [tilespmem:s22+$0x78E0]  }
0x19e: {  	v2 =	vld [tilespmem:s22+$0xAAE0];
	_ =	sdelay $0x6  }
0x19f: {  	v3 =	vld.idx.msk [tilespmem:v4+s2+$0x0], $0xffff  }
0x1a0: {  	v2 =	vld.idx.msk [tilespmem:v2+s14+$0x0], $0xffff;
	_ =	sdelay $0x1  }
0x1a1: {  	v18 =	vld.idx.msk [tilespmem:v4+s16+$0x0], $0xffff;
	_ =	sdelay $0x2  }
0x1a2: {  	v5 =	vadd.f32 v2, v3;
	_ =	sdelay $0x1  }
0x1a3: {  	vm0 =	vgt.f32 v5, v18;
	_ =	sdelay $0x5  }
0x1a4: {  	[tilespmem:v4+s16+$0x0] =	vst.idx.msk vm0, v5  }
0x1a5: {  	v2 =	vld [tilespmem:s22+$0x78F0]  }
0x1a6: {  	v3 =	vld [tilespmem:s22+$0xAAF0];
	_ =	sdelay $0x6  }
0x1a7: {  	v18 =	vld.idx.msk [tilespmem:v2+s2+$0x0], $0xffff  }
0x1a8: {  	v3 =	vld.idx.msk [tilespmem:v3+s14+$0x0], $0xffff;
	_ =	sdelay $0x1  }
0x1a9: {  	v19 =	vld.idx.msk [tilespmem:v2+s16+$0x0], $0xffff;
	_ =	sdelay $0x2  }
0x1aa: {  	v3 =	vadd.f32 v3, v18;
	_ =	sdelay $0x1  }
0x1ab: {  	vm0 =	vgt.f32 v3, v19;
	_ =	sdelay $0x5  }
0x1ac: {  	[tilespmem:v2+s16+$0x0] =	vst.idx.msk vm0, v3  }
0x1ad: {  	v18 =	vld.idx.msk [tilespmem:v14+s16+$0x0], $0xffff  }
0x1ae: {  	v19 =	vld.idx.msk [tilespmem:v12+s16+$0x0], $0xffff  }
0x1af: {  	v20 =	vld.idx.msk [tilespmem:v10+s16+$0x0], $0xffff  }
0x1b0: {  	v21 =	vld.idx.msk [tilespmem:v8+s16+$0x0], $0xffff  }
0x1b1: {  	v22 =	vld.idx.msk [tilespmem:v6+s16+$0x0], $0xffff  }
0x1b2: {  	v23 =	vld.idx.msk [tilespmem:v4+s16+$0x0], $0xffff  }
0x1b3: {  	vm0 =	vgt.f32 v15, v18;
	vm1 =	vgt.f32 v13, v19;
	v19 =	vld.idx.msk [tilespmem:v2+s16+$0x0], $0xffff  }
0x1b4: {  	v18 =	vld.idx.msk [tilespmem:v16+s16+$0x0], $0xffff;
	vm0 =	vmor vm0, vm1;
	vm1 =	vgt.f32 v11, v20  }
0x1b5: {  	vm2 =	vgt.f32 v9, v21;
	vm0 =	vmor vm0, vm1  }
0x1b6: {  	vm1 =	vgt.f32 v7, v22;
	vm0 =	vmor vm0, vm2  }
0x1b7: {  	vm2 =	vgt.f32 v5, v23;
	vm0 =	vmor vm0, vm1  }
0x1b8: {  	vm1 =	vmor vm0, vm2;
	vm2 =	vgt.f32 v3, v19  }
0x1b9: {  	vm0 =	vgt.f32 v17, v18;
	vm1 =	vmor vm1, vm2  }
0x1ba: {  	vm1 =	vmor vm0, vm1  }
0x1bb: {  	v19 =	vsel vm1, $0x3F800000, v1  }
0x1bc: {  	(xrf0) =	vmax.scan.msk.f32 $0xffff, v19;
	_ =	sdelay $0x5  }
0x1bd: {  	v19, _, _ =	vpop (xrf0)  }
0x1be: {  	(v2sf) =	vpush v19, $0xF;
	_ =	sdelay $0xe  }
0x1bf: {  	s31 =	spop (v2sf)  }
0x1c0: {  	p0 =	sgt.f32 s31, $0.0e+00  }
.Ltmp29:
0x1c1: {  	_ = 	snop;
	(pc) =	sbr.rel @!p0 .LBB2_53-.Ltmp29, $1  }
0x1c2: {  	_ =	sdelay $0x3  }
0x1c3: {  	vm1 =	vgt.f32 v17, v18  }
0x1c4: {  	v18 =	vsel vm1, $0x3F800000, v1  }
0x1c5: {  	(xrf0) =	vmax.scan.msk.f32 $0xffff, v18;
	_ =	sdelay $0x5  }
0x1c6: {  	v18, _, _ =	vpop (xrf0)  }
0x1c7: {  	(v2sf) =	vpush v18, $0xF;
	_ =	sdelay $0xe  }
0x1c8: {  	s22 =	spop (v2sf)  }
0x1c9: {  	p0 =	sgt.f32 s22, $0.0e+00  }
.Ltmp30:
0x1ca: {  	_ = 	snop;
	(pc) =	sbr.rel @!p0 .LBB2_39-.Ltmp30, $1  }
0x1cb: {  	_ =	sdelay $0x3  }
.LBB2_38:
0x1cc: {  	[tilespmem:v16+s16+$0x0] =	vst.idx.msk vm0, v17  }
0x1cd: {  	v18 =	vld.idx.msk [tilespmem:v16+s16+$0x0], $0xffff;
	_ =	sdelay $0x4  }
0x1ce: {  	vm0 =	vgt.f32 v17, v18  }
0x1cf: {  	v18 =	vsel vm0, $0x3F800000, v1  }
0x1d0: {  	(xrf0) =	vmax.scan.msk.f32 $0xffff, v18;
	_ =	sdelay $0x5  }
0x1d1: {  	v18, _, _ =	vpop (xrf0)  }
0x1d2: {  	(v2sf) =	vpush v18, $0xF;
	_ =	sdelay $0xe  }
0x1d3: {  	s22 =	spop (v2sf)  }
0x1d4: {  	p0 =	sgt.f32 s22, $0.0e+00  }
.Ltmp31:
0x1d5: {  	_ = 	snop;
	(pc) =	sbr.rel @p0 .LBB2_38-.Ltmp31, $1  }
0x1d6: {  	_ =	sdelay $0x3  }
.LBB2_39:
0x1d7: {  	_ =	sdelay $0x3  }
0x1d8: {  	v16 =	vld.idx.msk [tilespmem:v14+s16+$0x0], $0xffff;
	_ =	sdelay $0x4  }
0x1d9: {  	vm0 =	vgt.f32 v15, v16  }
0x1da: {  	v16 =	vsel vm0, $0x3F800000, v1  }
0x1db: {  	(xrf0) =	vmax.scan.msk.f32 $0xffff, v16;
	_ =	sdelay $0x5  }
0x1dc: {  	v16, _, _ =	vpop (xrf0)  }
0x1dd: {  	(v2sf) =	vpush v16, $0xF;
	_ =	sdelay $0xe  }
0x1de: {  	s22 =	spop (v2sf)  }
0x1df: {  	p0 =	sgt.f32 s22, $0.0e+00  }
.Ltmp32:
0x1e0: {  	_ = 	snop;
	(pc) =	sbr.rel @!p0 .LBB2_41-.Ltmp32, $1  }
0x1e1: {  	_ =	sdelay $0x3  }
.LBB2_40:
0x1e2: {  	[tilespmem:v14+s16+$0x0] =	vst.idx.msk vm0, v15  }
0x1e3: {  	v16 =	vld.idx.msk [tilespmem:v14+s16+$0x0], $0xffff;
	_ =	sdelay $0x4  }
0x1e4: {  	vm0 =	vgt.f32 v15, v16  }
0x1e5: {  	v16 =	vsel vm0, $0x3F800000, v1  }
0x1e6: {  	(xrf0) =	vmax.scan.msk.f32 $0xffff, v16;
	_ =	sdelay $0x5  }
0x1e7: {  	v16, _, _ =	vpop (xrf0)  }
0x1e8: {  	(v2sf) =	vpush v16, $0xF;
	_ =	sdelay $0xe  }
0x1e9: {  	s22 =	spop (v2sf)  }
0x1ea: {  	p0 =	sgt.f32 s22, $0.0e+00  }
.Ltmp33:
0x1eb: {  	_ = 	snop;
	(pc) =	sbr.rel @p0 .LBB2_40-.Ltmp33, $1  }
0x1ec: {  	_ =	sdelay $0x3  }
.LBB2_41:
0x1ed: {  	_ =	sdelay $0x3  }
0x1ee: {  	v14 =	vld.idx.msk [tilespmem:v12+s16+$0x0], $0xffff;
	_ =	sdelay $0x4  }
0x1ef: {  	vm0 =	vgt.f32 v13, v14  }
0x1f0: {  	v14 =	vsel vm0, $0x3F800000, v1  }
0x1f1: {  	(xrf0) =	vmax.scan.msk.f32 $0xffff, v14;
	_ =	sdelay $0x5  }
0x1f2: {  	v14, _, _ =	vpop (xrf0)  }
0x1f3: {  	(v2sf) =	vpush v14, $0xF;
	_ =	sdelay $0xe  }
0x1f4: {  	s22 =	spop (v2sf)  }
0x1f5: {  	p0 =	sgt.f32 s22, $0.0e+00  }
.Ltmp34:
0x1f6: {  	_ = 	snop;
	(pc) =	sbr.rel @!p0 .LBB2_43-.Ltmp34, $1  }
0x1f7: {  	_ =	sdelay $0x3  }
.LBB2_42:
0x1f8: {  	[tilespmem:v12+s16+$0x0] =	vst.idx.msk vm0, v13  }
0x1f9: {  	v14 =	vld.idx.msk [tilespmem:v12+s16+$0x0], $0xffff;
	_ =	sdelay $0x4  }
0x1fa: {  	vm0 =	vgt.f32 v13, v14  }
0x1fb: {  	v14 =	vsel vm0, $0x3F800000, v1  }
0x1fc: {  	(xrf0) =	vmax.scan.msk.f32 $0xffff, v14;
	_ =	sdelay $0x5  }
0x1fd: {  	v14, _, _ =	vpop (xrf0)  }
0x1fe: {  	(v2sf) =	vpush v14, $0xF;
	_ =	sdelay $0xe  }
0x1ff: {  	s22 =	spop (v2sf)  }
0x200: {  	p0 =	sgt.f32 s22, $0.0e+00  }
.Ltmp35:
0x201: {  	_ = 	snop;
	(pc) =	sbr.rel @p0 .LBB2_42-.Ltmp35, $1  }
0x202: {  	_ =	sdelay $0x3  }
.LBB2_43:
0x203: {  	_ =	sdelay $0x3  }
0x204: {  	v12 =	vld.idx.msk [tilespmem:v10+s16+$0x0], $0xffff;
	_ =	sdelay $0x4  }
0x205: {  	vm0 =	vgt.f32 v11, v12  }
0x206: {  	v12 =	vsel vm0, $0x3F800000, v1  }
0x207: {  	(xrf0) =	vmax.scan.msk.f32 $0xffff, v12;
	_ =	sdelay $0x5  }
0x208: {  	v12, _, _ =	vpop (xrf0)  }
0x209: {  	(v2sf) =	vpush v12, $0xF;
	_ =	sdelay $0xe  }
0x20a: {  	s22 =	spop (v2sf)  }
0x20b: {  	p0 =	sgt.f32 s22, $0.0e+00  }
.Ltmp36:
0x20c: {  	_ = 	snop;
	(pc) =	sbr.rel @!p0 .LBB2_45-.Ltmp36, $1  }
0x20d: {  	_ =	sdelay $0x3  }
.LBB2_44:
0x20e: {  	[tilespmem:v10+s16+$0x0] =	vst.idx.msk vm0, v11  }
0x20f: {  	v12 =	vld.idx.msk [tilespmem:v10+s16+$0x0], $0xffff;
	_ =	sdelay $0x4  }
0x210: {  	vm0 =	vgt.f32 v11, v12  }
0x211: {  	v12 =	vsel vm0, $0x3F800000, v1  }
0x212: {  	(xrf0) =	vmax.scan.msk.f32 $0xffff, v12;
	_ =	sdelay $0x5  }
0x213: {  	v12, _, _ =	vpop (xrf0)  }
0x214: {  	(v2sf) =	vpush v12, $0xF;
	_ =	sdelay $0xe  }
0x215: {  	s22 =	spop (v2sf)  }
0x216: {  	p0 =	sgt.f32 s22, $0.0e+00  }
.Ltmp37:
0x217: {  	_ = 	snop;
	(pc) =	sbr.rel @p0 .LBB2_44-.Ltmp37, $1  }
0x218: {  	_ =	sdelay $0x3  }
.LBB2_45:
0x219: {  	_ =	sdelay $0x3  }
0x21a: {  	v10 =	vld.idx.msk [tilespmem:v8+s16+$0x0], $0xffff;
	_ =	sdelay $0x4  }
0x21b: {  	vm0 =	vgt.f32 v9, v10  }
0x21c: {  	v10 =	vsel vm0, $0x3F800000, v1  }
0x21d: {  	(xrf0) =	vmax.scan.msk.f32 $0xffff, v10;
	_ =	sdelay $0x5  }
0x21e: {  	v10, _, _ =	vpop (xrf0)  }
0x21f: {  	(v2sf) =	vpush v10, $0xF;
	_ =	sdelay $0xe  }
0x220: {  	s22 =	spop (v2sf)  }
0x221: {  	p0 =	sgt.f32 s22, $0.0e+00  }
.Ltmp38:
0x222: {  	_ = 	snop;
	(pc) =	sbr.rel @!p0 .LBB2_47-.Ltmp38, $1  }
0x223: {  	_ =	sdelay $0x3  }
.LBB2_46:
0x224: {  	[tilespmem:v8+s16+$0x0] =	vst.idx.msk vm0, v9  }
0x225: {  	v10 =	vld.idx.msk [tilespmem:v8+s16+$0x0], $0xffff;
	_ =	sdelay $0x4  }
0x226: {  	vm0 =	vgt.f32 v9, v10  }
0x227: {  	v10 =	vsel vm0, $0x3F800000, v1  }
0x228: {  	(xrf0) =	vmax.scan.msk.f32 $0xffff, v10;
	_ =	sdelay $0x5  }
0x229: {  	v10, _, _ =	vpop (xrf0)  }
0x22a: {  	(v2sf) =	vpush v10, $0xF;
	_ =	sdelay $0xe  }
0x22b: {  	s22 =	spop (v2sf)  }
0x22c: {  	p0 =	sgt.f32 s22, $0.0e+00  }
.Ltmp39:
0x22d: {  	_ = 	snop;
	(pc) =	sbr.rel @p0 .LBB2_46-.Ltmp39, $1  }
0x22e: {  	_ =	sdelay $0x3  }
.LBB2_47:
0x22f: {  	_ =	sdelay $0x3  }
0x230: {  	v8 =	vld.idx.msk [tilespmem:v6+s16+$0x0], $0xffff;
	_ =	sdelay $0x4  }
0x231: {  	vm0 =	vgt.f32 v7, v8  }
0x232: {  	v8 =	vsel vm0, $0x3F800000, v1  }
0x233: {  	(xrf0) =	vmax.scan.msk.f32 $0xffff, v8;
	_ =	sdelay $0x5  }
0x234: {  	v8, _, _ =	vpop (xrf0)  }
0x235: {  	(v2sf) =	vpush v8, $0xF;
	_ =	sdelay $0xe  }
0x236: {  	s22 =	spop (v2sf)  }
0x237: {  	p0 =	sgt.f32 s22, $0.0e+00  }
.Ltmp40:
0x238: {  	_ = 	snop;
	(pc) =	sbr.rel @!p0 .LBB2_49-.Ltmp40, $1  }
0x239: {  	_ =	sdelay $0x3  }
.LBB2_48:
0x23a: {  	[tilespmem:v6+s16+$0x0] =	vst.idx.msk vm0, v7  }
0x23b: {  	v8 =	vld.idx.msk [tilespmem:v6+s16+$0x0], $0xffff;
	_ =	sdelay $0x4  }
0x23c: {  	vm0 =	vgt.f32 v7, v8  }
0x23d: {  	v8 =	vsel vm0, $0x3F800000, v1  }
0x23e: {  	(xrf0) =	vmax.scan.msk.f32 $0xffff, v8;
	_ =	sdelay $0x5  }
0x23f: {  	v8, _, _ =	vpop (xrf0)  }
0x240: {  	(v2sf) =	vpush v8, $0xF;
	_ =	sdelay $0xe  }
0x241: {  	s22 =	spop (v2sf)  }
0x242: {  	p0 =	sgt.f32 s22, $0.0e+00  }
.Ltmp41:
0x243: {  	_ = 	snop;
	(pc) =	sbr.rel @p0 .LBB2_48-.Ltmp41, $1  }
0x244: {  	_ =	sdelay $0x3  }
.LBB2_49:
0x245: {  	_ =	sdelay $0x3  }
0x246: {  	v6 =	vld.idx.msk [tilespmem:v4+s16+$0x0], $0xffff;
	_ =	sdelay $0x4  }
0x247: {  	vm0 =	vgt.f32 v5, v6  }
0x248: {  	v6 =	vsel vm0, $0x3F800000, v1  }
0x249: {  	(xrf0) =	vmax.scan.msk.f32 $0xffff, v6;
	_ =	sdelay $0x5  }
0x24a: {  	v6, _, _ =	vpop (xrf0)  }
0x24b: {  	(v2sf) =	vpush v6, $0xF;
	_ =	sdelay $0xe  }
0x24c: {  	s22 =	spop (v2sf)  }
0x24d: {  	p0 =	sgt.f32 s22, $0.0e+00  }
.Ltmp42:
0x24e: {  	_ = 	snop;
	(pc) =	sbr.rel @!p0 .LBB2_51-.Ltmp42, $1  }
0x24f: {  	_ =	sdelay $0x3  }
.LBB2_50:
0x250: {  	[tilespmem:v4+s16+$0x0] =	vst.idx.msk vm0, v5  }
0x251: {  	v6 =	vld.idx.msk [tilespmem:v4+s16+$0x0], $0xffff;
	_ =	sdelay $0x4  }
0x252: {  	vm0 =	vgt.f32 v5, v6  }
0x253: {  	v6 =	vsel vm0, $0x3F800000, v1  }
0x254: {  	(xrf0) =	vmax.scan.msk.f32 $0xffff, v6;
	_ =	sdelay $0x5  }
0x255: {  	v6, _, _ =	vpop (xrf0)  }
0x256: {  	(v2sf) =	vpush v6, $0xF;
	_ =	sdelay $0xe  }
0x257: {  	s22 =	spop (v2sf)  }
0x258: {  	p0 =	sgt.f32 s22, $0.0e+00  }
.Ltmp43:
0x259: {  	_ = 	snop;
	(pc) =	sbr.rel @p0 .LBB2_50-.Ltmp43, $1  }
0x25a: {  	_ =	sdelay $0x3  }
.LBB2_51:
0x25b: {  	_ =	sdelay $0x3  }
0x25c: {  	v4 =	vld.idx.msk [tilespmem:v2+s16+$0x0], $0xffff;
	_ =	sdelay $0x4  }
0x25d: {  	vm0 =	vgt.f32 v3, v4  }
0x25e: {  	v4 =	vsel vm0, $0x3F800000, v1  }
0x25f: {  	(xrf0) =	vmax.scan.msk.f32 $0xffff, v4;
	_ =	sdelay $0x5  }
0x260: {  	v4, _, _ =	vpop (xrf0)  }
0x261: {  	(v2sf) =	vpush v4, $0xF;
	_ =	sdelay $0xe  }
0x262: {  	s22 =	spop (v2sf)  }
0x263: {  	p0 =	sgt.f32 s22, $0.0e+00  }
.Ltmp44:
0x264: {  	_ = 	snop;
	(pc) =	sbr.rel @!p0 .LBB2_53-.Ltmp44, $1  }
0x265: {  	_ =	sdelay $0x3  }
.LBB2_52:
0x266: {  	[tilespmem:v2+s16+$0x0] =	vst.idx.msk vm0, v3  }
0x267: {  	v4 =	vld.idx.msk [tilespmem:v2+s16+$0x0], $0xffff;
	_ =	sdelay $0x4  }
0x268: {  	vm0 =	vgt.f32 v3, v4  }
0x269: {  	v4 =	vsel vm0, $0x3F800000, v1  }
0x26a: {  	(xrf0) =	vmax.scan.msk.f32 $0xffff, v4;
	_ =	sdelay $0x5  }
0x26b: {  	v4, _, _ =	vpop (xrf0)  }
0x26c: {  	(v2sf) =	vpush v4, $0xF;
	_ =	sdelay $0xe  }
0x26d: {  	s22 =	spop (v2sf)  }
0x26e: {  	p0 =	sgt.f32 s22, $0.0e+00  }
.Ltmp45:
0x26f: {  	_ = 	snop;
	(pc) =	sbr.rel @p0 .LBB2_52-.Ltmp45, $1  }
0x270: {  	_ =	sdelay $0x3  }
.Ltmp46:
0x271: {  	_ = 	snop;
	(pc) =	sbr.rel .LBB2_53-.Ltmp46, $1  }
0x272: {  	_ =	sdelay $0x3  }
.LBB2_54:
0x273: {  	s20 =	smin.u32 s20, $0x2E  }
0x274: {  	s20 =	smul.u32 $0x1900, s20;
	_ =	sdelay $0x1  }
0x275: {  	s20 =	sshrl.u32 s20, $0x3  }
0x276: {  	s20 =	sadd.s32 $0x960, s20  }
0x277: {  	s22 =	simm.s32 $0x7880;
	s21 =	sadd.s32 s3, s20  }
0x278: {  	s23 =	simm.s32 $0x10;
	s24 =	simm.s32 $0x7980;
	s25 =	sadd.s32 $0x0, s21  }
.LBB2_55:
0x279: {  	[tilespmem:s22], [sflag:$0x2] =	stream.linear.gather [hbm4b:s25+s2], $0x80, $0x38;
	[tilespmem:$0xDC00] =	vst v63  }
0x27a: {  	s25 =	smov.u32 s23;
	s22 =	smov.u32 s24;
	p0 =	sne.s32 s23, $0x310  }
.Ltmp47:
0x27b: {  	s23 =	sadd.s32 $0x10, s23;
	(pc) =	sbr.rel @p0 .LBB2_55-.Ltmp47, $2  }
0x27c: {  	_ =	sdelay $0x2  }
0x27d: {  	s24 =	sadd.s32 $0x100, s24;
	s25 =	sadd.s32 s25, s21  }
0x27e: {  	[tilespmem:s22], [sflag:$0x2] =	stream.linear.gather [hbm4b:s25+s2], $0x80, $0x38;
	[tilespmem:$0xDC00] =	vst v63  }
0x27f: {  	s20 =	sadd.s32 s4, s20;
	s21 =	simm.s32 $0xAA80  }
0x280: {  	s22 =	simm.s32 $0x10;
	s23 =	simm.s32 $0xAB80;
	s24 =	sadd.s32 $0x0, s20  }
.LBB2_57:
0x281: {  	[tilespmem:s21], [sflag:$0x2] =	stream.linear.gather [hbm4b:s24+s2], $0x80, $0x38;
	[tilespmem:$0xDC00] =	vst v63  }
0x282: {  	s24 =	smov.u32 s22;
	s21 =	smov.u32 s23;
	p0 =	sne.s32 s22, $0x310  }
.Ltmp48:
0x283: {  	s22 =	sadd.s32 $0x10, s22;
	(pc) =	sbr.rel @p0 .LBB2_57-.Ltmp48, $2  }
0x284: {  	_ =	sdelay $0x2  }
0x285: {  	s23 =	sadd.s32 $0x100, s23;
	s24 =	sadd.s32 s24, s20  }
0x286: {  	s19 =	sadd.s32 $0x1, s19  }
0x287: {  	p0 =	sne.s32 s19, $0x19  }
.Ltmp49:
0x288: {  	_ = 	snop;
	(pc) =	sbr.rel @p0 .LBB2_12-.Ltmp49, $2  }
0x289: {  	_ =	sdelay $0x2  }
0x28a: {  	[tilespmem:s21], [sflag:$0x2] =	stream.linear.gather [hbm4b:s24+s2], $0x80, $0x38;
	[tilespmem:$0xDC00] =	vst v63  }
0x28b: {  	_ =	swait.ge [sflag:s15], $0x1900  }
0x28c: {  	[sflag:s15] =	ssyncset.done $0x0  }
0x28d: {  	[sflag:s15] =	ssyncadd.s32 $0xFFFFE700  }
0x28e: {  	_ =	swait.ge [sflag:s15], $0x1900  }
0x28f: {  	[sflag:s15] =	ssyncset.done $0x0  }
0x290: {  	[sflag:s15] =	ssyncadd.s32 $0xFFFFE700  }
0x291: {  	_ =	swait.ge [sflag:s17], $0x1900  }
0x292: {  	[sflag:s17] =	ssyncset.done $0x0  }
0x293: {  	[sflag:s17] =	ssyncadd.s32 $0xFFFFE700  }
0x294: {  	_ =	swait.ge [sflag:s17], $0x1900  }
0x295: {  	[sflag:s17] =	ssyncset.done $0x0  }
0x296: {  	s19 =	simm.s32 $0x0;
	s20 =	simm.s32 $0x40;
	[sflag:s17] =	ssyncadd.s32 $0xFFFFE700  }
.LBB2_60:
0x297: {  	p0 =	sne.s32 s20, $0x9FC0;
	v2 =	vld [tilespmem:s19+$0x5000];
	_ =	sdelay $0x2  }
.Ltmp50:
0x298: {  	(pc) =	sbr.rel @p0 .LBB2_60-.Ltmp50, $4  }
0x299: {  	_ = 	snop  }
0x29a: {  	vm0 =	veq.f32 v2, $-Inf  }
0x29b: {  	v2 =	vsel vm0, $0x0, v2  }
0x29c: {  	[tilespmem:s19+$0x5000] =	vst v2;
	s19 =	sshra.s32 s20, $0x2;
	s20 =	sadd.s32 $0x40, s20  }
0x29d: {  	v2 =	vld [tilespmem:s19+$0x5000];
	_ =	sdelay $0x4  }
0x29e: {  	s18 =	sadd.s32 $0x1, s18;
	vm0 =	veq.f32 v2, $-Inf  }
0x29f: {  	p0 =	sne.s32 s18, s10;
	v2 =	vsel vm0, $0x0, v2  }
.Ltmp51:
0x2a0: {  	[tilespmem:s19+$0x5000] =	vst v2;
	(pc) =	sbr.rel @p0 .LBB2_1-.Ltmp51, $4  }
0x2a1: {  	[hbm4b:s9+s11] =	stream.strided.scatter [tilespmem:s16], [sflag:$0x3], $0x2800, s12, s11, $0x38;
	[tilespmem:$0xDC00] =	vst v63  }
0x2a2: {  	_ =	swait.ge [sflag:s13], $0x2800  }
0x2a3: {  	[sflag:s13] =	ssyncset.done $0x0  }
0x2a4: {  	[sflag:s13] =	ssyncadd.s32 $0xFFFFD800  }
0x2a5: {  	_ =	sfence.sel $0x180000  }
0x2a6: {  	[bflag:$0x0] =	sbarrier.arrive $0xFFFF  }
0x2a7: {  	p0 =	sne.s32 s1, $0x0;
	_ =	strace $0x90000047  }
0x2a8: {  	s0 =	sadd.s32 @!p0 $0x100000, s0;
	[bflag:$0x2] =	sbarrier.arrive $0xFFFF  }
0x2a9: {  	[sflag:s0] =	ssyncadd.tile.s32 @!p0 $0x1;
	_ =	shalt  }
.Lfunc_end2:
_tile_overlayer_lowered:
.L_overlay_start_2:
0x2aa: {  	(tag) =	ssettag $0x2  }
0x2ab: {  	s0 =	rddreg [dreg:$0x0];
	s2 =	stileid.u32  }
0x2ac: {  	s1 =	rddreg [dreg:$0x1];
	p0 =	sne.s32 s2, $0x0  }
0x2ad: {  	s3 =	rddreg [dreg:$0x2];
	[bflag:$0x3] =	sbarrier.arrive $0xFFFF;
	s2 =	simm.s32 @!p0 $0x1C03  }
0x2ae: {  	[timem:s3], [sflag:s2] =	dma.local @!p0 [hbm:s0], s1  }
0x2af: {  	s0 =	simm.s32 @!p0 $0x3  }
0x2b0: {  	_ =	swait.ge @!p0 [sflag:s0], s1  }
0x2b1: {  	s1 =	ssub.s32 @!p0 $0x0, s1;
	[sflag:s0] =	ssyncset.done @!p0 $0x0  }
0x2b2: {  	[sflag:s0] =	ssyncadd.s32 @!p0 s1  }
0x2b3: {  	[bflag:$0x3] =	sbarrier.arrive $0xFFFF  }
0x2b4: {  	_ =	shalt  }

</sc_bundles>
